<compile_context>
chip_gen: v7x
topology: tpu7x:2x2x1
jax: 0.10.2.dev20260603
libtpu: 0.0.44.dev20260713+nightly
codegen_flags: <defaults>
</compile_context>

<pallas_src>
import functools

import jax
import jax.numpy as jnp
from jax import lax
from jax.experimental import pallas as pl
from jax.experimental.pallas import tpu as pltpu
from jax.experimental.pallas import tpu_sc as plsc

N = 10000
D = 128
Z = 64
E = 320000

NC = 2
NS = 16
NW = NC * NS
GRP = 128
GPW = 80
GPW0 = 128
GPW1 = 32
GTOT = NS * (GPW0 + GPW1)
EP = GTOT * GRP
NP = 10240
RPT = NP // NS
ZB = 64

_mesh = plsc.VectorSubcoreMesh(core_axis_name="c", subcore_axis_name="s")


def _deg_body(dst2d, out, didx, ones_v, zb, acc):
    c = lax.axis_index("c")
    s = lax.axis_index("s")
    w = c * NS + s
    one16 = jnp.ones((16,), jnp.float32)
    zero16 = jnp.zeros((16,), jnp.float32)
    for i in range(GRP):
        ones_v[i] = one16
    for i in range(ZB):
        zb[i] = zero16

    def zloop(k, carry):
        pltpu.sync_copy(zb, acc.at[pl.ds(s * RPT + k * ZB, ZB)])
        return carry

    lax.fori_loop(0, RPT // ZB, zloop, 0)
    plsc.subcore_barrier()
    pltpu.sync_copy(dst2d.at[pl.ds(w * GPW, GPW)], didx)

    def gloop(g, carry):
        pltpu.sync_copy(ones_v, acc.at[didx.at[g]], add=True)
        return carry

    lax.fori_loop(0, GPW, gloop, 0)
    plsc.subcore_barrier()
    pltpu.sync_copy(acc.at[pl.ds(s * RPT, RPT)], out.at[c, pl.ds(s * RPT, RPT)])


_deg_call = pl.kernel(
    _deg_body,
    out_type=jax.ShapeDtypeStruct((NC, NP, 16), jnp.float32),
    mesh=_mesh,
    scratch_types=[
        pltpu.VMEM((GPW, GRP), jnp.int32),
        pltpu.VMEM((GRP, 16), jnp.float32),
        pltpu.VMEM((ZB, 16), jnp.float32),
        pltpu.VMEM_SHARED((NP, 16), jnp.float32),
    ],
)


IC = 32
ZBA = 16


def _agg_body(hp, src2d, dst2d, out, sidx, didx, rows_a, rows_b, zb, acc,
              sem_a, sem_b):
    c = lax.axis_index("c")
    s = lax.axis_index("s")
    zero16 = jnp.zeros((16,), jnp.float32)
    for i in range(ZBA):
        for j in range(D // 16):
            zb[i, pl.ds(j * 16, 16)] = zero16

    def zloop(k, carry):
        pltpu.sync_copy(zb, acc.at[pl.ds(s * RPT + k * ZBA, ZBA)])
        return carry

    lax.fori_loop(0, RPT // ZBA, zloop, 0)

    plsc.subcore_barrier()

    is0 = c == 0
    goff = jnp.where(is0, s * GPW0, NS * GPW0 + s * GPW1)
    nchk = jnp.where(is0, GPW0 // IC, GPW1 // IC)

    def chunk(ch, carry):
        base = goff + ch * IC
        pltpu.sync_copy(src2d.at[pl.ds(base, IC)], sidx)
        pltpu.sync_copy(dst2d.at[pl.ds(base, IC)], didx)
        pltpu.async_copy(hp.at[sidx.at[0]], rows_a, sem_a)

        def gloop(i, carry2):
            g0 = 2 * i
            g1 = g0 + 1
            pltpu.async_copy(hp.at[sidx.at[g1]], rows_b, sem_b)
            pltpu.make_async_copy(hp.at[sidx.at[g0]], rows_a, sem_a).wait()
            pltpu.sync_copy(rows_a, acc.at[didx.at[g0]], add=True)

            @pl.when(i < IC // 2 - 1)
            def _():
                pltpu.async_copy(hp.at[sidx.at[g0 + 2]], rows_a, sem_a)

            pltpu.make_async_copy(hp.at[sidx.at[g1]], rows_b, sem_b).wait()
            pltpu.sync_copy(rows_b, acc.at[didx.at[g1]], add=True)
            return carry2

        lax.fori_loop(0, IC // 2, gloop, 0)
        return carry

    lax.fori_loop(0, nchk, chunk, 0)

    plsc.subcore_barrier()

    pltpu.sync_copy(acc.at[pl.ds(s * RPT, RPT)],
                    out.at[c, pl.ds(s * RPT, RPT)])


_agg_call = pl.kernel(
    _agg_body,
    out_type=jax.ShapeDtypeStruct((NC, NP, D), jnp.float32),
    mesh=_mesh,
    scratch_types=[
        pltpu.VMEM((IC, GRP), jnp.int32),
        pltpu.VMEM((IC, GRP), jnp.int32),
        pltpu.VMEM((GRP, D), jnp.float32),
        pltpu.VMEM((GRP, D), jnp.float32),
        pltpu.VMEM((ZBA, D), jnp.float32),
        pltpu.VMEM_SHARED((NP, D), jnp.float32),
        pltpu.SemaphoreType.DMA,
        pltpu.SemaphoreType.DMA,
    ],
)

BT = 2000


def _tc1_body(x_ref, w_ref, deg_ref, hp_ref, dinv_ref):
    deg = deg_ref[0, :, 0:1] + deg_ref[1, :, 0:1] + 1.0
    dinv = lax.rsqrt(deg)
    hp_ref[...] = jnp.dot(x_ref[...], w_ref[...],
                          preferred_element_type=jnp.float32) * dinv
    dinv_ref[...] = dinv


_tc1 = pl.pallas_call(
    _tc1_body,
    grid=(N // BT,),
    in_specs=[
        pl.BlockSpec((BT, D), lambda i: (i, 0)),
        pl.BlockSpec((D, D), lambda i: (0, 0)),
        pl.BlockSpec((NC, BT, 16), lambda i: (0, i, 0)),
    ],
    out_specs=[
        pl.BlockSpec((BT, D), lambda i: (i, 0)),
        pl.BlockSpec((BT, 1), lambda i: (i, 0)),
    ],
    out_shape=[
        jax.ShapeDtypeStruct((N, D), jnp.float32),
        jax.ShapeDtypeStruct((N, 1), jnp.float32),
    ],
)


def _tc2_body(a, hp, dinv, b, w, out):
    act = jnp.maximum(dinv[...] * (a[0] + a[1] + hp[...]) + b[...], 0.0)
    out[...] = jnp.dot(act, w[...], preferred_element_type=jnp.float32) * dinv[...]


_tc2 = pl.pallas_call(
    _tc2_body,
    grid=(N // BT,),
    in_specs=[
        pl.BlockSpec((NC, BT, D), lambda i: (0, i, 0)),
        pl.BlockSpec((BT, D), lambda i: (i, 0)),
        pl.BlockSpec((BT, 1), lambda i: (i, 0)),
        pl.BlockSpec((1, D), lambda i: (0, 0)),
        pl.BlockSpec((D, D), lambda i: (0, 0)),
    ],
    out_specs=pl.BlockSpec((BT, D), lambda i: (i, 0)),
    out_shape=jax.ShapeDtypeStruct((N, D), jnp.float32),
)


def _tc3_body(p, hp, dinv, b, wmu, bmu, wlv, blv, mu, lv):
    act = jnp.maximum(dinv[...] * (p[0] + p[1] + hp[...]) + b[...], 0.0)
    mu[...] = jnp.dot(act, wmu[...], preferred_element_type=jnp.float32) + bmu[...]
    lv[...] = jnp.dot(act, wlv[...], preferred_element_type=jnp.float32) + blv[...]


_tc3 = pl.pallas_call(
    _tc3_body,
    grid=(N // BT,),
    in_specs=[
        pl.BlockSpec((NC, BT, D), lambda i: (0, i, 0)),
        pl.BlockSpec((BT, D), lambda i: (i, 0)),
        pl.BlockSpec((BT, 1), lambda i: (i, 0)),
        pl.BlockSpec((1, D), lambda i: (0, 0)),
        pl.BlockSpec((D, Z), lambda i: (0, 0)),
        pl.BlockSpec((1, Z), lambda i: (0, 0)),
        pl.BlockSpec((D, Z), lambda i: (0, 0)),
        pl.BlockSpec((1, Z), lambda i: (0, 0)),
    ],
    out_specs=[
        pl.BlockSpec((BT, Z), lambda i: (i, 0)),
        pl.BlockSpec((BT, Z), lambda i: (i, 0)),
    ],
    out_shape=[
        jax.ShapeDtypeStruct((N, Z), jnp.float32),
        jax.ShapeDtypeStruct((N, Z), jnp.float32),
    ],
)


def kernel(x, edge_index, W1, b1, W2, b2, Wmu, bmu, Wlv, blv):
    src = edge_index[0].astype(jnp.int32)
    dst = edge_index[1].astype(jnp.int32)
    pad = EP - E
    src_p = jnp.concatenate([src, jnp.zeros((pad,), jnp.int32)]).reshape(GTOT, GRP)
    junk = N + (jnp.arange(pad, dtype=jnp.int32) % (NP - N))
    dst_p = jnp.concatenate([dst, junk]).reshape(GTOT, GRP)

    degp = _deg_call(dst_p)
    hp1, dinv = _tc1(x, W1, degp)
    agg1 = _agg_call(hp1, src_p, dst_p)
    hp2 = _tc2(agg1, hp1, dinv, b1.reshape(1, D), W2)
    agg2 = _agg_call(hp2, src_p, dst_p)
    mu, lv = _tc3(agg2, hp2, dinv, b2.reshape(1, D),
                  Wmu, bmu.reshape(1, Z), Wlv, blv.reshape(1, Z))
    return (mu, lv)

# --- scband reference (transcript-rebuilt; emitter-appended) ---
"""Pipeline reference for scband-node-level-encoder-2482491097959 (READ-ONLY COPY).

The authoritative reference and input builder live on the scoring server;
editing this copy changes nothing except your own understanding.
"""

import jax, jax.numpy as jnp
import numpy as np

N = 10000
E = 320000
IN = 128
H = 128
Z = 64


def gcn_conv(x, edge_index, W, b):
    # PyG-style GCNConv: add self-loops, symmetric normalization, then aggregate
    loop = jnp.arange(N, dtype=edge_index.dtype)
    src = jnp.concatenate([edge_index[0], loop])
    dst = jnp.concatenate([edge_index[1], loop])
    deg = jnp.zeros((N,), x.dtype).at[dst].add(1.0)
    deg_inv_sqrt = jnp.where(deg > 0, 1.0 / jnp.sqrt(deg), 0.0)
    norm = deg_inv_sqrt[src] * deg_inv_sqrt[dst]
    h = x @ W
    msg = h[src] * norm[:, None]
    out = jax.ops.segment_sum(msg, dst, num_segments=N)
    return out + b


def setup_inputs(seed: int = 0) -> dict:
    key = jax.random.key(seed)
    ks = jax.random.split(key, 12)
    x = jax.random.normal(ks[0], (N, IN), dtype=jnp.float32)
    edge_index = jax.random.randint(ks[1], (2, E), 0, N)
    W1 = jax.random.normal(ks[2], (IN, H), dtype=jnp.float32) * 0.05
    b1 = jnp.zeros((H,), dtype=jnp.float32)
    W2 = jax.random.normal(ks[3], (H, H), dtype=jnp.float32) * 0.05
    b2 = jnp.zeros((H,), dtype=jnp.float32)
    Wmu = jax.random.normal(ks[4], (H, Z), dtype=jnp.float32) * 0.05
    bmu = jnp.zeros((Z,), dtype=jnp.float32)
    Wlv = jax.random.normal(ks[5], (H, Z), dtype=jnp.float32) * 0.05
    blv = jnp.zeros((Z,), dtype=jnp.float32)
    return {"x": x, "edge_index": edge_index, "W1": W1, "b1": b1, "W2": W2, "b2": b2, "Wmu": Wmu, "bmu": bmu, "Wlv": Wlv, "blv": blv}


def reference(x, edge_index, W1, b1, W2, b2, Wmu, bmu, Wlv, blv):
    h = jax.nn.relu(gcn_conv(x, edge_index, W1, b1))
    h = jax.nn.relu(gcn_conv(h, edge_index, W2, b2))
    mu = h @ Wmu + bmu
    logvar = h @ Wlv + blv
    return (mu, logvar)

if __name__ == "__main__":
    import jax
    _d = setup_inputs()
    print(jax.jit(kernel)(*tuple(_d.values())))

</pallas_src>

<mosaic_0001>
#map = affine_map<(d0, d1) -> (0, 0)>
#map1 = affine_map<(d0, d1) -> (0, 0, 0)>
module attributes {stable_mosaic.version = 14 : i64} {
  func.func @_deg_body(%arg0: i32, %arg1: i32, %arg2: memref<2560x128xi32, #tpu.memory_space<hbm>>, %arg3: memref<2x10240x16xf32, #tpu.memory_space<hbm>>, %arg4: memref<80x128xi32, #tpu.memory_space<vmem>>, %arg5: memref<128x16xf32, #tpu.memory_space<vmem>>, %arg6: memref<64x16xf32, #tpu.memory_space<vmem>>, %arg7: memref<10240x16xf32, #tpu.memory_space<vmem_shared>>) attributes {dimension_semantics = [#tpu.dimension_semantics<core_parallel>, #tpu.dimension_semantics<subcore_parallel>], iteration_bounds = array<i64: 2, 16>, scalar_prefetch = 0 : i64, scratch_operands = 4 : i64, tpu.core_type = #tpu.core_type<sc_vector_subcore>, window_params = [{transform_indices = #map}, {transform_indices = #map1}]} {
    %mul3A = arith.constant 16 : i32
    %mul3A_0 = arith.muli %arg0, %mul3A : i32
    %add3A = arith.addi %mul3A_0, %arg1 : i32
    %broadcast_in_dim3A = arith.constant 1.000000e+00 : f32
    %broadcast_in_dim3A_1 = vector.broadcast %broadcast_in_dim3A : f32 to vector<16xf32>
    %broadcast_in_dim3A_2 = arith.constant 0.000000e+00 : f32
    %broadcast_in_dim3A_3 = vector.broadcast %broadcast_in_dim3A_2 : f32 to vector<16xf32>
    %swap3A = arith.constant 0 : i32
    %swap3A_4 = arith.index_cast %swap3A : i32 to index
    %swap3A_5 = arith.constant 0 : index
    %swap3A_6 = tpu.vector_load %arg5[%swap3A_4, %swap3A_5] {strides = array<i32>} : memref<128x16xf32, #tpu.memory_space<vmem>>, vector<1x16xf32>,
    %swap3A_7 = vector.shape_cast %swap3A_6 : vector<1x16xf32> to vector<16xf32>
    %swap3A_8 = vector.shape_cast %broadcast_in_dim3A_1 : vector<16xf32> to vector<1x16xf32>
    tpu.vector_store %arg5[%swap3A_4, %swap3A_5], %swap3A_8 {strides = array<i32>} : memref<128x16xf32, #tpu.memory_space<vmem>>, vector<1x16xf32>,
    %swap3A_9 = arith.constant 1 : i32
    %swap3A_10 = arith.index_cast %swap3A_9 : i32 to index
    %swap3A_11 = arith.constant 0 : index
    %swap3A_12 = tpu.vector_load %arg5[%swap3A_10, %swap3A_11] {strides = array<i32>} : memref<128x16xf32, #tpu.memory_space<vmem>>, vector<1x16xf32>,
    %swap3A_13 = vector.shape_cast %swap3A_12 : vector<1x16xf32> to vector<16xf32>
    %swap3A_14 = vector.shape_cast %broadcast_in_dim3A_1 : vector<16xf32> to vector<1x16xf32>
    tpu.vector_store %arg5[%swap3A_10, %swap3A_11], %swap3A_14 {strides = array<i32>} : memref<128x16xf32, #tpu.memory_space<vmem>>, vector<1x16xf32>,
    %swap3A_15 = arith.constant 2 : i32
    %swap3A_16 = arith.index_cast %swap3A_15 : i32 to index
    %swap3A_17 = arith.constant 0 : index
    %swap3A_18 = tpu.vector_load %arg5[%swap3A_16, %swap3A_17] {strides = array<i32>} : memref<128x16xf32, #tpu.memory_space<vmem>>, vector<1x16xf32>,
    %swap3A_19 = vector.shape_cast %swap3A_18 : vector<1x16xf32> to vector<16xf32>
    %swap3A_20 = vector.shape_cast %broadcast_in_dim3A_1 : vector<16xf32> to vector<1x16xf32>
    tpu.vector_store %arg5[%swap3A_16, %swap3A_17], %swap3A_20 {strides = array<i32>} : memref<128x16xf32, #tpu.memory_space<vmem>>, vector<1x16xf32>,
    %swap3A_21 = arith.constant 3 : i32
    %swap3A_22 = arith.index_cast %swap3A_21 : i32 to index
    %swap3A_23 = arith.constant 0 : index
    %swap3A_24 = tpu.vector_load %arg5[%swap3A_22, %swap3A_23] {strides = array<i32>} : memref<128x16xf32, #tpu.memory_space<vmem>>, vector<1x16xf32>,
    %swap3A_25 = vector.shape_cast %swap3A_24 : vector<1x16xf32> to vector<16xf32>
    %swap3A_26 = vector.shape_cast %broadcast_in_dim3A_1 : vector<16xf32> to vector<1x16xf32>
    tpu.vector_store %arg5[%swap3A_22, %swap3A_23], %swap3A_26 {strides = array<i32>} : memref<128x16xf32, #tpu.memory_space<vmem>>, vector<1x16xf32>,
    %swap3A_27 = arith.constant 4 : i32
    %swap3A_28 = arith.index_cast %swap3A_27 : i32 to index
    %swap3A_29 = arith.constant 0 : index
    %swap3A_30 = tpu.vector_load %arg5[%swap3A_28, %swap3A_29] {strides = array<i32>} : memref<128x16xf32, #tpu.memory_space<vmem>>, vector<1x16xf32>,
    %swap3A_31 = vector.shape_cast %swap3A_30 : vector<1x16xf32> to vector<16xf32>
    %swap3A_32 = vector.shape_cast %broadcast_in_dim3A_1 : vector<16xf32> to vector<1x16xf32>
    tpu.vector_store %arg5[%swap3A_28, %swap3A_29], %swap3A_32 {strides = array<i32>} : memref<128x16xf32, #tpu.memory_space<vmem>>, vector<1x16xf32>,
    %swap3A_33 = arith.constant 5 : i32
    %swap3A_34 = arith.index_cast %swap3A_33 : i32 to index
    %swap3A_35 = arith.constant 0 : index
    %swap3A_36 = tpu.vector_load %arg5[%swap3A_34, %swap3A_35] {strides = array<i32>} : memref<128x16xf32, #tpu.memory_space<vmem>>, vector<1x16xf32>,
    %swap3A_37 = vector.shape_cast %swap3A_36 : vector<1x16xf32> to vector<16xf32>
    %swap3A_38 = vector.shape_cast %broadcast_in_dim3A_1 : vector<16xf32> to vector<1x16xf32>
    tpu.vector_store %arg5[%swap3A_34, %swap3A_35], %swap3A_38 {strides = array<i32>} : memref<128x16xf32, #tpu.memory_space<vmem>>, vector<1x16xf32>,
    %swap3A_39 = arith.constant 6 : i32
    %swap3A_40 = arith.index_cast %swap3A_39 : i32 to index
    %swap3A_41 = arith.constant 0 : index
    %swap3A_42 = tpu.vector_load %arg5[%swap3A_40, %swap3A_41] {strides = array<i32>} : memref<128x16xf32, #tpu.memory_space<vmem>>, vector<1x16xf32>,
    %swap3A_43 = vector.shape_cast %swap3A_42 : vector<1x16xf32> to vector<16xf32>
    %swap3A_44 = vector.shape_cast %broadcast_in_dim3A_1 : vector<16xf32> to vector<1x16xf32>
    tpu.vector_store %arg5[%swap3A_40, %swap3A_41], %swap3A_44 {strides = array<i32>} : memref<128x16xf32, #tpu.memory_space<vmem>>, vector<1x16xf32>,
    %swap3A_45 = arith.constant 7 : i32
    %swap3A_46 = arith.index_cast %swap3A_45 : i32 to index
    %swap3A_47 = arith.constant 0 : index
    %swap3A_48 = tpu.vector_load %arg5[%swap3A_46, %swap3A_47] {strides = array<i32>} : memref<128x16xf32, #tpu.memory_space<vmem>>, vector<1x16xf32>,
    %swap3A_49 = vector.shape_cast %swap3A_48 : vector<1x16xf32> to vector<16xf32>
    %swap3A_50 = vector.shape_cast %broadcast_in_dim3A_1 : vector<16xf32> to vector<1x16xf32>
    tpu.vector_store %arg5[%swap3A_46, %swap3A_47], %swap3A_50 {strides = array<i32>} : memref<128x16xf32, #tpu.memory_space<vmem>>, vector<1x16xf32>,
    %swap3A_51 = arith.constant 8 : i32
    %swap3A_52 = arith.index_cast %swap3A_51 : i32 to index
    %swap3A_53 = arith.constant 0 : index
    %swap3A_54 = tpu.vector_load %arg5[%swap3A_52, %swap3A_53] {strides = array<i32>} : memref<128x16xf32, #tpu.memory_space<vmem>>, vector<1x16xf32>,
    %swap3A_55 = vector.shape_cast %swap3A_54 : vector<1x16xf32> to vector<16xf32>
    %swap3A_56 = vector.shape_cast %broadcast_in_dim3A_1 : vector<16xf32> to vector<1x16xf32>
    tpu.vector_store %arg5[%swap3A_52, %swap3A_53], %swap3A_56 {strides = array<i32>} : memref<128x16xf32, #tpu.memory_space<vmem>>, vector<1x16xf32>,
    %swap3A_57 = arith.constant 9 : i32
    %swap3A_58 = arith.index_cast %swap3A_57 : i32 to index
    %swap3A_59 = arith.constant 0 : index
    %swap3A_60 = tpu.vector_load %arg5[%swap3A_58, %swap3A_59] {strides = array<i32>} : memref<128x16xf32, #tpu.memory_space<vmem>>, vector<1x16xf32>,
    %swap3A_61 = vector.shape_cast %swap3A_60 : vector<1x16xf32> to vector<16xf32>
    %swap3A_62 = vector.shape_cast %broadcast_in_dim3A_1 : vector<16xf32> to vector<1x16xf32>
    tpu.vector_store %arg5[%swap3A_58, %swap3A_59], %swap3A_62 {strides = array<i32>} : memref<128x16xf32, #tpu.memory_space<vmem>>, vector<1x16xf32>,
    %swap3A_63 = arith.constant 10 : i32
    %swap3A_64 = arith.index_cast %swap3A_63 : i32 to index
    %swap3A_65 = arith.constant 0 : index
    %swap3A_66 = tpu.vector_load %arg5[%swap3A_64, %swap3A_65] {strides = array<i32>} : memref<128x16xf32, #tpu.memory_space<vmem>>, vector<1x16xf32>,
    %swap3A_67 = vector.shape_cast %swap3A_66 : vector<1x16xf32> to vector<16xf32>
    %swap3A_68 = vector.shape_cast %broadcast_in_dim3A_1 : vector<16xf32> to vector<1x16xf32>
    tpu.vector_store %arg5[%swap3A_64, %swap3A_65], %swap3A_68 {strides = array<i32>} : memref<128x16xf32, #tpu.memory_space<vmem>>, vector<1x16xf32>,
    %swap3A_69 = arith.constant 11 : i32
    %swap3A_70 = arith.index_cast %swap3A_69 : i32 to index
    %swap3A_71 = arith.constant 0 : index
    %swap3A_72 = tpu.vector_load %arg5[%swap3A_70, %swap3A_71] {strides = array<i32>} : memref<128x16xf32, #tpu.memory_space<vmem>>, vector<1x16xf32>,
    %swap3A_73 = vector.shape_cast %swap3A_72 : vector<1x16xf32> to vector<16xf32>
    %swap3A_74 = vector.shape_cast %broadcast_in_dim3A_1 : vector<16xf32> to vector<1x16xf32>
    tpu.vector_store %arg5[%swap3A_70, %swap3A_71], %swap3A_74 {strides = array<i32>} : memref<128x16xf32, #tpu.memory_space<vmem>>, vector<1x16xf32>,
    %swap3A_75 = arith.constant 12 : i32
    %swap3A_76 = arith.index_cast %swap3A_75 : i32 to index
    %swap3A_77 = arith.constant 0 : index
    %swap3A_78 = tpu.vector_load %arg5[%swap3A_76, %swap3A_77] {strides = array<i32>} : memref<128x16xf32, #tpu.memory_space<vmem>>, vector<1x16xf32>,
    %swap3A_79 = vector.shape_cast %swap3A_78 : vector<1x16xf32> to vector<16xf32>
    %swap3A_80 = vector.shape_cast %broadcast_in_dim3A_1 : vector<16xf32> to vector<1x16xf32>
    tpu.vector_store %arg5[%swap3A_76, %swap3A_77], %swap3A_80 {strides = array<i32>} : memref<128x16xf32, #tpu.memory_space<vmem>>, vector<1x16xf32>,
    %swap3A_81 = arith.constant 13 : i32
    %swap3A_82 = arith.index_cast %swap3A_81 : i32 to index
    %swap3A_83 = arith.constant 0 : index
    %swap3A_84 = tpu.vector_load %arg5[%swap3A_82, %swap3A_83] {strides = array<i32>} : memref<128x16xf32, #tpu.memory_space<vmem>>, vector<1x16xf32>,
    %swap3A_85 = vector.shape_cast %swap3A_84 : vector<1x16xf32> to vector<16xf32>
    %swap3A_86 = vector.shape_cast %broadcast_in_dim3A_1 : vector<16xf32> to vector<1x16xf32>
    tpu.vector_store %arg5[%swap3A_82, %swap3A_83], %swap3A_86 {strides = array<i32>} : memref<128x16xf32, #tpu.memory_space<vmem>>, vector<1x16xf32>,
    %swap3A_87 = arith.constant 14 : i32
    %swap3A_88 = arith.index_cast %swap3A_87 : i32 to index
    %swap3A_89 = arith.constant 0 : index
    %swap3A_90 = tpu.vector_load %arg5[%swap3A_88, %swap3A_89] {strides = array<i32>} : memref<128x16xf32, #tpu.memory_space<vmem>>, vector<1x16xf32>,
    %swap3A_91 = vector.shape_cast %swap3A_90 : vector<1x16xf32> to vector<16xf32>
    %swap3A_92 = vector.shape_cast %broadcast_in_dim3A_1 : vector<16xf32> to vector<1x16xf32>
    tpu.vector_store %arg5[%swap3A_88, %swap3A_89], %swap3A_92 {strides = array<i32>} : memref<128x16xf32, #tpu.memory_space<vmem>>, vector<1x16xf32>,
    %swap3A_93 = arith.constant 15 : i32
    %swap3A_94 = arith.index_cast %swap3A_93 : i32 to index
    %swap3A_95 = arith.constant 0 : index
    %swap3A_96 = tpu.vector_load %arg5[%swap3A_94, %swap3A_95] {strides = array<i32>} : memref<128x16xf32, #tpu.memory_space<vmem>>, vector<1x16xf32>,
    %swap3A_97 = vector.shape_cast %swap3A_96 : vector<1x16xf32> to vector<16xf32>
    %swap3A_98 = vector.shape_cast %broadcast_in_dim3A_1 : vector<16xf32> to vector<1x16xf32>
    tpu.vector_store %arg5[%swap3A_94, %swap3A_95], %swap3A_98 {strides = array<i32>} : memref<128x16xf32, #tpu.memory_space<vmem>>, vector<1x16xf32>,
    %swap3A_99 = arith.constant 16 : i32
    %swap3A_100 = arith.index_cast %swap3A_99 : i32 to index
    %swap3A_101 = arith.constant 0 : index
    %swap3A_102 = tpu.vector_load %arg5[%swap3A_100, %swap3A_101] {strides = array<i32>} : memref<128x16xf32, #tpu.memory_space<vmem>>, vector<1x16xf32>,
    %swap3A_103 = vector.shape_cast %swap3A_102 : vector<1x16xf32> to vector<16xf32>
    %swap3A_104 = vector.shape_cast %broadcast_in_dim3A_1 : vector<16xf32> to vector<1x16xf32>
    tpu.vector_store %arg5[%swap3A_100, %swap3A_101], %swap3A_104 {strides = array<i32>} : memref<128x16xf32, #tpu.memory_space<vmem>>, vector<1x16xf32>,
    %swap3A_105 = arith.constant 17 : i32
    %swap3A_106 = arith.index_cast %swap3A_105 : i32 to index
    %swap3A_107 = arith.constant 0 : index
    %swap3A_108 = tpu.vector_load %arg5[%swap3A_106, %swap3A_107] {strides = array<i32>} : memref<128x16xf32, #tpu.memory_space<vmem>>, vector<1x16xf32>,
    %swap3A_109 = vector.shape_cast %swap3A_108 : vector<1x16xf32> to vector<16xf32>
    %swap3A_110 = vector.shape_cast %broadcast_in_dim3A_1 : vector<16xf32> to vector<1x16xf32>
    tpu.vector_store %arg5[%swap3A_106, %swap3A_107], %swap3A_110 {strides = array<i32>} : memref<128x16xf32, #tpu.memory_space<vmem>>, vector<1x16xf32>,
    %swap3A_111 = arith.constant 18 : i32
    %swap3A_112 = arith.index_cast %swap3A_111 : i32 to index
    %swap3A_113 = arith.constant 0 : index
    %swap3A_114 = tpu.vector_load %arg5[%swap3A_112, %swap3A_113] {strides = array<i32>} : memref<128x16xf32, #tpu.memory_space<vmem>>, vector<1x16xf32>,
    %swap3A_115 = vector.shape_cast %swap3A_114 : vector<1x16xf32> to vector<16xf32>
    %swap3A_116 = vector.shape_cast %broadcast_in_dim3A_1 : vector<16xf32> to vector<1x16xf32>
    tpu.vector_store %arg5[%swap3A_112, %swap3A_113], %swap3A_116 {strides = array<i32>} : memref<128x16xf32, #tpu.memory_space<vmem>>, vector<1x16xf32>,
    %swap3A_117 = arith.constant 19 : i32
    %swap3A_118 = arith.index_cast %swap3A_117 : i32 to index
    %swap3A_119 = arith.constant 0 : index
    %swap3A_120 = tpu.vector_load %arg5[%swap3A_118, %swap3A_119] {strides = array<i32>} : memref<128x16xf32, #tpu.memory_space<vmem>>, vector<1x16xf32>,
    %swap3A_121 = vector.shape_cast %swap3A_120 : vector<1x16xf32> to vector<16xf32>
    %swap3A_122 = vector.shape_cast %broadcast_in_dim3A_1 : vector<16xf32> to vector<1x16xf32>
    tpu.vector_store %arg5[%swap3A_118, %swap3A_119], %swap3A_122 {strides = array<i32>} : memref<128x16xf32, #tpu.memory_space<vmem>>, vector<1x16xf32>,
    %swap3A_123 = arith.constant 20 : i32
    %swap3A_124 = arith.index_cast %swap3A_123 : i32 to index
    %swap3A_125 = arith.constant 0 : index
    %swap3A_126 = tpu.vector_load %arg5[%swap3A_124, %swap3A_125] {strides = array<i32>} : memref<128x16xf32, #tpu.memory_space<vmem>>, vector<1x16xf32>,
    %swap3A_127 = vector.shape_cast %swap3A_126 : vector<1x16xf32> to vector<16xf32>
    %swap3A_128 = vector.shape_cast %broadcast_in_dim3A_1 : vector<16xf32> to vector<1x16xf32>
    tpu.vector_store %arg5[%swap3A_124, %swap3A_125], %swap3A_128 {strides = array<i32>} : memref<128x16xf32, #tpu.memory_space<vmem>>, vector<1x16xf32>,
    %swap3A_129 = arith.constant 21 : i32
    %swap3A_130 = arith.index_cast %swap3A_129 : i32 to index
    %swap3A_131 = arith.constant 0 : index
    %swap3A_132 = tpu.vector_load %arg5[%swap3A_130, %swap3A_131] {strides = array<i32>} : memref<128x16xf32, #tpu.memory_space<vmem>>, vector<1x16xf32>,
    %swap3A_133 = vector.shape_cast %swap3A_132 : vector<1x16xf32> to vector<16xf32>
    %swap3A_134 = vector.shape_cast %broadcast_in_dim3A_1 : vector<16xf32> to vector<1x16xf32>
    tpu.vector_store %arg5[%swap3A_130, %swap3A_131], %swap3A_134 {strides = array<i32>} : memref<128x16xf32, #tpu.memory_space<vmem>>, vector<1x16xf32>,
    %swap3A_135 = arith.constant 22 : i32
    %swap3A_136 = arith.index_cast %swap3A_135 : i32 to index
    %swap3A_137 = arith.constant 0 : index
    %swap3A_138 = tpu.vector_load %arg5[%swap3A_136, %swap3A_137] {strides = array<i32>} : memref<128x16xf32, #tpu.memory_space<vmem>>, vector<1x16xf32>,
    %swap3A_139 = vector.shape_cast %swap3A_138 : vector<1x16xf32> to vector<16xf32>
    %swap3A_140 = vector.shape_cast %broadcast_in_dim3A_1 : vector<16xf32> to vector<1x16xf32>
    tpu.vector_store %arg5[%swap3A_136, %swap3A_137], %swap3A_140 {strides = array<i32>} : memref<128x16xf32, #tpu.memory_space<vmem>>, vector<1x16xf32>,
    %swap3A_141 = arith.constant 23 : i32
    %swap3A_142 = arith.index_cast %swap3A_141 : i32 to index
    %swap3A_143 = arith.constant 0 : index
    %swap3A_144 = tpu.vector_load %arg5[%swap3A_142, %swap3A_143] {strides = array<i32>} : memref<128x16xf32, #tpu.memory_space<vmem>>, vector<1x16xf32>,
    %swap3A_145 = vector.shape_cast %swap3A_144 : vector<1x16xf32> to vector<16xf32>
    %swap3A_146 = vector.shape_cast %broadcast_in_dim3A_1 : vector<16xf32> to vector<1x16xf32>
    tpu.vector_store %arg5[%swap3A_142, %swap3A_143], %swap3A_146 {strides = array<i32>} : memref<128x16xf32, #tpu.memory_space<vmem>>, vector<1x16xf32>,
    %swap3A_147 = arith.constant 24 : i32
    %swap3A_148 = arith.index_cast %swap3A_147 : i32 to index
    %swap3A_149 = arith.constant 0 : index
    %swap3A_150 = tpu.vector_load %arg5[%swap3A_148, %swap3A_149] {strides = array<i32>} : memref<128x16xf32, #tpu.memory_space<vmem>>, vector<1x16xf32>,
    %swap3A_151 = vector.shape_cast %swap3A_150 : vector<1x16xf32> to vector<16xf32>
    %swap3A_152 = vector.shape_cast %broadcast_in_dim3A_1 : vector<16xf32> to vector<1x16xf32>
    tpu.vector_store %arg5[%swap3A_148, %swap3A_149], %swap3A_152 {strides = array<i32>} : memref<128x16xf32, #tpu.memory_space<vmem>>, vector<1x16xf32>,
    %swap3A_153 = arith.constant 25 : i32
    %swap3A_154 = arith.index_cast %swap3A_153 : i32 to index
    %swap3A_155 = arith.constant 0 : index
    %swap3A_156 = tpu.vector_load %arg5[%swap3A_154, %swap3A_155] {strides = array<i32>} : memref<128x16xf32, #tpu.memory_space<vmem>>, vector<1x16xf32>,
    %swap3A_157 = vector.shape_cast %swap3A_156 : vector<1x16xf32> to vector<16xf32>
    %swap3A_158 = vector.shape_cast %broadcast_in_dim3A_1 : vector<16xf32> to vector<1x16xf32>
    tpu.vector_store %arg5[%swap3A_154, %swap3A_155], %swap3A_158 {strides = array<i32>} : memref<128x16xf32, #tpu.memory_space<vmem>>, vector<1x16xf32>,
    %swap3A_159 = arith.constant 26 : i32
    %swap3A_160 = arith.index_cast %swap3A_159 : i32 to index
    %swap3A_161 = arith.constant 0 : index
    %swap3A_162 = tpu.vector_load %arg5[%swap3A_160, %swap3A_161] {strides = array<i32>} : memref<128x16xf32, #tpu.memory_space<vmem>>, vector<1x16xf32>,
    %swap3A_163 = vector.shape_cast %swap3A_162 : vector<1x16xf32> to vector<16xf32>
    %swap3A_164 = vector.shape_cast %broadcast_in_dim3A_1 : vector<16xf32> to vector<1x16xf32>
    tpu.vector_store %arg5[%swap3A_160, %swap3A_161], %swap3A_164 {strides = array<i32>} : memref<128x16xf32, #tpu.memory_space<vmem>>, vector<1x16xf32>,
    %swap3A_165 = arith.constant 27 : i32
    %swap3A_166 = arith.index_cast %swap3A_165 : i32 to index
    %swap3A_167 = arith.constant 0 : index
    %swap3A_168 = tpu.vector_load %arg5[%swap3A_166, %swap3A_167] {strides = array<i32>} : memref<128x16xf32, #tpu.memory_space<vmem>>, vector<1x16xf32>,
    %swap3A_169 = vector.shape_cast %swap3A_168 : vector<1x16xf32> to vector<16xf32>
    %swap3A_170 = vector.shape_cast %broadcast_in_dim3A_1 : vector<16xf32> to vector<1x16xf32>
    tpu.vector_store %arg5[%swap3A_166, %swap3A_167], %swap3A_170 {strides = array<i32>} : memref<128x16xf32, #tpu.memory_space<vmem>>, vector<1x16xf32>,
    %swap3A_171 = arith.constant 28 : i32
    %swap3A_172 = arith.index_cast %swap3A_171 : i32 to index
    %swap3A_173 = arith.constant 0 : index
    %swap3A_174 = tpu.vector_load %arg5[%swap3A_172, %swap3A_173] {strides = array<i32>} : memref<128x16xf32, #tpu.memory_space<vmem>>, vector<1x16xf32>,
    %swap3A_175 = vector.shape_cast %swap3A_174 : vector<1x16xf32> to vector<16xf32>
    %swap3A_176 = vector.shape_cast %broadcast_in_dim3A_1 : vector<16xf32> to vector<1x16xf32>
    tpu.vector_store %arg5[%swap3A_172, %swap3A_173], %swap3A_176 {strides = array<i32>} : memref<128x16xf32, #tpu.memory_space<vmem>>, vector<1x16xf32>,
    %swap3A_177 = arith.constant 29 : i32
    %swap3A_178 = arith.index_cast %swap3A_177 : i32 to index
    %swap3A_179 = arith.constant 0 : index
    %swap3A_180 = tpu.vector_load %arg5[%swap3A_178, %swap3A_179] {strides = array<i32>} : memref<128x16xf32, #tpu.memory_space<vmem>>, vector<1x16xf32>,
    %swap3A_181 = vector.shape_cast %swap3A_180 : vector<1x16xf32> to vector<16xf32>
    %swap3A_182 = vector.shape_cast %broadcast_in_dim3A_1 : vector<16xf32> to vector<1x16xf32>
    tpu.vector_store %arg5[%swap3A_178, %swap3A_179], %swap3A_182 {strides = array<i32>} : memref<128x16xf32, #tpu.memory_space<vmem>>, vector<1x16xf32>,
    %swap3A_183 = arith.constant 30 : i32
    %swap3A_184 = arith.index_cast %swap3A_183 : i32 to index
    %swap3A_185 = arith.constant 0 : index
    %swap3A_186 = tpu.vector_load %arg5[%swap3A_184, %swap3A_185] {strides = array<i32>} : memref<128x16xf32, #tpu.memory_space<vmem>>, vector<1x16xf32>,
    %swap3A_187 = vector.shape_cast %swap3A_186 : vector<1x16xf32> to vector<16xf32>
    %swap3A_188 = vector.shape_cast %broadcast_in_dim3A_1 : vector<16xf32> to vector<1x16xf32>
    tpu.vector_store %arg5[%swap3A_184, %swap3A_185], %swap3A_188 {strides = array<i32>} : memref<128x16xf32, #tpu.memory_space<vmem>>, vector<1x16xf32>,
    %swap3A_189 = arith.constant 31 : i32
    %swap3A_190 = arith.index_cast %swap3A_189 : i32 to index
    %swap3A_191 = arith.constant 0 : index
    %swap3A_192 = tpu.vector_load %arg5[%swap3A_190, %swap3A_191] {strides = array<i32>} : memref<128x16xf32, #tpu.memory_space<vmem>>, vector<1x16xf32>,
    %swap3A_193 = vector.shape_cast %swap3A_192 : vector<1x16xf32> to vector<16xf32>
    %swap3A_194 = vector.shape_cast %broadcast_in_dim3A_1 : vector<16xf32> to vector<1x16xf32>
    tpu.vector_store %arg5[%swap3A_190, %swap3A_191], %swap3A_194 {strides = array<i32>} : memref<128x16xf32, #tpu.memory_space<vmem>>, vector<1x16xf32>,
    %swap3A_195 = arith.constant 32 : i32
    %swap3A_196 = arith.index_cast %swap3A_195 : i32 to index
    %swap3A_197 = arith.constant 0 : index
    %swap3A_198 = tpu.vector_load %arg5[%swap3A_196, %swap3A_197] {strides = array<i32>} : memref<128x16xf32, #tpu.memory_space<vmem>>, vector<1x16xf32>,
    %swap3A_199 = vector.shape_cast %swap3A_198 : vector<1x16xf32> to vector<16xf32>
    %swap3A_200 = vector.shape_cast %broadcast_in_dim3A_1 : vector<16xf32> to vector<1x16xf32>
    tpu.vector_store %arg5[%swap3A_196, %swap3A_197], %swap3A_200 {strides = array<i32>} : memref<128x16xf32, #tpu.memory_space<vmem>>, vector<1x16xf32>,
    %swap3A_201 = arith.constant 33 : i32
    %swap3A_202 = arith.index_cast %swap3A_201 : i32 to index
    %swap3A_203 = arith.constant 0 : index
    %swap3A_204 = tpu.vector_load %arg5[%swap3A_202, %swap3A_203] {strides = array<i32>} : memref<128x16xf32, #tpu.memory_space<vmem>>, vector<1x16xf32>,
    %swap3A_205 = vector.shape_cast %swap3A_204 : vector<1x16xf32> to vector<16xf32>
    %swap3A_206 = vector.shape_cast %broadcast_in_dim3A_1 : vector<16xf32> to vector<1x16xf32>
    tpu.vector_store %arg5[%swap3A_202, %swap3A_203], %swap3A_206 {strides = array<i32>} : memref<128x16xf32, #tpu.memory_space<vmem>>, vector<1x16xf32>,
    %swap3A_207 = arith.constant 34 : i32
    %swap3A_208 = arith.index_cast %swap3A_207 : i32 to index
    %swap3A_209 = arith.constant 0 : index
    %swap3A_210 = tpu.vector_load %arg5[%swap3A_208, %swap3A_209] {strides = array<i32>} : memref<128x16xf32, #tpu.memory_space<vmem>>, vector<1x16xf32>,
    %swap3A_211 = vector.shape_cast %swap3A_210 : vector<1x16xf32> to vector<16xf32>
    %swap3A_212 = vector.shape_cast %broadcast_in_dim3A_1 : vector<16xf32> to vector<1x16xf32>
    tpu.vector_store %arg5[%swap3A_208, %swap3A_209], %swap3A_212 {strides = array<i32>} : memref<128x16xf32, #tpu.memory_space<vmem>>, vector<1x16xf32>,
    %swap3A_213 = arith.constant 35 : i32
    %swap3A_214 = arith.index_cast %swap3A_213 : i32 to index
    %swap3A_215 = arith.constant 0 : index
    %swap3A_216 = tpu.vector_load %arg5[%swap3A_214, %swap3A_215] {strides = array<i32>} : memref<128x16xf32, #tpu.memory_space<vmem>>, vector<1x16xf32>,
    %swap3A_217 = vector.shape_cast %swap3A_216 : vector<1x16xf32> to vector<16xf32>
    %swap3A_218 = vector.shape_cast %broadcast_in_dim3A_1 : vector<16xf32> to vector<1x16xf32>
    tpu.vector_store %arg5[%swap3A_214, %swap3A_215], %swap3A_218 {strides = array<i32>} : memref<128x16xf32, #tpu.memory_space<vmem>>, vector<1x16xf32>,
    %swap3A_219 = arith.constant 36 : i32
    %swap3A_220 = arith.index_cast %swap3A_219 : i32 to index
    %swap3A_221 = arith.constant 0 : index
    %swap3A_222 = tpu.vector_load %arg5[%swap3A_220, %swap3A_221] {strides = array<i32>} : memref<128x16xf32, #tpu.memory_space<vmem>>, vector<1x16xf32>,
    %swap3A_223 = vector.shape_cast %swap3A_222 : vector<1x16xf32> to vector<16xf32>
    %swap3A_224 = vector.shape_cast %broadcast_in_dim3A_1 : vector<16xf32> to vector<1x16xf32>
    tpu.vector_store %arg5[%swap3A_220, %swap3A_221], %swap3A_224 {strides = array<i32>} : memref<128x16xf32, #tpu.memory_space<vmem>>, vector<1x16xf32>,
    %swap3A_225 = arith.constant 37 : i32
    %swap3A_226 = arith.index_cast %swap3A_225 : i32 to index
    %swap3A_227 = arith.constant 0 : index
    %swap3A_228 = tpu.vector_load %arg5[%swap3A_226, %swap3A_227] {strides = array<i32>} : memref<128x16xf32, #tpu.memory_space<vmem>>, vector<1x16xf32>,
    %swap3A_229 = vector.shape_cast %swap3A_228 : vector<1x16xf32> to vector<16xf32>
    %swap3A_230 = vector.shape_cast %broadcast_in_dim3A_1 : vector<16xf32> to vector<1x16xf32>
    tpu.vector_store %arg5[%swap3A_226, %swap3A_227], %swap3A_230 {strides = array<i32>} : memref<128x16xf32, #tpu.memory_space<vmem>>, vector<1x16xf32>,
    %swap3A_231 = arith.constant 38 : i32
    %swap3A_232 = arith.index_cast %swap3A_231 : i32 to index
    %swap3A_233 = arith.constant 0 : index
    %swap3A_234 = tpu.vector_load %arg5[%swap3A_232, %swap3A_233] {strides = array<i32>} : memref<128x16xf32, #tpu.memory_space<vmem>>, vector<1x16xf32>,
    %swap3A_235 = vector.shape_cast %swap3A_234 : vector<1x16xf32> to vector<16xf32>
    %swap3A_236 = vector.shape_cast %broadcast_in_dim3A_1 : vector<16xf32> to vector<1x16xf32>
    tpu.vector_store %arg5[%swap3A_232, %swap3A_233], %swap3A_236 {strides = array<i32>} : memref<128x16xf32, #tpu.memory_space<vmem>>, vector<1x16xf32>,
    %swap3A_237 = arith.constant 39 : i32
    %swap3A_238 = arith.index_cast %swap3A_237 : i32 to index
    %swap3A_239 = arith.constant 0 : index
    %swap3A_240 = tpu.vector_load %arg5[%swap3A_238, %swap3A_239] {strides = array<i32>} : memref<128x16xf32, #tpu.memory_space<vmem>>, vector<1x16xf32>,
    %swap3A_241 = vector.shape_cast %swap3A_240 : vector<1x16xf32> to vector<16xf32>
    %swap3A_242 = vector.shape_cast %broadcast_in_dim3A_1 : vector<16xf32> to vector<1x16xf32>
    tpu.vector_store %arg5[%swap3A_238, %swap3A_239], %swap3A_242 {strides = array<i32>} : memref<128x16xf32, #tpu.memory_space<vmem>>, vector<1x16xf32>,
    %swap3A_243 = arith.constant 40 : i32
    %swap3A_244 = arith.index_cast %swap3A_243 : i32 to index
    %swap3A_245 = arith.constant 0 : index
    %swap3A_246 = tpu.vector_load %arg5[%swap3A_244, %swap3A_245] {strides = array<i32>} : memref<128x16xf32, #tpu.memory_space<vmem>>, vector<1x16xf32>,
    %swap3A_247 = vector.shape_cast %swap3A_246 : vector<1x16xf32> to vector<16xf32>
    %swap3A_248 = vector.shape_cast %broadcast_in_dim3A_1 : vector<16xf32> to vector<1x16xf32>
    tpu.vector_store %arg5[%swap3A_244, %swap3A_245], %swap3A_248 {strides = array<i32>} : memref<128x16xf32, #tpu.memory_space<vmem>>, vector<1x16xf32>,
    %swap3A_249 = arith.constant 41 : i32
    %swap3A_250 = arith.index_cast %swap3A_249 : i32 to index
    %swap3A_251 = arith.constant 0 : index
    %swap3A_252 = tpu.vector_load %arg5[%swap3A_250, %swap3A_251] {strides = array<i32>} : memref<128x16xf32, #tpu.memory_space<vmem>>, vector<1x16xf32>,
    %swap3A_253 = vector.shape_cast %swap3A_252 : vector<1x16xf32> to vector<16xf32>
    %swap3A_254 = vector.shape_cast %broadcast_in_dim3A_1 : vector<16xf32> to vector<1x16xf32>
    tpu.vector_store %arg5[%swap3A_250, %swap3A_251], %swap3A_254 {strides = array<i32>} : memref<128x16xf32, #tpu.memory_space<vmem>>, vector<1x16xf32>,
    %swap3A_255 = arith.constant 42 : i32
    %swap3A_256 = arith.index_cast %swap3A_255 : i32 to index
    %swap3A_257 = arith.constant 0 : index
    %swap3A_258 = tpu.vector_load %arg5[%swap3A_256, %swap3A_257] {strides = array<i32>} : memref<128x16xf32, #tpu.memory_space<vmem>>, vector<1x16xf32>,
    %swap3A_259 = vector.shape_cast %swap3A_258 : vector<1x16xf32> to vector<16xf32>
    %swap3A_260 = vector.shape_cast %broadcast_in_dim3A_1 : vector<16xf32> to vector<1x16xf32>
    tpu.vector_store %arg5[%swap3A_256, %swap3A_257], %swap3A_260 {strides = array<i32>} : memref<128x16xf32, #tpu.memory_space<vmem>>, vector<1x16xf32>,
    %swap3A_261 = arith.constant 43 : i32
    %swap3A_262 = arith.index_cast %swap3A_261 : i32 to index
    %swap3A_263 = arith.constant 0 : index
    %swap3A_264 = tpu.vector_load %arg5[%swap3A_262, %swap3A_263] {strides = array<i32>} : memref<128x16xf32, #tpu.memory_space<vmem>>, vector<1x16xf32>,
    %swap3A_265 = vector.shape_cast %swap3A_264 : vector<1x16xf32> to vector<16xf32>
    %swap3A_266 = vector.shape_cast %broadcast_in_dim3A_1 : vector<16xf32> to vector<1x16xf32>
    tpu.vector_store %arg5[%swap3A_262, %swap3A_263], %swap3A_266 {strides = array<i32>} : memref<128x16xf32, #tpu.memory_space<vmem>>, vector<1x16xf32>,
    %swap3A_267 = arith.constant 44 : i32
    %swap3A_268 = arith.index_cast %swap3A_267 : i32 to index
    %swap3A_269 = arith.constant 0 : index
    %swap3A_270 = tpu.vector_load %arg5[%swap3A_268, %swap3A_269] {strides = array<i32>} : memref<128x16xf32, #tpu.memory_space<vmem>>, vector<1x16xf32>,
    %swap3A_271 = vector.shape_cast %swap3A_270 : vector<1x16xf32> to vector<16xf32>
    %swap3A_272 = vector.shape_cast %broadcast_in_dim3A_1 : vector<16xf32> to vector<1x16xf32>
    tpu.vector_store %arg5[%swap3A_268, %swap3A_269], %swap3A_272 {strides = array<i32>} : memref<128x16xf32, #tpu.memory_space<vmem>>, vector<1x16xf32>,
    %swap3A_273 = arith.constant 45 : i32
    %swap3A_274 = arith.index_cast %swap3A_273 : i32 to index
    %swap3A_275 = arith.constant 0 : index
    %swap3A_276 = tpu.vector_load %arg5[%swap3A_274, %swap3A_275] {strides = array<i32>} : memref<128x16xf32, #tpu.memory_space<vmem>>, vector<1x16xf32>,
    %swap3A_277 = vector.shape_cast %swap3A_276 : vector<1x16xf32> to vector<16xf32>
    %swap3A_278 = vector.shape_cast %broadcast_in_dim3A_1 : vector<16xf32> to vector<1x16xf32>
    tpu.vector_store %arg5[%swap3A_274, %swap3A_275], %swap3A_278 {strides = array<i32>} : memref<128x16xf32, #tpu.memory_space<vmem>>, vector<1x16xf32>,
    %swap3A_279 = arith.constant 46 : i32
    %swap3A_280 = arith.index_cast %swap3A_279 : i32 to index
    %swap3A_281 = arith.constant 0 : index
    %swap3A_282 = tpu.vector_load %arg5[%swap3A_280, %swap3A_281] {strides = array<i32>} : memref<128x16xf32, #tpu.memory_space<vmem>>, vector<1x16xf32>,
    %swap3A_283 = vector.shape_cast %swap3A_282 : vector<1x16xf32> to vector<16xf32>
    %swap3A_284 = vector.shape_cast %broadcast_in_dim3A_1 : vector<16xf32> to vector<1x16xf32>
    tpu.vector_store %arg5[%swap3A_280, %swap3A_281], %swap3A_284 {strides = array<i32>} : memref<128x16xf32, #tpu.memory_space<vmem>>, vector<1x16xf32>,
    %swap3A_285 = arith.constant 47 : i32
    %swap3A_286 = arith.index_cast %swap3A_285 : i32 to index
    %swap3A_287 = arith.constant 0 : index
    %swap3A_288 = tpu.vector_load %arg5[%swap3A_286, %swap3A_287] {strides = array<i32>} : memref<128x16xf32, #tpu.memory_space<vmem>>, vector<1x16xf32>,
    %swap3A_289 = vector.shape_cast %swap3A_288 : vector<1x16xf32> to vector<16xf32>
    %swap3A_290 = vector.shape_cast %broadcast_in_dim3A_1 : vector<16xf32> to vector<1x16xf32>
    tpu.vector_store %arg5[%swap3A_286, %swap3A_287], %swap3A_290 {strides = array<i32>} : memref<128x16xf32, #tpu.memory_space<vmem>>, vector<1x16xf32>,
    %swap3A_291 = arith.constant 48 : i32
    %swap3A_292 = arith.index_cast %swap3A_291 : i32 to index
    %swap3A_293 = arith.constant 0 : index
    %swap3A_294 = tpu.vector_load %arg5[%swap3A_292, %swap3A_293] {strides = array<i32>} : memref<128x16xf32, #tpu.memory_space<vmem>>, vector<1x16xf32>,
    %swap3A_295 = vector.shape_cast %swap3A_294 : vector<1x16xf32> to vector<16xf32>
    %swap3A_296 = vector.shape_cast %broadcast_in_dim3A_1 : vector<16xf32> to vector<1x16xf32>
    tpu.vector_store %arg5[%swap3A_292, %swap3A_293], %swap3A_296 {strides = array<i32>} : memref<128x16xf32, #tpu.memory_space<vmem>>, vector<1x16xf32>,
    %swap3A_297 = arith.constant 49 : i32
    %swap3A_298 = arith.index_cast %swap3A_297 : i32 to index
    %swap3A_299 = arith.constant 0 : index
    %swap3A_300 = tpu.vector_load %arg5[%swap3A_298, %swap3A_299] {strides = array<i32>} : memref<128x16xf32, #tpu.memory_space<vmem>>, vector<1x16xf32>,
    %swap3A_301 = vector.shape_cast %swap3A_300 : vector<1x16xf32> to vector<16xf32>
    %swap3A_302 = vector.shape_cast %broadcast_in_dim3A_1 : vector<16xf32> to vector<1x16xf32>
    tpu.vector_store %arg5[%swap3A_298, %swap3A_299], %swap3A_302 {strides = array<i32>} : memref<128x16xf32, #tpu.memory_space<vmem>>, vector<1x16xf32>,
    %swap3A_303 = arith.constant 50 : i32
    %swap3A_304 = arith.index_cast %swap3A_303 : i32 to index
    %swap3A_305 = arith.constant 0 : index
    %swap3A_306 = tpu.vector_load %arg5[%swap3A_304, %swap3A_305] {strides = array<i32>} : memref<128x16xf32, #tpu.memory_space<vmem>>, vector<1x16xf32>,
    %swap3A_307 = vector.shape_cast %swap3A_306 : vector<1x16xf32> to vector<16xf32>
    %swap3A_308 = vector.shape_cast %broadcast_in_dim3A_1 : vector<16xf32> to vector<1x16xf32>
    tpu.vector_store %arg5[%swap3A_304, %swap3A_305], %swap3A_308 {strides = array<i32>} : memref<128x16xf32, #tpu.memory_space<vmem>>, vector<1x16xf32>,
    %swap3A_309 = arith.constant 51 : i32
    %swap3A_310 = arith.index_cast %swap3A_309 : i32 to index
    %swap3A_311 = arith.constant 0 : index
    %swap3A_312 = tpu.vector_load %arg5[%swap3A_310, %swap3A_311] {strides = array<i32>} : memref<128x16xf32, #tpu.memory_space<vmem>>, vector<1x16xf32>,
    %swap3A_313 = vector.shape_cast %swap3A_312 : vector<1x16xf32> to vector<16xf32>
    %swap3A_314 = vector.shape_cast %broadcast_in_dim3A_1 : vector<16xf32> to vector<1x16xf32>
    tpu.vector_store %arg5[%swap3A_310, %swap3A_311], %swap3A_314 {strides = array<i32>} : memref<128x16xf32, #tpu.memory_space<vmem>>, vector<1x16xf32>,
    %swap3A_315 = arith.constant 52 : i32
    %swap3A_316 = arith.index_cast %swap3A_315 : i32 to index
    %swap3A_317 = arith.constant 0 : index
    %swap3A_318 = tpu.vector_load %arg5[%swap3A_316, %swap3A_317] {strides = array<i32>} : memref<128x16xf32, #tpu.memory_space<vmem>>, vector<1x16xf32>,
    %swap3A_319 = vector.shape_cast %swap3A_318 : vector<1x16xf32> to vector<16xf32>
    %swap3A_320 = vector.shape_cast %broadcast_in_dim3A_1 : vector<16xf32> to vector<1x16xf32>
    tpu.vector_store %arg5[%swap3A_316, %swap3A_317], %swap3A_320 {strides = array<i32>} : memref<128x16xf32, #tpu.memory_space<vmem>>, vector<1x16xf32>,
    %swap3A_321 = arith.constant 53 : i32
    %swap3A_322 = arith.index_cast %swap3A_321 : i32 to index
    %swap3A_323 = arith.constant 0 : index
    %swap3A_324 = tpu.vector_load %arg5[%swap3A_322, %swap3A_323] {strides = array<i32>} : memref<128x16xf32, #tpu.memory_space<vmem>>, vector<1x16xf32>,
    %swap3A_325 = vector.shape_cast %swap3A_324 : vector<1x16xf32> to vector<16xf32>
    %swap3A_326 = vector.shape_cast %broadcast_in_dim3A_1 : vector<16xf32> to vector<1x16xf32>
    tpu.vector_store %arg5[%swap3A_322, %swap3A_323], %swap3A_326 {strides = array<i32>} : memref<128x16xf32, #tpu.memory_space<vmem>>, vector<1x16xf32>,
    %swap3A_327 = arith.constant 54 : i32
    %swap3A_328 = arith.index_cast %swap3A_327 : i32 to index
    %swap3A_329 = arith.constant 0 : index
    %swap3A_330 = tpu.vector_load %arg5[%swap3A_328, %swap3A_329] {strides = array<i32>} : memref<128x16xf32, #tpu.memory_space<vmem>>, vector<1x16xf32>,
    %swap3A_331 = vector.shape_cast %swap3A_330 : vector<1x16xf32> to vector<16xf32>
    %swap3A_332 = vector.shape_cast %broadcast_in_dim3A_1 : vector<16xf32> to vector<1x16xf32>
    tpu.vector_store %arg5[%swap3A_328, %swap3A_329], %swap3A_332 {strides = array<i32>} : memref<128x16xf32, #tpu.memory_space<vmem>>, vector<1x16xf32>,
    %swap3A_333 = arith.constant 55 : i32
    %swap3A_334 = arith.index_cast %swap3A_333 : i32 to index
    %swap3A_335 = arith.constant 0 : index
    %swap3A_336 = tpu.vector_load %arg5[%swap3A_334, %swap3A_335] {strides = array<i32>} : memref<128x16xf32, #tpu.memory_space<vmem>>, vector<1x16xf32>,
    %swap3A_337 = vector.shape_cast %swap3A_336 : vector<1x16xf32> to vector<16xf32>
    %swap3A_338 = vector.shape_cast %broadcast_in_dim3A_1 : vector<16xf32> to vector<1x16xf32>
    tpu.vector_store %arg5[%swap3A_334, %swap3A_335], %swap3A_338 {strides = array<i32>} : memref<128x16xf32, #tpu.memory_space<vmem>>, vector<1x16xf32>,
    %swap3A_339 = arith.constant 56 : i32
    %swap3A_340 = arith.index_cast %swap3A_339 : i32 to index
    %swap3A_341 = arith.constant 0 : index
    %swap3A_342 = tpu.vector_load %arg5[%swap3A_340, %swap3A_341] {strides = array<i32>} : memref<128x16xf32, #tpu.memory_space<vmem>>, vector<1x16xf32>,
    %swap3A_343 = vector.shape_cast %swap3A_342 : vector<1x16xf32> to vector<16xf32>
    %swap3A_344 = vector.shape_cast %broadcast_in_dim3A_1 : vector<16xf32> to vector<1x16xf32>
    tpu.vector_store %arg5[%swap3A_340, %swap3A_341], %swap3A_344 {strides = array<i32>} : memref<128x16xf32, #tpu.memory_space<vmem>>, vector<1x16xf32>,
    %swap3A_345 = arith.constant 57 : i32
    %swap3A_346 = arith.index_cast %swap3A_345 : i32 to index
    %swap3A_347 = arith.constant 0 : index
    %swap3A_348 = tpu.vector_load %arg5[%swap3A_346, %swap3A_347] {strides = array<i32>} : memref<128x16xf32, #tpu.memory_space<vmem>>, vector<1x16xf32>,
    %swap3A_349 = vector.shape_cast %swap3A_348 : vector<1x16xf32> to vector<16xf32>
    %swap3A_350 = vector.shape_cast %broadcast_in_dim3A_1 : vector<16xf32> to vector<1x16xf32>
    tpu.vector_store %arg5[%swap3A_346, %swap3A_347], %swap3A_350 {strides = array<i32>} : memref<128x16xf32, #tpu.memory_space<vmem>>, vector<1x16xf32>,
    %swap3A_351 = arith.constant 58 : i32
    %swap3A_352 = arith.index_cast %swap3A_351 : i32 to index
    %swap3A_353 = arith.constant 0 : index
    %swap3A_354 = tpu.vector_load %arg5[%swap3A_352, %swap3A_353] {strides = array<i32>} : memref<128x16xf32, #tpu.memory_space<vmem>>, vector<1x16xf32>,
    %swap3A_355 = vector.shape_cast %swap3A_354 : vector<1x16xf32> to vector<16xf32>
    %swap3A_356 = vector.shape_cast %broadcast_in_dim3A_1 : vector<16xf32> to vector<1x16xf32>
    tpu.vector_store %arg5[%swap3A_352, %swap3A_353], %swap3A_356 {strides = array<i32>} : memref<128x16xf32, #tpu.memory_space<vmem>>, vector<1x16xf32>,
    %swap3A_357 = arith.constant 59 : i32
    %swap3A_358 = arith.index_cast %swap3A_357 : i32 to index
    %swap3A_359 = arith.constant 0 : index
    %swap3A_360 = tpu.vector_load %arg5[%swap3A_358, %swap3A_359] {strides = array<i32>} : memref<128x16xf32, #tpu.memory_space<vmem>>, vector<1x16xf32>,
    %swap3A_361 = vector.shape_cast %swap3A_360 : vector<1x16xf32> to vector<16xf32>
    %swap3A_362 = vector.shape_cast %broadcast_in_dim3A_1 : vector<16xf32> to vector<1x16xf32>
    tpu.vector_store %arg5[%swap3A_358, %swap3A_359], %swap3A_362 {strides = array<i32>} : memref<128x16xf32, #tpu.memory_space<vmem>>, vector<1x16xf32>,
    %swap3A_363 = arith.constant 60 : i32
    %swap3A_364 = arith.index_cast %swap3A_363 : i32 to index
    %swap3A_365 = arith.constant 0 : index
    %swap3A_366 = tpu.vector_load %arg5[%swap3A_364, %swap3A_365] {strides = array<i32>} : memref<128x16xf32, #tpu.memory_space<vmem>>, vector<1x16xf32>,
    %swap3A_367 = vector.shape_cast %swap3A_366 : vector<1x16xf32> to vector<16xf32>
    %swap3A_368 = vector.shape_cast %broadcast_in_dim3A_1 : vector<16xf32> to vector<1x16xf32>
    tpu.vector_store %arg5[%swap3A_364, %swap3A_365], %swap3A_368 {strides = array<i32>} : memref<128x16xf32, #tpu.memory_space<vmem>>, vector<1x16xf32>,
    %swap3A_369 = arith.constant 61 : i32
    %swap3A_370 = arith.index_cast %swap3A_369 : i32 to index
    %swap3A_371 = arith.constant 0 : index
    %swap3A_372 = tpu.vector_load %arg5[%swap3A_370, %swap3A_371] {strides = array<i32>} : memref<128x16xf32, #tpu.memory_space<vmem>>, vector<1x16xf32>,
    %swap3A_373 = vector.shape_cast %swap3A_372 : vector<1x16xf32> to vector<16xf32>
    %swap3A_374 = vector.shape_cast %broadcast_in_dim3A_1 : vector<16xf32> to vector<1x16xf32>
    tpu.vector_store %arg5[%swap3A_370, %swap3A_371], %swap3A_374 {strides = array<i32>} : memref<128x16xf32, #tpu.memory_space<vmem>>, vector<1x16xf32>,
    %swap3A_375 = arith.constant 62 : i32
    %swap3A_376 = arith.index_cast %swap3A_375 : i32 to index
    %swap3A_377 = arith.constant 0 : index
    %swap3A_378 = tpu.vector_load %arg5[%swap3A_376, %swap3A_377] {strides = array<i32>} : memref<128x16xf32, #tpu.memory_space<vmem>>, vector<1x16xf32>,
    %swap3A_379 = vector.shape_cast %swap3A_378 : vector<1x16xf32> to vector<16xf32>
    %swap3A_380 = vector.shape_cast %broadcast_in_dim3A_1 : vector<16xf32> to vector<1x16xf32>
    tpu.vector_store %arg5[%swap3A_376, %swap3A_377], %swap3A_380 {strides = array<i32>} : memref<128x16xf32, #tpu.memory_space<vmem>>, vector<1x16xf32>,
    %swap3A_381 = arith.constant 63 : i32
    %swap3A_382 = arith.index_cast %swap3A_381 : i32 to index
    %swap3A_383 = arith.constant 0 : index
    %swap3A_384 = tpu.vector_load %arg5[%swap3A_382, %swap3A_383] {strides = array<i32>} : memref<128x16xf32, #tpu.memory_space<vmem>>, vector<1x16xf32>,
    %swap3A_385 = vector.shape_cast %swap3A_384 : vector<1x16xf32> to vector<16xf32>
    %swap3A_386 = vector.shape_cast %broadcast_in_dim3A_1 : vector<16xf32> to vector<1x16xf32>
    tpu.vector_store %arg5[%swap3A_382, %swap3A_383], %swap3A_386 {strides = array<i32>} : memref<128x16xf32, #tpu.memory_space<vmem>>, vector<1x16xf32>,
    %swap3A_387 = arith.constant 64 : i32
    %swap3A_388 = arith.index_cast %swap3A_387 : i32 to index
    %swap3A_389 = arith.constant 0 : index
    %swap3A_390 = tpu.vector_load %arg5[%swap3A_388, %swap3A_389] {strides = array<i32>} : memref<128x16xf32, #tpu.memory_space<vmem>>, vector<1x16xf32>,
    %swap3A_391 = vector.shape_cast %swap3A_390 : vector<1x16xf32> to vector<16xf32>
    %swap3A_392 = vector.shape_cast %broadcast_in_dim3A_1 : vector<16xf32> to vector<1x16xf32>
    tpu.vector_store %arg5[%swap3A_388, %swap3A_389], %swap3A_392 {strides = array<i32>} : memref<128x16xf32, #tpu.memory_space<vmem>>, vector<1x16xf32>,
    %swap3A_393 = arith.constant 65 : i32
    %swap3A_394 = arith.index_cast %swap3A_393 : i32 to index
    %swap3A_395 = arith.constant 0 : index
    %swap3A_396 = tpu.vector_load %arg5[%swap3A_394, %swap3A_395] {strides = array<i32>} : memref<128x16xf32, #tpu.memory_space<vmem>>, vector<1x16xf32>,
    %swap3A_397 = vector.shape_cast %swap3A_396 : vector<1x16xf32> to vector<16xf32>
    %swap3A_398 = vector.shape_cast %broadcast_in_dim3A_1 : vector<16xf32> to vector<1x16xf32>
    tpu.vector_store %arg5[%swap3A_394, %swap3A_395], %swap3A_398 {strides = array<i32>} : memref<128x16xf32, #tpu.memory_space<vmem>>, vector<1x16xf32>,
    %swap3A_399 = arith.constant 66 : i32
    %swap3A_400 = arith.index_cast %swap3A_399 : i32 to index
    %swap3A_401 = arith.constant 0 : index
    %swap3A_402 = tpu.vector_load %arg5[%swap3A_400, %swap3A_401] {strides = array<i32>} : memref<128x16xf32, #tpu.memory_space<vmem>>, vector<1x16xf32>,
    %swap3A_403 = vector.shape_cast %swap3A_402 : vector<1x16xf32> to vector<16xf32>
    %swap3A_404 = vector.shape_cast %broadcast_in_dim3A_1 : vector<16xf32> to vector<1x16xf32>
    tpu.vector_store %arg5[%swap3A_400, %swap3A_401], %swap3A_404 {strides = array<i32>} : memref<128x16xf32, #tpu.memory_space<vmem>>, vector<1x16xf32>,
    %swap3A_405 = arith.constant 67 : i32
    %swap3A_406 = arith.index_cast %swap3A_405 : i32 to index
    %swap3A_407 = arith.constant 0 : index
    %swap3A_408 = tpu.vector_load %arg5[%swap3A_406, %swap3A_407] {strides = array<i32>} : memref<128x16xf32, #tpu.memory_space<vmem>>, vector<1x16xf32>,
    %swap3A_409 = vector.shape_cast %swap3A_408 : vector<1x16xf32> to vector<16xf32>
    %swap3A_410 = vector.shape_cast %broadcast_in_dim3A_1 : vector<16xf32> to vector<1x16xf32>
    tpu.vector_store %arg5[%swap3A_406, %swap3A_407], %swap3A_410 {strides = array<i32>} : memref<128x16xf32, #tpu.memory_space<vmem>>, vector<1x16xf32>,
    %swap3A_411 = arith.constant 68 : i32
    %swap3A_412 = arith.index_cast %swap3A_411 : i32 to index
    %swap3A_413 = arith.constant 0 : index
    %swap3A_414 = tpu.vector_load %arg5[%swap3A_412, %swap3A_413] {strides = array<i32>} : memref<128x16xf32, #tpu.memory_space<vmem>>, vector<1x16xf32>,
    %swap3A_415 = vector.shape_cast %swap3A_414 : vector<1x16xf32> to vector<16xf32>
    %swap3A_416 = vector.shape_cast %broadcast_in_dim3A_1 : vector<16xf32> to vector<1x16xf32>
    tpu.vector_store %arg5[%swap3A_412, %swap3A_413], %swap3A_416 {strides = array<i32>} : memref<128x16xf32, #tpu.memory_space<vmem>>, vector<1x16xf32>,
    %swap3A_417 = arith.constant 69 : i32
    %swap3A_418 = arith.index_cast %swap3A_417 : i32 to index
    %swap3A_419 = arith.constant 0 : index
    %swap3A_420 = tpu.vector_load %arg5[%swap3A_418, %swap3A_419] {strides = array<i32>} : memref<128x16xf32, #tpu.memory_space<vmem>>, vector<1x16xf32>,
    %swap3A_421 = vector.shape_cast %swap3A_420 : vector<1x16xf32> to vector<16xf32>
    %swap3A_422 = vector.shape_cast %broadcast_in_dim3A_1 : vector<16xf32> to vector<1x16xf32>
    tpu.vector_store %arg5[%swap3A_418, %swap3A_419], %swap3A_422 {strides = array<i32>} : memref<128x16xf32, #tpu.memory_space<vmem>>, vector<1x16xf32>,
    %swap3A_423 = arith.constant 70 : i32
    %swap3A_424 = arith.index_cast %swap3A_423 : i32 to index
    %swap3A_425 = arith.constant 0 : index
    %swap3A_426 = tpu.vector_load %arg5[%swap3A_424, %swap3A_425] {strides = array<i32>} : memref<128x16xf32, #tpu.memory_space<vmem>>, vector<1x16xf32>,
    %swap3A_427 = vector.shape_cast %swap3A_426 : vector<1x16xf32> to vector<16xf32>
    %swap3A_428 = vector.shape_cast %broadcast_in_dim3A_1 : vector<16xf32> to vector<1x16xf32>
    tpu.vector_store %arg5[%swap3A_424, %swap3A_425], %swap3A_428 {strides = array<i32>} : memref<128x16xf32, #tpu.memory_space<vmem>>, vector<1x16xf32>,
    %swap3A_429 = arith.constant 71 : i32
    %swap3A_430 = arith.index_cast %swap3A_429 : i32 to index
    %swap3A_431 = arith.constant 0 : index
    %swap3A_432 = tpu.vector_load %arg5[%swap3A_430, %swap3A_431] {strides = array<i32>} : memref<128x16xf32, #tpu.memory_space<vmem>>, vector<1x16xf32>,
    %swap3A_433 = vector.shape_cast %swap3A_432 : vector<1x16xf32> to vector<16xf32>
    %swap3A_434 = vector.shape_cast %broadcast_in_dim3A_1 : vector<16xf32> to vector<1x16xf32>
    tpu.vector_store %arg5[%swap3A_430, %swap3A_431], %swap3A_434 {strides = array<i32>} : memref<128x16xf32, #tpu.memory_space<vmem>>, vector<1x16xf32>,
    %swap3A_435 = arith.constant 72 : i32
    %swap3A_436 = arith.index_cast %swap3A_435 : i32 to index
    %swap3A_437 = arith.constant 0 : index
    %swap3A_438 = tpu.vector_load %arg5[%swap3A_436, %swap3A_437] {strides = array<i32>} : memref<128x16xf32, #tpu.memory_space<vmem>>, vector<1x16xf32>,
    %swap3A_439 = vector.shape_cast %swap3A_438 : vector<1x16xf32> to vector<16xf32>
    %swap3A_440 = vector.shape_cast %broadcast_in_dim3A_1 : vector<16xf32> to vector<1x16xf32>
    tpu.vector_store %arg5[%swap3A_436, %swap3A_437], %swap3A_440 {strides = array<i32>} : memref<128x16xf32, #tpu.memory_space<vmem>>, vector<1x16xf32>,
    %swap3A_441 = arith.constant 73 : i32
    %swap3A_442 = arith.index_cast %swap3A_441 : i32 to index
    %swap3A_443 = arith.constant 0 : index
    %swap3A_444 = tpu.vector_load %arg5[%swap3A_442, %swap3A_443] {strides = array<i32>} : memref<128x16xf32, #tpu.memory_space<vmem>>, vector<1x16xf32>,
    %swap3A_445 = vector.shape_cast %swap3A_444 : vector<1x16xf32> to vector<16xf32>
    %swap3A_446 = vector.shape_cast %broadcast_in_dim3A_1 : vector<16xf32> to vector<1x16xf32>
    tpu.vector_store %arg5[%swap3A_442, %swap3A_443], %swap3A_446 {strides = array<i32>} : memref<128x16xf32, #tpu.memory_space<vmem>>, vector<1x16xf32>,
    %swap3A_447 = arith.constant 74 : i32
    %swap3A_448 = arith.index_cast %swap3A_447 : i32 to index
    %swap3A_449 = arith.constant 0 : index
    %swap3A_450 = tpu.vector_load %arg5[%swap3A_448, %swap3A_449] {strides = array<i32>} : memref<128x16xf32, #tpu.memory_space<vmem>>, vector<1x16xf32>,
    %swap3A_451 = vector.shape_cast %swap3A_450 : vector<1x16xf32> to vector<16xf32>
    %swap3A_452 = vector.shape_cast %broadcast_in_dim3A_1 : vector<16xf32> to vector<1x16xf32>
    tpu.vector_store %arg5[%swap3A_448, %swap3A_449], %swap3A_452 {strides = array<i32>} : memref<128x16xf32, #tpu.memory_space<vmem>>, vector<1x16xf32>,
    %swap3A_453 = arith.constant 75 : i32
    %swap3A_454 = arith.index_cast %swap3A_453 : i32 to index
    %swap3A_455 = arith.constant 0 : index
    %swap3A_456 = tpu.vector_load %arg5[%swap3A_454, %swap3A_455] {strides = array<i32>} : memref<128x16xf32, #tpu.memory_space<vmem>>, vector<1x16xf32>,
    %swap3A_457 = vector.shape_cast %swap3A_456 : vector<1x16xf32> to vector<16xf32>
    %swap3A_458 = vector.shape_cast %broadcast_in_dim3A_1 : vector<16xf32> to vector<1x16xf32>
    tpu.vector_store %arg5[%swap3A_454, %swap3A_455], %swap3A_458 {strides = array<i32>} : memref<128x16xf32, #tpu.memory_space<vmem>>, vector<1x16xf32>,
    %swap3A_459 = arith.constant 76 : i32
    %swap3A_460 = arith.index_cast %swap3A_459 : i32 to index
    %swap3A_461 = arith.constant 0 : index
    %swap3A_462 = tpu.vector_load %arg5[%swap3A_460, %swap3A_461] {strides = array<i32>} : memref<128x16xf32, #tpu.memory_space<vmem>>, vector<1x16xf32>,
    %swap3A_463 = vector.shape_cast %swap3A_462 : vector<1x16xf32> to vector<16xf32>
    %swap3A_464 = vector.shape_cast %broadcast_in_dim3A_1 : vector<16xf32> to vector<1x16xf32>
    tpu.vector_store %arg5[%swap3A_460, %swap3A_461], %swap3A_464 {strides = array<i32>} : memref<128x16xf32, #tpu.memory_space<vmem>>, vector<1x16xf32>,
    %swap3A_465 = arith.constant 77 : i32
    %swap3A_466 = arith.index_cast %swap3A_465 : i32 to index
    %swap3A_467 = arith.constant 0 : index
    %swap3A_468 = tpu.vector_load %arg5[%swap3A_466, %swap3A_467] {strides = array<i32>} : memref<128x16xf32, #tpu.memory_space<vmem>>, vector<1x16xf32>,
    %swap3A_469 = vector.shape_cast %swap3A_468 : vector<1x16xf32> to vector<16xf32>
    %swap3A_470 = vector.shape_cast %broadcast_in_dim3A_1 : vector<16xf32> to vector<1x16xf32>
    tpu.vector_store %arg5[%swap3A_466, %swap3A_467], %swap3A_470 {strides = array<i32>} : memref<128x16xf32, #tpu.memory_space<vmem>>, vector<1x16xf32>,
    %swap3A_471 = arith.constant 78 : i32
    %swap3A_472 = arith.index_cast %swap3A_471 : i32 to index
    %swap3A_473 = arith.constant 0 : index
    %swap3A_474 = tpu.vector_load %arg5[%swap3A_472, %swap3A_473] {strides = array<i32>} : memref<128x16xf32, #tpu.memory_space<vmem>>, vector<1x16xf32>,
    %swap3A_475 = vector.shape_cast %swap3A_474 : vector<1x16xf32> to vector<16xf32>
    %swap3A_476 = vector.shape_cast %broadcast_in_dim3A_1 : vector<16xf32> to vector<1x16xf32>
    tpu.vector_store %arg5[%swap3A_472, %swap3A_473], %swap3A_476 {strides = array<i32>} : memref<128x16xf32, #tpu.memory_space<vmem>>, vector<1x16xf32>,
    %swap3A_477 = arith.constant 79 : i32
    %swap3A_478 = arith.index_cast %swap3A_477 : i32 to index
    %swap3A_479 = arith.constant 0 : index
    %swap3A_480 = tpu.vector_load %arg5[%swap3A_478, %swap3A_479] {strides = array<i32>} : memref<128x16xf32, #tpu.memory_space<vmem>>, vector<1x16xf32>,
    %swap3A_481 = vector.shape_cast %swap3A_480 : vector<1x16xf32> to vector<16xf32>
    %swap3A_482 = vector.shape_cast %broadcast_in_dim3A_1 : vector<16xf32> to vector<1x16xf32>
    tpu.vector_store %arg5[%swap3A_478, %swap3A_479], %swap3A_482 {strides = array<i32>} : memref<128x16xf32, #tpu.memory_space<vmem>>, vector<1x16xf32>,
    %swap3A_483 = arith.constant 80 : i32
    %swap3A_484 = arith.index_cast %swap3A_483 : i32 to index
    %swap3A_485 = arith.constant 0 : index
    %swap3A_486 = tpu.vector_load %arg5[%swap3A_484, %swap3A_485] {strides = array<i32>} : memref<128x16xf32, #tpu.memory_space<vmem>>, vector<1x16xf32>,
    %swap3A_487 = vector.shape_cast %swap3A_486 : vector<1x16xf32> to vector<16xf32>
    %swap3A_488 = vector.shape_cast %broadcast_in_dim3A_1 : vector<16xf32> to vector<1x16xf32>
    tpu.vector_store %arg5[%swap3A_484, %swap3A_485], %swap3A_488 {strides = array<i32>} : memref<128x16xf32, #tpu.memory_space<vmem>>, vector<1x16xf32>,
    %swap3A_489 = arith.constant 81 : i32
    %swap3A_490 = arith.index_cast %swap3A_489 : i32 to index
    %swap3A_491 = arith.constant 0 : index
    %swap3A_492 = tpu.vector_load %arg5[%swap3A_490, %swap3A_491] {strides = array<i32>} : memref<128x16xf32, #tpu.memory_space<vmem>>, vector<1x16xf32>,
    %swap3A_493 = vector.shape_cast %swap3A_492 : vector<1x16xf32> to vector<16xf32>
    %swap3A_494 = vector.shape_cast %broadcast_in_dim3A_1 : vector<16xf32> to vector<1x16xf32>
    tpu.vector_store %arg5[%swap3A_490, %swap3A_491], %swap3A_494 {strides = array<i32>} : memref<128x16xf32, #tpu.memory_space<vmem>>, vector<1x16xf32>,
    %swap3A_495 = arith.constant 82 : i32
    %swap3A_496 = arith.index_cast %swap3A_495 : i32 to index
    %swap3A_497 = arith.constant 0 : index
    %swap3A_498 = tpu.vector_load %arg5[%swap3A_496, %swap3A_497] {strides = array<i32>} : memref<128x16xf32, #tpu.memory_space<vmem>>, vector<1x16xf32>,
    %swap3A_499 = vector.shape_cast %swap3A_498 : vector<1x16xf32> to vector<16xf32>
    %swap3A_500 = vector.shape_cast %broadcast_in_dim3A_1 : vector<16xf32> to vector<1x16xf32>
    tpu.vector_store %arg5[%swap3A_496, %swap3A_497], %swap3A_500 {strides = array<i32>} : memref<128x16xf32, #tpu.memory_space<vmem>>, vector<1x16xf32>,
    %swap3A_501 = arith.constant 83 : i32
    %swap3A_502 = arith.index_cast %swap3A_501 : i32 to index
    %swap3A_503 = arith.constant 0 : index
    %swap3A_504 = tpu.vector_load %arg5[%swap3A_502, %swap3A_503] {strides = array<i32>} : memref<128x16xf32, #tpu.memory_space<vmem>>, vector<1x16xf32>,
    %swap3A_505 = vector.shape_cast %swap3A_504 : vector<1x16xf32> to vector<16xf32>
    %swap3A_506 = vector.shape_cast %broadcast_in_dim3A_1 : vector<16xf32> to vector<1x16xf32>
    tpu.vector_store %arg5[%swap3A_502, %swap3A_503], %swap3A_506 {strides = array<i32>} : memref<128x16xf32, #tpu.memory_space<vmem>>, vector<1x16xf32>,
    %swap3A_507 = arith.constant 84 : i32
    %swap3A_508 = arith.index_cast %swap3A_507 : i32 to index
    %swap3A_509 = arith.constant 0 : index
    %swap3A_510 = tpu.vector_load %arg5[%swap3A_508, %swap3A_509] {strides = array<i32>} : memref<128x16xf32, #tpu.memory_space<vmem>>, vector<1x16xf32>,
    %swap3A_511 = vector.shape_cast %swap3A_510 : vector<1x16xf32> to vector<16xf32>
    %swap3A_512 = vector.shape_cast %broadcast_in_dim3A_1 : vector<16xf32> to vector<1x16xf32>
    tpu.vector_store %arg5[%swap3A_508, %swap3A_509], %swap3A_512 {strides = array<i32>} : memref<128x16xf32, #tpu.memory_space<vmem>>, vector<1x16xf32>,
    %swap3A_513 = arith.constant 85 : i32
    %swap3A_514 = arith.index_cast %swap3A_513 : i32 to index
    %swap3A_515 = arith.constant 0 : index
    %swap3A_516 = tpu.vector_load %arg5[%swap3A_514, %swap3A_515] {strides = array<i32>} : memref<128x16xf32, #tpu.memory_space<vmem>>, vector<1x16xf32>,
    %swap3A_517 = vector.shape_cast %swap3A_516 : vector<1x16xf32> to vector<16xf32>
    %swap3A_518 = vector.shape_cast %broadcast_in_dim3A_1 : vector<16xf32> to vector<1x16xf32>
    tpu.vector_store %arg5[%swap3A_514, %swap3A_515], %swap3A_518 {strides = array<i32>} : memref<128x16xf32, #tpu.memory_space<vmem>>, vector<1x16xf32>,
    %swap3A_519 = arith.constant 86 : i32
    %swap3A_520 = arith.index_cast %swap3A_519 : i32 to index
    %swap3A_521 = arith.constant 0 : index
    %swap3A_522 = tpu.vector_load %arg5[%swap3A_520, %swap3A_521] {strides = array<i32>} : memref<128x16xf32, #tpu.memory_space<vmem>>, vector<1x16xf32>,
    %swap3A_523 = vector.shape_cast %swap3A_522 : vector<1x16xf32> to vector<16xf32>
    %swap3A_524 = vector.shape_cast %broadcast_in_dim3A_1 : vector<16xf32> to vector<1x16xf32>
    tpu.vector_store %arg5[%swap3A_520, %swap3A_521], %swap3A_524 {strides = array<i32>} : memref<128x16xf32, #tpu.memory_space<vmem>>, vector<1x16xf32>,
    %swap3A_525 = arith.constant 87 : i32
    %swap3A_526 = arith.index_cast %swap3A_525 : i32 to index
    %swap3A_527 = arith.constant 0 : index
    %swap3A_528 = tpu.vector_load %arg5[%swap3A_526, %swap3A_527] {strides = array<i32>} : memref<128x16xf32, #tpu.memory_space<vmem>>, vector<1x16xf32>,
    %swap3A_529 = vector.shape_cast %swap3A_528 : vector<1x16xf32> to vector<16xf32>
    %swap3A_530 = vector.shape_cast %broadcast_in_dim3A_1 : vector<16xf32> to vector<1x16xf32>
    tpu.vector_store %arg5[%swap3A_526, %swap3A_527], %swap3A_530 {strides = array<i32>} : memref<128x16xf32, #tpu.memory_space<vmem>>, vector<1x16xf32>,
    %swap3A_531 = arith.constant 88 : i32
    %swap3A_532 = arith.index_cast %swap3A_531 : i32 to index
    %swap3A_533 = arith.constant 0 : index
    %swap3A_534 = tpu.vector_load %arg5[%swap3A_532, %swap3A_533] {strides = array<i32>} : memref<128x16xf32, #tpu.memory_space<vmem>>, vector<1x16xf32>,
    %swap3A_535 = vector.shape_cast %swap3A_534 : vector<1x16xf32> to vector<16xf32>
    %swap3A_536 = vector.shape_cast %broadcast_in_dim3A_1 : vector<16xf32> to vector<1x16xf32>
    tpu.vector_store %arg5[%swap3A_532, %swap3A_533], %swap3A_536 {strides = array<i32>} : memref<128x16xf32, #tpu.memory_space<vmem>>, vector<1x16xf32>,
    %swap3A_537 = arith.constant 89 : i32
    %swap3A_538 = arith.index_cast %swap3A_537 : i32 to index
    %swap3A_539 = arith.constant 0 : index
    %swap3A_540 = tpu.vector_load %arg5[%swap3A_538, %swap3A_539] {strides = array<i32>} : memref<128x16xf32, #tpu.memory_space<vmem>>, vector<1x16xf32>,
    %swap3A_541 = vector.shape_cast %swap3A_540 : vector<1x16xf32> to vector<16xf32>
    %swap3A_542 = vector.shape_cast %broadcast_in_dim3A_1 : vector<16xf32> to vector<1x16xf32>
    tpu.vector_store %arg5[%swap3A_538, %swap3A_539], %swap3A_542 {strides = array<i32>} : memref<128x16xf32, #tpu.memory_space<vmem>>, vector<1x16xf32>,
    %swap3A_543 = arith.constant 90 : i32
    %swap3A_544 = arith.index_cast %swap3A_543 : i32 to index
    %swap3A_545 = arith.constant 0 : index
    %swap3A_546 = tpu.vector_load %arg5[%swap3A_544, %swap3A_545] {strides = array<i32>} : memref<128x16xf32, #tpu.memory_space<vmem>>, vector<1x16xf32>,
    %swap3A_547 = vector.shape_cast %swap3A_546 : vector<1x16xf32> to vector<16xf32>
    %swap3A_548 = vector.shape_cast %broadcast_in_dim3A_1 : vector<16xf32> to vector<1x16xf32>
    tpu.vector_store %arg5[%swap3A_544, %swap3A_545], %swap3A_548 {strides = array<i32>} : memref<128x16xf32, #tpu.memory_space<vmem>>, vector<1x16xf32>,
    %swap3A_549 = arith.constant 91 : i32
    %swap3A_550 = arith.index_cast %swap3A_549 : i32 to index
    %swap3A_551 = arith.constant 0 : index
    %swap3A_552 = tpu.vector_load %arg5[%swap3A_550, %swap3A_551] {strides = array<i32>} : memref<128x16xf32, #tpu.memory_space<vmem>>, vector<1x16xf32>,
    %swap3A_553 = vector.shape_cast %swap3A_552 : vector<1x16xf32> to vector<16xf32>
    %swap3A_554 = vector.shape_cast %broadcast_in_dim3A_1 : vector<16xf32> to vector<1x16xf32>
    tpu.vector_store %arg5[%swap3A_550, %swap3A_551], %swap3A_554 {strides = array<i32>} : memref<128x16xf32, #tpu.memory_space<vmem>>, vector<1x16xf32>,
    %swap3A_555 = arith.constant 92 : i32
    %swap3A_556 = arith.index_cast %swap3A_555 : i32 to index
    %swap3A_557 = arith.constant 0 : index
    %swap3A_558 = tpu.vector_load %arg5[%swap3A_556, %swap3A_557] {strides = array<i32>} : memref<128x16xf32, #tpu.memory_space<vmem>>, vector<1x16xf32>,
    %swap3A_559 = vector.shape_cast %swap3A_558 : vector<1x16xf32> to vector<16xf32>
    %swap3A_560 = vector.shape_cast %broadcast_in_dim3A_1 : vector<16xf32> to vector<1x16xf32>
    tpu.vector_store %arg5[%swap3A_556, %swap3A_557], %swap3A_560 {strides = array<i32>} : memref<128x16xf32, #tpu.memory_space<vmem>>, vector<1x16xf32>,
    %swap3A_561 = arith.constant 93 : i32
    %swap3A_562 = arith.index_cast %swap3A_561 : i32 to index
    %swap3A_563 = arith.constant 0 : index
    %swap3A_564 = tpu.vector_load %arg5[%swap3A_562, %swap3A_563] {strides = array<i32>} : memref<128x16xf32, #tpu.memory_space<vmem>>, vector<1x16xf32>,
    %swap3A_565 = vector.shape_cast %swap3A_564 : vector<1x16xf32> to vector<16xf32>
    %swap3A_566 = vector.shape_cast %broadcast_in_dim3A_1 : vector<16xf32> to vector<1x16xf32>
    tpu.vector_store %arg5[%swap3A_562, %swap3A_563], %swap3A_566 {strides = array<i32>} : memref<128x16xf32, #tpu.memory_space<vmem>>, vector<1x16xf32>,
    %swap3A_567 = arith.constant 94 : i32
    %swap3A_568 = arith.index_cast %swap3A_567 : i32 to index
    %swap3A_569 = arith.constant 0 : index
    %swap3A_570 = tpu.vector_load %arg5[%swap3A_568, %swap3A_569] {strides = array<i32>} : memref<128x16xf32, #tpu.memory_space<vmem>>, vector<1x16xf32>,
    %swap3A_571 = vector.shape_cast %swap3A_570 : vector<1x16xf32> to vector<16xf32>
    %swap3A_572 = vector.shape_cast %broadcast_in_dim3A_1 : vector<16xf32> to vector<1x16xf32>
    tpu.vector_store %arg5[%swap3A_568, %swap3A_569], %swap3A_572 {strides = array<i32>} : memref<128x16xf32, #tpu.memory_space<vmem>>, vector<1x16xf32>,
    %swap3A_573 = arith.constant 95 : i32
    %swap3A_574 = arith.index_cast %swap3A_573 : i32 to index
    %swap3A_575 = arith.constant 0 : index
    %swap3A_576 = tpu.vector_load %arg5[%swap3A_574, %swap3A_575] {strides = array<i32>} : memref<128x16xf32, #tpu.memory_space<vmem>>, vector<1x16xf32>,
    %swap3A_577 = vector.shape_cast %swap3A_576 : vector<1x16xf32> to vector<16xf32>
    %swap3A_578 = vector.shape_cast %broadcast_in_dim3A_1 : vector<16xf32> to vector<1x16xf32>
    tpu.vector_store %arg5[%swap3A_574, %swap3A_575], %swap3A_578 {strides = array<i32>} : memref<128x16xf32, #tpu.memory_space<vmem>>, vector<1x16xf32>,
    %swap3A_579 = arith.constant 96 : i32
    %swap3A_580 = arith.index_cast %swap3A_579 : i32 to index
    %swap3A_581 = arith.constant 0 : index
    %swap3A_582 = tpu.vector_load %arg5[%swap3A_580, %swap3A_581] {strides = array<i32>} : memref<128x16xf32, #tpu.memory_space<vmem>>, vector<1x16xf32>,
    %swap3A_583 = vector.shape_cast %swap3A_582 : vector<1x16xf32> to vector<16xf32>
    %swap3A_584 = vector.shape_cast %broadcast_in_dim3A_1 : vector<16xf32> to vector<1x16xf32>
    tpu.vector_store %arg5[%swap3A_580, %swap3A_581], %swap3A_584 {strides = array<i32>} : memref<128x16xf32, #tpu.memory_space<vmem>>, vector<1x16xf32>,
    %swap3A_585 = arith.constant 97 : i32
    %swap3A_586 = arith.index_cast %swap3A_585 : i32 to index
    %swap3A_587 = arith.constant 0 : index
    %swap3A_588 = tpu.vector_load %arg5[%swap3A_586, %swap3A_587] {strides = array<i32>} : memref<128x16xf32, #tpu.memory_space<vmem>>, vector<1x16xf32>,
    %swap3A_589 = vector.shape_cast %swap3A_588 : vector<1x16xf32> to vector<16xf32>
    %swap3A_590 = vector.shape_cast %broadcast_in_dim3A_1 : vector<16xf32> to vector<1x16xf32>
    tpu.vector_store %arg5[%swap3A_586, %swap3A_587], %swap3A_590 {strides = array<i32>} : memref<128x16xf32, #tpu.memory_space<vmem>>, vector<1x16xf32>,
    %swap3A_591 = arith.constant 98 : i32
    %swap3A_592 = arith.index_cast %swap3A_591 : i32 to index
    %swap3A_593 = arith.constant 0 : index
    %swap3A_594 = tpu.vector_load %arg5[%swap3A_592, %swap3A_593] {strides = array<i32>} : memref<128x16xf32, #tpu.memory_space<vmem>>, vector<1x16xf32>,
    %swap3A_595 = vector.shape_cast %swap3A_594 : vector<1x16xf32> to vector<16xf32>
    %swap3A_596 = vector.shape_cast %broadcast_in_dim3A_1 : vector<16xf32> to vector<1x16xf32>
    tpu.vector_store %arg5[%swap3A_592, %swap3A_593], %swap3A_596 {strides = array<i32>} : memref<128x16xf32, #tpu.memory_space<vmem>>, vector<1x16xf32>,
    %swap3A_597 = arith.constant 99 : i32
    %swap3A_598 = arith.index_cast %swap3A_597 : i32 to index
    %swap3A_599 = arith.constant 0 : index
    %swap3A_600 = tpu.vector_load %arg5[%swap3A_598, %swap3A_599] {strides = array<i32>} : memref<128x16xf32, #tpu.memory_space<vmem>>, vector<1x16xf32>,
    %swap3A_601 = vector.shape_cast %swap3A_600 : vector<1x16xf32> to vector<16xf32>
    %swap3A_602 = vector.shape_cast %broadcast_in_dim3A_1 : vector<16xf32> to vector<1x16xf32>
    tpu.vector_store %arg5[%swap3A_598, %swap3A_599], %swap3A_602 {strides = array<i32>} : memref<128x16xf32, #tpu.memory_space<vmem>>, vector<1x16xf32>,
    %swap3A_603 = arith.constant 100 : i32
    %swap3A_604 = arith.index_cast %swap3A_603 : i32 to index
    %swap3A_605 = arith.constant 0 : index
    %swap3A_606 = tpu.vector_load %arg5[%swap3A_604, %swap3A_605] {strides = array<i32>} : memref<128x16xf32, #tpu.memory_space<vmem>>, vector<1x16xf32>,
    %swap3A_607 = vector.shape_cast %swap3A_606 : vector<1x16xf32> to vector<16xf32>
    %swap3A_608 = vector.shape_cast %broadcast_in_dim3A_1 : vector<16xf32> to vector<1x16xf32>
    tpu.vector_store %arg5[%swap3A_604, %swap3A_605], %swap3A_608 {strides = array<i32>} : memref<128x16xf32, #tpu.memory_space<vmem>>, vector<1x16xf32>,
    %swap3A_609 = arith.constant 101 : i32
    %swap3A_610 = arith.index_cast %swap3A_609 : i32 to index
    %swap3A_611 = arith.constant 0 : index
    %swap3A_612 = tpu.vector_load %arg5[%swap3A_610, %swap3A_611] {strides = array<i32>} : memref<128x16xf32, #tpu.memory_space<vmem>>, vector<1x16xf32>,
    %swap3A_613 = vector.shape_cast %swap3A_612 : vector<1x16xf32> to vector<16xf32>
    %swap3A_614 = vector.shape_cast %broadcast_in_dim3A_1 : vector<16xf32> to vector<1x16xf32>
    tpu.vector_store %arg5[%swap3A_610, %swap3A_611], %swap3A_614 {strides = array<i32>} : memref<128x16xf32, #tpu.memory_space<vmem>>, vector<1x16xf32>,
    %swap3A_615 = arith.constant 102 : i32
    %swap3A_616 = arith.index_cast %swap3A_615 : i32 to index
    %swap3A_617 = arith.constant 0 : index
    %swap3A_618 = tpu.vector_load %arg5[%swap3A_616, %swap3A_617] {strides = array<i32>} : memref<128x16xf32, #tpu.memory_space<vmem>>, vector<1x16xf32>,
    %swap3A_619 = vector.shape_cast %swap3A_618 : vector<1x16xf32> to vector<16xf32>
    %swap3A_620 = vector.shape_cast %broadcast_in_dim3A_1 : vector<16xf32> to vector<1x16xf32>
    tpu.vector_store %arg5[%swap3A_616, %swap3A_617], %swap3A_620 {strides = array<i32>} : memref<128x16xf32, #tpu.memory_space<vmem>>, vector<1x16xf32>,
    %swap3A_621 = arith.constant 103 : i32
    %swap3A_622 = arith.index_cast %swap3A_621 : i32 to index
    %swap3A_623 = arith.constant 0 : index
    %swap3A_624 = tpu.vector_load %arg5[%swap3A_622, %swap3A_623] {strides = array<i32>} : memref<128x16xf32, #tpu.memory_space<vmem>>, vector<1x16xf32>,
    %swap3A_625 = vector.shape_cast %swap3A_624 : vector<1x16xf32> to vector<16xf32>
    %swap3A_626 = vector.shape_cast %broadcast_in_dim3A_1 : vector<16xf32> to vector<1x16xf32>
    tpu.vector_store %arg5[%swap3A_622, %swap3A_623], %swap3A_626 {strides = array<i32>} : memref<128x16xf32, #tpu.memory_space<vmem>>, vector<1x16xf32>,
    %swap3A_627 = arith.constant 104 : i32
    %swap3A_628 = arith.index_cast %swap3A_627 : i32 to index
    %swap3A_629 = arith.constant 0 : index
    %swap3A_630 = tpu.vector_load %arg5[%swap3A_628, %swap3A_629] {strides = array<i32>} : memref<128x16xf32, #tpu.memory_space<vmem>>, vector<1x16xf32>,
    %swap3A_631 = vector.shape_cast %swap3A_630 : vector<1x16xf32> to vector<16xf32>
    %swap3A_632 = vector.shape_cast %broadcast_in_dim3A_1 : vector<16xf32> to vector<1x16xf32>
    tpu.vector_store %arg5[%swap3A_628, %swap3A_629], %swap3A_632 {strides = array<i32>} : memref<128x16xf32, #tpu.memory_space<vmem>>, vector<1x16xf32>,
    %swap3A_633 = arith.constant 105 : i32
    %swap3A_634 = arith.index_cast %swap3A_633 : i32 to index
    %swap3A_635 = arith.constant 0 : index
    %swap3A_636 = tpu.vector_load %arg5[%swap3A_634, %swap3A_635] {strides = array<i32>} : memref<128x16xf32, #tpu.memory_space<vmem>>, vector<1x16xf32>,
    %swap3A_637 = vector.shape_cast %swap3A_636 : vector<1x16xf32> to vector<16xf32>
    %swap3A_638 = vector.shape_cast %broadcast_in_dim3A_1 : vector<16xf32> to vector<1x16xf32>
    tpu.vector_store %arg5[%swap3A_634, %swap3A_635], %swap3A_638 {strides = array<i32>} : memref<128x16xf32, #tpu.memory_space<vmem>>, vector<1x16xf32>,
    %swap3A_639 = arith.constant 106 : i32
    %swap3A_640 = arith.index_cast %swap3A_639 : i32 to index
    %swap3A_641 = arith.constant 0 : index
    %swap3A_642 = tpu.vector_load %arg5[%swap3A_640, %swap3A_641] {strides = array<i32>} : memref<128x16xf32, #tpu.memory_space<vmem>>, vector<1x16xf32>,
    %swap3A_643 = vector.shape_cast %swap3A_642 : vector<1x16xf32> to vector<16xf32>
    %swap3A_644 = vector.shape_cast %broadcast_in_dim3A_1 : vector<16xf32> to vector<1x16xf32>
    tpu.vector_store %arg5[%swap3A_640, %swap3A_641], %swap3A_644 {strides = array<i32>} : memref<128x16xf32, #tpu.memory_space<vmem>>, vector<1x16xf32>,
    %swap3A_645 = arith.constant 107 : i32
    %swap3A_646 = arith.index_cast %swap3A_645 : i32 to index
    %swap3A_647 = arith.constant 0 : index
    %swap3A_648 = tpu.vector_load %arg5[%swap3A_646, %swap3A_647] {strides = array<i32>} : memref<128x16xf32, #tpu.memory_space<vmem>>, vector<1x16xf32>,
    %swap3A_649 = vector.shape_cast %swap3A_648 : vector<1x16xf32> to vector<16xf32>
    %swap3A_650 = vector.shape_cast %broadcast_in_dim3A_1 : vector<16xf32> to vector<1x16xf32>
    tpu.vector_store %arg5[%swap3A_646, %swap3A_647], %swap3A_650 {strides = array<i32>} : memref<128x16xf32, #tpu.memory_space<vmem>>, vector<1x16xf32>,
    %swap3A_651 = arith.constant 108 : i32
    %swap3A_652 = arith.index_cast %swap3A_651 : i32 to index
    %swap3A_653 = arith.constant 0 : index
    %swap3A_654 = tpu.vector_load %arg5[%swap3A_652, %swap3A_653] {strides = array<i32>} : memref<128x16xf32, #tpu.memory_space<vmem>>, vector<1x16xf32>,
    %swap3A_655 = vector.shape_cast %swap3A_654 : vector<1x16xf32> to vector<16xf32>
    %swap3A_656 = vector.shape_cast %broadcast_in_dim3A_1 : vector<16xf32> to vector<1x16xf32>
    tpu.vector_store %arg5[%swap3A_652, %swap3A_653], %swap3A_656 {strides = array<i32>} : memref<128x16xf32, #tpu.memory_space<vmem>>, vector<1x16xf32>,
    %swap3A_657 = arith.constant 109 : i32
    %swap3A_658 = arith.index_cast %swap3A_657 : i32 to index
    %swap3A_659 = arith.constant 0 : index
    %swap3A_660 = tpu.vector_load %arg5[%swap3A_658, %swap3A_659] {strides = array<i32>} : memref<128x16xf32, #tpu.memory_space<vmem>>, vector<1x16xf32>,
    %swap3A_661 = vector.shape_cast %swap3A_660 : vector<1x16xf32> to vector<16xf32>
    %swap3A_662 = vector.shape_cast %broadcast_in_dim3A_1 : vector<16xf32> to vector<1x16xf32>
    tpu.vector_store %arg5[%swap3A_658, %swap3A_659], %swap3A_662 {strides = array<i32>} : memref<128x16xf32, #tpu.memory_space<vmem>>, vector<1x16xf32>,
    %swap3A_663 = arith.constant 110 : i32
    %swap3A_664 = arith.index_cast %swap3A_663 : i32 to index
    %swap3A_665 = arith.constant 0 : index
    %swap3A_666 = tpu.vector_load %arg5[%swap3A_664, %swap3A_665] {strides = array<i32>} : memref<128x16xf32, #tpu.memory_space<vmem>>, vector<1x16xf32>,
    %swap3A_667 = vector.shape_cast %swap3A_666 : vector<1x16xf32> to vector<16xf32>
    %swap3A_668 = vector.shape_cast %broadcast_in_dim3A_1 : vector<16xf32> to vector<1x16xf32>
    tpu.vector_store %arg5[%swap3A_664, %swap3A_665], %swap3A_668 {strides = array<i32>} : memref<128x16xf32, #tpu.memory_space<vmem>>, vector<1x16xf32>,
    %swap3A_669 = arith.constant 111 : i32
    %swap3A_670 = arith.index_cast %swap3A_669 : i32 to index
    %swap3A_671 = arith.constant 0 : index
    %swap3A_672 = tpu.vector_load %arg5[%swap3A_670, %swap3A_671] {strides = array<i32>} : memref<128x16xf32, #tpu.memory_space<vmem>>, vector<1x16xf32>,
    %swap3A_673 = vector.shape_cast %swap3A_672 : vector<1x16xf32> to vector<16xf32>
    %swap3A_674 = vector.shape_cast %broadcast_in_dim3A_1 : vector<16xf32> to vector<1x16xf32>
    tpu.vector_store %arg5[%swap3A_670, %swap3A_671], %swap3A_674 {strides = array<i32>} : memref<128x16xf32, #tpu.memory_space<vmem>>, vector<1x16xf32>,
    %swap3A_675 = arith.constant 112 : i32
    %swap3A_676 = arith.index_cast %swap3A_675 : i32 to index
    %swap3A_677 = arith.constant 0 : index
    %swap3A_678 = tpu.vector_load %arg5[%swap3A_676, %swap3A_677] {strides = array<i32>} : memref<128x16xf32, #tpu.memory_space<vmem>>, vector<1x16xf32>,
    %swap3A_679 = vector.shape_cast %swap3A_678 : vector<1x16xf32> to vector<16xf32>
    %swap3A_680 = vector.shape_cast %broadcast_in_dim3A_1 : vector<16xf32> to vector<1x16xf32>
    tpu.vector_store %arg5[%swap3A_676, %swap3A_677], %swap3A_680 {strides = array<i32>} : memref<128x16xf32, #tpu.memory_space<vmem>>, vector<1x16xf32>,
    %swap3A_681 = arith.constant 113 : i32
    %swap3A_682 = arith.index_cast %swap3A_681 : i32 to index
    %swap3A_683 = arith.constant 0 : index
    %swap3A_684 = tpu.vector_load %arg5[%swap3A_682, %swap3A_683] {strides = array<i32>} : memref<128x16xf32, #tpu.memory_space<vmem>>, vector<1x16xf32>,
    %swap3A_685 = vector.shape_cast %swap3A_684 : vector<1x16xf32> to vector<16xf32>
    %swap3A_686 = vector.shape_cast %broadcast_in_dim3A_1 : vector<16xf32> to vector<1x16xf32>
    tpu.vector_store %arg5[%swap3A_682, %swap3A_683], %swap3A_686 {strides = array<i32>} : memref<128x16xf32, #tpu.memory_space<vmem>>, vector<1x16xf32>,
    %swap3A_687 = arith.constant 114 : i32
    %swap3A_688 = arith.index_cast %swap3A_687 : i32 to index
    %swap3A_689 = arith.constant 0 : index
    %swap3A_690 = tpu.vector_load %arg5[%swap3A_688, %swap3A_689] {strides = array<i32>} : memref<128x16xf32, #tpu.memory_space<vmem>>, vector<1x16xf32>,
    %swap3A_691 = vector.shape_cast %swap3A_690 : vector<1x16xf32> to vector<16xf32>
    %swap3A_692 = vector.shape_cast %broadcast_in_dim3A_1 : vector<16xf32> to vector<1x16xf32>
    tpu.vector_store %arg5[%swap3A_688, %swap3A_689], %swap3A_692 {strides = array<i32>} : memref<128x16xf32, #tpu.memory_space<vmem>>, vector<1x16xf32>,
    %swap3A_693 = arith.constant 115 : i32
    %swap3A_694 = arith.index_cast %swap3A_693 : i32 to index
    %swap3A_695 = arith.constant 0 : index
    %swap3A_696 = tpu.vector_load %arg5[%swap3A_694, %swap3A_695] {strides = array<i32>} : memref<128x16xf32, #tpu.memory_space<vmem>>, vector<1x16xf32>,
    %swap3A_697 = vector.shape_cast %swap3A_696 : vector<1x16xf32> to vector<16xf32>
    %swap3A_698 = vector.shape_cast %broadcast_in_dim3A_1 : vector<16xf32> to vector<1x16xf32>
    tpu.vector_store %arg5[%swap3A_694, %swap3A_695], %swap3A_698 {strides = array<i32>} : memref<128x16xf32, #tpu.memory_space<vmem>>, vector<1x16xf32>,
    %swap3A_699 = arith.constant 116 : i32
    %swap3A_700 = arith.index_cast %swap3A_699 : i32 to index
    %swap3A_701 = arith.constant 0 : index
    %swap3A_702 = tpu.vector_load %arg5[%swap3A_700, %swap3A_701] {strides = array<i32>} : memref<128x16xf32, #tpu.memory_space<vmem>>, vector<1x16xf32>,
    %swap3A_703 = vector.shape_cast %swap3A_702 : vector<1x16xf32> to vector<16xf32>
    %swap3A_704 = vector.shape_cast %broadcast_in_dim3A_1 : vector<16xf32> to vector<1x16xf32>
    tpu.vector_store %arg5[%swap3A_700, %swap3A_701], %swap3A_704 {strides = array<i32>} : memref<128x16xf32, #tpu.memory_space<vmem>>, vector<1x16xf32>,
    %swap3A_705 = arith.constant 117 : i32
    %swap3A_706 = arith.index_cast %swap3A_705 : i32 to index
    %swap3A_707 = arith.constant 0 : index
    %swap3A_708 = tpu.vector_load %arg5[%swap3A_706, %swap3A_707] {strides = array<i32>} : memref<128x16xf32, #tpu.memory_space<vmem>>, vector<1x16xf32>,
    %swap3A_709 = vector.shape_cast %swap3A_708 : vector<1x16xf32> to vector<16xf32>
    %swap3A_710 = vector.shape_cast %broadcast_in_dim3A_1 : vector<16xf32> to vector<1x16xf32>
    tpu.vector_store %arg5[%swap3A_706, %swap3A_707], %swap3A_710 {strides = array<i32>} : memref<128x16xf32, #tpu.memory_space<vmem>>, vector<1x16xf32>,
    %swap3A_711 = arith.constant 118 : i32
    %swap3A_712 = arith.index_cast %swap3A_711 : i32 to index
    %swap3A_713 = arith.constant 0 : index
    %swap3A_714 = tpu.vector_load %arg5[%swap3A_712, %swap3A_713] {strides = array<i32>} : memref<128x16xf32, #tpu.memory_space<vmem>>, vector<1x16xf32>,
    %swap3A_715 = vector.shape_cast %swap3A_714 : vector<1x16xf32> to vector<16xf32>
    %swap3A_716 = vector.shape_cast %broadcast_in_dim3A_1 : vector<16xf32> to vector<1x16xf32>
    tpu.vector_store %arg5[%swap3A_712, %swap3A_713], %swap3A_716 {strides = array<i32>} : memref<128x16xf32, #tpu.memory_space<vmem>>, vector<1x16xf32>,
    %swap3A_717 = arith.constant 119 : i32
    %swap3A_718 = arith.index_cast %swap3A_717 : i32 to index
    %swap3A_719 = arith.constant 0 : index
    %swap3A_720 = tpu.vector_load %arg5[%swap3A_718, %swap3A_719] {strides = array<i32>} : memref<128x16xf32, #tpu.memory_space<vmem>>, vector<1x16xf32>,
    %swap3A_721 = vector.shape_cast %swap3A_720 : vector<1x16xf32> to vector<16xf32>
    %swap3A_722 = vector.shape_cast %broadcast_in_dim3A_1 : vector<16xf32> to vector<1x16xf32>
    tpu.vector_store %arg5[%swap3A_718, %swap3A_719], %swap3A_722 {strides = array<i32>} : memref<128x16xf32, #tpu.memory_space<vmem>>, vector<1x16xf32>,
    %swap3A_723 = arith.constant 120 : i32
    %swap3A_724 = arith.index_cast %swap3A_723 : i32 to index
    %swap3A_725 = arith.constant 0 : index
    %swap3A_726 = tpu.vector_load %arg5[%swap3A_724, %swap3A_725] {strides = array<i32>} : memref<128x16xf32, #tpu.memory_space<vmem>>, vector<1x16xf32>,
    %swap3A_727 = vector.shape_cast %swap3A_726 : vector<1x16xf32> to vector<16xf32>
    %swap3A_728 = vector.shape_cast %broadcast_in_dim3A_1 : vector<16xf32> to vector<1x16xf32>
    tpu.vector_store %arg5[%swap3A_724, %swap3A_725], %swap3A_728 {strides = array<i32>} : memref<128x16xf32, #tpu.memory_space<vmem>>, vector<1x16xf32>,
    %swap3A_729 = arith.constant 121 : i32
    %swap3A_730 = arith.index_cast %swap3A_729 : i32 to index
    %swap3A_731 = arith.constant 0 : index
    %swap3A_732 = tpu.vector_load %arg5[%swap3A_730, %swap3A_731] {strides = array<i32>} : memref<128x16xf32, #tpu.memory_space<vmem>>, vector<1x16xf32>,
    %swap3A_733 = vector.shape_cast %swap3A_732 : vector<1x16xf32> to vector<16xf32>
    %swap3A_734 = vector.shape_cast %broadcast_in_dim3A_1 : vector<16xf32> to vector<1x16xf32>
    tpu.vector_store %arg5[%swap3A_730, %swap3A_731], %swap3A_734 {strides = array<i32>} : memref<128x16xf32, #tpu.memory_space<vmem>>, vector<1x16xf32>,
    %swap3A_735 = arith.constant 122 : i32
    %swap3A_736 = arith.index_cast %swap3A_735 : i32 to index
    %swap3A_737 = arith.constant 0 : index
    %swap3A_738 = tpu.vector_load %arg5[%swap3A_736, %swap3A_737] {strides = array<i32>} : memref<128x16xf32, #tpu.memory_space<vmem>>, vector<1x16xf32>,
    %swap3A_739 = vector.shape_cast %swap3A_738 : vector<1x16xf32> to vector<16xf32>
    %swap3A_740 = vector.shape_cast %broadcast_in_dim3A_1 : vector<16xf32> to vector<1x16xf32>
    tpu.vector_store %arg5[%swap3A_736, %swap3A_737], %swap3A_740 {strides = array<i32>} : memref<128x16xf32, #tpu.memory_space<vmem>>, vector<1x16xf32>,
    %swap3A_741 = arith.constant 123 : i32
    %swap3A_742 = arith.index_cast %swap3A_741 : i32 to index
    %swap3A_743 = arith.constant 0 : index
    %swap3A_744 = tpu.vector_load %arg5[%swap3A_742, %swap3A_743] {strides = array<i32>} : memref<128x16xf32, #tpu.memory_space<vmem>>, vector<1x16xf32>,
    %swap3A_745 = vector.shape_cast %swap3A_744 : vector<1x16xf32> to vector<16xf32>
    %swap3A_746 = vector.shape_cast %broadcast_in_dim3A_1 : vector<16xf32> to vector<1x16xf32>
    tpu.vector_store %arg5[%swap3A_742, %swap3A_743], %swap3A_746 {strides = array<i32>} : memref<128x16xf32, #tpu.memory_space<vmem>>, vector<1x16xf32>,
    %swap3A_747 = arith.constant 124 : i32
    %swap3A_748 = arith.index_cast %swap3A_747 : i32 to index
    %swap3A_749 = arith.constant 0 : index
    %swap3A_750 = tpu.vector_load %arg5[%swap3A_748, %swap3A_749] {strides = array<i32>} : memref<128x16xf32, #tpu.memory_space<vmem>>, vector<1x16xf32>,
    %swap3A_751 = vector.shape_cast %swap3A_750 : vector<1x16xf32> to vector<16xf32>
    %swap3A_752 = vector.shape_cast %broadcast_in_dim3A_1 : vector<16xf32> to vector<1x16xf32>
    tpu.vector_store %arg5[%swap3A_748, %swap3A_749], %swap3A_752 {strides = array<i32>} : memref<128x16xf32, #tpu.memory_space<vmem>>, vector<1x16xf32>,
    %swap3A_753 = arith.constant 125 : i32
    %swap3A_754 = arith.index_cast %swap3A_753 : i32 to index
    %swap3A_755 = arith.constant 0 : index
    %swap3A_756 = tpu.vector_load %arg5[%swap3A_754, %swap3A_755] {strides = array<i32>} : memref<128x16xf32, #tpu.memory_space<vmem>>, vector<1x16xf32>,
    %swap3A_757 = vector.shape_cast %swap3A_756 : vector<1x16xf32> to vector<16xf32>
    %swap3A_758 = vector.shape_cast %broadcast_in_dim3A_1 : vector<16xf32> to vector<1x16xf32>
    tpu.vector_store %arg5[%swap3A_754, %swap3A_755], %swap3A_758 {strides = array<i32>} : memref<128x16xf32, #tpu.memory_space<vmem>>, vector<1x16xf32>,
    %swap3A_759 = arith.constant 126 : i32
    %swap3A_760 = arith.index_cast %swap3A_759 : i32 to index
    %swap3A_761 = arith.constant 0 : index
    %swap3A_762 = tpu.vector_load %arg5[%swap3A_760, %swap3A_761] {strides = array<i32>} : memref<128x16xf32, #tpu.memory_space<vmem>>, vector<1x16xf32>,
    %swap3A_763 = vector.shape_cast %swap3A_762 : vector<1x16xf32> to vector<16xf32>
    %swap3A_764 = vector.shape_cast %broadcast_in_dim3A_1 : vector<16xf32> to vector<1x16xf32>
    tpu.vector_store %arg5[%swap3A_760, %swap3A_761], %swap3A_764 {strides = array<i32>} : memref<128x16xf32, #tpu.memory_space<vmem>>, vector<1x16xf32>,
    %swap3A_765 = arith.constant 127 : i32
    %swap3A_766 = arith.index_cast %swap3A_765 : i32 to index
    %swap3A_767 = arith.constant 0 : index
    %swap3A_768 = tpu.vector_load %arg5[%swap3A_766, %swap3A_767] {strides = array<i32>} : memref<128x16xf32, #tpu.memory_space<vmem>>, vector<1x16xf32>,
    %swap3A_769 = vector.shape_cast %swap3A_768 : vector<1x16xf32> to vector<16xf32>
    %swap3A_770 = vector.shape_cast %broadcast_in_dim3A_1 : vector<16xf32> to vector<1x16xf32>
    tpu.vector_store %arg5[%swap3A_766, %swap3A_767], %swap3A_770 {strides = array<i32>} : memref<128x16xf32, #tpu.memory_space<vmem>>, vector<1x16xf32>,
    %swap3A_771 = arith.constant 0 : i32
    %swap3A_772 = arith.index_cast %swap3A_771 : i32 to index
    %swap3A_773 = arith.constant 0 : index
    %swap3A_774 = tpu.vector_load %arg6[%swap3A_772, %swap3A_773] {strides = array<i32>} : memref<64x16xf32, #tpu.memory_space<vmem>>, vector<1x16xf32>,
    %swap3A_775 = vector.shape_cast %swap3A_774 : vector<1x16xf32> to vector<16xf32>
    %swap3A_776 = vector.shape_cast %broadcast_in_dim3A_3 : vector<16xf32> to vector<1x16xf32>
    tpu.vector_store %arg6[%swap3A_772, %swap3A_773], %swap3A_776 {strides = array<i32>} : memref<64x16xf32, #tpu.memory_space<vmem>>, vector<1x16xf32>,
    %swap3A_777 = arith.constant 1 : i32
    %swap3A_778 = arith.index_cast %swap3A_777 : i32 to index
    %swap3A_779 = arith.constant 0 : index
    %swap3A_780 = tpu.vector_load %arg6[%swap3A_778, %swap3A_779] {strides = array<i32>} : memref<64x16xf32, #tpu.memory_space<vmem>>, vector<1x16xf32>,
    %swap3A_781 = vector.shape_cast %swap3A_780 : vector<1x16xf32> to vector<16xf32>
    %swap3A_782 = vector.shape_cast %broadcast_in_dim3A_3 : vector<16xf32> to vector<1x16xf32>
    tpu.vector_store %arg6[%swap3A_778, %swap3A_779], %swap3A_782 {strides = array<i32>} : memref<64x16xf32, #tpu.memory_space<vmem>>, vector<1x16xf32>,
    %swap3A_783 = arith.constant 2 : i32
    %swap3A_784 = arith.index_cast %swap3A_783 : i32 to index
    %swap3A_785 = arith.constant 0 : index
    %swap3A_786 = tpu.vector_load %arg6[%swap3A_784, %swap3A_785] {strides = array<i32>} : memref<64x16xf32, #tpu.memory_space<vmem>>, vector<1x16xf32>,
    %swap3A_787 = vector.shape_cast %swap3A_786 : vector<1x16xf32> to vector<16xf32>
    %swap3A_788 = vector.shape_cast %broadcast_in_dim3A_3 : vector<16xf32> to vector<1x16xf32>
    tpu.vector_store %arg6[%swap3A_784, %swap3A_785], %swap3A_788 {strides = array<i32>} : memref<64x16xf32, #tpu.memory_space<vmem>>, vector<1x16xf32>,
    %swap3A_789 = arith.constant 3 : i32
    %swap3A_790 = arith.index_cast %swap3A_789 : i32 to index
    %swap3A_791 = arith.constant 0 : index
    %swap3A_792 = tpu.vector_load %arg6[%swap3A_790, %swap3A_791] {strides = array<i32>} : memref<64x16xf32, #tpu.memory_space<vmem>>, vector<1x16xf32>,
    %swap3A_793 = vector.shape_cast %swap3A_792 : vector<1x16xf32> to vector<16xf32>
    %swap3A_794 = vector.shape_cast %broadcast_in_dim3A_3 : vector<16xf32> to vector<1x16xf32>
    tpu.vector_store %arg6[%swap3A_790, %swap3A_791], %swap3A_794 {strides = array<i32>} : memref<64x16xf32, #tpu.memory_space<vmem>>, vector<1x16xf32>,
    %swap3A_795 = arith.constant 4 : i32
    %swap3A_796 = arith.index_cast %swap3A_795 : i32 to index
    %swap3A_797 = arith.constant 0 : index
    %swap3A_798 = tpu.vector_load %arg6[%swap3A_796, %swap3A_797] {strides = array<i32>} : memref<64x16xf32, #tpu.memory_space<vmem>>, vector<1x16xf32>,
    %swap3A_799 = vector.shape_cast %swap3A_798 : vector<1x16xf32> to vector<16xf32>
    %swap3A_800 = vector.shape_cast %broadcast_in_dim3A_3 : vector<16xf32> to vector<1x16xf32>
    tpu.vector_store %arg6[%swap3A_796, %swap3A_797], %swap3A_800 {strides = array<i32>} : memref<64x16xf32, #tpu.memory_space<vmem>>, vector<1x16xf32>,
    %swap3A_801 = arith.constant 5 : i32
    %swap3A_802 = arith.index_cast %swap3A_801 : i32 to index
    %swap3A_803 = arith.constant 0 : index
    %swap3A_804 = tpu.vector_load %arg6[%swap3A_802, %swap3A_803] {strides = array<i32>} : memref<64x16xf32, #tpu.memory_space<vmem>>, vector<1x16xf32>,
    %swap3A_805 = vector.shape_cast %swap3A_804 : vector<1x16xf32> to vector<16xf32>
    %swap3A_806 = vector.shape_cast %broadcast_in_dim3A_3 : vector<16xf32> to vector<1x16xf32>
    tpu.vector_store %arg6[%swap3A_802, %swap3A_803], %swap3A_806 {strides = array<i32>} : memref<64x16xf32, #tpu.memory_space<vmem>>, vector<1x16xf32>,
    %swap3A_807 = arith.constant 6 : i32
    %swap3A_808 = arith.index_cast %swap3A_807 : i32 to index
    %swap3A_809 = arith.constant 0 : index
    %swap3A_810 = tpu.vector_load %arg6[%swap3A_808, %swap3A_809] {strides = array<i32>} : memref<64x16xf32, #tpu.memory_space<vmem>>, vector<1x16xf32>,
    %swap3A_811 = vector.shape_cast %swap3A_810 : vector<1x16xf32> to vector<16xf32>
    %swap3A_812 = vector.shape_cast %broadcast_in_dim3A_3 : vector<16xf32> to vector<1x16xf32>
    tpu.vector_store %arg6[%swap3A_808, %swap3A_809], %swap3A_812 {strides = array<i32>} : memref<64x16xf32, #tpu.memory_space<vmem>>, vector<1x16xf32>,
    %swap3A_813 = arith.constant 7 : i32
    %swap3A_814 = arith.index_cast %swap3A_813 : i32 to index
    %swap3A_815 = arith.constant 0 : index
    %swap3A_816 = tpu.vector_load %arg6[%swap3A_814, %swap3A_815] {strides = array<i32>} : memref<64x16xf32, #tpu.memory_space<vmem>>, vector<1x16xf32>,
    %swap3A_817 = vector.shape_cast %swap3A_816 : vector<1x16xf32> to vector<16xf32>
    %swap3A_818 = vector.shape_cast %broadcast_in_dim3A_3 : vector<16xf32> to vector<1x16xf32>
    tpu.vector_store %arg6[%swap3A_814, %swap3A_815], %swap3A_818 {strides = array<i32>} : memref<64x16xf32, #tpu.memory_space<vmem>>, vector<1x16xf32>,
    %swap3A_819 = arith.constant 8 : i32
    %swap3A_820 = arith.index_cast %swap3A_819 : i32 to index
    %swap3A_821 = arith.constant 0 : index
    %swap3A_822 = tpu.vector_load %arg6[%swap3A_820, %swap3A_821] {strides = array<i32>} : memref<64x16xf32, #tpu.memory_space<vmem>>, vector<1x16xf32>,
    %swap3A_823 = vector.shape_cast %swap3A_822 : vector<1x16xf32> to vector<16xf32>
    %swap3A_824 = vector.shape_cast %broadcast_in_dim3A_3 : vector<16xf32> to vector<1x16xf32>
    tpu.vector_store %arg6[%swap3A_820, %swap3A_821], %swap3A_824 {strides = array<i32>} : memref<64x16xf32, #tpu.memory_space<vmem>>, vector<1x16xf32>,
    %swap3A_825 = arith.constant 9 : i32
    %swap3A_826 = arith.index_cast %swap3A_825 : i32 to index
    %swap3A_827 = arith.constant 0 : index
    %swap3A_828 = tpu.vector_load %arg6[%swap3A_826, %swap3A_827] {strides = array<i32>} : memref<64x16xf32, #tpu.memory_space<vmem>>, vector<1x16xf32>,
    %swap3A_829 = vector.shape_cast %swap3A_828 : vector<1x16xf32> to vector<16xf32>
    %swap3A_830 = vector.shape_cast %broadcast_in_dim3A_3 : vector<16xf32> to vector<1x16xf32>
    tpu.vector_store %arg6[%swap3A_826, %swap3A_827], %swap3A_830 {strides = array<i32>} : memref<64x16xf32, #tpu.memory_space<vmem>>, vector<1x16xf32>,
    %swap3A_831 = arith.constant 10 : i32
    %swap3A_832 = arith.index_cast %swap3A_831 : i32 to index
    %swap3A_833 = arith.constant 0 : index
    %swap3A_834 = tpu.vector_load %arg6[%swap3A_832, %swap3A_833] {strides = array<i32>} : memref<64x16xf32, #tpu.memory_space<vmem>>, vector<1x16xf32>,
    %swap3A_835 = vector.shape_cast %swap3A_834 : vector<1x16xf32> to vector<16xf32>
    %swap3A_836 = vector.shape_cast %broadcast_in_dim3A_3 : vector<16xf32> to vector<1x16xf32>
    tpu.vector_store %arg6[%swap3A_832, %swap3A_833], %swap3A_836 {strides = array<i32>} : memref<64x16xf32, #tpu.memory_space<vmem>>, vector<1x16xf32>,
    %swap3A_837 = arith.constant 11 : i32
    %swap3A_838 = arith.index_cast %swap3A_837 : i32 to index
    %swap3A_839 = arith.constant 0 : index
    %swap3A_840 = tpu.vector_load %arg6[%swap3A_838, %swap3A_839] {strides = array<i32>} : memref<64x16xf32, #tpu.memory_space<vmem>>, vector<1x16xf32>,
    %swap3A_841 = vector.shape_cast %swap3A_840 : vector<1x16xf32> to vector<16xf32>
    %swap3A_842 = vector.shape_cast %broadcast_in_dim3A_3 : vector<16xf32> to vector<1x16xf32>
    tpu.vector_store %arg6[%swap3A_838, %swap3A_839], %swap3A_842 {strides = array<i32>} : memref<64x16xf32, #tpu.memory_space<vmem>>, vector<1x16xf32>,
    %swap3A_843 = arith.constant 12 : i32
    %swap3A_844 = arith.index_cast %swap3A_843 : i32 to index
    %swap3A_845 = arith.constant 0 : index
    %swap3A_846 = tpu.vector_load %arg6[%swap3A_844, %swap3A_845] {strides = array<i32>} : memref<64x16xf32, #tpu.memory_space<vmem>>, vector<1x16xf32>,
    %swap3A_847 = vector.shape_cast %swap3A_846 : vector<1x16xf32> to vector<16xf32>
    %swap3A_848 = vector.shape_cast %broadcast_in_dim3A_3 : vector<16xf32> to vector<1x16xf32>
    tpu.vector_store %arg6[%swap3A_844, %swap3A_845], %swap3A_848 {strides = array<i32>} : memref<64x16xf32, #tpu.memory_space<vmem>>, vector<1x16xf32>,
    %swap3A_849 = arith.constant 13 : i32
    %swap3A_850 = arith.index_cast %swap3A_849 : i32 to index
    %swap3A_851 = arith.constant 0 : index
    %swap3A_852 = tpu.vector_load %arg6[%swap3A_850, %swap3A_851] {strides = array<i32>} : memref<64x16xf32, #tpu.memory_space<vmem>>, vector<1x16xf32>,
    %swap3A_853 = vector.shape_cast %swap3A_852 : vector<1x16xf32> to vector<16xf32>
    %swap3A_854 = vector.shape_cast %broadcast_in_dim3A_3 : vector<16xf32> to vector<1x16xf32>
    tpu.vector_store %arg6[%swap3A_850, %swap3A_851], %swap3A_854 {strides = array<i32>} : memref<64x16xf32, #tpu.memory_space<vmem>>, vector<1x16xf32>,
    %swap3A_855 = arith.constant 14 : i32
    %swap3A_856 = arith.index_cast %swap3A_855 : i32 to index
    %swap3A_857 = arith.constant 0 : index
    %swap3A_858 = tpu.vector_load %arg6[%swap3A_856, %swap3A_857] {strides = array<i32>} : memref<64x16xf32, #tpu.memory_space<vmem>>, vector<1x16xf32>,
    %swap3A_859 = vector.shape_cast %swap3A_858 : vector<1x16xf32> to vector<16xf32>
    %swap3A_860 = vector.shape_cast %broadcast_in_dim3A_3 : vector<16xf32> to vector<1x16xf32>
    tpu.vector_store %arg6[%swap3A_856, %swap3A_857], %swap3A_860 {strides = array<i32>} : memref<64x16xf32, #tpu.memory_space<vmem>>, vector<1x16xf32>,
    %swap3A_861 = arith.constant 15 : i32
    %swap3A_862 = arith.index_cast %swap3A_861 : i32 to index
    %swap3A_863 = arith.constant 0 : index
    %swap3A_864 = tpu.vector_load %arg6[%swap3A_862, %swap3A_863] {strides = array<i32>} : memref<64x16xf32, #tpu.memory_space<vmem>>, vector<1x16xf32>,
    %swap3A_865 = vector.shape_cast %swap3A_864 : vector<1x16xf32> to vector<16xf32>
    %swap3A_866 = vector.shape_cast %broadcast_in_dim3A_3 : vector<16xf32> to vector<1x16xf32>
    tpu.vector_store %arg6[%swap3A_862, %swap3A_863], %swap3A_866 {strides = array<i32>} : memref<64x16xf32, #tpu.memory_space<vmem>>, vector<1x16xf32>,
    %swap3A_867 = arith.constant 16 : i32
    %swap3A_868 = arith.index_cast %swap3A_867 : i32 to index
    %swap3A_869 = arith.constant 0 : index
    %swap3A_870 = tpu.vector_load %arg6[%swap3A_868, %swap3A_869] {strides = array<i32>} : memref<64x16xf32, #tpu.memory_space<vmem>>, vector<1x16xf32>,
    %swap3A_871 = vector.shape_cast %swap3A_870 : vector<1x16xf32> to vector<16xf32>
    %swap3A_872 = vector.shape_cast %broadcast_in_dim3A_3 : vector<16xf32> to vector<1x16xf32>
    tpu.vector_store %arg6[%swap3A_868, %swap3A_869], %swap3A_872 {strides = array<i32>} : memref<64x16xf32, #tpu.memory_space<vmem>>, vector<1x16xf32>,
    %swap3A_873 = arith.constant 17 : i32
    %swap3A_874 = arith.index_cast %swap3A_873 : i32 to index
    %swap3A_875 = arith.constant 0 : index
    %swap3A_876 = tpu.vector_load %arg6[%swap3A_874, %swap3A_875] {strides = array<i32>} : memref<64x16xf32, #tpu.memory_space<vmem>>, vector<1x16xf32>,
    %swap3A_877 = vector.shape_cast %swap3A_876 : vector<1x16xf32> to vector<16xf32>
    %swap3A_878 = vector.shape_cast %broadcast_in_dim3A_3 : vector<16xf32> to vector<1x16xf32>
    tpu.vector_store %arg6[%swap3A_874, %swap3A_875], %swap3A_878 {strides = array<i32>} : memref<64x16xf32, #tpu.memory_space<vmem>>, vector<1x16xf32>,
    %swap3A_879 = arith.constant 18 : i32
    %swap3A_880 = arith.index_cast %swap3A_879 : i32 to index
    %swap3A_881 = arith.constant 0 : index
    %swap3A_882 = tpu.vector_load %arg6[%swap3A_880, %swap3A_881] {strides = array<i32>} : memref<64x16xf32, #tpu.memory_space<vmem>>, vector<1x16xf32>,
    %swap3A_883 = vector.shape_cast %swap3A_882 : vector<1x16xf32> to vector<16xf32>
    %swap3A_884 = vector.shape_cast %broadcast_in_dim3A_3 : vector<16xf32> to vector<1x16xf32>
    tpu.vector_store %arg6[%swap3A_880, %swap3A_881], %swap3A_884 {strides = array<i32>} : memref<64x16xf32, #tpu.memory_space<vmem>>, vector<1x16xf32>,
    %swap3A_885 = arith.constant 19 : i32
    %swap3A_886 = arith.index_cast %swap3A_885 : i32 to index
    %swap3A_887 = arith.constant 0 : index
    %swap3A_888 = tpu.vector_load %arg6[%swap3A_886, %swap3A_887] {strides = array<i32>} : memref<64x16xf32, #tpu.memory_space<vmem>>, vector<1x16xf32>,
    %swap3A_889 = vector.shape_cast %swap3A_888 : vector<1x16xf32> to vector<16xf32>
    %swap3A_890 = vector.shape_cast %broadcast_in_dim3A_3 : vector<16xf32> to vector<1x16xf32>
    tpu.vector_store %arg6[%swap3A_886, %swap3A_887], %swap3A_890 {strides = array<i32>} : memref<64x16xf32, #tpu.memory_space<vmem>>, vector<1x16xf32>,
    %swap3A_891 = arith.constant 20 : i32
    %swap3A_892 = arith.index_cast %swap3A_891 : i32 to index
    %swap3A_893 = arith.constant 0 : index
    %swap3A_894 = tpu.vector_load %arg6[%swap3A_892, %swap3A_893] {strides = array<i32>} : memref<64x16xf32, #tpu.memory_space<vmem>>, vector<1x16xf32>,
    %swap3A_895 = vector.shape_cast %swap3A_894 : vector<1x16xf32> to vector<16xf32>
    %swap3A_896 = vector.shape_cast %broadcast_in_dim3A_3 : vector<16xf32> to vector<1x16xf32>
    tpu.vector_store %arg6[%swap3A_892, %swap3A_893], %swap3A_896 {strides = array<i32>} : memref<64x16xf32, #tpu.memory_space<vmem>>, vector<1x16xf32>,
    %swap3A_897 = arith.constant 21 : i32
    %swap3A_898 = arith.index_cast %swap3A_897 : i32 to index
    %swap3A_899 = arith.constant 0 : index
    %swap3A_900 = tpu.vector_load %arg6[%swap3A_898, %swap3A_899] {strides = array<i32>} : memref<64x16xf32, #tpu.memory_space<vmem>>, vector<1x16xf32>,
    %swap3A_901 = vector.shape_cast %swap3A_900 : vector<1x16xf32> to vector<16xf32>
    %swap3A_902 = vector.shape_cast %broadcast_in_dim3A_3 : vector<16xf32> to vector<1x16xf32>
    tpu.vector_store %arg6[%swap3A_898, %swap3A_899], %swap3A_902 {strides = array<i32>} : memref<64x16xf32, #tpu.memory_space<vmem>>, vector<1x16xf32>,
    %swap3A_903 = arith.constant 22 : i32
    %swap3A_904 = arith.index_cast %swap3A_903 : i32 to index
    %swap3A_905 = arith.constant 0 : index
    %swap3A_906 = tpu.vector_load %arg6[%swap3A_904, %swap3A_905] {strides = array<i32>} : memref<64x16xf32, #tpu.memory_space<vmem>>, vector<1x16xf32>,
    %swap3A_907 = vector.shape_cast %swap3A_906 : vector<1x16xf32> to vector<16xf32>
    %swap3A_908 = vector.shape_cast %broadcast_in_dim3A_3 : vector<16xf32> to vector<1x16xf32>
    tpu.vector_store %arg6[%swap3A_904, %swap3A_905], %swap3A_908 {strides = array<i32>} : memref<64x16xf32, #tpu.memory_space<vmem>>, vector<1x16xf32>,
    %swap3A_909 = arith.constant 23 : i32
    %swap3A_910 = arith.index_cast %swap3A_909 : i32 to index
    %swap3A_911 = arith.constant 0 : index
    %swap3A_912 = tpu.vector_load %arg6[%swap3A_910, %swap3A_911] {strides = array<i32>} : memref<64x16xf32, #tpu.memory_space<vmem>>, vector<1x16xf32>,
    %swap3A_913 = vector.shape_cast %swap3A_912 : vector<1x16xf32> to vector<16xf32>
    %swap3A_914 = vector.shape_cast %broadcast_in_dim3A_3 : vector<16xf32> to vector<1x16xf32>
    tpu.vector_store %arg6[%swap3A_910, %swap3A_911], %swap3A_914 {strides = array<i32>} : memref<64x16xf32, #tpu.memory_space<vmem>>, vector<1x16xf32>,
    %swap3A_915 = arith.constant 24 : i32
    %swap3A_916 = arith.index_cast %swap3A_915 : i32 to index
    %swap3A_917 = arith.constant 0 : index
    %swap3A_918 = tpu.vector_load %arg6[%swap3A_916, %swap3A_917] {strides = array<i32>} : memref<64x16xf32, #tpu.memory_space<vmem>>, vector<1x16xf32>,
    %swap3A_919 = vector.shape_cast %swap3A_918 : vector<1x16xf32> to vector<16xf32>
    %swap3A_920 = vector.shape_cast %broadcast_in_dim3A_3 : vector<16xf32> to vector<1x16xf32>
    tpu.vector_store %arg6[%swap3A_916, %swap3A_917], %swap3A_920 {strides = array<i32>} : memref<64x16xf32, #tpu.memory_space<vmem>>, vector<1x16xf32>,
    %swap3A_921 = arith.constant 25 : i32
    %swap3A_922 = arith.index_cast %swap3A_921 : i32 to index
    %swap3A_923 = arith.constant 0 : index
    %swap3A_924 = tpu.vector_load %arg6[%swap3A_922, %swap3A_923] {strides = array<i32>} : memref<64x16xf32, #tpu.memory_space<vmem>>, vector<1x16xf32>,
    %swap3A_925 = vector.shape_cast %swap3A_924 : vector<1x16xf32> to vector<16xf32>
    %swap3A_926 = vector.shape_cast %broadcast_in_dim3A_3 : vector<16xf32> to vector<1x16xf32>
    tpu.vector_store %arg6[%swap3A_922, %swap3A_923], %swap3A_926 {strides = array<i32>} : memref<64x16xf32, #tpu.memory_space<vmem>>, vector<1x16xf32>,
    %swap3A_927 = arith.constant 26 : i32
    %swap3A_928 = arith.index_cast %swap3A_927 : i32 to index
    %swap3A_929 = arith.constant 0 : index
    %swap3A_930 = tpu.vector_load %arg6[%swap3A_928, %swap3A_929] {strides = array<i32>} : memref<64x16xf32, #tpu.memory_space<vmem>>, vector<1x16xf32>,
    %swap3A_931 = vector.shape_cast %swap3A_930 : vector<1x16xf32> to vector<16xf32>
    %swap3A_932 = vector.shape_cast %broadcast_in_dim3A_3 : vector<16xf32> to vector<1x16xf32>
    tpu.vector_store %arg6[%swap3A_928, %swap3A_929], %swap3A_932 {strides = array<i32>} : memref<64x16xf32, #tpu.memory_space<vmem>>, vector<1x16xf32>,
    %swap3A_933 = arith.constant 27 : i32
    %swap3A_934 = arith.index_cast %swap3A_933 : i32 to index
    %swap3A_935 = arith.constant 0 : index
    %swap3A_936 = tpu.vector_load %arg6[%swap3A_934, %swap3A_935] {strides = array<i32>} : memref<64x16xf32, #tpu.memory_space<vmem>>, vector<1x16xf32>,
    %swap3A_937 = vector.shape_cast %swap3A_936 : vector<1x16xf32> to vector<16xf32>
    %swap3A_938 = vector.shape_cast %broadcast_in_dim3A_3 : vector<16xf32> to vector<1x16xf32>
    tpu.vector_store %arg6[%swap3A_934, %swap3A_935], %swap3A_938 {strides = array<i32>} : memref<64x16xf32, #tpu.memory_space<vmem>>, vector<1x16xf32>,
    %swap3A_939 = arith.constant 28 : i32
    %swap3A_940 = arith.index_cast %swap3A_939 : i32 to index
    %swap3A_941 = arith.constant 0 : index
    %swap3A_942 = tpu.vector_load %arg6[%swap3A_940, %swap3A_941] {strides = array<i32>} : memref<64x16xf32, #tpu.memory_space<vmem>>, vector<1x16xf32>,
    %swap3A_943 = vector.shape_cast %swap3A_942 : vector<1x16xf32> to vector<16xf32>
    %swap3A_944 = vector.shape_cast %broadcast_in_dim3A_3 : vector<16xf32> to vector<1x16xf32>
    tpu.vector_store %arg6[%swap3A_940, %swap3A_941], %swap3A_944 {strides = array<i32>} : memref<64x16xf32, #tpu.memory_space<vmem>>, vector<1x16xf32>,
    %swap3A_945 = arith.constant 29 : i32
    %swap3A_946 = arith.index_cast %swap3A_945 : i32 to index
    %swap3A_947 = arith.constant 0 : index
    %swap3A_948 = tpu.vector_load %arg6[%swap3A_946, %swap3A_947] {strides = array<i32>} : memref<64x16xf32, #tpu.memory_space<vmem>>, vector<1x16xf32>,
    %swap3A_949 = vector.shape_cast %swap3A_948 : vector<1x16xf32> to vector<16xf32>
    %swap3A_950 = vector.shape_cast %broadcast_in_dim3A_3 : vector<16xf32> to vector<1x16xf32>
    tpu.vector_store %arg6[%swap3A_946, %swap3A_947], %swap3A_950 {strides = array<i32>} : memref<64x16xf32, #tpu.memory_space<vmem>>, vector<1x16xf32>,
    %swap3A_951 = arith.constant 30 : i32
    %swap3A_952 = arith.index_cast %swap3A_951 : i32 to index
    %swap3A_953 = arith.constant 0 : index
    %swap3A_954 = tpu.vector_load %arg6[%swap3A_952, %swap3A_953] {strides = array<i32>} : memref<64x16xf32, #tpu.memory_space<vmem>>, vector<1x16xf32>,
    %swap3A_955 = vector.shape_cast %swap3A_954 : vector<1x16xf32> to vector<16xf32>
    %swap3A_956 = vector.shape_cast %broadcast_in_dim3A_3 : vector<16xf32> to vector<1x16xf32>
    tpu.vector_store %arg6[%swap3A_952, %swap3A_953], %swap3A_956 {strides = array<i32>} : memref<64x16xf32, #tpu.memory_space<vmem>>, vector<1x16xf32>,
    %swap3A_957 = arith.constant 31 : i32
    %swap3A_958 = arith.index_cast %swap3A_957 : i32 to index
    %swap3A_959 = arith.constant 0 : index
    %swap3A_960 = tpu.vector_load %arg6[%swap3A_958, %swap3A_959] {strides = array<i32>} : memref<64x16xf32, #tpu.memory_space<vmem>>, vector<1x16xf32>,
    %swap3A_961 = vector.shape_cast %swap3A_960 : vector<1x16xf32> to vector<16xf32>
    %swap3A_962 = vector.shape_cast %broadcast_in_dim3A_3 : vector<16xf32> to vector<1x16xf32>
    tpu.vector_store %arg6[%swap3A_958, %swap3A_959], %swap3A_962 {strides = array<i32>} : memref<64x16xf32, #tpu.memory_space<vmem>>, vector<1x16xf32>,
    %swap3A_963 = arith.constant 32 : i32
    %swap3A_964 = arith.index_cast %swap3A_963 : i32 to index
    %swap3A_965 = arith.constant 0 : index
    %swap3A_966 = tpu.vector_load %arg6[%swap3A_964, %swap3A_965] {strides = array<i32>} : memref<64x16xf32, #tpu.memory_space<vmem>>, vector<1x16xf32>,
    %swap3A_967 = vector.shape_cast %swap3A_966 : vector<1x16xf32> to vector<16xf32>
    %swap3A_968 = vector.shape_cast %broadcast_in_dim3A_3 : vector<16xf32> to vector<1x16xf32>
    tpu.vector_store %arg6[%swap3A_964, %swap3A_965], %swap3A_968 {strides = array<i32>} : memref<64x16xf32, #tpu.memory_space<vmem>>, vector<1x16xf32>,
    %swap3A_969 = arith.constant 33 : i32
    %swap3A_970 = arith.index_cast %swap3A_969 : i32 to index
    %swap3A_971 = arith.constant 0 : index
    %swap3A_972 = tpu.vector_load %arg6[%swap3A_970, %swap3A_971] {strides = array<i32>} : memref<64x16xf32, #tpu.memory_space<vmem>>, vector<1x16xf32>,
    %swap3A_973 = vector.shape_cast %swap3A_972 : vector<1x16xf32> to vector<16xf32>
    %swap3A_974 = vector.shape_cast %broadcast_in_dim3A_3 : vector<16xf32> to vector<1x16xf32>
    tpu.vector_store %arg6[%swap3A_970, %swap3A_971], %swap3A_974 {strides = array<i32>} : memref<64x16xf32, #tpu.memory_space<vmem>>, vector<1x16xf32>,
    %swap3A_975 = arith.constant 34 : i32
    %swap3A_976 = arith.index_cast %swap3A_975 : i32 to index
    %swap3A_977 = arith.constant 0 : index
    %swap3A_978 = tpu.vector_load %arg6[%swap3A_976, %swap3A_977] {strides = array<i32>} : memref<64x16xf32, #tpu.memory_space<vmem>>, vector<1x16xf32>,
    %swap3A_979 = vector.shape_cast %swap3A_978 : vector<1x16xf32> to vector<16xf32>
    %swap3A_980 = vector.shape_cast %broadcast_in_dim3A_3 : vector<16xf32> to vector<1x16xf32>
    tpu.vector_store %arg6[%swap3A_976, %swap3A_977], %swap3A_980 {strides = array<i32>} : memref<64x16xf32, #tpu.memory_space<vmem>>, vector<1x16xf32>,
    %swap3A_981 = arith.constant 35 : i32
    %swap3A_982 = arith.index_cast %swap3A_981 : i32 to index
    %swap3A_983 = arith.constant 0 : index
    %swap3A_984 = tpu.vector_load %arg6[%swap3A_982, %swap3A_983] {strides = array<i32>} : memref<64x16xf32, #tpu.memory_space<vmem>>, vector<1x16xf32>,
    %swap3A_985 = vector.shape_cast %swap3A_984 : vector<1x16xf32> to vector<16xf32>
    %swap3A_986 = vector.shape_cast %broadcast_in_dim3A_3 : vector<16xf32> to vector<1x16xf32>
    tpu.vector_store %arg6[%swap3A_982, %swap3A_983], %swap3A_986 {strides = array<i32>} : memref<64x16xf32, #tpu.memory_space<vmem>>, vector<1x16xf32>,
    %swap3A_987 = arith.constant 36 : i32
    %swap3A_988 = arith.index_cast %swap3A_987 : i32 to index
    %swap3A_989 = arith.constant 0 : index
    %swap3A_990 = tpu.vector_load %arg6[%swap3A_988, %swap3A_989] {strides = array<i32>} : memref<64x16xf32, #tpu.memory_space<vmem>>, vector<1x16xf32>,
    %swap3A_991 = vector.shape_cast %swap3A_990 : vector<1x16xf32> to vector<16xf32>
    %swap3A_992 = vector.shape_cast %broadcast_in_dim3A_3 : vector<16xf32> to vector<1x16xf32>
    tpu.vector_store %arg6[%swap3A_988, %swap3A_989], %swap3A_992 {strides = array<i32>} : memref<64x16xf32, #tpu.memory_space<vmem>>, vector<1x16xf32>,
    %swap3A_993 = arith.constant 37 : i32
    %swap3A_994 = arith.index_cast %swap3A_993 : i32 to index
    %swap3A_995 = arith.constant 0 : index
    %swap3A_996 = tpu.vector_load %arg6[%swap3A_994, %swap3A_995] {strides = array<i32>} : memref<64x16xf32, #tpu.memory_space<vmem>>, vector<1x16xf32>,
    %swap3A_997 = vector.shape_cast %swap3A_996 : vector<1x16xf32> to vector<16xf32>
    %swap3A_998 = vector.shape_cast %broadcast_in_dim3A_3 : vector<16xf32> to vector<1x16xf32>
    tpu.vector_store %arg6[%swap3A_994, %swap3A_995], %swap3A_998 {strides = array<i32>} : memref<64x16xf32, #tpu.memory_space<vmem>>, vector<1x16xf32>,
    %swap3A_999 = arith.constant 38 : i32
    %swap3A_1000 = arith.index_cast %swap3A_999 : i32 to index
    %swap3A_1001 = arith.constant 0 : index
    %swap3A_1002 = tpu.vector_load %arg6[%swap3A_1000, %swap3A_1001] {strides = array<i32>} : memref<64x16xf32, #tpu.memory_space<vmem>>, vector<1x16xf32>,
    %swap3A_1003 = vector.shape_cast %swap3A_1002 : vector<1x16xf32> to vector<16xf32>
    %swap3A_1004 = vector.shape_cast %broadcast_in_dim3A_3 : vector<16xf32> to vector<1x16xf32>
    tpu.vector_store %arg6[%swap3A_1000, %swap3A_1001], %swap3A_1004 {strides = array<i32>} : memref<64x16xf32, #tpu.memory_space<vmem>>, vector<1x16xf32>,
    %swap3A_1005 = arith.constant 39 : i32
    %swap3A_1006 = arith.index_cast %swap3A_1005 : i32 to index
    %swap3A_1007 = arith.constant 0 : index
    %swap3A_1008 = tpu.vector_load %arg6[%swap3A_1006, %swap3A_1007] {strides = array<i32>} : memref<64x16xf32, #tpu.memory_space<vmem>>, vector<1x16xf32>,
    %swap3A_1009 = vector.shape_cast %swap3A_1008 : vector<1x16xf32> to vector<16xf32>
    %swap3A_1010 = vector.shape_cast %broadcast_in_dim3A_3 : vector<16xf32> to vector<1x16xf32>
    tpu.vector_store %arg6[%swap3A_1006, %swap3A_1007], %swap3A_1010 {strides = array<i32>} : memref<64x16xf32, #tpu.memory_space<vmem>>, vector<1x16xf32>,
    %swap3A_1011 = arith.constant 40 : i32
    %swap3A_1012 = arith.index_cast %swap3A_1011 : i32 to index
    %swap3A_1013 = arith.constant 0 : index
    %swap3A_1014 = tpu.vector_load %arg6[%swap3A_1012, %swap3A_1013] {strides = array<i32>} : memref<64x16xf32, #tpu.memory_space<vmem>>, vector<1x16xf32>,
    %swap3A_1015 = vector.shape_cast %swap3A_1014 : vector<1x16xf32> to vector<16xf32>
    %swap3A_1016 = vector.shape_cast %broadcast_in_dim3A_3 : vector<16xf32> to vector<1x16xf32>
    tpu.vector_store %arg6[%swap3A_1012, %swap3A_1013], %swap3A_1016 {strides = array<i32>} : memref<64x16xf32, #tpu.memory_space<vmem>>, vector<1x16xf32>,
    %swap3A_1017 = arith.constant 41 : i32
    %swap3A_1018 = arith.index_cast %swap3A_1017 : i32 to index
    %swap3A_1019 = arith.constant 0 : index
    %swap3A_1020 = tpu.vector_load %arg6[%swap3A_1018, %swap3A_1019] {strides = array<i32>} : memref<64x16xf32, #tpu.memory_space<vmem>>, vector<1x16xf32>,
    %swap3A_1021 = vector.shape_cast %swap3A_1020 : vector<1x16xf32> to vector<16xf32>
    %swap3A_1022 = vector.shape_cast %broadcast_in_dim3A_3 : vector<16xf32> to vector<1x16xf32>
    tpu.vector_store %arg6[%swap3A_1018, %swap3A_1019], %swap3A_1022 {strides = array<i32>} : memref<64x16xf32, #tpu.memory_space<vmem>>, vector<1x16xf32>,
    %swap3A_1023 = arith.constant 42 : i32
    %swap3A_1024 = arith.index_cast %swap3A_1023 : i32 to index
    %swap3A_1025 = arith.constant 0 : index
    %swap3A_1026 = tpu.vector_load %arg6[%swap3A_1024, %swap3A_1025] {strides = array<i32>} : memref<64x16xf32, #tpu.memory_space<vmem>>, vector<1x16xf32>,
    %swap3A_1027 = vector.shape_cast %swap3A_1026 : vector<1x16xf32> to vector<16xf32>
    %swap3A_1028 = vector.shape_cast %broadcast_in_dim3A_3 : vector<16xf32> to vector<1x16xf32>
    tpu.vector_store %arg6[%swap3A_1024, %swap3A_1025], %swap3A_1028 {strides = array<i32>} : memref<64x16xf32, #tpu.memory_space<vmem>>, vector<1x16xf32>,
    %swap3A_1029 = arith.constant 43 : i32
    %swap3A_1030 = arith.index_cast %swap3A_1029 : i32 to index
    %swap3A_1031 = arith.constant 0 : index
    %swap3A_1032 = tpu.vector_load %arg6[%swap3A_1030, %swap3A_1031] {strides = array<i32>} : memref<64x16xf32, #tpu.memory_space<vmem>>, vector<1x16xf32>,
    %swap3A_1033 = vector.shape_cast %swap3A_1032 : vector<1x16xf32> to vector<16xf32>
    %swap3A_1034 = vector.shape_cast %broadcast_in_dim3A_3 : vector<16xf32> to vector<1x16xf32>
    tpu.vector_store %arg6[%swap3A_1030, %swap3A_1031], %swap3A_1034 {strides = array<i32>} : memref<64x16xf32, #tpu.memory_space<vmem>>, vector<1x16xf32>,
    %swap3A_1035 = arith.constant 44 : i32
    %swap3A_1036 = arith.index_cast %swap3A_1035 : i32 to index
    %swap3A_1037 = arith.constant 0 : index
    %swap3A_1038 = tpu.vector_load %arg6[%swap3A_1036, %swap3A_1037] {strides = array<i32>} : memref<64x16xf32, #tpu.memory_space<vmem>>, vector<1x16xf32>,
    %swap3A_1039 = vector.shape_cast %swap3A_1038 : vector<1x16xf32> to vector<16xf32>
    %swap3A_1040 = vector.shape_cast %broadcast_in_dim3A_3 : vector<16xf32> to vector<1x16xf32>
    tpu.vector_store %arg6[%swap3A_1036, %swap3A_1037], %swap3A_1040 {strides = array<i32>} : memref<64x16xf32, #tpu.memory_space<vmem>>, vector<1x16xf32>,
    %swap3A_1041 = arith.constant 45 : i32
    %swap3A_1042 = arith.index_cast %swap3A_1041 : i32 to index
    %swap3A_1043 = arith.constant 0 : index
    %swap3A_1044 = tpu.vector_load %arg6[%swap3A_1042, %swap3A_1043] {strides = array<i32>} : memref<64x16xf32, #tpu.memory_space<vmem>>, vector<1x16xf32>,
    %swap3A_1045 = vector.shape_cast %swap3A_1044 : vector<1x16xf32> to vector<16xf32>
    %swap3A_1046 = vector.shape_cast %broadcast_in_dim3A_3 : vector<16xf32> to vector<1x16xf32>
    tpu.vector_store %arg6[%swap3A_1042, %swap3A_1043], %swap3A_1046 {strides = array<i32>} : memref<64x16xf32, #tpu.memory_space<vmem>>, vector<1x16xf32>,
    %swap3A_1047 = arith.constant 46 : i32
    %swap3A_1048 = arith.index_cast %swap3A_1047 : i32 to index
    %swap3A_1049 = arith.constant 0 : index
    %swap3A_1050 = tpu.vector_load %arg6[%swap3A_1048, %swap3A_1049] {strides = array<i32>} : memref<64x16xf32, #tpu.memory_space<vmem>>, vector<1x16xf32>,
    %swap3A_1051 = vector.shape_cast %swap3A_1050 : vector<1x16xf32> to vector<16xf32>
    %swap3A_1052 = vector.shape_cast %broadcast_in_dim3A_3 : vector<16xf32> to vector<1x16xf32>
    tpu.vector_store %arg6[%swap3A_1048, %swap3A_1049], %swap3A_1052 {strides = array<i32>} : memref<64x16xf32, #tpu.memory_space<vmem>>, vector<1x16xf32>,
    %swap3A_1053 = arith.constant 47 : i32
    %swap3A_1054 = arith.index_cast %swap3A_1053 : i32 to index
    %swap3A_1055 = arith.constant 0 : index
    %swap3A_1056 = tpu.vector_load %arg6[%swap3A_1054, %swap3A_1055] {strides = array<i32>} : memref<64x16xf32, #tpu.memory_space<vmem>>, vector<1x16xf32>,
    %swap3A_1057 = vector.shape_cast %swap3A_1056 : vector<1x16xf32> to vector<16xf32>
    %swap3A_1058 = vector.shape_cast %broadcast_in_dim3A_3 : vector<16xf32> to vector<1x16xf32>
    tpu.vector_store %arg6[%swap3A_1054, %swap3A_1055], %swap3A_1058 {strides = array<i32>} : memref<64x16xf32, #tpu.memory_space<vmem>>, vector<1x16xf32>,
    %swap3A_1059 = arith.constant 48 : i32
    %swap3A_1060 = arith.index_cast %swap3A_1059 : i32 to index
    %swap3A_1061 = arith.constant 0 : index
    %swap3A_1062 = tpu.vector_load %arg6[%swap3A_1060, %swap3A_1061] {strides = array<i32>} : memref<64x16xf32, #tpu.memory_space<vmem>>, vector<1x16xf32>,
    %swap3A_1063 = vector.shape_cast %swap3A_1062 : vector<1x16xf32> to vector<16xf32>
    %swap3A_1064 = vector.shape_cast %broadcast_in_dim3A_3 : vector<16xf32> to vector<1x16xf32>
    tpu.vector_store %arg6[%swap3A_1060, %swap3A_1061], %swap3A_1064 {strides = array<i32>} : memref<64x16xf32, #tpu.memory_space<vmem>>, vector<1x16xf32>,
    %swap3A_1065 = arith.constant 49 : i32
    %swap3A_1066 = arith.index_cast %swap3A_1065 : i32 to index
    %swap3A_1067 = arith.constant 0 : index
    %swap3A_1068 = tpu.vector_load %arg6[%swap3A_1066, %swap3A_1067] {strides = array<i32>} : memref<64x16xf32, #tpu.memory_space<vmem>>, vector<1x16xf32>,
    %swap3A_1069 = vector.shape_cast %swap3A_1068 : vector<1x16xf32> to vector<16xf32>
    %swap3A_1070 = vector.shape_cast %broadcast_in_dim3A_3 : vector<16xf32> to vector<1x16xf32>
    tpu.vector_store %arg6[%swap3A_1066, %swap3A_1067], %swap3A_1070 {strides = array<i32>} : memref<64x16xf32, #tpu.memory_space<vmem>>, vector<1x16xf32>,
    %swap3A_1071 = arith.constant 50 : i32
    %swap3A_1072 = arith.index_cast %swap3A_1071 : i32 to index
    %swap3A_1073 = arith.constant 0 : index
    %swap3A_1074 = tpu.vector_load %arg6[%swap3A_1072, %swap3A_1073] {strides = array<i32>} : memref<64x16xf32, #tpu.memory_space<vmem>>, vector<1x16xf32>,
    %swap3A_1075 = vector.shape_cast %swap3A_1074 : vector<1x16xf32> to vector<16xf32>
    %swap3A_1076 = vector.shape_cast %broadcast_in_dim3A_3 : vector<16xf32> to vector<1x16xf32>
    tpu.vector_store %arg6[%swap3A_1072, %swap3A_1073], %swap3A_1076 {strides = array<i32>} : memref<64x16xf32, #tpu.memory_space<vmem>>, vector<1x16xf32>,
    %swap3A_1077 = arith.constant 51 : i32
    %swap3A_1078 = arith.index_cast %swap3A_1077 : i32 to index
    %swap3A_1079 = arith.constant 0 : index
    %swap3A_1080 = tpu.vector_load %arg6[%swap3A_1078, %swap3A_1079] {strides = array<i32>} : memref<64x16xf32, #tpu.memory_space<vmem>>, vector<1x16xf32>,
    %swap3A_1081 = vector.shape_cast %swap3A_1080 : vector<1x16xf32> to vector<16xf32>
    %swap3A_1082 = vector.shape_cast %broadcast_in_dim3A_3 : vector<16xf32> to vector<1x16xf32>
    tpu.vector_store %arg6[%swap3A_1078, %swap3A_1079], %swap3A_1082 {strides = array<i32>} : memref<64x16xf32, #tpu.memory_space<vmem>>, vector<1x16xf32>,
    %swap3A_1083 = arith.constant 52 : i32
    %swap3A_1084 = arith.index_cast %swap3A_1083 : i32 to index
    %swap3A_1085 = arith.constant 0 : index
    %swap3A_1086 = tpu.vector_load %arg6[%swap3A_1084, %swap3A_1085] {strides = array<i32>} : memref<64x16xf32, #tpu.memory_space<vmem>>, vector<1x16xf32>,
    %swap3A_1087 = vector.shape_cast %swap3A_1086 : vector<1x16xf32> to vector<16xf32>
    %swap3A_1088 = vector.shape_cast %broadcast_in_dim3A_3 : vector<16xf32> to vector<1x16xf32>
    tpu.vector_store %arg6[%swap3A_1084, %swap3A_1085], %swap3A_1088 {strides = array<i32>} : memref<64x16xf32, #tpu.memory_space<vmem>>, vector<1x16xf32>,
    %swap3A_1089 = arith.constant 53 : i32
    %swap3A_1090 = arith.index_cast %swap3A_1089 : i32 to index
    %swap3A_1091 = arith.constant 0 : index
    %swap3A_1092 = tpu.vector_load %arg6[%swap3A_1090, %swap3A_1091] {strides = array<i32>} : memref<64x16xf32, #tpu.memory_space<vmem>>, vector<1x16xf32>,
    %swap3A_1093 = vector.shape_cast %swap3A_1092 : vector<1x16xf32> to vector<16xf32>
    %swap3A_1094 = vector.shape_cast %broadcast_in_dim3A_3 : vector<16xf32> to vector<1x16xf32>
    tpu.vector_store %arg6[%swap3A_1090, %swap3A_1091], %swap3A_1094 {strides = array<i32>} : memref<64x16xf32, #tpu.memory_space<vmem>>, vector<1x16xf32>,
    %swap3A_1095 = arith.constant 54 : i32
    %swap3A_1096 = arith.index_cast %swap3A_1095 : i32 to index
    %swap3A_1097 = arith.constant 0 : index
    %swap3A_1098 = tpu.vector_load %arg6[%swap3A_1096, %swap3A_1097] {strides = array<i32>} : memref<64x16xf32, #tpu.memory_space<vmem>>, vector<1x16xf32>,
    %swap3A_1099 = vector.shape_cast %swap3A_1098 : vector<1x16xf32> to vector<16xf32>
    %swap3A_1100 = vector.shape_cast %broadcast_in_dim3A_3 : vector<16xf32> to vector<1x16xf32>
    tpu.vector_store %arg6[%swap3A_1096, %swap3A_1097], %swap3A_1100 {strides = array<i32>} : memref<64x16xf32, #tpu.memory_space<vmem>>, vector<1x16xf32>,
    %swap3A_1101 = arith.constant 55 : i32
    %swap3A_1102 = arith.index_cast %swap3A_1101 : i32 to index
    %swap3A_1103 = arith.constant 0 : index
    %swap3A_1104 = tpu.vector_load %arg6[%swap3A_1102, %swap3A_1103] {strides = array<i32>} : memref<64x16xf32, #tpu.memory_space<vmem>>, vector<1x16xf32>,
    %swap3A_1105 = vector.shape_cast %swap3A_1104 : vector<1x16xf32> to vector<16xf32>
    %swap3A_1106 = vector.shape_cast %broadcast_in_dim3A_3 : vector<16xf32> to vector<1x16xf32>
    tpu.vector_store %arg6[%swap3A_1102, %swap3A_1103], %swap3A_1106 {strides = array<i32>} : memref<64x16xf32, #tpu.memory_space<vmem>>, vector<1x16xf32>,
    %swap3A_1107 = arith.constant 56 : i32
    %swap3A_1108 = arith.index_cast %swap3A_1107 : i32 to index
    %swap3A_1109 = arith.constant 0 : index
    %swap3A_1110 = tpu.vector_load %arg6[%swap3A_1108, %swap3A_1109] {strides = array<i32>} : memref<64x16xf32, #tpu.memory_space<vmem>>, vector<1x16xf32>,
    %swap3A_1111 = vector.shape_cast %swap3A_1110 : vector<1x16xf32> to vector<16xf32>
    %swap3A_1112 = vector.shape_cast %broadcast_in_dim3A_3 : vector<16xf32> to vector<1x16xf32>
    tpu.vector_store %arg6[%swap3A_1108, %swap3A_1109], %swap3A_1112 {strides = array<i32>} : memref<64x16xf32, #tpu.memory_space<vmem>>, vector<1x16xf32>,
    %swap3A_1113 = arith.constant 57 : i32
    %swap3A_1114 = arith.index_cast %swap3A_1113 : i32 to index
    %swap3A_1115 = arith.constant 0 : index
    %swap3A_1116 = tpu.vector_load %arg6[%swap3A_1114, %swap3A_1115] {strides = array<i32>} : memref<64x16xf32, #tpu.memory_space<vmem>>, vector<1x16xf32>,
    %swap3A_1117 = vector.shape_cast %swap3A_1116 : vector<1x16xf32> to vector<16xf32>
    %swap3A_1118 = vector.shape_cast %broadcast_in_dim3A_3 : vector<16xf32> to vector<1x16xf32>
    tpu.vector_store %arg6[%swap3A_1114, %swap3A_1115], %swap3A_1118 {strides = array<i32>} : memref<64x16xf32, #tpu.memory_space<vmem>>, vector<1x16xf32>,
    %swap3A_1119 = arith.constant 58 : i32
    %swap3A_1120 = arith.index_cast %swap3A_1119 : i32 to index
    %swap3A_1121 = arith.constant 0 : index
    %swap3A_1122 = tpu.vector_load %arg6[%swap3A_1120, %swap3A_1121] {strides = array<i32>} : memref<64x16xf32, #tpu.memory_space<vmem>>, vector<1x16xf32>,
    %swap3A_1123 = vector.shape_cast %swap3A_1122 : vector<1x16xf32> to vector<16xf32>
    %swap3A_1124 = vector.shape_cast %broadcast_in_dim3A_3 : vector<16xf32> to vector<1x16xf32>
    tpu.vector_store %arg6[%swap3A_1120, %swap3A_1121], %swap3A_1124 {strides = array<i32>} : memref<64x16xf32, #tpu.memory_space<vmem>>, vector<1x16xf32>,
    %swap3A_1125 = arith.constant 59 : i32
    %swap3A_1126 = arith.index_cast %swap3A_1125 : i32 to index
    %swap3A_1127 = arith.constant 0 : index
    %swap3A_1128 = tpu.vector_load %arg6[%swap3A_1126, %swap3A_1127] {strides = array<i32>} : memref<64x16xf32, #tpu.memory_space<vmem>>, vector<1x16xf32>,
    %swap3A_1129 = vector.shape_cast %swap3A_1128 : vector<1x16xf32> to vector<16xf32>
    %swap3A_1130 = vector.shape_cast %broadcast_in_dim3A_3 : vector<16xf32> to vector<1x16xf32>
    tpu.vector_store %arg6[%swap3A_1126, %swap3A_1127], %swap3A_1130 {strides = array<i32>} : memref<64x16xf32, #tpu.memory_space<vmem>>, vector<1x16xf32>,
    %swap3A_1131 = arith.constant 60 : i32
    %swap3A_1132 = arith.index_cast %swap3A_1131 : i32 to index
    %swap3A_1133 = arith.constant 0 : index
    %swap3A_1134 = tpu.vector_load %arg6[%swap3A_1132, %swap3A_1133] {strides = array<i32>} : memref<64x16xf32, #tpu.memory_space<vmem>>, vector<1x16xf32>,
    %swap3A_1135 = vector.shape_cast %swap3A_1134 : vector<1x16xf32> to vector<16xf32>
    %swap3A_1136 = vector.shape_cast %broadcast_in_dim3A_3 : vector<16xf32> to vector<1x16xf32>
    tpu.vector_store %arg6[%swap3A_1132, %swap3A_1133], %swap3A_1136 {strides = array<i32>} : memref<64x16xf32, #tpu.memory_space<vmem>>, vector<1x16xf32>,
    %swap3A_1137 = arith.constant 61 : i32
    %swap3A_1138 = arith.index_cast %swap3A_1137 : i32 to index
    %swap3A_1139 = arith.constant 0 : index
    %swap3A_1140 = tpu.vector_load %arg6[%swap3A_1138, %swap3A_1139] {strides = array<i32>} : memref<64x16xf32, #tpu.memory_space<vmem>>, vector<1x16xf32>,
    %swap3A_1141 = vector.shape_cast %swap3A_1140 : vector<1x16xf32> to vector<16xf32>
    %swap3A_1142 = vector.shape_cast %broadcast_in_dim3A_3 : vector<16xf32> to vector<1x16xf32>
    tpu.vector_store %arg6[%swap3A_1138, %swap3A_1139], %swap3A_1142 {strides = array<i32>} : memref<64x16xf32, #tpu.memory_space<vmem>>, vector<1x16xf32>,
    %swap3A_1143 = arith.constant 62 : i32
    %swap3A_1144 = arith.index_cast %swap3A_1143 : i32 to index
    %swap3A_1145 = arith.constant 0 : index
    %swap3A_1146 = tpu.vector_load %arg6[%swap3A_1144, %swap3A_1145] {strides = array<i32>} : memref<64x16xf32, #tpu.memory_space<vmem>>, vector<1x16xf32>,
    %swap3A_1147 = vector.shape_cast %swap3A_1146 : vector<1x16xf32> to vector<16xf32>
    %swap3A_1148 = vector.shape_cast %broadcast_in_dim3A_3 : vector<16xf32> to vector<1x16xf32>
    tpu.vector_store %arg6[%swap3A_1144, %swap3A_1145], %swap3A_1148 {strides = array<i32>} : memref<64x16xf32, #tpu.memory_space<vmem>>, vector<1x16xf32>,
    %swap3A_1149 = arith.constant 63 : i32
    %swap3A_1150 = arith.index_cast %swap3A_1149 : i32 to index
    %swap3A_1151 = arith.constant 0 : index
    %swap3A_1152 = tpu.vector_load %arg6[%swap3A_1150, %swap3A_1151] {strides = array<i32>} : memref<64x16xf32, #tpu.memory_space<vmem>>, vector<1x16xf32>,
    %swap3A_1153 = vector.shape_cast %swap3A_1152 : vector<1x16xf32> to vector<16xf32>
    %swap3A_1154 = vector.shape_cast %broadcast_in_dim3A_3 : vector<16xf32> to vector<1x16xf32>
    tpu.vector_store %arg6[%swap3A_1150, %swap3A_1151], %swap3A_1154 {strides = array<i32>} : memref<64x16xf32, #tpu.memory_space<vmem>>, vector<1x16xf32>,
    %scan3A = arith.constant 0 : i32
    %scan3A_1155 = arith.constant 0 : i32
    %scan3A_1156 = arith.constant 10 : i32
    %scan3A_1157 = arith.addi %scan3A_1155, %scan3A_1156 : i32
    %scan3A_1158 = arith.constant 1 : i32
    scf.for %scan3A_1173 = %scan3A_1155 to %scan3A_1157 step %scan3A_1158  : i32 {
      %mul3A_1174 = arith.constant 640 : i32
      %mul3A_1175 = arith.muli %arg1, %mul3A_1174 : i32
      %mul3A_1176 = arith.constant 64 : i32
      %mul3A_1177 = arith.muli %scan3A_1173, %mul3A_1176 : i32
      %add3A_1178 = arith.addi %mul3A_1175, %mul3A_1177 : i32
      "tpu.region"() ({
        %run_scoped3A = tpu.sem_alloc : memref<!tpu.dma_semaphore, #tpu.memory_space<semaphore_mem>>
        %dma_start3A = arith.constant 0 : i32
        %dma_start3A_1179 = tpu.memref_slice %arg7[%add3A_1178, %dma_start3A] : memref<10240x16xf32, #tpu.memory_space<vmem_shared>> -> memref<64x16xf32, #tpu.memory_space<vmem_shared>>
        %dma_start3A_1180 = arith.constant 0 : i32
        %dma_start3A_1181 = tpu.memref_slice %arg7[%add3A_1178, %dma_start3A_1180] : memref<10240x16xf32, #tpu.memory_space<vmem_shared>> -> memref<64x16xf32, #tpu.memory_space<vmem_shared>>
        tpu.enqueue_dma source(%arg6 : memref<64x16xf32, #tpu.memory_space<vmem>>) target(%dma_start3A_1181 : memref<64x16xf32, #tpu.memory_space<vmem_shared>>) target_semaphore(%run_scoped3A : memref<!tpu.dma_semaphore, #tpu.memory_space<semaphore_mem>>)
        %dma_wait3A = arith.constant 0 : i32
        %dma_wait3A_1182 = tpu.memref_slice %arg7[%add3A_1178, %dma_wait3A] : memref<10240x16xf32, #tpu.memory_space<vmem_shared>> -> memref<64x16xf32, #tpu.memory_space<vmem_shared>>
        %dma_wait3A_1183 = arith.constant 0 : i32
        %dma_wait3A_1184 = tpu.memref_slice %arg7[%add3A_1178, %dma_wait3A_1183] : memref<10240x16xf32, #tpu.memory_space<vmem_shared>> -> memref<64x16xf32, #tpu.memory_space<vmem_shared>>
        tpu.wait_dma2 semaphore(%run_scoped3A : memref<!tpu.dma_semaphore, #tpu.memory_space<semaphore_mem>>) src(%arg6 : memref<64x16xf32, #tpu.memory_space<vmem>>) dst(%dma_wait3A_1184 : memref<64x16xf32, #tpu.memory_space<vmem_shared>>)
        tpu.yield
      }) : () -> ()
    }
    %scan3A_1159 = arith.constant 10 : i32
    %barrier3A = arith.constant 0 : index
    tpu.barrier barrier_id(%barrier3A)
    %mul3A_1160 = arith.constant 80 : i32
    %mul3A_1161 = arith.muli %add3A, %mul3A_1160 : i32
    "tpu.region"() ({
      %run_scoped3A = tpu.sem_alloc : memref<!tpu.dma_semaphore, #tpu.memory_space<semaphore_mem>>
      %dma_start3A = arith.constant 0 : i32
      %dma_start3A_1173 = tpu.memref_slice %arg2[%mul3A_1161, %dma_start3A] : memref<2560x128xi32, #tpu.memory_space<hbm>> -> memref<80x128xi32, #tpu.memory_space<hbm>>
      %dma_start3A_1174 = arith.constant 0 : i32
      %dma_start3A_1175 = tpu.memref_slice %arg2[%mul3A_1161, %dma_start3A_1174] : memref<2560x128xi32, #tpu.memory_space<hbm>> -> memref<80x128xi32, #tpu.memory_space<hbm>>
      tpu.enqueue_dma source(%dma_start3A_1175 : memref<80x128xi32, #tpu.memory_space<hbm>>) target(%arg4 : memref<80x128xi32, #tpu.memory_space<vmem>>) target_semaphore(%run_scoped3A : memref<!tpu.dma_semaphore, #tpu.memory_space<semaphore_mem>>)
      %dma_wait3A = arith.constant 0 : i32
      %dma_wait3A_1176 = tpu.memref_slice %arg2[%mul3A_1161, %dma_wait3A] : memref<2560x128xi32, #tpu.memory_space<hbm>> -> memref<80x128xi32, #tpu.memory_space<hbm>>
      %dma_wait3A_1177 = arith.constant 0 : i32
      %dma_wait3A_1178 = tpu.memref_slice %arg2[%mul3A_1161, %dma_wait3A_1177] : memref<2560x128xi32, #tpu.memory_space<hbm>> -> memref<80x128xi32, #tpu.memory_space<hbm>>
      tpu.wait_dma2 semaphore(%run_scoped3A : memref<!tpu.dma_semaphore, #tpu.memory_space<semaphore_mem>>) src(%dma_wait3A_1178 : memref<80x128xi32, #tpu.memory_space<hbm>>) dst(%arg4 : memref<80x128xi32, #tpu.memory_space<vmem>>)
      tpu.yield
    }) : () -> ()
    %scan3A_1162 = arith.constant 0 : i32
    %scan3A_1163 = arith.constant 0 : i32
    %scan3A_1164 = arith.constant 80 : i32
    %scan3A_1165 = arith.addi %scan3A_1163, %scan3A_1164 : i32
    %scan3A_1166 = arith.constant 1 : i32
    scf.for %scan3A_1173 = %scan3A_1163 to %scan3A_1165 step %scan3A_1166  : i32 {
      "tpu.region"() ({
        %run_scoped3A = tpu.sem_alloc : memref<!tpu.dma_semaphore, #tpu.memory_space<semaphore_mem>>
        %dma_start3A = arith.constant 0 : i32
        %dma_start3A_1174 = tpu.memref_slice %arg4[%scan3A_1173, %dma_start3A] : memref<80x128xi32, #tpu.memory_space<vmem>> -> memref<1x128xi32, #tpu.memory_space<vmem>>
        %dma_start3A_1175 = tpu.memref_squeeze %dma_start3A_1174 : memref<1x128xi32, #tpu.memory_space<vmem>> -> memref<128xi32, #tpu.memory_space<vmem>>
        %dma_start3A_1176 = arith.constant 0 : i32
        %dma_start3A_1177 = arith.constant 0 : i32
        %dma_start3A_1178 = tpu.memref_slice %arg7[%dma_start3A_1176, %dma_start3A_1177] : memref<10240x16xf32, #tpu.memory_space<vmem_shared>> -> memref<10240x16xf32, #tpu.memory_space<vmem_shared>>
        tpu.enqueue_indirect_dma source(%arg5 : memref<128x16xf32, #tpu.memory_space<vmem>>) target(%dma_start3A_1178 : memref<10240x16xf32, #tpu.memory_space<vmem_shared>>) offsets(%dma_start3A_1175 : memref<128xi32, #tpu.memory_space<vmem>>) semaphore(%run_scoped3A : memref<!tpu.dma_semaphore, #tpu.memory_space<semaphore_mem>>) {add = true}
        %dma_wait3A = arith.constant 0 : i32
        %dma_wait3A_1179 = tpu.memref_slice %arg4[%scan3A_1173, %dma_wait3A] : memref<80x128xi32, #tpu.memory_space<vmem>> -> memref<1x128xi32, #tpu.memory_space<vmem>>
        %dma_wait3A_1180 = tpu.memref_squeeze %dma_wait3A_1179 : memref<1x128xi32, #tpu.memory_space<vmem>> -> memref<128xi32, #tpu.memory_space<vmem>>
        %dma_wait3A_1181 = arith.constant 0 : i32
        %dma_wait3A_1182 = arith.constant 0 : i32
        %dma_wait3A_1183 = tpu.memref_slice %arg7[%dma_wait3A_1181, %dma_wait3A_1182] : memref<10240x16xf32, #tpu.memory_space<vmem_shared>> -> memref<10240x16xf32, #tpu.memory_space<vmem_shared>>
        tpu.wait_indirect_dma semaphore(%run_scoped3A : memref<!tpu.dma_semaphore, #tpu.memory_space<semaphore_mem>>) src(%arg5 : memref<128x16xf32, #tpu.memory_space<vmem>>) dst(%dma_wait3A_1183 : memref<10240x16xf32, #tpu.memory_space<vmem_shared>>)
        tpu.yield
      }) : () -> ()
    }
    %scan3A_1167 = arith.constant 80 : i32
    %barrier3A_1168 = arith.constant 0 : index
    tpu.barrier barrier_id(%barrier3A_1168)
    %mul3A_1169 = arith.constant 640 : i32
    %mul3A_1170 = arith.muli %arg1, %mul3A_1169 : i32
    %mul3A_1171 = arith.constant 640 : i32
    %mul3A_1172 = arith.muli %arg1, %mul3A_1171 : i32
    "tpu.region"() ({
      %run_scoped3A = tpu.sem_alloc : memref<!tpu.dma_semaphore, #tpu.memory_space<semaphore_mem>>
      %dma_start3A = arith.constant 0 : i32
      %dma_start3A_1173 = tpu.memref_slice %arg3[%arg0, %mul3A_1172, %dma_start3A] : memref<2x10240x16xf32, #tpu.memory_space<hbm>> -> memref<1x640x16xf32, #tpu.memory_space<hbm>>
      %dma_start3A_1174 = tpu.memref_squeeze %dma_start3A_1173 : memref<1x640x16xf32, #tpu.memory_space<hbm>> -> memref<640x16xf32, #tpu.memory_space<hbm>>
      %dma_start3A_1175 = arith.constant 0 : i32
      %dma_start3A_1176 = tpu.memref_slice %arg7[%mul3A_1170, %dma_start3A_1175] : memref<10240x16xf32, #tpu.memory_space<vmem_shared>> -> memref<640x16xf32, #tpu.memory_space<vmem_shared>>
      tpu.enqueue_dma source(%dma_start3A_1176 : memref<640x16xf32, #tpu.memory_space<vmem_shared>>) target(%dma_start3A_1174 : memref<640x16xf32, #tpu.memory_space<hbm>>) target_semaphore(%run_scoped3A : memref<!tpu.dma_semaphore, #tpu.memory_space<semaphore_mem>>)
      %dma_wait3A = arith.constant 0 : i32
      %dma_wait3A_1177 = tpu.memref_slice %arg3[%arg0, %mul3A_1172, %dma_wait3A] : memref<2x10240x16xf32, #tpu.memory_space<hbm>> -> memref<1x640x16xf32, #tpu.memory_space<hbm>>
      %dma_wait3A_1178 = tpu.memref_squeeze %dma_wait3A_1177 : memref<1x640x16xf32, #tpu.memory_space<hbm>> -> memref<640x16xf32, #tpu.memory_space<hbm>>
      %dma_wait3A_1179 = arith.constant 0 : i32
      %dma_wait3A_1180 = tpu.memref_slice %arg7[%mul3A_1170, %dma_wait3A_1179] : memref<10240x16xf32, #tpu.memory_space<vmem_shared>> -> memref<640x16xf32, #tpu.memory_space<vmem_shared>>
      tpu.wait_dma2 semaphore(%run_scoped3A : memref<!tpu.dma_semaphore, #tpu.memory_space<semaphore_mem>>) src(%dma_wait3A_1180 : memref<640x16xf32, #tpu.memory_space<vmem_shared>>) dst(%dma_wait3A_1178 : memref<640x16xf32, #tpu.memory_space<hbm>>)
      tpu.yield
    }) : () -> ()
    return
  }
}

#map = affine_map<(d0, d1) -> (0, 0)>
#map1 = affine_map<(d0, d1) -> (0, 0, 0)>
module attributes {stable_mosaic.version = 14 : i64} {
  func.func @_agg_body(%arg0: i32, %arg1: i32, %arg2: memref<10000x128xf32, #tpu.memory_space<hbm>>, %arg3: memref<2560x128xi32, #tpu.memory_space<hbm>>, %arg4: memref<2560x128xi32, #tpu.memory_space<hbm>>, %arg5: memref<2x10240x128xf32, #tpu.memory_space<hbm>>, %arg6: memref<32x128xi32, #tpu.memory_space<vmem>>, %arg7: memref<32x128xi32, #tpu.memory_space<vmem>>, %arg8: memref<128x128xf32, #tpu.memory_space<vmem>>, %arg9: memref<128x128xf32, #tpu.memory_space<vmem>>, %arg10: memref<16x128xf32, #tpu.memory_space<vmem>>, %arg11: memref<10240x128xf32, #tpu.memory_space<vmem_shared>>, %arg12: memref<!tpu.dma_semaphore, #tpu.memory_space<semaphore_mem>>, %arg13: memref<!tpu.dma_semaphore, #tpu.memory_space<semaphore_mem>>) attributes {dimension_semantics = [#tpu.dimension_semantics<core_parallel>, #tpu.dimension_semantics<subcore_parallel>], iteration_bounds = array<i64: 2, 16>, scalar_prefetch = 0 : i64, scratch_operands = 8 : i64, tpu.core_type = #tpu.core_type<sc_vector_subcore>, window_params = [{transform_indices = #map}, {transform_indices = #map}, {transform_indices = #map}, {transform_indices = #map1}]} {
    %broadcast_in_dim3A = arith.constant 0.000000e+00 : f32
    %broadcast_in_dim3A_0 = vector.broadcast %broadcast_in_dim3A : f32 to vector<16xf32>
    %swap3A = arith.constant 0 : i32
    %swap3A_1 = arith.index_cast %swap3A : i32 to index
    %swap3A_2 = arith.constant 0 : index
    %swap3A_3 = tpu.vector_load %arg10[%swap3A_1, %swap3A_2] {strides = array<i32>} : memref<16x128xf32, #tpu.memory_space<vmem>>, vector<1x16xf32>,
    %swap3A_4 = vector.shape_cast %swap3A_3 : vector<1x16xf32> to vector<16xf32>
    %swap3A_5 = vector.shape_cast %broadcast_in_dim3A_0 : vector<16xf32> to vector<1x16xf32>
    tpu.vector_store %arg10[%swap3A_1, %swap3A_2], %swap3A_5 {strides = array<i32>} : memref<16x128xf32, #tpu.memory_space<vmem>>, vector<1x16xf32>,
    %swap3A_6 = arith.constant 0 : i32
    %swap3A_7 = arith.index_cast %swap3A_6 : i32 to index
    %swap3A_8 = arith.constant 16 : index
    %swap3A_9 = tpu.vector_load %arg10[%swap3A_7, %swap3A_8] {strides = array<i32>} : memref<16x128xf32, #tpu.memory_space<vmem>>, vector<1x16xf32>,
    %swap3A_10 = vector.shape_cast %swap3A_9 : vector<1x16xf32> to vector<16xf32>
    %swap3A_11 = vector.shape_cast %broadcast_in_dim3A_0 : vector<16xf32> to vector<1x16xf32>
    tpu.vector_store %arg10[%swap3A_7, %swap3A_8], %swap3A_11 {strides = array<i32>} : memref<16x128xf32, #tpu.memory_space<vmem>>, vector<1x16xf32>,
    %swap3A_12 = arith.constant 0 : i32
    %swap3A_13 = arith.index_cast %swap3A_12 : i32 to index
    %swap3A_14 = arith.constant 32 : index
    %swap3A_15 = tpu.vector_load %arg10[%swap3A_13, %swap3A_14] {strides = array<i32>} : memref<16x128xf32, #tpu.memory_space<vmem>>, vector<1x16xf32>,
    %swap3A_16 = vector.shape_cast %swap3A_15 : vector<1x16xf32> to vector<16xf32>
    %swap3A_17 = vector.shape_cast %broadcast_in_dim3A_0 : vector<16xf32> to vector<1x16xf32>
    tpu.vector_store %arg10[%swap3A_13, %swap3A_14], %swap3A_17 {strides = array<i32>} : memref<16x128xf32, #tpu.memory_space<vmem>>, vector<1x16xf32>,
    %swap3A_18 = arith.constant 0 : i32
    %swap3A_19 = arith.index_cast %swap3A_18 : i32 to index
    %swap3A_20 = arith.constant 48 : index
    %swap3A_21 = tpu.vector_load %arg10[%swap3A_19, %swap3A_20] {strides = array<i32>} : memref<16x128xf32, #tpu.memory_space<vmem>>, vector<1x16xf32>,
    %swap3A_22 = vector.shape_cast %swap3A_21 : vector<1x16xf32> to vector<16xf32>
    %swap3A_23 = vector.shape_cast %broadcast_in_dim3A_0 : vector<16xf32> to vector<1x16xf32>
    tpu.vector_store %arg10[%swap3A_19, %swap3A_20], %swap3A_23 {strides = array<i32>} : memref<16x128xf32, #tpu.memory_space<vmem>>, vector<1x16xf32>,
    %swap3A_24 = arith.constant 0 : i32
    %swap3A_25 = arith.index_cast %swap3A_24 : i32 to index
    %swap3A_26 = arith.constant 64 : index
    %swap3A_27 = tpu.vector_load %arg10[%swap3A_25, %swap3A_26] {strides = array<i32>} : memref<16x128xf32, #tpu.memory_space<vmem>>, vector<1x16xf32>,
    %swap3A_28 = vector.shape_cast %swap3A_27 : vector<1x16xf32> to vector<16xf32>
    %swap3A_29 = vector.shape_cast %broadcast_in_dim3A_0 : vector<16xf32> to vector<1x16xf32>
    tpu.vector_store %arg10[%swap3A_25, %swap3A_26], %swap3A_29 {strides = array<i32>} : memref<16x128xf32, #tpu.memory_space<vmem>>, vector<1x16xf32>,
    %swap3A_30 = arith.constant 0 : i32
    %swap3A_31 = arith.index_cast %swap3A_30 : i32 to index
    %swap3A_32 = arith.constant 80 : index
    %swap3A_33 = tpu.vector_load %arg10[%swap3A_31, %swap3A_32] {strides = array<i32>} : memref<16x128xf32, #tpu.memory_space<vmem>>, vector<1x16xf32>,
    %swap3A_34 = vector.shape_cast %swap3A_33 : vector<1x16xf32> to vector<16xf32>
    %swap3A_35 = vector.shape_cast %broadcast_in_dim3A_0 : vector<16xf32> to vector<1x16xf32>
    tpu.vector_store %arg10[%swap3A_31, %swap3A_32], %swap3A_35 {strides = array<i32>} : memref<16x128xf32, #tpu.memory_space<vmem>>, vector<1x16xf32>,
    %swap3A_36 = arith.constant 0 : i32
    %swap3A_37 = arith.index_cast %swap3A_36 : i32 to index
    %swap3A_38 = arith.constant 96 : index
    %swap3A_39 = tpu.vector_load %arg10[%swap3A_37, %swap3A_38] {strides = array<i32>} : memref<16x128xf32, #tpu.memory_space<vmem>>, vector<1x16xf32>,
    %swap3A_40 = vector.shape_cast %swap3A_39 : vector<1x16xf32> to vector<16xf32>
    %swap3A_41 = vector.shape_cast %broadcast_in_dim3A_0 : vector<16xf32> to vector<1x16xf32>
    tpu.vector_store %arg10[%swap3A_37, %swap3A_38], %swap3A_41 {strides = array<i32>} : memref<16x128xf32, #tpu.memory_space<vmem>>, vector<1x16xf32>,
    %swap3A_42 = arith.constant 0 : i32
    %swap3A_43 = arith.index_cast %swap3A_42 : i32 to index
    %swap3A_44 = arith.constant 112 : index
    %swap3A_45 = tpu.vector_load %arg10[%swap3A_43, %swap3A_44] {strides = array<i32>} : memref<16x128xf32, #tpu.memory_space<vmem>>, vector<1x16xf32>,
    %swap3A_46 = vector.shape_cast %swap3A_45 : vector<1x16xf32> to vector<16xf32>
    %swap3A_47 = vector.shape_cast %broadcast_in_dim3A_0 : vector<16xf32> to vector<1x16xf32>
    tpu.vector_store %arg10[%swap3A_43, %swap3A_44], %swap3A_47 {strides = array<i32>} : memref<16x128xf32, #tpu.memory_space<vmem>>, vector<1x16xf32>,
    %swap3A_48 = arith.constant 1 : i32
    %swap3A_49 = arith.index_cast %swap3A_48 : i32 to index
    %swap3A_50 = arith.constant 0 : index
    %swap3A_51 = tpu.vector_load %arg10[%swap3A_49, %swap3A_50] {strides = array<i32>} : memref<16x128xf32, #tpu.memory_space<vmem>>, vector<1x16xf32>,
    %swap3A_52 = vector.shape_cast %swap3A_51 : vector<1x16xf32> to vector<16xf32>
    %swap3A_53 = vector.shape_cast %broadcast_in_dim3A_0 : vector<16xf32> to vector<1x16xf32>
    tpu.vector_store %arg10[%swap3A_49, %swap3A_50], %swap3A_53 {strides = array<i32>} : memref<16x128xf32, #tpu.memory_space<vmem>>, vector<1x16xf32>,
    %swap3A_54 = arith.constant 1 : i32
    %swap3A_55 = arith.index_cast %swap3A_54 : i32 to index
    %swap3A_56 = arith.constant 16 : index
    %swap3A_57 = tpu.vector_load %arg10[%swap3A_55, %swap3A_56] {strides = array<i32>} : memref<16x128xf32, #tpu.memory_space<vmem>>, vector<1x16xf32>,
    %swap3A_58 = vector.shape_cast %swap3A_57 : vector<1x16xf32> to vector<16xf32>
    %swap3A_59 = vector.shape_cast %broadcast_in_dim3A_0 : vector<16xf32> to vector<1x16xf32>
    tpu.vector_store %arg10[%swap3A_55, %swap3A_56], %swap3A_59 {strides = array<i32>} : memref<16x128xf32, #tpu.memory_space<vmem>>, vector<1x16xf32>,
    %swap3A_60 = arith.constant 1 : i32
    %swap3A_61 = arith.index_cast %swap3A_60 : i32 to index
    %swap3A_62 = arith.constant 32 : index
    %swap3A_63 = tpu.vector_load %arg10[%swap3A_61, %swap3A_62] {strides = array<i32>} : memref<16x128xf32, #tpu.memory_space<vmem>>, vector<1x16xf32>,
    %swap3A_64 = vector.shape_cast %swap3A_63 : vector<1x16xf32> to vector<16xf32>
    %swap3A_65 = vector.shape_cast %broadcast_in_dim3A_0 : vector<16xf32> to vector<1x16xf32>
    tpu.vector_store %arg10[%swap3A_61, %swap3A_62], %swap3A_65 {strides = array<i32>} : memref<16x128xf32, #tpu.memory_space<vmem>>, vector<1x16xf32>,
    %swap3A_66 = arith.constant 1 : i32
    %swap3A_67 = arith.index_cast %swap3A_66 : i32 to index
    %swap3A_68 = arith.constant 48 : index
    %swap3A_69 = tpu.vector_load %arg10[%swap3A_67, %swap3A_68] {strides = array<i32>} : memref<16x128xf32, #tpu.memory_space<vmem>>, vector<1x16xf32>,
    %swap3A_70 = vector.shape_cast %swap3A_69 : vector<1x16xf32> to vector<16xf32>
    %swap3A_71 = vector.shape_cast %broadcast_in_dim3A_0 : vector<16xf32> to vector<1x16xf32>
    tpu.vector_store %arg10[%swap3A_67, %swap3A_68], %swap3A_71 {strides = array<i32>} : memref<16x128xf32, #tpu.memory_space<vmem>>, vector<1x16xf32>,
    %swap3A_72 = arith.constant 1 : i32
    %swap3A_73 = arith.index_cast %swap3A_72 : i32 to index
    %swap3A_74 = arith.constant 64 : index
    %swap3A_75 = tpu.vector_load %arg10[%swap3A_73, %swap3A_74] {strides = array<i32>} : memref<16x128xf32, #tpu.memory_space<vmem>>, vector<1x16xf32>,
    %swap3A_76 = vector.shape_cast %swap3A_75 : vector<1x16xf32> to vector<16xf32>
    %swap3A_77 = vector.shape_cast %broadcast_in_dim3A_0 : vector<16xf32> to vector<1x16xf32>
    tpu.vector_store %arg10[%swap3A_73, %swap3A_74], %swap3A_77 {strides = array<i32>} : memref<16x128xf32, #tpu.memory_space<vmem>>, vector<1x16xf32>,
    %swap3A_78 = arith.constant 1 : i32
    %swap3A_79 = arith.index_cast %swap3A_78 : i32 to index
    %swap3A_80 = arith.constant 80 : index
    %swap3A_81 = tpu.vector_load %arg10[%swap3A_79, %swap3A_80] {strides = array<i32>} : memref<16x128xf32, #tpu.memory_space<vmem>>, vector<1x16xf32>,
    %swap3A_82 = vector.shape_cast %swap3A_81 : vector<1x16xf32> to vector<16xf32>
    %swap3A_83 = vector.shape_cast %broadcast_in_dim3A_0 : vector<16xf32> to vector<1x16xf32>
    tpu.vector_store %arg10[%swap3A_79, %swap3A_80], %swap3A_83 {strides = array<i32>} : memref<16x128xf32, #tpu.memory_space<vmem>>, vector<1x16xf32>,
    %swap3A_84 = arith.constant 1 : i32
    %swap3A_85 = arith.index_cast %swap3A_84 : i32 to index
    %swap3A_86 = arith.constant 96 : index
    %swap3A_87 = tpu.vector_load %arg10[%swap3A_85, %swap3A_86] {strides = array<i32>} : memref<16x128xf32, #tpu.memory_space<vmem>>, vector<1x16xf32>,
    %swap3A_88 = vector.shape_cast %swap3A_87 : vector<1x16xf32> to vector<16xf32>
    %swap3A_89 = vector.shape_cast %broadcast_in_dim3A_0 : vector<16xf32> to vector<1x16xf32>
    tpu.vector_store %arg10[%swap3A_85, %swap3A_86], %swap3A_89 {strides = array<i32>} : memref<16x128xf32, #tpu.memory_space<vmem>>, vector<1x16xf32>,
    %swap3A_90 = arith.constant 1 : i32
    %swap3A_91 = arith.index_cast %swap3A_90 : i32 to index
    %swap3A_92 = arith.constant 112 : index
    %swap3A_93 = tpu.vector_load %arg10[%swap3A_91, %swap3A_92] {strides = array<i32>} : memref<16x128xf32, #tpu.memory_space<vmem>>, vector<1x16xf32>,
    %swap3A_94 = vector.shape_cast %swap3A_93 : vector<1x16xf32> to vector<16xf32>
    %swap3A_95 = vector.shape_cast %broadcast_in_dim3A_0 : vector<16xf32> to vector<1x16xf32>
    tpu.vector_store %arg10[%swap3A_91, %swap3A_92], %swap3A_95 {strides = array<i32>} : memref<16x128xf32, #tpu.memory_space<vmem>>, vector<1x16xf32>,
    %swap3A_96 = arith.constant 2 : i32
    %swap3A_97 = arith.index_cast %swap3A_96 : i32 to index
    %swap3A_98 = arith.constant 0 : index
    %swap3A_99 = tpu.vector_load %arg10[%swap3A_97, %swap3A_98] {strides = array<i32>} : memref<16x128xf32, #tpu.memory_space<vmem>>, vector<1x16xf32>,
    %swap3A_100 = vector.shape_cast %swap3A_99 : vector<1x16xf32> to vector<16xf32>
    %swap3A_101 = vector.shape_cast %broadcast_in_dim3A_0 : vector<16xf32> to vector<1x16xf32>
    tpu.vector_store %arg10[%swap3A_97, %swap3A_98], %swap3A_101 {strides = array<i32>} : memref<16x128xf32, #tpu.memory_space<vmem>>, vector<1x16xf32>,
    %swap3A_102 = arith.constant 2 : i32
    %swap3A_103 = arith.index_cast %swap3A_102 : i32 to index
    %swap3A_104 = arith.constant 16 : index
    %swap3A_105 = tpu.vector_load %arg10[%swap3A_103, %swap3A_104] {strides = array<i32>} : memref<16x128xf32, #tpu.memory_space<vmem>>, vector<1x16xf32>,
    %swap3A_106 = vector.shape_cast %swap3A_105 : vector<1x16xf32> to vector<16xf32>
    %swap3A_107 = vector.shape_cast %broadcast_in_dim3A_0 : vector<16xf32> to vector<1x16xf32>
    tpu.vector_store %arg10[%swap3A_103, %swap3A_104], %swap3A_107 {strides = array<i32>} : memref<16x128xf32, #tpu.memory_space<vmem>>, vector<1x16xf32>,
    %swap3A_108 = arith.constant 2 : i32
    %swap3A_109 = arith.index_cast %swap3A_108 : i32 to index
    %swap3A_110 = arith.constant 32 : index
    %swap3A_111 = tpu.vector_load %arg10[%swap3A_109, %swap3A_110] {strides = array<i32>} : memref<16x128xf32, #tpu.memory_space<vmem>>, vector<1x16xf32>,
    %swap3A_112 = vector.shape_cast %swap3A_111 : vector<1x16xf32> to vector<16xf32>
    %swap3A_113 = vector.shape_cast %broadcast_in_dim3A_0 : vector<16xf32> to vector<1x16xf32>
    tpu.vector_store %arg10[%swap3A_109, %swap3A_110], %swap3A_113 {strides = array<i32>} : memref<16x128xf32, #tpu.memory_space<vmem>>, vector<1x16xf32>,
    %swap3A_114 = arith.constant 2 : i32
    %swap3A_115 = arith.index_cast %swap3A_114 : i32 to index
    %swap3A_116 = arith.constant 48 : index
    %swap3A_117 = tpu.vector_load %arg10[%swap3A_115, %swap3A_116] {strides = array<i32>} : memref<16x128xf32, #tpu.memory_space<vmem>>, vector<1x16xf32>,
    %swap3A_118 = vector.shape_cast %swap3A_117 : vector<1x16xf32> to vector<16xf32>
    %swap3A_119 = vector.shape_cast %broadcast_in_dim3A_0 : vector<16xf32> to vector<1x16xf32>
    tpu.vector_store %arg10[%swap3A_115, %swap3A_116], %swap3A_119 {strides = array<i32>} : memref<16x128xf32, #tpu.memory_space<vmem>>, vector<1x16xf32>,
    %swap3A_120 = arith.constant 2 : i32
    %swap3A_121 = arith.index_cast %swap3A_120 : i32 to index
    %swap3A_122 = arith.constant 64 : index
    %swap3A_123 = tpu.vector_load %arg10[%swap3A_121, %swap3A_122] {strides = array<i32>} : memref<16x128xf32, #tpu.memory_space<vmem>>, vector<1x16xf32>,
    %swap3A_124 = vector.shape_cast %swap3A_123 : vector<1x16xf32> to vector<16xf32>
    %swap3A_125 = vector.shape_cast %broadcast_in_dim3A_0 : vector<16xf32> to vector<1x16xf32>
    tpu.vector_store %arg10[%swap3A_121, %swap3A_122], %swap3A_125 {strides = array<i32>} : memref<16x128xf32, #tpu.memory_space<vmem>>, vector<1x16xf32>,
    %swap3A_126 = arith.constant 2 : i32
    %swap3A_127 = arith.index_cast %swap3A_126 : i32 to index
    %swap3A_128 = arith.constant 80 : index
    %swap3A_129 = tpu.vector_load %arg10[%swap3A_127, %swap3A_128] {strides = array<i32>} : memref<16x128xf32, #tpu.memory_space<vmem>>, vector<1x16xf32>,
    %swap3A_130 = vector.shape_cast %swap3A_129 : vector<1x16xf32> to vector<16xf32>
    %swap3A_131 = vector.shape_cast %broadcast_in_dim3A_0 : vector<16xf32> to vector<1x16xf32>
    tpu.vector_store %arg10[%swap3A_127, %swap3A_128], %swap3A_131 {strides = array<i32>} : memref<16x128xf32, #tpu.memory_space<vmem>>, vector<1x16xf32>,
    %swap3A_132 = arith.constant 2 : i32
    %swap3A_133 = arith.index_cast %swap3A_132 : i32 to index
    %swap3A_134 = arith.constant 96 : index
    %swap3A_135 = tpu.vector_load %arg10[%swap3A_133, %swap3A_134] {strides = array<i32>} : memref<16x128xf32, #tpu.memory_space<vmem>>, vector<1x16xf32>,
    %swap3A_136 = vector.shape_cast %swap3A_135 : vector<1x16xf32> to vector<16xf32>
    %swap3A_137 = vector.shape_cast %broadcast_in_dim3A_0 : vector<16xf32> to vector<1x16xf32>
    tpu.vector_store %arg10[%swap3A_133, %swap3A_134], %swap3A_137 {strides = array<i32>} : memref<16x128xf32, #tpu.memory_space<vmem>>, vector<1x16xf32>,
    %swap3A_138 = arith.constant 2 : i32
    %swap3A_139 = arith.index_cast %swap3A_138 : i32 to index
    %swap3A_140 = arith.constant 112 : index
    %swap3A_141 = tpu.vector_load %arg10[%swap3A_139, %swap3A_140] {strides = array<i32>} : memref<16x128xf32, #tpu.memory_space<vmem>>, vector<1x16xf32>,
    %swap3A_142 = vector.shape_cast %swap3A_141 : vector<1x16xf32> to vector<16xf32>
    %swap3A_143 = vector.shape_cast %broadcast_in_dim3A_0 : vector<16xf32> to vector<1x16xf32>
    tpu.vector_store %arg10[%swap3A_139, %swap3A_140], %swap3A_143 {strides = array<i32>} : memref<16x128xf32, #tpu.memory_space<vmem>>, vector<1x16xf32>,
    %swap3A_144 = arith.constant 3 : i32
    %swap3A_145 = arith.index_cast %swap3A_144 : i32 to index
    %swap3A_146 = arith.constant 0 : index
    %swap3A_147 = tpu.vector_load %arg10[%swap3A_145, %swap3A_146] {strides = array<i32>} : memref<16x128xf32, #tpu.memory_space<vmem>>, vector<1x16xf32>,
    %swap3A_148 = vector.shape_cast %swap3A_147 : vector<1x16xf32> to vector<16xf32>
    %swap3A_149 = vector.shape_cast %broadcast_in_dim3A_0 : vector<16xf32> to vector<1x16xf32>
    tpu.vector_store %arg10[%swap3A_145, %swap3A_146], %swap3A_149 {strides = array<i32>} : memref<16x128xf32, #tpu.memory_space<vmem>>, vector<1x16xf32>,
    %swap3A_150 = arith.constant 3 : i32
    %swap3A_151 = arith.index_cast %swap3A_150 : i32 to index
    %swap3A_152 = arith.constant 16 : index
    %swap3A_153 = tpu.vector_load %arg10[%swap3A_151, %swap3A_152] {strides = array<i32>} : memref<16x128xf32, #tpu.memory_space<vmem>>, vector<1x16xf32>,
    %swap3A_154 = vector.shape_cast %swap3A_153 : vector<1x16xf32> to vector<16xf32>
    %swap3A_155 = vector.shape_cast %broadcast_in_dim3A_0 : vector<16xf32> to vector<1x16xf32>
    tpu.vector_store %arg10[%swap3A_151, %swap3A_152], %swap3A_155 {strides = array<i32>} : memref<16x128xf32, #tpu.memory_space<vmem>>, vector<1x16xf32>,
    %swap3A_156 = arith.constant 3 : i32
    %swap3A_157 = arith.index_cast %swap3A_156 : i32 to index
    %swap3A_158 = arith.constant 32 : index
    %swap3A_159 = tpu.vector_load %arg10[%swap3A_157, %swap3A_158] {strides = array<i32>} : memref<16x128xf32, #tpu.memory_space<vmem>>, vector<1x16xf32>,
    %swap3A_160 = vector.shape_cast %swap3A_159 : vector<1x16xf32> to vector<16xf32>
    %swap3A_161 = vector.shape_cast %broadcast_in_dim3A_0 : vector<16xf32> to vector<1x16xf32>
    tpu.vector_store %arg10[%swap3A_157, %swap3A_158], %swap3A_161 {strides = array<i32>} : memref<16x128xf32, #tpu.memory_space<vmem>>, vector<1x16xf32>,
    %swap3A_162 = arith.constant 3 : i32
    %swap3A_163 = arith.index_cast %swap3A_162 : i32 to index
    %swap3A_164 = arith.constant 48 : index
    %swap3A_165 = tpu.vector_load %arg10[%swap3A_163, %swap3A_164] {strides = array<i32>} : memref<16x128xf32, #tpu.memory_space<vmem>>, vector<1x16xf32>,
    %swap3A_166 = vector.shape_cast %swap3A_165 : vector<1x16xf32> to vector<16xf32>
    %swap3A_167 = vector.shape_cast %broadcast_in_dim3A_0 : vector<16xf32> to vector<1x16xf32>
    tpu.vector_store %arg10[%swap3A_163, %swap3A_164], %swap3A_167 {strides = array<i32>} : memref<16x128xf32, #tpu.memory_space<vmem>>, vector<1x16xf32>,
    %swap3A_168 = arith.constant 3 : i32
    %swap3A_169 = arith.index_cast %swap3A_168 : i32 to index
    %swap3A_170 = arith.constant 64 : index
    %swap3A_171 = tpu.vector_load %arg10[%swap3A_169, %swap3A_170] {strides = array<i32>} : memref<16x128xf32, #tpu.memory_space<vmem>>, vector<1x16xf32>,
    %swap3A_172 = vector.shape_cast %swap3A_171 : vector<1x16xf32> to vector<16xf32>
    %swap3A_173 = vector.shape_cast %broadcast_in_dim3A_0 : vector<16xf32> to vector<1x16xf32>
    tpu.vector_store %arg10[%swap3A_169, %swap3A_170], %swap3A_173 {strides = array<i32>} : memref<16x128xf32, #tpu.memory_space<vmem>>, vector<1x16xf32>,
    %swap3A_174 = arith.constant 3 : i32
    %swap3A_175 = arith.index_cast %swap3A_174 : i32 to index
    %swap3A_176 = arith.constant 80 : index
    %swap3A_177 = tpu.vector_load %arg10[%swap3A_175, %swap3A_176] {strides = array<i32>} : memref<16x128xf32, #tpu.memory_space<vmem>>, vector<1x16xf32>,
    %swap3A_178 = vector.shape_cast %swap3A_177 : vector<1x16xf32> to vector<16xf32>
    %swap3A_179 = vector.shape_cast %broadcast_in_dim3A_0 : vector<16xf32> to vector<1x16xf32>
    tpu.vector_store %arg10[%swap3A_175, %swap3A_176], %swap3A_179 {strides = array<i32>} : memref<16x128xf32, #tpu.memory_space<vmem>>, vector<1x16xf32>,
    %swap3A_180 = arith.constant 3 : i32
    %swap3A_181 = arith.index_cast %swap3A_180 : i32 to index
    %swap3A_182 = arith.constant 96 : index
    %swap3A_183 = tpu.vector_load %arg10[%swap3A_181, %swap3A_182] {strides = array<i32>} : memref<16x128xf32, #tpu.memory_space<vmem>>, vector<1x16xf32>,
    %swap3A_184 = vector.shape_cast %swap3A_183 : vector<1x16xf32> to vector<16xf32>
    %swap3A_185 = vector.shape_cast %broadcast_in_dim3A_0 : vector<16xf32> to vector<1x16xf32>
    tpu.vector_store %arg10[%swap3A_181, %swap3A_182], %swap3A_185 {strides = array<i32>} : memref<16x128xf32, #tpu.memory_space<vmem>>, vector<1x16xf32>,
    %swap3A_186 = arith.constant 3 : i32
    %swap3A_187 = arith.index_cast %swap3A_186 : i32 to index
    %swap3A_188 = arith.constant 112 : index
    %swap3A_189 = tpu.vector_load %arg10[%swap3A_187, %swap3A_188] {strides = array<i32>} : memref<16x128xf32, #tpu.memory_space<vmem>>, vector<1x16xf32>,
    %swap3A_190 = vector.shape_cast %swap3A_189 : vector<1x16xf32> to vector<16xf32>
    %swap3A_191 = vector.shape_cast %broadcast_in_dim3A_0 : vector<16xf32> to vector<1x16xf32>
    tpu.vector_store %arg10[%swap3A_187, %swap3A_188], %swap3A_191 {strides = array<i32>} : memref<16x128xf32, #tpu.memory_space<vmem>>, vector<1x16xf32>,
    %swap3A_192 = arith.constant 4 : i32
    %swap3A_193 = arith.index_cast %swap3A_192 : i32 to index
    %swap3A_194 = arith.constant 0 : index
    %swap3A_195 = tpu.vector_load %arg10[%swap3A_193, %swap3A_194] {strides = array<i32>} : memref<16x128xf32, #tpu.memory_space<vmem>>, vector<1x16xf32>,
    %swap3A_196 = vector.shape_cast %swap3A_195 : vector<1x16xf32> to vector<16xf32>
    %swap3A_197 = vector.shape_cast %broadcast_in_dim3A_0 : vector<16xf32> to vector<1x16xf32>
    tpu.vector_store %arg10[%swap3A_193, %swap3A_194], %swap3A_197 {strides = array<i32>} : memref<16x128xf32, #tpu.memory_space<vmem>>, vector<1x16xf32>,
    %swap3A_198 = arith.constant 4 : i32
    %swap3A_199 = arith.index_cast %swap3A_198 : i32 to index
    %swap3A_200 = arith.constant 16 : index
    %swap3A_201 = tpu.vector_load %arg10[%swap3A_199, %swap3A_200] {strides = array<i32>} : memref<16x128xf32, #tpu.memory_space<vmem>>, vector<1x16xf32>,
    %swap3A_202 = vector.shape_cast %swap3A_201 : vector<1x16xf32> to vector<16xf32>
    %swap3A_203 = vector.shape_cast %broadcast_in_dim3A_0 : vector<16xf32> to vector<1x16xf32>
    tpu.vector_store %arg10[%swap3A_199, %swap3A_200], %swap3A_203 {strides = array<i32>} : memref<16x128xf32, #tpu.memory_space<vmem>>, vector<1x16xf32>,
    %swap3A_204 = arith.constant 4 : i32
    %swap3A_205 = arith.index_cast %swap3A_204 : i32 to index
    %swap3A_206 = arith.constant 32 : index
    %swap3A_207 = tpu.vector_load %arg10[%swap3A_205, %swap3A_206] {strides = array<i32>} : memref<16x128xf32, #tpu.memory_space<vmem>>, vector<1x16xf32>,
    %swap3A_208 = vector.shape_cast %swap3A_207 : vector<1x16xf32> to vector<16xf32>
    %swap3A_209 = vector.shape_cast %broadcast_in_dim3A_0 : vector<16xf32> to vector<1x16xf32>
    tpu.vector_store %arg10[%swap3A_205, %swap3A_206], %swap3A_209 {strides = array<i32>} : memref<16x128xf32, #tpu.memory_space<vmem>>, vector<1x16xf32>,
    %swap3A_210 = arith.constant 4 : i32
    %swap3A_211 = arith.index_cast %swap3A_210 : i32 to index
    %swap3A_212 = arith.constant 48 : index
    %swap3A_213 = tpu.vector_load %arg10[%swap3A_211, %swap3A_212] {strides = array<i32>} : memref<16x128xf32, #tpu.memory_space<vmem>>, vector<1x16xf32>,
    %swap3A_214 = vector.shape_cast %swap3A_213 : vector<1x16xf32> to vector<16xf32>
    %swap3A_215 = vector.shape_cast %broadcast_in_dim3A_0 : vector<16xf32> to vector<1x16xf32>
    tpu.vector_store %arg10[%swap3A_211, %swap3A_212], %swap3A_215 {strides = array<i32>} : memref<16x128xf32, #tpu.memory_space<vmem>>, vector<1x16xf32>,
    %swap3A_216 = arith.constant 4 : i32
    %swap3A_217 = arith.index_cast %swap3A_216 : i32 to index
    %swap3A_218 = arith.constant 64 : index
    %swap3A_219 = tpu.vector_load %arg10[%swap3A_217, %swap3A_218] {strides = array<i32>} : memref<16x128xf32, #tpu.memory_space<vmem>>, vector<1x16xf32>,
    %swap3A_220 = vector.shape_cast %swap3A_219 : vector<1x16xf32> to vector<16xf32>
    %swap3A_221 = vector.shape_cast %broadcast_in_dim3A_0 : vector<16xf32> to vector<1x16xf32>
    tpu.vector_store %arg10[%swap3A_217, %swap3A_218], %swap3A_221 {strides = array<i32>} : memref<16x128xf32, #tpu.memory_space<vmem>>, vector<1x16xf32>,
    %swap3A_222 = arith.constant 4 : i32
    %swap3A_223 = arith.index_cast %swap3A_222 : i32 to index
    %swap3A_224 = arith.constant 80 : index
    %swap3A_225 = tpu.vector_load %arg10[%swap3A_223, %swap3A_224] {strides = array<i32>} : memref<16x128xf32, #tpu.memory_space<vmem>>, vector<1x16xf32>,
    %swap3A_226 = vector.shape_cast %swap3A_225 : vector<1x16xf32> to vector<16xf32>
    %swap3A_227 = vector.shape_cast %broadcast_in_dim3A_0 : vector<16xf32> to vector<1x16xf32>
    tpu.vector_store %arg10[%swap3A_223, %swap3A_224], %swap3A_227 {strides = array<i32>} : memref<16x128xf32, #tpu.memory_space<vmem>>, vector<1x16xf32>,
    %swap3A_228 = arith.constant 4 : i32
    %swap3A_229 = arith.index_cast %swap3A_228 : i32 to index
    %swap3A_230 = arith.constant 96 : index
    %swap3A_231 = tpu.vector_load %arg10[%swap3A_229, %swap3A_230] {strides = array<i32>} : memref<16x128xf32, #tpu.memory_space<vmem>>, vector<1x16xf32>,
    %swap3A_232 = vector.shape_cast %swap3A_231 : vector<1x16xf32> to vector<16xf32>
    %swap3A_233 = vector.shape_cast %broadcast_in_dim3A_0 : vector<16xf32> to vector<1x16xf32>
    tpu.vector_store %arg10[%swap3A_229, %swap3A_230], %swap3A_233 {strides = array<i32>} : memref<16x128xf32, #tpu.memory_space<vmem>>, vector<1x16xf32>,
    %swap3A_234 = arith.constant 4 : i32
    %swap3A_235 = arith.index_cast %swap3A_234 : i32 to index
    %swap3A_236 = arith.constant 112 : index
    %swap3A_237 = tpu.vector_load %arg10[%swap3A_235, %swap3A_236] {strides = array<i32>} : memref<16x128xf32, #tpu.memory_space<vmem>>, vector<1x16xf32>,
    %swap3A_238 = vector.shape_cast %swap3A_237 : vector<1x16xf32> to vector<16xf32>
    %swap3A_239 = vector.shape_cast %broadcast_in_dim3A_0 : vector<16xf32> to vector<1x16xf32>
    tpu.vector_store %arg10[%swap3A_235, %swap3A_236], %swap3A_239 {strides = array<i32>} : memref<16x128xf32, #tpu.memory_space<vmem>>, vector<1x16xf32>,
    %swap3A_240 = arith.constant 5 : i32
    %swap3A_241 = arith.index_cast %swap3A_240 : i32 to index
    %swap3A_242 = arith.constant 0 : index
    %swap3A_243 = tpu.vector_load %arg10[%swap3A_241, %swap3A_242] {strides = array<i32>} : memref<16x128xf32, #tpu.memory_space<vmem>>, vector<1x16xf32>,
    %swap3A_244 = vector.shape_cast %swap3A_243 : vector<1x16xf32> to vector<16xf32>
    %swap3A_245 = vector.shape_cast %broadcast_in_dim3A_0 : vector<16xf32> to vector<1x16xf32>
    tpu.vector_store %arg10[%swap3A_241, %swap3A_242], %swap3A_245 {strides = array<i32>} : memref<16x128xf32, #tpu.memory_space<vmem>>, vector<1x16xf32>,
    %swap3A_246 = arith.constant 5 : i32
    %swap3A_247 = arith.index_cast %swap3A_246 : i32 to index
    %swap3A_248 = arith.constant 16 : index
    %swap3A_249 = tpu.vector_load %arg10[%swap3A_247, %swap3A_248] {strides = array<i32>} : memref<16x128xf32, #tpu.memory_space<vmem>>, vector<1x16xf32>,
    %swap3A_250 = vector.shape_cast %swap3A_249 : vector<1x16xf32> to vector<16xf32>
    %swap3A_251 = vector.shape_cast %broadcast_in_dim3A_0 : vector<16xf32> to vector<1x16xf32>
    tpu.vector_store %arg10[%swap3A_247, %swap3A_248], %swap3A_251 {strides = array<i32>} : memref<16x128xf32, #tpu.memory_space<vmem>>, vector<1x16xf32>,
    %swap3A_252 = arith.constant 5 : i32
    %swap3A_253 = arith.index_cast %swap3A_252 : i32 to index
    %swap3A_254 = arith.constant 32 : index
    %swap3A_255 = tpu.vector_load %arg10[%swap3A_253, %swap3A_254] {strides = array<i32>} : memref<16x128xf32, #tpu.memory_space<vmem>>, vector<1x16xf32>,
    %swap3A_256 = vector.shape_cast %swap3A_255 : vector<1x16xf32> to vector<16xf32>
    %swap3A_257 = vector.shape_cast %broadcast_in_dim3A_0 : vector<16xf32> to vector<1x16xf32>
    tpu.vector_store %arg10[%swap3A_253, %swap3A_254], %swap3A_257 {strides = array<i32>} : memref<16x128xf32, #tpu.memory_space<vmem>>, vector<1x16xf32>,
    %swap3A_258 = arith.constant 5 : i32
    %swap3A_259 = arith.index_cast %swap3A_258 : i32 to index
    %swap3A_260 = arith.constant 48 : index
    %swap3A_261 = tpu.vector_load %arg10[%swap3A_259, %swap3A_260] {strides = array<i32>} : memref<16x128xf32, #tpu.memory_space<vmem>>, vector<1x16xf32>,
    %swap3A_262 = vector.shape_cast %swap3A_261 : vector<1x16xf32> to vector<16xf32>
    %swap3A_263 = vector.shape_cast %broadcast_in_dim3A_0 : vector<16xf32> to vector<1x16xf32>
    tpu.vector_store %arg10[%swap3A_259, %swap3A_260], %swap3A_263 {strides = array<i32>} : memref<16x128xf32, #tpu.memory_space<vmem>>, vector<1x16xf32>,
    %swap3A_264 = arith.constant 5 : i32
    %swap3A_265 = arith.index_cast %swap3A_264 : i32 to index
    %swap3A_266 = arith.constant 64 : index
    %swap3A_267 = tpu.vector_load %arg10[%swap3A_265, %swap3A_266] {strides = array<i32>} : memref<16x128xf32, #tpu.memory_space<vmem>>, vector<1x16xf32>,
    %swap3A_268 = vector.shape_cast %swap3A_267 : vector<1x16xf32> to vector<16xf32>
    %swap3A_269 = vector.shape_cast %broadcast_in_dim3A_0 : vector<16xf32> to vector<1x16xf32>
    tpu.vector_store %arg10[%swap3A_265, %swap3A_266], %swap3A_269 {strides = array<i32>} : memref<16x128xf32, #tpu.memory_space<vmem>>, vector<1x16xf32>,
    %swap3A_270 = arith.constant 5 : i32
    %swap3A_271 = arith.index_cast %swap3A_270 : i32 to index
    %swap3A_272 = arith.constant 80 : index
    %swap3A_273 = tpu.vector_load %arg10[%swap3A_271, %swap3A_272] {strides = array<i32>} : memref<16x128xf32, #tpu.memory_space<vmem>>, vector<1x16xf32>,
    %swap3A_274 = vector.shape_cast %swap3A_273 : vector<1x16xf32> to vector<16xf32>
    %swap3A_275 = vector.shape_cast %broadcast_in_dim3A_0 : vector<16xf32> to vector<1x16xf32>
    tpu.vector_store %arg10[%swap3A_271, %swap3A_272], %swap3A_275 {strides = array<i32>} : memref<16x128xf32, #tpu.memory_space<vmem>>, vector<1x16xf32>,
    %swap3A_276 = arith.constant 5 : i32
    %swap3A_277 = arith.index_cast %swap3A_276 : i32 to index
    %swap3A_278 = arith.constant 96 : index
    %swap3A_279 = tpu.vector_load %arg10[%swap3A_277, %swap3A_278] {strides = array<i32>} : memref<16x128xf32, #tpu.memory_space<vmem>>, vector<1x16xf32>,
    %swap3A_280 = vector.shape_cast %swap3A_279 : vector<1x16xf32> to vector<16xf32>
    %swap3A_281 = vector.shape_cast %broadcast_in_dim3A_0 : vector<16xf32> to vector<1x16xf32>
    tpu.vector_store %arg10[%swap3A_277, %swap3A_278], %swap3A_281 {strides = array<i32>} : memref<16x128xf32, #tpu.memory_space<vmem>>, vector<1x16xf32>,
    %swap3A_282 = arith.constant 5 : i32
    %swap3A_283 = arith.index_cast %swap3A_282 : i32 to index
    %swap3A_284 = arith.constant 112 : index
    %swap3A_285 = tpu.vector_load %arg10[%swap3A_283, %swap3A_284] {strides = array<i32>} : memref<16x128xf32, #tpu.memory_space<vmem>>, vector<1x16xf32>,
    %swap3A_286 = vector.shape_cast %swap3A_285 : vector<1x16xf32> to vector<16xf32>
    %swap3A_287 = vector.shape_cast %broadcast_in_dim3A_0 : vector<16xf32> to vector<1x16xf32>
    tpu.vector_store %arg10[%swap3A_283, %swap3A_284], %swap3A_287 {strides = array<i32>} : memref<16x128xf32, #tpu.memory_space<vmem>>, vector<1x16xf32>,
    %swap3A_288 = arith.constant 6 : i32
    %swap3A_289 = arith.index_cast %swap3A_288 : i32 to index
    %swap3A_290 = arith.constant 0 : index
    %swap3A_291 = tpu.vector_load %arg10[%swap3A_289, %swap3A_290] {strides = array<i32>} : memref<16x128xf32, #tpu.memory_space<vmem>>, vector<1x16xf32>,
    %swap3A_292 = vector.shape_cast %swap3A_291 : vector<1x16xf32> to vector<16xf32>
    %swap3A_293 = vector.shape_cast %broadcast_in_dim3A_0 : vector<16xf32> to vector<1x16xf32>
    tpu.vector_store %arg10[%swap3A_289, %swap3A_290], %swap3A_293 {strides = array<i32>} : memref<16x128xf32, #tpu.memory_space<vmem>>, vector<1x16xf32>,
    %swap3A_294 = arith.constant 6 : i32
    %swap3A_295 = arith.index_cast %swap3A_294 : i32 to index
    %swap3A_296 = arith.constant 16 : index
    %swap3A_297 = tpu.vector_load %arg10[%swap3A_295, %swap3A_296] {strides = array<i32>} : memref<16x128xf32, #tpu.memory_space<vmem>>, vector<1x16xf32>,
    %swap3A_298 = vector.shape_cast %swap3A_297 : vector<1x16xf32> to vector<16xf32>
    %swap3A_299 = vector.shape_cast %broadcast_in_dim3A_0 : vector<16xf32> to vector<1x16xf32>
    tpu.vector_store %arg10[%swap3A_295, %swap3A_296], %swap3A_299 {strides = array<i32>} : memref<16x128xf32, #tpu.memory_space<vmem>>, vector<1x16xf32>,
    %swap3A_300 = arith.constant 6 : i32
    %swap3A_301 = arith.index_cast %swap3A_300 : i32 to index
    %swap3A_302 = arith.constant 32 : index
    %swap3A_303 = tpu.vector_load %arg10[%swap3A_301, %swap3A_302] {strides = array<i32>} : memref<16x128xf32, #tpu.memory_space<vmem>>, vector<1x16xf32>,
    %swap3A_304 = vector.shape_cast %swap3A_303 : vector<1x16xf32> to vector<16xf32>
    %swap3A_305 = vector.shape_cast %broadcast_in_dim3A_0 : vector<16xf32> to vector<1x16xf32>
    tpu.vector_store %arg10[%swap3A_301, %swap3A_302], %swap3A_305 {strides = array<i32>} : memref<16x128xf32, #tpu.memory_space<vmem>>, vector<1x16xf32>,
    %swap3A_306 = arith.constant 6 : i32
    %swap3A_307 = arith.index_cast %swap3A_306 : i32 to index
    %swap3A_308 = arith.constant 48 : index
    %swap3A_309 = tpu.vector_load %arg10[%swap3A_307, %swap3A_308] {strides = array<i32>} : memref<16x128xf32, #tpu.memory_space<vmem>>, vector<1x16xf32>,
    %swap3A_310 = vector.shape_cast %swap3A_309 : vector<1x16xf32> to vector<16xf32>
    %swap3A_311 = vector.shape_cast %broadcast_in_dim3A_0 : vector<16xf32> to vector<1x16xf32>
    tpu.vector_store %arg10[%swap3A_307, %swap3A_308], %swap3A_311 {strides = array<i32>} : memref<16x128xf32, #tpu.memory_space<vmem>>, vector<1x16xf32>,
    %swap3A_312 = arith.constant 6 : i32
    %swap3A_313 = arith.index_cast %swap3A_312 : i32 to index
    %swap3A_314 = arith.constant 64 : index
    %swap3A_315 = tpu.vector_load %arg10[%swap3A_313, %swap3A_314] {strides = array<i32>} : memref<16x128xf32, #tpu.memory_space<vmem>>, vector<1x16xf32>,
    %swap3A_316 = vector.shape_cast %swap3A_315 : vector<1x16xf32> to vector<16xf32>
    %swap3A_317 = vector.shape_cast %broadcast_in_dim3A_0 : vector<16xf32> to vector<1x16xf32>
    tpu.vector_store %arg10[%swap3A_313, %swap3A_314], %swap3A_317 {strides = array<i32>} : memref<16x128xf32, #tpu.memory_space<vmem>>, vector<1x16xf32>,
    %swap3A_318 = arith.constant 6 : i32
    %swap3A_319 = arith.index_cast %swap3A_318 : i32 to index
    %swap3A_320 = arith.constant 80 : index
    %swap3A_321 = tpu.vector_load %arg10[%swap3A_319, %swap3A_320] {strides = array<i32>} : memref<16x128xf32, #tpu.memory_space<vmem>>, vector<1x16xf32>,
    %swap3A_322 = vector.shape_cast %swap3A_321 : vector<1x16xf32> to vector<16xf32>
    %swap3A_323 = vector.shape_cast %broadcast_in_dim3A_0 : vector<16xf32> to vector<1x16xf32>
    tpu.vector_store %arg10[%swap3A_319, %swap3A_320], %swap3A_323 {strides = array<i32>} : memref<16x128xf32, #tpu.memory_space<vmem>>, vector<1x16xf32>,
    %swap3A_324 = arith.constant 6 : i32
    %swap3A_325 = arith.index_cast %swap3A_324 : i32 to index
    %swap3A_326 = arith.constant 96 : index
    %swap3A_327 = tpu.vector_load %arg10[%swap3A_325, %swap3A_326] {strides = array<i32>} : memref<16x128xf32, #tpu.memory_space<vmem>>, vector<1x16xf32>,
    %swap3A_328 = vector.shape_cast %swap3A_327 : vector<1x16xf32> to vector<16xf32>
    %swap3A_329 = vector.shape_cast %broadcast_in_dim3A_0 : vector<16xf32> to vector<1x16xf32>
    tpu.vector_store %arg10[%swap3A_325, %swap3A_326], %swap3A_329 {strides = array<i32>} : memref<16x128xf32, #tpu.memory_space<vmem>>, vector<1x16xf32>,
    %swap3A_330 = arith.constant 6 : i32
    %swap3A_331 = arith.index_cast %swap3A_330 : i32 to index
    %swap3A_332 = arith.constant 112 : index
    %swap3A_333 = tpu.vector_load %arg10[%swap3A_331, %swap3A_332] {strides = array<i32>} : memref<16x128xf32, #tpu.memory_space<vmem>>, vector<1x16xf32>,
    %swap3A_334 = vector.shape_cast %swap3A_333 : vector<1x16xf32> to vector<16xf32>
    %swap3A_335 = vector.shape_cast %broadcast_in_dim3A_0 : vector<16xf32> to vector<1x16xf32>
    tpu.vector_store %arg10[%swap3A_331, %swap3A_332], %swap3A_335 {strides = array<i32>} : memref<16x128xf32, #tpu.memory_space<vmem>>, vector<1x16xf32>,
    %swap3A_336 = arith.constant 7 : i32
    %swap3A_337 = arith.index_cast %swap3A_336 : i32 to index
    %swap3A_338 = arith.constant 0 : index
    %swap3A_339 = tpu.vector_load %arg10[%swap3A_337, %swap3A_338] {strides = array<i32>} : memref<16x128xf32, #tpu.memory_space<vmem>>, vector<1x16xf32>,
    %swap3A_340 = vector.shape_cast %swap3A_339 : vector<1x16xf32> to vector<16xf32>
    %swap3A_341 = vector.shape_cast %broadcast_in_dim3A_0 : vector<16xf32> to vector<1x16xf32>
    tpu.vector_store %arg10[%swap3A_337, %swap3A_338], %swap3A_341 {strides = array<i32>} : memref<16x128xf32, #tpu.memory_space<vmem>>, vector<1x16xf32>,
    %swap3A_342 = arith.constant 7 : i32
    %swap3A_343 = arith.index_cast %swap3A_342 : i32 to index
    %swap3A_344 = arith.constant 16 : index
    %swap3A_345 = tpu.vector_load %arg10[%swap3A_343, %swap3A_344] {strides = array<i32>} : memref<16x128xf32, #tpu.memory_space<vmem>>, vector<1x16xf32>,
    %swap3A_346 = vector.shape_cast %swap3A_345 : vector<1x16xf32> to vector<16xf32>
    %swap3A_347 = vector.shape_cast %broadcast_in_dim3A_0 : vector<16xf32> to vector<1x16xf32>
    tpu.vector_store %arg10[%swap3A_343, %swap3A_344], %swap3A_347 {strides = array<i32>} : memref<16x128xf32, #tpu.memory_space<vmem>>, vector<1x16xf32>,
    %swap3A_348 = arith.constant 7 : i32
    %swap3A_349 = arith.index_cast %swap3A_348 : i32 to index
    %swap3A_350 = arith.constant 32 : index
    %swap3A_351 = tpu.vector_load %arg10[%swap3A_349, %swap3A_350] {strides = array<i32>} : memref<16x128xf32, #tpu.memory_space<vmem>>, vector<1x16xf32>,
    %swap3A_352 = vector.shape_cast %swap3A_351 : vector<1x16xf32> to vector<16xf32>
    %swap3A_353 = vector.shape_cast %broadcast_in_dim3A_0 : vector<16xf32> to vector<1x16xf32>
    tpu.vector_store %arg10[%swap3A_349, %swap3A_350], %swap3A_353 {strides = array<i32>} : memref<16x128xf32, #tpu.memory_space<vmem>>, vector<1x16xf32>,
    %swap3A_354 = arith.constant 7 : i32
    %swap3A_355 = arith.index_cast %swap3A_354 : i32 to index
    %swap3A_356 = arith.constant 48 : index
    %swap3A_357 = tpu.vector_load %arg10[%swap3A_355, %swap3A_356] {strides = array<i32>} : memref<16x128xf32, #tpu.memory_space<vmem>>, vector<1x16xf32>,
    %swap3A_358 = vector.shape_cast %swap3A_357 : vector<1x16xf32> to vector<16xf32>
    %swap3A_359 = vector.shape_cast %broadcast_in_dim3A_0 : vector<16xf32> to vector<1x16xf32>
    tpu.vector_store %arg10[%swap3A_355, %swap3A_356], %swap3A_359 {strides = array<i32>} : memref<16x128xf32, #tpu.memory_space<vmem>>, vector<1x16xf32>,
    %swap3A_360 = arith.constant 7 : i32
    %swap3A_361 = arith.index_cast %swap3A_360 : i32 to index
    %swap3A_362 = arith.constant 64 : index
    %swap3A_363 = tpu.vector_load %arg10[%swap3A_361, %swap3A_362] {strides = array<i32>} : memref<16x128xf32, #tpu.memory_space<vmem>>, vector<1x16xf32>,
    %swap3A_364 = vector.shape_cast %swap3A_363 : vector<1x16xf32> to vector<16xf32>
    %swap3A_365 = vector.shape_cast %broadcast_in_dim3A_0 : vector<16xf32> to vector<1x16xf32>
    tpu.vector_store %arg10[%swap3A_361, %swap3A_362], %swap3A_365 {strides = array<i32>} : memref<16x128xf32, #tpu.memory_space<vmem>>, vector<1x16xf32>,
    %swap3A_366 = arith.constant 7 : i32
    %swap3A_367 = arith.index_cast %swap3A_366 : i32 to index
    %swap3A_368 = arith.constant 80 : index
    %swap3A_369 = tpu.vector_load %arg10[%swap3A_367, %swap3A_368] {strides = array<i32>} : memref<16x128xf32, #tpu.memory_space<vmem>>, vector<1x16xf32>,
    %swap3A_370 = vector.shape_cast %swap3A_369 : vector<1x16xf32> to vector<16xf32>
    %swap3A_371 = vector.shape_cast %broadcast_in_dim3A_0 : vector<16xf32> to vector<1x16xf32>
    tpu.vector_store %arg10[%swap3A_367, %swap3A_368], %swap3A_371 {strides = array<i32>} : memref<16x128xf32, #tpu.memory_space<vmem>>, vector<1x16xf32>,
    %swap3A_372 = arith.constant 7 : i32
    %swap3A_373 = arith.index_cast %swap3A_372 : i32 to index
    %swap3A_374 = arith.constant 96 : index
    %swap3A_375 = tpu.vector_load %arg10[%swap3A_373, %swap3A_374] {strides = array<i32>} : memref<16x128xf32, #tpu.memory_space<vmem>>, vector<1x16xf32>,
    %swap3A_376 = vector.shape_cast %swap3A_375 : vector<1x16xf32> to vector<16xf32>
    %swap3A_377 = vector.shape_cast %broadcast_in_dim3A_0 : vector<16xf32> to vector<1x16xf32>
    tpu.vector_store %arg10[%swap3A_373, %swap3A_374], %swap3A_377 {strides = array<i32>} : memref<16x128xf32, #tpu.memory_space<vmem>>, vector<1x16xf32>,
    %swap3A_378 = arith.constant 7 : i32
    %swap3A_379 = arith.index_cast %swap3A_378 : i32 to index
    %swap3A_380 = arith.constant 112 : index
    %swap3A_381 = tpu.vector_load %arg10[%swap3A_379, %swap3A_380] {strides = array<i32>} : memref<16x128xf32, #tpu.memory_space<vmem>>, vector<1x16xf32>,
    %swap3A_382 = vector.shape_cast %swap3A_381 : vector<1x16xf32> to vector<16xf32>
    %swap3A_383 = vector.shape_cast %broadcast_in_dim3A_0 : vector<16xf32> to vector<1x16xf32>
    tpu.vector_store %arg10[%swap3A_379, %swap3A_380], %swap3A_383 {strides = array<i32>} : memref<16x128xf32, #tpu.memory_space<vmem>>, vector<1x16xf32>,
    %swap3A_384 = arith.constant 8 : i32
    %swap3A_385 = arith.index_cast %swap3A_384 : i32 to index
    %swap3A_386 = arith.constant 0 : index
    %swap3A_387 = tpu.vector_load %arg10[%swap3A_385, %swap3A_386] {strides = array<i32>} : memref<16x128xf32, #tpu.memory_space<vmem>>, vector<1x16xf32>,
    %swap3A_388 = vector.shape_cast %swap3A_387 : vector<1x16xf32> to vector<16xf32>
    %swap3A_389 = vector.shape_cast %broadcast_in_dim3A_0 : vector<16xf32> to vector<1x16xf32>
    tpu.vector_store %arg10[%swap3A_385, %swap3A_386], %swap3A_389 {strides = array<i32>} : memref<16x128xf32, #tpu.memory_space<vmem>>, vector<1x16xf32>,
    %swap3A_390 = arith.constant 8 : i32
    %swap3A_391 = arith.index_cast %swap3A_390 : i32 to index
    %swap3A_392 = arith.constant 16 : index
    %swap3A_393 = tpu.vector_load %arg10[%swap3A_391, %swap3A_392] {strides = array<i32>} : memref<16x128xf32, #tpu.memory_space<vmem>>, vector<1x16xf32>,
    %swap3A_394 = vector.shape_cast %swap3A_393 : vector<1x16xf32> to vector<16xf32>
    %swap3A_395 = vector.shape_cast %broadcast_in_dim3A_0 : vector<16xf32> to vector<1x16xf32>
    tpu.vector_store %arg10[%swap3A_391, %swap3A_392], %swap3A_395 {strides = array<i32>} : memref<16x128xf32, #tpu.memory_space<vmem>>, vector<1x16xf32>,
    %swap3A_396 = arith.constant 8 : i32
    %swap3A_397 = arith.index_cast %swap3A_396 : i32 to index
    %swap3A_398 = arith.constant 32 : index
    %swap3A_399 = tpu.vector_load %arg10[%swap3A_397, %swap3A_398] {strides = array<i32>} : memref<16x128xf32, #tpu.memory_space<vmem>>, vector<1x16xf32>,
    %swap3A_400 = vector.shape_cast %swap3A_399 : vector<1x16xf32> to vector<16xf32>
    %swap3A_401 = vector.shape_cast %broadcast_in_dim3A_0 : vector<16xf32> to vector<1x16xf32>
    tpu.vector_store %arg10[%swap3A_397, %swap3A_398], %swap3A_401 {strides = array<i32>} : memref<16x128xf32, #tpu.memory_space<vmem>>, vector<1x16xf32>,
    %swap3A_402 = arith.constant 8 : i32
    %swap3A_403 = arith.index_cast %swap3A_402 : i32 to index
    %swap3A_404 = arith.constant 48 : index
    %swap3A_405 = tpu.vector_load %arg10[%swap3A_403, %swap3A_404] {strides = array<i32>} : memref<16x128xf32, #tpu.memory_space<vmem>>, vector<1x16xf32>,
    %swap3A_406 = vector.shape_cast %swap3A_405 : vector<1x16xf32> to vector<16xf32>
    %swap3A_407 = vector.shape_cast %broadcast_in_dim3A_0 : vector<16xf32> to vector<1x16xf32>
    tpu.vector_store %arg10[%swap3A_403, %swap3A_404], %swap3A_407 {strides = array<i32>} : memref<16x128xf32, #tpu.memory_space<vmem>>, vector<1x16xf32>,
    %swap3A_408 = arith.constant 8 : i32
    %swap3A_409 = arith.index_cast %swap3A_408 : i32 to index
    %swap3A_410 = arith.constant 64 : index
    %swap3A_411 = tpu.vector_load %arg10[%swap3A_409, %swap3A_410] {strides = array<i32>} : memref<16x128xf32, #tpu.memory_space<vmem>>, vector<1x16xf32>,
    %swap3A_412 = vector.shape_cast %swap3A_411 : vector<1x16xf32> to vector<16xf32>
    %swap3A_413 = vector.shape_cast %broadcast_in_dim3A_0 : vector<16xf32> to vector<1x16xf32>
    tpu.vector_store %arg10[%swap3A_409, %swap3A_410], %swap3A_413 {strides = array<i32>} : memref<16x128xf32, #tpu.memory_space<vmem>>, vector<1x16xf32>,
    %swap3A_414 = arith.constant 8 : i32
    %swap3A_415 = arith.index_cast %swap3A_414 : i32 to index
    %swap3A_416 = arith.constant 80 : index
    %swap3A_417 = tpu.vector_load %arg10[%swap3A_415, %swap3A_416] {strides = array<i32>} : memref<16x128xf32, #tpu.memory_space<vmem>>, vector<1x16xf32>,
    %swap3A_418 = vector.shape_cast %swap3A_417 : vector<1x16xf32> to vector<16xf32>
    %swap3A_419 = vector.shape_cast %broadcast_in_dim3A_0 : vector<16xf32> to vector<1x16xf32>
    tpu.vector_store %arg10[%swap3A_415, %swap3A_416], %swap3A_419 {strides = array<i32>} : memref<16x128xf32, #tpu.memory_space<vmem>>, vector<1x16xf32>,
    %swap3A_420 = arith.constant 8 : i32
    %swap3A_421 = arith.index_cast %swap3A_420 : i32 to index
    %swap3A_422 = arith.constant 96 : index
    %swap3A_423 = tpu.vector_load %arg10[%swap3A_421, %swap3A_422] {strides = array<i32>} : memref<16x128xf32, #tpu.memory_space<vmem>>, vector<1x16xf32>,
    %swap3A_424 = vector.shape_cast %swap3A_423 : vector<1x16xf32> to vector<16xf32>
    %swap3A_425 = vector.shape_cast %broadcast_in_dim3A_0 : vector<16xf32> to vector<1x16xf32>
    tpu.vector_store %arg10[%swap3A_421, %swap3A_422], %swap3A_425 {strides = array<i32>} : memref<16x128xf32, #tpu.memory_space<vmem>>, vector<1x16xf32>,
    %swap3A_426 = arith.constant 8 : i32
    %swap3A_427 = arith.index_cast %swap3A_426 : i32 to index
    %swap3A_428 = arith.constant 112 : index
    %swap3A_429 = tpu.vector_load %arg10[%swap3A_427, %swap3A_428] {strides = array<i32>} : memref<16x128xf32, #tpu.memory_space<vmem>>, vector<1x16xf32>,
    %swap3A_430 = vector.shape_cast %swap3A_429 : vector<1x16xf32> to vector<16xf32>
    %swap3A_431 = vector.shape_cast %broadcast_in_dim3A_0 : vector<16xf32> to vector<1x16xf32>
    tpu.vector_store %arg10[%swap3A_427, %swap3A_428], %swap3A_431 {strides = array<i32>} : memref<16x128xf32, #tpu.memory_space<vmem>>, vector<1x16xf32>,
    %swap3A_432 = arith.constant 9 : i32
    %swap3A_433 = arith.index_cast %swap3A_432 : i32 to index
    %swap3A_434 = arith.constant 0 : index
    %swap3A_435 = tpu.vector_load %arg10[%swap3A_433, %swap3A_434] {strides = array<i32>} : memref<16x128xf32, #tpu.memory_space<vmem>>, vector<1x16xf32>,
    %swap3A_436 = vector.shape_cast %swap3A_435 : vector<1x16xf32> to vector<16xf32>
    %swap3A_437 = vector.shape_cast %broadcast_in_dim3A_0 : vector<16xf32> to vector<1x16xf32>
    tpu.vector_store %arg10[%swap3A_433, %swap3A_434], %swap3A_437 {strides = array<i32>} : memref<16x128xf32, #tpu.memory_space<vmem>>, vector<1x16xf32>,
    %swap3A_438 = arith.constant 9 : i32
    %swap3A_439 = arith.index_cast %swap3A_438 : i32 to index
    %swap3A_440 = arith.constant 16 : index
    %swap3A_441 = tpu.vector_load %arg10[%swap3A_439, %swap3A_440] {strides = array<i32>} : memref<16x128xf32, #tpu.memory_space<vmem>>, vector<1x16xf32>,
    %swap3A_442 = vector.shape_cast %swap3A_441 : vector<1x16xf32> to vector<16xf32>
    %swap3A_443 = vector.shape_cast %broadcast_in_dim3A_0 : vector<16xf32> to vector<1x16xf32>
    tpu.vector_store %arg10[%swap3A_439, %swap3A_440], %swap3A_443 {strides = array<i32>} : memref<16x128xf32, #tpu.memory_space<vmem>>, vector<1x16xf32>,
    %swap3A_444 = arith.constant 9 : i32
    %swap3A_445 = arith.index_cast %swap3A_444 : i32 to index
    %swap3A_446 = arith.constant 32 : index
    %swap3A_447 = tpu.vector_load %arg10[%swap3A_445, %swap3A_446] {strides = array<i32>} : memref<16x128xf32, #tpu.memory_space<vmem>>, vector<1x16xf32>,
    %swap3A_448 = vector.shape_cast %swap3A_447 : vector<1x16xf32> to vector<16xf32>
    %swap3A_449 = vector.shape_cast %broadcast_in_dim3A_0 : vector<16xf32> to vector<1x16xf32>
    tpu.vector_store %arg10[%swap3A_445, %swap3A_446], %swap3A_449 {strides = array<i32>} : memref<16x128xf32, #tpu.memory_space<vmem>>, vector<1x16xf32>,
    %swap3A_450 = arith.constant 9 : i32
    %swap3A_451 = arith.index_cast %swap3A_450 : i32 to index
    %swap3A_452 = arith.constant 48 : index
    %swap3A_453 = tpu.vector_load %arg10[%swap3A_451, %swap3A_452] {strides = array<i32>} : memref<16x128xf32, #tpu.memory_space<vmem>>, vector<1x16xf32>,
    %swap3A_454 = vector.shape_cast %swap3A_453 : vector<1x16xf32> to vector<16xf32>
    %swap3A_455 = vector.shape_cast %broadcast_in_dim3A_0 : vector<16xf32> to vector<1x16xf32>
    tpu.vector_store %arg10[%swap3A_451, %swap3A_452], %swap3A_455 {strides = array<i32>} : memref<16x128xf32, #tpu.memory_space<vmem>>, vector<1x16xf32>,
    %swap3A_456 = arith.constant 9 : i32
    %swap3A_457 = arith.index_cast %swap3A_456 : i32 to index
    %swap3A_458 = arith.constant 64 : index
    %swap3A_459 = tpu.vector_load %arg10[%swap3A_457, %swap3A_458] {strides = array<i32>} : memref<16x128xf32, #tpu.memory_space<vmem>>, vector<1x16xf32>,
    %swap3A_460 = vector.shape_cast %swap3A_459 : vector<1x16xf32> to vector<16xf32>
    %swap3A_461 = vector.shape_cast %broadcast_in_dim3A_0 : vector<16xf32> to vector<1x16xf32>
    tpu.vector_store %arg10[%swap3A_457, %swap3A_458], %swap3A_461 {strides = array<i32>} : memref<16x128xf32, #tpu.memory_space<vmem>>, vector<1x16xf32>,
    %swap3A_462 = arith.constant 9 : i32
    %swap3A_463 = arith.index_cast %swap3A_462 : i32 to index
    %swap3A_464 = arith.constant 80 : index
    %swap3A_465 = tpu.vector_load %arg10[%swap3A_463, %swap3A_464] {strides = array<i32>} : memref<16x128xf32, #tpu.memory_space<vmem>>, vector<1x16xf32>,
    %swap3A_466 = vector.shape_cast %swap3A_465 : vector<1x16xf32> to vector<16xf32>
    %swap3A_467 = vector.shape_cast %broadcast_in_dim3A_0 : vector<16xf32> to vector<1x16xf32>
    tpu.vector_store %arg10[%swap3A_463, %swap3A_464], %swap3A_467 {strides = array<i32>} : memref<16x128xf32, #tpu.memory_space<vmem>>, vector<1x16xf32>,
    %swap3A_468 = arith.constant 9 : i32
    %swap3A_469 = arith.index_cast %swap3A_468 : i32 to index
    %swap3A_470 = arith.constant 96 : index
    %swap3A_471 = tpu.vector_load %arg10[%swap3A_469, %swap3A_470] {strides = array<i32>} : memref<16x128xf32, #tpu.memory_space<vmem>>, vector<1x16xf32>,
    %swap3A_472 = vector.shape_cast %swap3A_471 : vector<1x16xf32> to vector<16xf32>
    %swap3A_473 = vector.shape_cast %broadcast_in_dim3A_0 : vector<16xf32> to vector<1x16xf32>
    tpu.vector_store %arg10[%swap3A_469, %swap3A_470], %swap3A_473 {strides = array<i32>} : memref<16x128xf32, #tpu.memory_space<vmem>>, vector<1x16xf32>,
    %swap3A_474 = arith.constant 9 : i32
    %swap3A_475 = arith.index_cast %swap3A_474 : i32 to index
    %swap3A_476 = arith.constant 112 : index
    %swap3A_477 = tpu.vector_load %arg10[%swap3A_475, %swap3A_476] {strides = array<i32>} : memref<16x128xf32, #tpu.memory_space<vmem>>, vector<1x16xf32>,
    %swap3A_478 = vector.shape_cast %swap3A_477 : vector<1x16xf32> to vector<16xf32>
    %swap3A_479 = vector.shape_cast %broadcast_in_dim3A_0 : vector<16xf32> to vector<1x16xf32>
    tpu.vector_store %arg10[%swap3A_475, %swap3A_476], %swap3A_479 {strides = array<i32>} : memref<16x128xf32, #tpu.memory_space<vmem>>, vector<1x16xf32>,
    %swap3A_480 = arith.constant 10 : i32
    %swap3A_481 = arith.index_cast %swap3A_480 : i32 to index
    %swap3A_482 = arith.constant 0 : index
    %swap3A_483 = tpu.vector_load %arg10[%swap3A_481, %swap3A_482] {strides = array<i32>} : memref<16x128xf32, #tpu.memory_space<vmem>>, vector<1x16xf32>,
    %swap3A_484 = vector.shape_cast %swap3A_483 : vector<1x16xf32> to vector<16xf32>
    %swap3A_485 = vector.shape_cast %broadcast_in_dim3A_0 : vector<16xf32> to vector<1x16xf32>
    tpu.vector_store %arg10[%swap3A_481, %swap3A_482], %swap3A_485 {strides = array<i32>} : memref<16x128xf32, #tpu.memory_space<vmem>>, vector<1x16xf32>,
    %swap3A_486 = arith.constant 10 : i32
    %swap3A_487 = arith.index_cast %swap3A_486 : i32 to index
    %swap3A_488 = arith.constant 16 : index
    %swap3A_489 = tpu.vector_load %arg10[%swap3A_487, %swap3A_488] {strides = array<i32>} : memref<16x128xf32, #tpu.memory_space<vmem>>, vector<1x16xf32>,
    %swap3A_490 = vector.shape_cast %swap3A_489 : vector<1x16xf32> to vector<16xf32>
    %swap3A_491 = vector.shape_cast %broadcast_in_dim3A_0 : vector<16xf32> to vector<1x16xf32>
    tpu.vector_store %arg10[%swap3A_487, %swap3A_488], %swap3A_491 {strides = array<i32>} : memref<16x128xf32, #tpu.memory_space<vmem>>, vector<1x16xf32>,
    %swap3A_492 = arith.constant 10 : i32
    %swap3A_493 = arith.index_cast %swap3A_492 : i32 to index
    %swap3A_494 = arith.constant 32 : index
    %swap3A_495 = tpu.vector_load %arg10[%swap3A_493, %swap3A_494] {strides = array<i32>} : memref<16x128xf32, #tpu.memory_space<vmem>>, vector<1x16xf32>,
    %swap3A_496 = vector.shape_cast %swap3A_495 : vector<1x16xf32> to vector<16xf32>
    %swap3A_497 = vector.shape_cast %broadcast_in_dim3A_0 : vector<16xf32> to vector<1x16xf32>
    tpu.vector_store %arg10[%swap3A_493, %swap3A_494], %swap3A_497 {strides = array<i32>} : memref<16x128xf32, #tpu.memory_space<vmem>>, vector<1x16xf32>,
    %swap3A_498 = arith.constant 10 : i32
    %swap3A_499 = arith.index_cast %swap3A_498 : i32 to index
    %swap3A_500 = arith.constant 48 : index
    %swap3A_501 = tpu.vector_load %arg10[%swap3A_499, %swap3A_500] {strides = array<i32>} : memref<16x128xf32, #tpu.memory_space<vmem>>, vector<1x16xf32>,
    %swap3A_502 = vector.shape_cast %swap3A_501 : vector<1x16xf32> to vector<16xf32>
    %swap3A_503 = vector.shape_cast %broadcast_in_dim3A_0 : vector<16xf32> to vector<1x16xf32>
    tpu.vector_store %arg10[%swap3A_499, %swap3A_500], %swap3A_503 {strides = array<i32>} : memref<16x128xf32, #tpu.memory_space<vmem>>, vector<1x16xf32>,
    %swap3A_504 = arith.constant 10 : i32
    %swap3A_505 = arith.index_cast %swap3A_504 : i32 to index
    %swap3A_506 = arith.constant 64 : index
    %swap3A_507 = tpu.vector_load %arg10[%swap3A_505, %swap3A_506] {strides = array<i32>} : memref<16x128xf32, #tpu.memory_space<vmem>>, vector<1x16xf32>,
    %swap3A_508 = vector.shape_cast %swap3A_507 : vector<1x16xf32> to vector<16xf32>
    %swap3A_509 = vector.shape_cast %broadcast_in_dim3A_0 : vector<16xf32> to vector<1x16xf32>
    tpu.vector_store %arg10[%swap3A_505, %swap3A_506], %swap3A_509 {strides = array<i32>} : memref<16x128xf32, #tpu.memory_space<vmem>>, vector<1x16xf32>,
    %swap3A_510 = arith.constant 10 : i32
    %swap3A_511 = arith.index_cast %swap3A_510 : i32 to index
    %swap3A_512 = arith.constant 80 : index
    %swap3A_513 = tpu.vector_load %arg10[%swap3A_511, %swap3A_512] {strides = array<i32>} : memref<16x128xf32, #tpu.memory_space<vmem>>, vector<1x16xf32>,
    %swap3A_514 = vector.shape_cast %swap3A_513 : vector<1x16xf32> to vector<16xf32>
    %swap3A_515 = vector.shape_cast %broadcast_in_dim3A_0 : vector<16xf32> to vector<1x16xf32>
    tpu.vector_store %arg10[%swap3A_511, %swap3A_512], %swap3A_515 {strides = array<i32>} : memref<16x128xf32, #tpu.memory_space<vmem>>, vector<1x16xf32>,
    %swap3A_516 = arith.constant 10 : i32
    %swap3A_517 = arith.index_cast %swap3A_516 : i32 to index
    %swap3A_518 = arith.constant 96 : index
    %swap3A_519 = tpu.vector_load %arg10[%swap3A_517, %swap3A_518] {strides = array<i32>} : memref<16x128xf32, #tpu.memory_space<vmem>>, vector<1x16xf32>,
    %swap3A_520 = vector.shape_cast %swap3A_519 : vector<1x16xf32> to vector<16xf32>
    %swap3A_521 = vector.shape_cast %broadcast_in_dim3A_0 : vector<16xf32> to vector<1x16xf32>
    tpu.vector_store %arg10[%swap3A_517, %swap3A_518], %swap3A_521 {strides = array<i32>} : memref<16x128xf32, #tpu.memory_space<vmem>>, vector<1x16xf32>,
    %swap3A_522 = arith.constant 10 : i32
    %swap3A_523 = arith.index_cast %swap3A_522 : i32 to index
    %swap3A_524 = arith.constant 112 : index
    %swap3A_525 = tpu.vector_load %arg10[%swap3A_523, %swap3A_524] {strides = array<i32>} : memref<16x128xf32, #tpu.memory_space<vmem>>, vector<1x16xf32>,
    %swap3A_526 = vector.shape_cast %swap3A_525 : vector<1x16xf32> to vector<16xf32>
    %swap3A_527 = vector.shape_cast %broadcast_in_dim3A_0 : vector<16xf32> to vector<1x16xf32>
    tpu.vector_store %arg10[%swap3A_523, %swap3A_524], %swap3A_527 {strides = array<i32>} : memref<16x128xf32, #tpu.memory_space<vmem>>, vector<1x16xf32>,
    %swap3A_528 = arith.constant 11 : i32
    %swap3A_529 = arith.index_cast %swap3A_528 : i32 to index
    %swap3A_530 = arith.constant 0 : index
    %swap3A_531 = tpu.vector_load %arg10[%swap3A_529, %swap3A_530] {strides = array<i32>} : memref<16x128xf32, #tpu.memory_space<vmem>>, vector<1x16xf32>,
    %swap3A_532 = vector.shape_cast %swap3A_531 : vector<1x16xf32> to vector<16xf32>
    %swap3A_533 = vector.shape_cast %broadcast_in_dim3A_0 : vector<16xf32> to vector<1x16xf32>
    tpu.vector_store %arg10[%swap3A_529, %swap3A_530], %swap3A_533 {strides = array<i32>} : memref<16x128xf32, #tpu.memory_space<vmem>>, vector<1x16xf32>,
    %swap3A_534 = arith.constant 11 : i32
    %swap3A_535 = arith.index_cast %swap3A_534 : i32 to index
    %swap3A_536 = arith.constant 16 : index
    %swap3A_537 = tpu.vector_load %arg10[%swap3A_535, %swap3A_536] {strides = array<i32>} : memref<16x128xf32, #tpu.memory_space<vmem>>, vector<1x16xf32>,
    %swap3A_538 = vector.shape_cast %swap3A_537 : vector<1x16xf32> to vector<16xf32>
    %swap3A_539 = vector.shape_cast %broadcast_in_dim3A_0 : vector<16xf32> to vector<1x16xf32>
    tpu.vector_store %arg10[%swap3A_535, %swap3A_536], %swap3A_539 {strides = array<i32>} : memref<16x128xf32, #tpu.memory_space<vmem>>, vector<1x16xf32>,
    %swap3A_540 = arith.constant 11 : i32
    %swap3A_541 = arith.index_cast %swap3A_540 : i32 to index
    %swap3A_542 = arith.constant 32 : index
    %swap3A_543 = tpu.vector_load %arg10[%swap3A_541, %swap3A_542] {strides = array<i32>} : memref<16x128xf32, #tpu.memory_space<vmem>>, vector<1x16xf32>,
    %swap3A_544 = vector.shape_cast %swap3A_543 : vector<1x16xf32> to vector<16xf32>
    %swap3A_545 = vector.shape_cast %broadcast_in_dim3A_0 : vector<16xf32> to vector<1x16xf32>
    tpu.vector_store %arg10[%swap3A_541, %swap3A_542], %swap3A_545 {strides = array<i32>} : memref<16x128xf32, #tpu.memory_space<vmem>>, vector<1x16xf32>,
    %swap3A_546 = arith.constant 11 : i32
    %swap3A_547 = arith.index_cast %swap3A_546 : i32 to index
    %swap3A_548 = arith.constant 48 : index
    %swap3A_549 = tpu.vector_load %arg10[%swap3A_547, %swap3A_548] {strides = array<i32>} : memref<16x128xf32, #tpu.memory_space<vmem>>, vector<1x16xf32>,
    %swap3A_550 = vector.shape_cast %swap3A_549 : vector<1x16xf32> to vector<16xf32>
    %swap3A_551 = vector.shape_cast %broadcast_in_dim3A_0 : vector<16xf32> to vector<1x16xf32>
    tpu.vector_store %arg10[%swap3A_547, %swap3A_548], %swap3A_551 {strides = array<i32>} : memref<16x128xf32, #tpu.memory_space<vmem>>, vector<1x16xf32>,
    %swap3A_552 = arith.constant 11 : i32
    %swap3A_553 = arith.index_cast %swap3A_552 : i32 to index
    %swap3A_554 = arith.constant 64 : index
    %swap3A_555 = tpu.vector_load %arg10[%swap3A_553, %swap3A_554] {strides = array<i32>} : memref<16x128xf32, #tpu.memory_space<vmem>>, vector<1x16xf32>,
    %swap3A_556 = vector.shape_cast %swap3A_555 : vector<1x16xf32> to vector<16xf32>
    %swap3A_557 = vector.shape_cast %broadcast_in_dim3A_0 : vector<16xf32> to vector<1x16xf32>
    tpu.vector_store %arg10[%swap3A_553, %swap3A_554], %swap3A_557 {strides = array<i32>} : memref<16x128xf32, #tpu.memory_space<vmem>>, vector<1x16xf32>,
    %swap3A_558 = arith.constant 11 : i32
    %swap3A_559 = arith.index_cast %swap3A_558 : i32 to index
    %swap3A_560 = arith.constant 80 : index
    %swap3A_561 = tpu.vector_load %arg10[%swap3A_559, %swap3A_560] {strides = array<i32>} : memref<16x128xf32, #tpu.memory_space<vmem>>, vector<1x16xf32>,
    %swap3A_562 = vector.shape_cast %swap3A_561 : vector<1x16xf32> to vector<16xf32>
    %swap3A_563 = vector.shape_cast %broadcast_in_dim3A_0 : vector<16xf32> to vector<1x16xf32>
    tpu.vector_store %arg10[%swap3A_559, %swap3A_560], %swap3A_563 {strides = array<i32>} : memref<16x128xf32, #tpu.memory_space<vmem>>, vector<1x16xf32>,
    %swap3A_564 = arith.constant 11 : i32
    %swap3A_565 = arith.index_cast %swap3A_564 : i32 to index
    %swap3A_566 = arith.constant 96 : index
    %swap3A_567 = tpu.vector_load %arg10[%swap3A_565, %swap3A_566] {strides = array<i32>} : memref<16x128xf32, #tpu.memory_space<vmem>>, vector<1x16xf32>,
    %swap3A_568 = vector.shape_cast %swap3A_567 : vector<1x16xf32> to vector<16xf32>
    %swap3A_569 = vector.shape_cast %broadcast_in_dim3A_0 : vector<16xf32> to vector<1x16xf32>
    tpu.vector_store %arg10[%swap3A_565, %swap3A_566], %swap3A_569 {strides = array<i32>} : memref<16x128xf32, #tpu.memory_space<vmem>>, vector<1x16xf32>,
    %swap3A_570 = arith.constant 11 : i32
    %swap3A_571 = arith.index_cast %swap3A_570 : i32 to index
    %swap3A_572 = arith.constant 112 : index
    %swap3A_573 = tpu.vector_load %arg10[%swap3A_571, %swap3A_572] {strides = array<i32>} : memref<16x128xf32, #tpu.memory_space<vmem>>, vector<1x16xf32>,
    %swap3A_574 = vector.shape_cast %swap3A_573 : vector<1x16xf32> to vector<16xf32>
    %swap3A_575 = vector.shape_cast %broadcast_in_dim3A_0 : vector<16xf32> to vector<1x16xf32>
    tpu.vector_store %arg10[%swap3A_571, %swap3A_572], %swap3A_575 {strides = array<i32>} : memref<16x128xf32, #tpu.memory_space<vmem>>, vector<1x16xf32>,
    %swap3A_576 = arith.constant 12 : i32
    %swap3A_577 = arith.index_cast %swap3A_576 : i32 to index
    %swap3A_578 = arith.constant 0 : index
    %swap3A_579 = tpu.vector_load %arg10[%swap3A_577, %swap3A_578] {strides = array<i32>} : memref<16x128xf32, #tpu.memory_space<vmem>>, vector<1x16xf32>,
    %swap3A_580 = vector.shape_cast %swap3A_579 : vector<1x16xf32> to vector<16xf32>
    %swap3A_581 = vector.shape_cast %broadcast_in_dim3A_0 : vector<16xf32> to vector<1x16xf32>
    tpu.vector_store %arg10[%swap3A_577, %swap3A_578], %swap3A_581 {strides = array<i32>} : memref<16x128xf32, #tpu.memory_space<vmem>>, vector<1x16xf32>,
    %swap3A_582 = arith.constant 12 : i32
    %swap3A_583 = arith.index_cast %swap3A_582 : i32 to index
    %swap3A_584 = arith.constant 16 : index
    %swap3A_585 = tpu.vector_load %arg10[%swap3A_583, %swap3A_584] {strides = array<i32>} : memref<16x128xf32, #tpu.memory_space<vmem>>, vector<1x16xf32>,
    %swap3A_586 = vector.shape_cast %swap3A_585 : vector<1x16xf32> to vector<16xf32>
    %swap3A_587 = vector.shape_cast %broadcast_in_dim3A_0 : vector<16xf32> to vector<1x16xf32>
    tpu.vector_store %arg10[%swap3A_583, %swap3A_584], %swap3A_587 {strides = array<i32>} : memref<16x128xf32, #tpu.memory_space<vmem>>, vector<1x16xf32>,
    %swap3A_588 = arith.constant 12 : i32
    %swap3A_589 = arith.index_cast %swap3A_588 : i32 to index
    %swap3A_590 = arith.constant 32 : index
    %swap3A_591 = tpu.vector_load %arg10[%swap3A_589, %swap3A_590] {strides = array<i32>} : memref<16x128xf32, #tpu.memory_space<vmem>>, vector<1x16xf32>,
    %swap3A_592 = vector.shape_cast %swap3A_591 : vector<1x16xf32> to vector<16xf32>
    %swap3A_593 = vector.shape_cast %broadcast_in_dim3A_0 : vector<16xf32> to vector<1x16xf32>
    tpu.vector_store %arg10[%swap3A_589, %swap3A_590], %swap3A_593 {strides = array<i32>} : memref<16x128xf32, #tpu.memory_space<vmem>>, vector<1x16xf32>,
    %swap3A_594 = arith.constant 12 : i32
    %swap3A_595 = arith.index_cast %swap3A_594 : i32 to index
    %swap3A_596 = arith.constant 48 : index
    %swap3A_597 = tpu.vector_load %arg10[%swap3A_595, %swap3A_596] {strides = array<i32>} : memref<16x128xf32, #tpu.memory_space<vmem>>, vector<1x16xf32>,
    %swap3A_598 = vector.shape_cast %swap3A_597 : vector<1x16xf32> to vector<16xf32>
    %swap3A_599 = vector.shape_cast %broadcast_in_dim3A_0 : vector<16xf32> to vector<1x16xf32>
    tpu.vector_store %arg10[%swap3A_595, %swap3A_596], %swap3A_599 {strides = array<i32>} : memref<16x128xf32, #tpu.memory_space<vmem>>, vector<1x16xf32>,
    %swap3A_600 = arith.constant 12 : i32
    %swap3A_601 = arith.index_cast %swap3A_600 : i32 to index
    %swap3A_602 = arith.constant 64 : index
    %swap3A_603 = tpu.vector_load %arg10[%swap3A_601, %swap3A_602] {strides = array<i32>} : memref<16x128xf32, #tpu.memory_space<vmem>>, vector<1x16xf32>,
    %swap3A_604 = vector.shape_cast %swap3A_603 : vector<1x16xf32> to vector<16xf32>
    %swap3A_605 = vector.shape_cast %broadcast_in_dim3A_0 : vector<16xf32> to vector<1x16xf32>
    tpu.vector_store %arg10[%swap3A_601, %swap3A_602], %swap3A_605 {strides = array<i32>} : memref<16x128xf32, #tpu.memory_space<vmem>>, vector<1x16xf32>,
    %swap3A_606 = arith.constant 12 : i32
    %swap3A_607 = arith.index_cast %swap3A_606 : i32 to index
    %swap3A_608 = arith.constant 80 : index
    %swap3A_609 = tpu.vector_load %arg10[%swap3A_607, %swap3A_608] {strides = array<i32>} : memref<16x128xf32, #tpu.memory_space<vmem>>, vector<1x16xf32>,
    %swap3A_610 = vector.shape_cast %swap3A_609 : vector<1x16xf32> to vector<16xf32>
    %swap3A_611 = vector.shape_cast %broadcast_in_dim3A_0 : vector<16xf32> to vector<1x16xf32>
    tpu.vector_store %arg10[%swap3A_607, %swap3A_608], %swap3A_611 {strides = array<i32>} : memref<16x128xf32, #tpu.memory_space<vmem>>, vector<1x16xf32>,
    %swap3A_612 = arith.constant 12 : i32
    %swap3A_613 = arith.index_cast %swap3A_612 : i32 to index
    %swap3A_614 = arith.constant 96 : index
    %swap3A_615 = tpu.vector_load %arg10[%swap3A_613, %swap3A_614] {strides = array<i32>} : memref<16x128xf32, #tpu.memory_space<vmem>>, vector<1x16xf32>,
    %swap3A_616 = vector.shape_cast %swap3A_615 : vector<1x16xf32> to vector<16xf32>
    %swap3A_617 = vector.shape_cast %broadcast_in_dim3A_0 : vector<16xf32> to vector<1x16xf32>
    tpu.vector_store %arg10[%swap3A_613, %swap3A_614], %swap3A_617 {strides = array<i32>} : memref<16x128xf32, #tpu.memory_space<vmem>>, vector<1x16xf32>,
    %swap3A_618 = arith.constant 12 : i32
    %swap3A_619 = arith.index_cast %swap3A_618 : i32 to index
    %swap3A_620 = arith.constant 112 : index
    %swap3A_621 = tpu.vector_load %arg10[%swap3A_619, %swap3A_620] {strides = array<i32>} : memref<16x128xf32, #tpu.memory_space<vmem>>, vector<1x16xf32>,
    %swap3A_622 = vector.shape_cast %swap3A_621 : vector<1x16xf32> to vector<16xf32>
    %swap3A_623 = vector.shape_cast %broadcast_in_dim3A_0 : vector<16xf32> to vector<1x16xf32>
    tpu.vector_store %arg10[%swap3A_619, %swap3A_620], %swap3A_623 {strides = array<i32>} : memref<16x128xf32, #tpu.memory_space<vmem>>, vector<1x16xf32>,
    %swap3A_624 = arith.constant 13 : i32
    %swap3A_625 = arith.index_cast %swap3A_624 : i32 to index
    %swap3A_626 = arith.constant 0 : index
    %swap3A_627 = tpu.vector_load %arg10[%swap3A_625, %swap3A_626] {strides = array<i32>} : memref<16x128xf32, #tpu.memory_space<vmem>>, vector<1x16xf32>,
    %swap3A_628 = vector.shape_cast %swap3A_627 : vector<1x16xf32> to vector<16xf32>
    %swap3A_629 = vector.shape_cast %broadcast_in_dim3A_0 : vector<16xf32> to vector<1x16xf32>
    tpu.vector_store %arg10[%swap3A_625, %swap3A_626], %swap3A_629 {strides = array<i32>} : memref<16x128xf32, #tpu.memory_space<vmem>>, vector<1x16xf32>,
    %swap3A_630 = arith.constant 13 : i32
    %swap3A_631 = arith.index_cast %swap3A_630 : i32 to index
    %swap3A_632 = arith.constant 16 : index
    %swap3A_633 = tpu.vector_load %arg10[%swap3A_631, %swap3A_632] {strides = array<i32>} : memref<16x128xf32, #tpu.memory_space<vmem>>, vector<1x16xf32>,
    %swap3A_634 = vector.shape_cast %swap3A_633 : vector<1x16xf32> to vector<16xf32>
    %swap3A_635 = vector.shape_cast %broadcast_in_dim3A_0 : vector<16xf32> to vector<1x16xf32>
    tpu.vector_store %arg10[%swap3A_631, %swap3A_632], %swap3A_635 {strides = array<i32>} : memref<16x128xf32, #tpu.memory_space<vmem>>, vector<1x16xf32>,
    %swap3A_636 = arith.constant 13 : i32
    %swap3A_637 = arith.index_cast %swap3A_636 : i32 to index
    %swap3A_638 = arith.constant 32 : index
    %swap3A_639 = tpu.vector_load %arg10[%swap3A_637, %swap3A_638] {strides = array<i32>} : memref<16x128xf32, #tpu.memory_space<vmem>>, vector<1x16xf32>,
    %swap3A_640 = vector.shape_cast %swap3A_639 : vector<1x16xf32> to vector<16xf32>
    %swap3A_641 = vector.shape_cast %broadcast_in_dim3A_0 : vector<16xf32> to vector<1x16xf32>
    tpu.vector_store %arg10[%swap3A_637, %swap3A_638], %swap3A_641 {strides = array<i32>} : memref<16x128xf32, #tpu.memory_space<vmem>>, vector<1x16xf32>,
    %swap3A_642 = arith.constant 13 : i32
    %swap3A_643 = arith.index_cast %swap3A_642 : i32 to index
    %swap3A_644 = arith.constant 48 : index
    %swap3A_645 = tpu.vector_load %arg10[%swap3A_643, %swap3A_644] {strides = array<i32>} : memref<16x128xf32, #tpu.memory_space<vmem>>, vector<1x16xf32>,
    %swap3A_646 = vector.shape_cast %swap3A_645 : vector<1x16xf32> to vector<16xf32>
    %swap3A_647 = vector.shape_cast %broadcast_in_dim3A_0 : vector<16xf32> to vector<1x16xf32>
    tpu.vector_store %arg10[%swap3A_643, %swap3A_644], %swap3A_647 {strides = array<i32>} : memref<16x128xf32, #tpu.memory_space<vmem>>, vector<1x16xf32>,
    %swap3A_648 = arith.constant 13 : i32
    %swap3A_649 = arith.index_cast %swap3A_648 : i32 to index
    %swap3A_650 = arith.constant 64 : index
    %swap3A_651 = tpu.vector_load %arg10[%swap3A_649, %swap3A_650] {strides = array<i32>} : memref<16x128xf32, #tpu.memory_space<vmem>>, vector<1x16xf32>,
    %swap3A_652 = vector.shape_cast %swap3A_651 : vector<1x16xf32> to vector<16xf32>
    %swap3A_653 = vector.shape_cast %broadcast_in_dim3A_0 : vector<16xf32> to vector<1x16xf32>
    tpu.vector_store %arg10[%swap3A_649, %swap3A_650], %swap3A_653 {strides = array<i32>} : memref<16x128xf32, #tpu.memory_space<vmem>>, vector<1x16xf32>,
    %swap3A_654 = arith.constant 13 : i32
    %swap3A_655 = arith.index_cast %swap3A_654 : i32 to index
    %swap3A_656 = arith.constant 80 : index
    %swap3A_657 = tpu.vector_load %arg10[%swap3A_655, %swap3A_656] {strides = array<i32>} : memref<16x128xf32, #tpu.memory_space<vmem>>, vector<1x16xf32>,
    %swap3A_658 = vector.shape_cast %swap3A_657 : vector<1x16xf32> to vector<16xf32>
    %swap3A_659 = vector.shape_cast %broadcast_in_dim3A_0 : vector<16xf32> to vector<1x16xf32>
    tpu.vector_store %arg10[%swap3A_655, %swap3A_656], %swap3A_659 {strides = array<i32>} : memref<16x128xf32, #tpu.memory_space<vmem>>, vector<1x16xf32>,
    %swap3A_660 = arith.constant 13 : i32
    %swap3A_661 = arith.index_cast %swap3A_660 : i32 to index
    %swap3A_662 = arith.constant 96 : index
    %swap3A_663 = tpu.vector_load %arg10[%swap3A_661, %swap3A_662] {strides = array<i32>} : memref<16x128xf32, #tpu.memory_space<vmem>>, vector<1x16xf32>,
    %swap3A_664 = vector.shape_cast %swap3A_663 : vector<1x16xf32> to vector<16xf32>
    %swap3A_665 = vector.shape_cast %broadcast_in_dim3A_0 : vector<16xf32> to vector<1x16xf32>
    tpu.vector_store %arg10[%swap3A_661, %swap3A_662], %swap3A_665 {strides = array<i32>} : memref<16x128xf32, #tpu.memory_space<vmem>>, vector<1x16xf32>,
    %swap3A_666 = arith.constant 13 : i32
    %swap3A_667 = arith.index_cast %swap3A_666 : i32 to index
    %swap3A_668 = arith.constant 112 : index
    %swap3A_669 = tpu.vector_load %arg10[%swap3A_667, %swap3A_668] {strides = array<i32>} : memref<16x128xf32, #tpu.memory_space<vmem>>, vector<1x16xf32>,
    %swap3A_670 = vector.shape_cast %swap3A_669 : vector<1x16xf32> to vector<16xf32>
    %swap3A_671 = vector.shape_cast %broadcast_in_dim3A_0 : vector<16xf32> to vector<1x16xf32>
    tpu.vector_store %arg10[%swap3A_667, %swap3A_668], %swap3A_671 {strides = array<i32>} : memref<16x128xf32, #tpu.memory_space<vmem>>, vector<1x16xf32>,
    %swap3A_672 = arith.constant 14 : i32
    %swap3A_673 = arith.index_cast %swap3A_672 : i32 to index
    %swap3A_674 = arith.constant 0 : index
    %swap3A_675 = tpu.vector_load %arg10[%swap3A_673, %swap3A_674] {strides = array<i32>} : memref<16x128xf32, #tpu.memory_space<vmem>>, vector<1x16xf32>,
    %swap3A_676 = vector.shape_cast %swap3A_675 : vector<1x16xf32> to vector<16xf32>
    %swap3A_677 = vector.shape_cast %broadcast_in_dim3A_0 : vector<16xf32> to vector<1x16xf32>
    tpu.vector_store %arg10[%swap3A_673, %swap3A_674], %swap3A_677 {strides = array<i32>} : memref<16x128xf32, #tpu.memory_space<vmem>>, vector<1x16xf32>,
    %swap3A_678 = arith.constant 14 : i32
    %swap3A_679 = arith.index_cast %swap3A_678 : i32 to index
    %swap3A_680 = arith.constant 16 : index
    %swap3A_681 = tpu.vector_load %arg10[%swap3A_679, %swap3A_680] {strides = array<i32>} : memref<16x128xf32, #tpu.memory_space<vmem>>, vector<1x16xf32>,
    %swap3A_682 = vector.shape_cast %swap3A_681 : vector<1x16xf32> to vector<16xf32>
    %swap3A_683 = vector.shape_cast %broadcast_in_dim3A_0 : vector<16xf32> to vector<1x16xf32>
    tpu.vector_store %arg10[%swap3A_679, %swap3A_680], %swap3A_683 {strides = array<i32>} : memref<16x128xf32, #tpu.memory_space<vmem>>, vector<1x16xf32>,
    %swap3A_684 = arith.constant 14 : i32
    %swap3A_685 = arith.index_cast %swap3A_684 : i32 to index
    %swap3A_686 = arith.constant 32 : index
    %swap3A_687 = tpu.vector_load %arg10[%swap3A_685, %swap3A_686] {strides = array<i32>} : memref<16x128xf32, #tpu.memory_space<vmem>>, vector<1x16xf32>,
    %swap3A_688 = vector.shape_cast %swap3A_687 : vector<1x16xf32> to vector<16xf32>
    %swap3A_689 = vector.shape_cast %broadcast_in_dim3A_0 : vector<16xf32> to vector<1x16xf32>
    tpu.vector_store %arg10[%swap3A_685, %swap3A_686], %swap3A_689 {strides = array<i32>} : memref<16x128xf32, #tpu.memory_space<vmem>>, vector<1x16xf32>,
    %swap3A_690 = arith.constant 14 : i32
    %swap3A_691 = arith.index_cast %swap3A_690 : i32 to index
    %swap3A_692 = arith.constant 48 : index
    %swap3A_693 = tpu.vector_load %arg10[%swap3A_691, %swap3A_692] {strides = array<i32>} : memref<16x128xf32, #tpu.memory_space<vmem>>, vector<1x16xf32>,
    %swap3A_694 = vector.shape_cast %swap3A_693 : vector<1x16xf32> to vector<16xf32>
    %swap3A_695 = vector.shape_cast %broadcast_in_dim3A_0 : vector<16xf32> to vector<1x16xf32>
    tpu.vector_store %arg10[%swap3A_691, %swap3A_692], %swap3A_695 {strides = array<i32>} : memref<16x128xf32, #tpu.memory_space<vmem>>, vector<1x16xf32>,
    %swap3A_696 = arith.constant 14 : i32
    %swap3A_697 = arith.index_cast %swap3A_696 : i32 to index
    %swap3A_698 = arith.constant 64 : index
    %swap3A_699 = tpu.vector_load %arg10[%swap3A_697, %swap3A_698] {strides = array<i32>} : memref<16x128xf32, #tpu.memory_space<vmem>>, vector<1x16xf32>,
    %swap3A_700 = vector.shape_cast %swap3A_699 : vector<1x16xf32> to vector<16xf32>
    %swap3A_701 = vector.shape_cast %broadcast_in_dim3A_0 : vector<16xf32> to vector<1x16xf32>
    tpu.vector_store %arg10[%swap3A_697, %swap3A_698], %swap3A_701 {strides = array<i32>} : memref<16x128xf32, #tpu.memory_space<vmem>>, vector<1x16xf32>,
    %swap3A_702 = arith.constant 14 : i32
    %swap3A_703 = arith.index_cast %swap3A_702 : i32 to index
    %swap3A_704 = arith.constant 80 : index
    %swap3A_705 = tpu.vector_load %arg10[%swap3A_703, %swap3A_704] {strides = array<i32>} : memref<16x128xf32, #tpu.memory_space<vmem>>, vector<1x16xf32>,
    %swap3A_706 = vector.shape_cast %swap3A_705 : vector<1x16xf32> to vector<16xf32>
    %swap3A_707 = vector.shape_cast %broadcast_in_dim3A_0 : vector<16xf32> to vector<1x16xf32>
    tpu.vector_store %arg10[%swap3A_703, %swap3A_704], %swap3A_707 {strides = array<i32>} : memref<16x128xf32, #tpu.memory_space<vmem>>, vector<1x16xf32>,
    %swap3A_708 = arith.constant 14 : i32
    %swap3A_709 = arith.index_cast %swap3A_708 : i32 to index
    %swap3A_710 = arith.constant 96 : index
    %swap3A_711 = tpu.vector_load %arg10[%swap3A_709, %swap3A_710] {strides = array<i32>} : memref<16x128xf32, #tpu.memory_space<vmem>>, vector<1x16xf32>,
    %swap3A_712 = vector.shape_cast %swap3A_711 : vector<1x16xf32> to vector<16xf32>
    %swap3A_713 = vector.shape_cast %broadcast_in_dim3A_0 : vector<16xf32> to vector<1x16xf32>
    tpu.vector_store %arg10[%swap3A_709, %swap3A_710], %swap3A_713 {strides = array<i32>} : memref<16x128xf32, #tpu.memory_space<vmem>>, vector<1x16xf32>,
    %swap3A_714 = arith.constant 14 : i32
    %swap3A_715 = arith.index_cast %swap3A_714 : i32 to index
    %swap3A_716 = arith.constant 112 : index
    %swap3A_717 = tpu.vector_load %arg10[%swap3A_715, %swap3A_716] {strides = array<i32>} : memref<16x128xf32, #tpu.memory_space<vmem>>, vector<1x16xf32>,
    %swap3A_718 = vector.shape_cast %swap3A_717 : vector<1x16xf32> to vector<16xf32>
    %swap3A_719 = vector.shape_cast %broadcast_in_dim3A_0 : vector<16xf32> to vector<1x16xf32>
    tpu.vector_store %arg10[%swap3A_715, %swap3A_716], %swap3A_719 {strides = array<i32>} : memref<16x128xf32, #tpu.memory_space<vmem>>, vector<1x16xf32>,
    %swap3A_720 = arith.constant 15 : i32
    %swap3A_721 = arith.index_cast %swap3A_720 : i32 to index
    %swap3A_722 = arith.constant 0 : index
    %swap3A_723 = tpu.vector_load %arg10[%swap3A_721, %swap3A_722] {strides = array<i32>} : memref<16x128xf32, #tpu.memory_space<vmem>>, vector<1x16xf32>,
    %swap3A_724 = vector.shape_cast %swap3A_723 : vector<1x16xf32> to vector<16xf32>
    %swap3A_725 = vector.shape_cast %broadcast_in_dim3A_0 : vector<16xf32> to vector<1x16xf32>
    tpu.vector_store %arg10[%swap3A_721, %swap3A_722], %swap3A_725 {strides = array<i32>} : memref<16x128xf32, #tpu.memory_space<vmem>>, vector<1x16xf32>,
    %swap3A_726 = arith.constant 15 : i32
    %swap3A_727 = arith.index_cast %swap3A_726 : i32 to index
    %swap3A_728 = arith.constant 16 : index
    %swap3A_729 = tpu.vector_load %arg10[%swap3A_727, %swap3A_728] {strides = array<i32>} : memref<16x128xf32, #tpu.memory_space<vmem>>, vector<1x16xf32>,
    %swap3A_730 = vector.shape_cast %swap3A_729 : vector<1x16xf32> to vector<16xf32>
    %swap3A_731 = vector.shape_cast %broadcast_in_dim3A_0 : vector<16xf32> to vector<1x16xf32>
    tpu.vector_store %arg10[%swap3A_727, %swap3A_728], %swap3A_731 {strides = array<i32>} : memref<16x128xf32, #tpu.memory_space<vmem>>, vector<1x16xf32>,
    %swap3A_732 = arith.constant 15 : i32
    %swap3A_733 = arith.index_cast %swap3A_732 : i32 to index
    %swap3A_734 = arith.constant 32 : index
    %swap3A_735 = tpu.vector_load %arg10[%swap3A_733, %swap3A_734] {strides = array<i32>} : memref<16x128xf32, #tpu.memory_space<vmem>>, vector<1x16xf32>,
    %swap3A_736 = vector.shape_cast %swap3A_735 : vector<1x16xf32> to vector<16xf32>
    %swap3A_737 = vector.shape_cast %broadcast_in_dim3A_0 : vector<16xf32> to vector<1x16xf32>
    tpu.vector_store %arg10[%swap3A_733, %swap3A_734], %swap3A_737 {strides = array<i32>} : memref<16x128xf32, #tpu.memory_space<vmem>>, vector<1x16xf32>,
    %swap3A_738 = arith.constant 15 : i32
    %swap3A_739 = arith.index_cast %swap3A_738 : i32 to index
    %swap3A_740 = arith.constant 48 : index
    %swap3A_741 = tpu.vector_load %arg10[%swap3A_739, %swap3A_740] {strides = array<i32>} : memref<16x128xf32, #tpu.memory_space<vmem>>, vector<1x16xf32>,
    %swap3A_742 = vector.shape_cast %swap3A_741 : vector<1x16xf32> to vector<16xf32>
    %swap3A_743 = vector.shape_cast %broadcast_in_dim3A_0 : vector<16xf32> to vector<1x16xf32>
    tpu.vector_store %arg10[%swap3A_739, %swap3A_740], %swap3A_743 {strides = array<i32>} : memref<16x128xf32, #tpu.memory_space<vmem>>, vector<1x16xf32>,
    %swap3A_744 = arith.constant 15 : i32
    %swap3A_745 = arith.index_cast %swap3A_744 : i32 to index
    %swap3A_746 = arith.constant 64 : index
    %swap3A_747 = tpu.vector_load %arg10[%swap3A_745, %swap3A_746] {strides = array<i32>} : memref<16x128xf32, #tpu.memory_space<vmem>>, vector<1x16xf32>,
    %swap3A_748 = vector.shape_cast %swap3A_747 : vector<1x16xf32> to vector<16xf32>
    %swap3A_749 = vector.shape_cast %broadcast_in_dim3A_0 : vector<16xf32> to vector<1x16xf32>
    tpu.vector_store %arg10[%swap3A_745, %swap3A_746], %swap3A_749 {strides = array<i32>} : memref<16x128xf32, #tpu.memory_space<vmem>>, vector<1x16xf32>,
    %swap3A_750 = arith.constant 15 : i32
    %swap3A_751 = arith.index_cast %swap3A_750 : i32 to index
    %swap3A_752 = arith.constant 80 : index
    %swap3A_753 = tpu.vector_load %arg10[%swap3A_751, %swap3A_752] {strides = array<i32>} : memref<16x128xf32, #tpu.memory_space<vmem>>, vector<1x16xf32>,
    %swap3A_754 = vector.shape_cast %swap3A_753 : vector<1x16xf32> to vector<16xf32>
    %swap3A_755 = vector.shape_cast %broadcast_in_dim3A_0 : vector<16xf32> to vector<1x16xf32>
    tpu.vector_store %arg10[%swap3A_751, %swap3A_752], %swap3A_755 {strides = array<i32>} : memref<16x128xf32, #tpu.memory_space<vmem>>, vector<1x16xf32>,
    %swap3A_756 = arith.constant 15 : i32
    %swap3A_757 = arith.index_cast %swap3A_756 : i32 to index
    %swap3A_758 = arith.constant 96 : index
    %swap3A_759 = tpu.vector_load %arg10[%swap3A_757, %swap3A_758] {strides = array<i32>} : memref<16x128xf32, #tpu.memory_space<vmem>>, vector<1x16xf32>,
    %swap3A_760 = vector.shape_cast %swap3A_759 : vector<1x16xf32> to vector<16xf32>
    %swap3A_761 = vector.shape_cast %broadcast_in_dim3A_0 : vector<16xf32> to vector<1x16xf32>
    tpu.vector_store %arg10[%swap3A_757, %swap3A_758], %swap3A_761 {strides = array<i32>} : memref<16x128xf32, #tpu.memory_space<vmem>>, vector<1x16xf32>,
    %swap3A_762 = arith.constant 15 : i32
    %swap3A_763 = arith.index_cast %swap3A_762 : i32 to index
    %swap3A_764 = arith.constant 112 : index
    %swap3A_765 = tpu.vector_load %arg10[%swap3A_763, %swap3A_764] {strides = array<i32>} : memref<16x128xf32, #tpu.memory_space<vmem>>, vector<1x16xf32>,
    %swap3A_766 = vector.shape_cast %swap3A_765 : vector<1x16xf32> to vector<16xf32>
    %swap3A_767 = vector.shape_cast %broadcast_in_dim3A_0 : vector<16xf32> to vector<1x16xf32>
    tpu.vector_store %arg10[%swap3A_763, %swap3A_764], %swap3A_767 {strides = array<i32>} : memref<16x128xf32, #tpu.memory_space<vmem>>, vector<1x16xf32>,
    %scan3A = arith.constant 0 : i32
    %scan3A_768 = arith.constant 0 : i32
    %scan3A_769 = arith.constant 40 : i32
    %scan3A_770 = arith.addi %scan3A_768, %scan3A_769 : i32
    %scan3A_771 = arith.constant 1 : i32
    scf.for %scan3A_794 = %scan3A_768 to %scan3A_770 step %scan3A_771  : i32 {
      %mul3A_795 = arith.constant 640 : i32
      %mul3A_796 = arith.muli %arg1, %mul3A_795 : i32
      %mul3A_797 = arith.constant 16 : i32
      %mul3A_798 = arith.muli %scan3A_794, %mul3A_797 : i32
      %add3A_799 = arith.addi %mul3A_796, %mul3A_798 : i32
      "tpu.region"() ({
        %run_scoped3A = tpu.sem_alloc : memref<!tpu.dma_semaphore, #tpu.memory_space<semaphore_mem>>
        %dma_start3A = arith.constant 0 : i32
        %dma_start3A_800 = tpu.memref_slice %arg11[%add3A_799, %dma_start3A] : memref<10240x128xf32, #tpu.memory_space<vmem_shared>> -> memref<16x128xf32, #tpu.memory_space<vmem_shared>>
        %dma_start3A_801 = arith.constant 0 : i32
        %dma_start3A_802 = tpu.memref_slice %arg11[%add3A_799, %dma_start3A_801] : memref<10240x128xf32, #tpu.memory_space<vmem_shared>> -> memref<16x128xf32, #tpu.memory_space<vmem_shared>>
        tpu.enqueue_dma source(%arg10 : memref<16x128xf32, #tpu.memory_space<vmem>>) target(%dma_start3A_802 : memref<16x128xf32, #tpu.memory_space<vmem_shared>>) target_semaphore(%run_scoped3A : memref<!tpu.dma_semaphore, #tpu.memory_space<semaphore_mem>>)
        %dma_wait3A = arith.constant 0 : i32
        %dma_wait3A_803 = tpu.memref_slice %arg11[%add3A_799, %dma_wait3A] : memref<10240x128xf32, #tpu.memory_space<vmem_shared>> -> memref<16x128xf32, #tpu.memory_space<vmem_shared>>
        %dma_wait3A_804 = arith.constant 0 : i32
        %dma_wait3A_805 = tpu.memref_slice %arg11[%add3A_799, %dma_wait3A_804] : memref<10240x128xf32, #tpu.memory_space<vmem_shared>> -> memref<16x128xf32, #tpu.memory_space<vmem_shared>>
        tpu.wait_dma2 semaphore(%run_scoped3A : memref<!tpu.dma_semaphore, #tpu.memory_space<semaphore_mem>>) src(%arg10 : memref<16x128xf32, #tpu.memory_space<vmem>>) dst(%dma_wait3A_805 : memref<16x128xf32, #tpu.memory_space<vmem_shared>>)
        tpu.yield
      }) : () -> ()
    }
    %scan3A_772 = arith.constant 40 : i32
    %barrier3A = arith.constant 0 : index
    tpu.barrier barrier_id(%barrier3A)
    %eq3A = arith.constant 0 : i32
    %eq3A_773 = arith.cmpi eq, %arg0, %eq3A : i32
    %mul3A = arith.constant 128 : i32
    %mul3A_774 = arith.muli %arg1, %mul3A : i32
    %mul3A_775 = arith.constant 32 : i32
    %mul3A_776 = arith.muli %arg1, %mul3A_775 : i32
    %add3A = arith.constant 2048 : i32
    %add3A_777 = arith.addi %add3A, %mul3A_776 : i32
    %select_n3A = arith.select %eq3A_773, %mul3A_774, %add3A_777 : i32
    %jit3A = arith.constant 4 : i32
    %jit3A_778 = arith.constant 1 : i32
    %select_n3A_779 = arith.select %eq3A_773, %jit3A, %jit3A_778 : i32
    %while3A = arith.constant 0 : i32
    %while3A_780 = arith.constant 0 : i32
    %while3A_781 = arith.subi %select_n3A_779, %while3A_780 : i32
    %while3A_782 = arith.addi %while3A_780, %while3A_781 : i32
    %while3A_783 = arith.constant 1 : i32
    %while3A_784 = arith.divsi %while3A_781, %while3A_783 : i32
    %while3A_785 = arith.muli %while3A_784, %while3A_783 : i32
    %while3A_786 = arith.addi %while3A_780, %while3A_785 : i32
    %while3A_787 = arith.constant 1 : i32
    scf.for %while3A_794 = %while3A_780 to %while3A_786 step %while3A_787  : i32 {
      %mul3A_795 = arith.constant 32 : i32
      %mul3A_796 = arith.muli %while3A_794, %mul3A_795 : i32
      %add3A_797 = arith.addi %select_n3A, %mul3A_796 : i32
      "tpu.region"() ({
        %run_scoped3A = tpu.sem_alloc : memref<!tpu.dma_semaphore, #tpu.memory_space<semaphore_mem>>
        %dma_start3A_810 = arith.constant 0 : i32
        %dma_start3A_811 = tpu.memref_slice %arg3[%add3A_797, %dma_start3A_810] : memref<2560x128xi32, #tpu.memory_space<hbm>> -> memref<32x128xi32, #tpu.memory_space<hbm>>
        %dma_start3A_812 = arith.constant 0 : i32
        %dma_start3A_813 = tpu.memref_slice %arg3[%add3A_797, %dma_start3A_812] : memref<2560x128xi32, #tpu.memory_space<hbm>> -> memref<32x128xi32, #tpu.memory_space<hbm>>
        tpu.enqueue_dma source(%dma_start3A_813 : memref<32x128xi32, #tpu.memory_space<hbm>>) target(%arg6 : memref<32x128xi32, #tpu.memory_space<vmem>>) target_semaphore(%run_scoped3A : memref<!tpu.dma_semaphore, #tpu.memory_space<semaphore_mem>>)
        %dma_wait3A = arith.constant 0 : i32
        %dma_wait3A_814 = tpu.memref_slice %arg3[%add3A_797, %dma_wait3A] : memref<2560x128xi32, #tpu.memory_space<hbm>> -> memref<32x128xi32, #tpu.memory_space<hbm>>
        %dma_wait3A_815 = arith.constant 0 : i32
        %dma_wait3A_816 = tpu.memref_slice %arg3[%add3A_797, %dma_wait3A_815] : memref<2560x128xi32, #tpu.memory_space<hbm>> -> memref<32x128xi32, #tpu.memory_space<hbm>>
        tpu.wait_dma2 semaphore(%run_scoped3A : memref<!tpu.dma_semaphore, #tpu.memory_space<semaphore_mem>>) src(%dma_wait3A_816 : memref<32x128xi32, #tpu.memory_space<hbm>>) dst(%arg6 : memref<32x128xi32, #tpu.memory_space<vmem>>)
        tpu.yield
      }) : () -> ()
      "tpu.region"() ({
        %run_scoped3A = tpu.sem_alloc : memref<!tpu.dma_semaphore, #tpu.memory_space<semaphore_mem>>
        %dma_start3A_810 = arith.constant 0 : i32
        %dma_start3A_811 = tpu.memref_slice %arg4[%add3A_797, %dma_start3A_810] : memref<2560x128xi32, #tpu.memory_space<hbm>> -> memref<32x128xi32, #tpu.memory_space<hbm>>
        %dma_start3A_812 = arith.constant 0 : i32
        %dma_start3A_813 = tpu.memref_slice %arg4[%add3A_797, %dma_start3A_812] : memref<2560x128xi32, #tpu.memory_space<hbm>> -> memref<32x128xi32, #tpu.memory_space<hbm>>
        tpu.enqueue_dma source(%dma_start3A_813 : memref<32x128xi32, #tpu.memory_space<hbm>>) target(%arg7 : memref<32x128xi32, #tpu.memory_space<vmem>>) target_semaphore(%run_scoped3A : memref<!tpu.dma_semaphore, #tpu.memory_space<semaphore_mem>>)
        %dma_wait3A = arith.constant 0 : i32
        %dma_wait3A_814 = tpu.memref_slice %arg4[%add3A_797, %dma_wait3A] : memref<2560x128xi32, #tpu.memory_space<hbm>> -> memref<32x128xi32, #tpu.memory_space<hbm>>
        %dma_wait3A_815 = arith.constant 0 : i32
        %dma_wait3A_816 = tpu.memref_slice %arg4[%add3A_797, %dma_wait3A_815] : memref<2560x128xi32, #tpu.memory_space<hbm>> -> memref<32x128xi32, #tpu.memory_space<hbm>>
        tpu.wait_dma2 semaphore(%run_scoped3A : memref<!tpu.dma_semaphore, #tpu.memory_space<semaphore_mem>>) src(%dma_wait3A_816 : memref<32x128xi32, #tpu.memory_space<hbm>>) dst(%arg7 : memref<32x128xi32, #tpu.memory_space<vmem>>)
        tpu.yield
      }) : () -> ()
      %dma_start3A = arith.constant 0 : i32
      %dma_start3A_798 = arith.constant 0 : i32
      %dma_start3A_799 = tpu.memref_slice %arg6[%dma_start3A, %dma_start3A_798] : memref<32x128xi32, #tpu.memory_space<vmem>> -> memref<1x128xi32, #tpu.memory_space<vmem>>
      %dma_start3A_800 = tpu.memref_squeeze %dma_start3A_799 : memref<1x128xi32, #tpu.memory_space<vmem>> -> memref<128xi32, #tpu.memory_space<vmem>>
      %dma_start3A_801 = arith.constant 0 : i32
      %dma_start3A_802 = arith.constant 0 : i32
      %dma_start3A_803 = tpu.memref_slice %arg2[%dma_start3A_801, %dma_start3A_802] : memref<10000x128xf32, #tpu.memory_space<hbm>> -> memref<10000x128xf32, #tpu.memory_space<hbm>>
      tpu.enqueue_indirect_dma source(%dma_start3A_803 : memref<10000x128xf32, #tpu.memory_space<hbm>>) target(%arg8 : memref<128x128xf32, #tpu.memory_space<vmem>>) offsets(%dma_start3A_800 : memref<128xi32, #tpu.memory_space<vmem>>) semaphore(%arg12 : memref<!tpu.dma_semaphore, #tpu.memory_space<semaphore_mem>>)
      %scan3A_804 = arith.constant 0 : i32
      %scan3A_805 = arith.constant 0 : i32
      %scan3A_806 = arith.constant 16 : i32
      %scan3A_807 = arith.addi %scan3A_805, %scan3A_806 : i32
      %scan3A_808 = arith.constant 1 : i32
      scf.for %scan3A_810 = %scan3A_805 to %scan3A_807 step %scan3A_808  : i32 {
        %mul3A_811 = arith.constant 2 : i32
        %mul3A_812 = arith.muli %mul3A_811, %scan3A_810 : i32
        %add3A_813 = arith.constant 1 : i32
        %add3A_814 = arith.addi %mul3A_812, %add3A_813 : i32
        %dma_start3A_815 = arith.constant 0 : i32
        %dma_start3A_816 = tpu.memref_slice %arg6[%add3A_814, %dma_start3A_815] : memref<32x128xi32, #tpu.memory_space<vmem>> -> memref<1x128xi32, #tpu.memory_space<vmem>>
        %dma_start3A_817 = tpu.memref_squeeze %dma_start3A_816 : memref<1x128xi32, #tpu.memory_space<vmem>> -> memref<128xi32, #tpu.memory_space<vmem>>
        %dma_start3A_818 = arith.constant 0 : i32
        %dma_start3A_819 = arith.constant 0 : i32
        %dma_start3A_820 = tpu.memref_slice %arg2[%dma_start3A_818, %dma_start3A_819] : memref<10000x128xf32, #tpu.memory_space<hbm>> -> memref<10000x128xf32, #tpu.memory_space<hbm>>
        tpu.enqueue_indirect_dma source(%dma_start3A_820 : memref<10000x128xf32, #tpu.memory_space<hbm>>) target(%arg9 : memref<128x128xf32, #tpu.memory_space<vmem>>) offsets(%dma_start3A_817 : memref<128xi32, #tpu.memory_space<vmem>>) semaphore(%arg13 : memref<!tpu.dma_semaphore, #tpu.memory_space<semaphore_mem>>)
        %dma_wait3A = arith.constant 0 : i32
        %dma_wait3A_821 = tpu.memref_slice %arg6[%mul3A_812, %dma_wait3A] : memref<32x128xi32, #tpu.memory_space<vmem>> -> memref<1x128xi32, #tpu.memory_space<vmem>>
        %dma_wait3A_822 = tpu.memref_squeeze %dma_wait3A_821 : memref<1x128xi32, #tpu.memory_space<vmem>> -> memref<128xi32, #tpu.memory_space<vmem>>
        %dma_wait3A_823 = arith.constant 0 : i32
        %dma_wait3A_824 = arith.constant 0 : i32
        %dma_wait3A_825 = tpu.memref_slice %arg2[%dma_wait3A_823, %dma_wait3A_824] : memref<10000x128xf32, #tpu.memory_space<hbm>> -> memref<10000x128xf32, #tpu.memory_space<hbm>>
        tpu.wait_indirect_dma semaphore(%arg12 : memref<!tpu.dma_semaphore, #tpu.memory_space<semaphore_mem>>) src(%dma_wait3A_825 : memref<10000x128xf32, #tpu.memory_space<hbm>>) dst(%arg8 : memref<128x128xf32, #tpu.memory_space<vmem>>)
        "tpu.region"() ({
          %run_scoped3A = tpu.sem_alloc : memref<!tpu.dma_semaphore, #tpu.memory_space<semaphore_mem>>
          %dma_start3A_834 = arith.constant 0 : i32
          %dma_start3A_835 = tpu.memref_slice %arg7[%mul3A_812, %dma_start3A_834] : memref<32x128xi32, #tpu.memory_space<vmem>> -> memref<1x128xi32, #tpu.memory_space<vmem>>
          %dma_start3A_836 = tpu.memref_squeeze %dma_start3A_835 : memref<1x128xi32, #tpu.memory_space<vmem>> -> memref<128xi32, #tpu.memory_space<vmem>>
          %dma_start3A_837 = arith.constant 0 : i32
          %dma_start3A_838 = arith.constant 0 : i32
          %dma_start3A_839 = tpu.memref_slice %arg11[%dma_start3A_837, %dma_start3A_838] : memref<10240x128xf32, #tpu.memory_space<vmem_shared>> -> memref<10240x128xf32, #tpu.memory_space<vmem_shared>>
          tpu.enqueue_indirect_dma source(%arg8 : memref<128x128xf32, #tpu.memory_space<vmem>>) target(%dma_start3A_839 : memref<10240x128xf32, #tpu.memory_space<vmem_shared>>) offsets(%dma_start3A_836 : memref<128xi32, #tpu.memory_space<vmem>>) semaphore(%run_scoped3A : memref<!tpu.dma_semaphore, #tpu.memory_space<semaphore_mem>>) {add = true}
          %dma_wait3A_840 = arith.constant 0 : i32
          %dma_wait3A_841 = tpu.memref_slice %arg7[%mul3A_812, %dma_wait3A_840] : memref<32x128xi32, #tpu.memory_space<vmem>> -> memref<1x128xi32, #tpu.memory_space<vmem>>
          %dma_wait3A_842 = tpu.memref_squeeze %dma_wait3A_841 : memref<1x128xi32, #tpu.memory_space<vmem>> -> memref<128xi32, #tpu.memory_space<vmem>>
          %dma_wait3A_843 = arith.constant 0 : i32
          %dma_wait3A_844 = arith.constant 0 : i32
          %dma_wait3A_845 = tpu.memref_slice %arg11[%dma_wait3A_843, %dma_wait3A_844] : memref<10240x128xf32, #tpu.memory_space<vmem_shared>> -> memref<10240x128xf32, #tpu.memory_space<vmem_shared>>
          tpu.wait_indirect_dma semaphore(%run_scoped3A : memref<!tpu.dma_semaphore, #tpu.memory_space<semaphore_mem>>) src(%arg8 : memref<128x128xf32, #tpu.memory_space<vmem>>) dst(%dma_wait3A_845 : memref<10240x128xf32, #tpu.memory_space<vmem_shared>>)
          tpu.yield
        }) : () -> ()
        %lt3A = arith.constant 15 : i32
        %lt3A_826 = arith.cmpi slt, %scan3A_810, %lt3A : i32
        %convert_element_type3A = arith.extui %lt3A_826 : i1 to i32
        %cond3A = arith.constant 0 : i32
        %cond3A_827 = arith.cmpi ne, %convert_element_type3A, %cond3A : i32
        scf.if %cond3A_827 {
          %add3A_834 = arith.constant 2 : i32
          %add3A_835 = arith.addi %mul3A_812, %add3A_834 : i32
          %dma_start3A_836 = arith.constant 0 : i32
          %dma_start3A_837 = tpu.memref_slice %arg6[%add3A_835, %dma_start3A_836] : memref<32x128xi32, #tpu.memory_space<vmem>> -> memref<1x128xi32, #tpu.memory_space<vmem>>
          %dma_start3A_838 = tpu.memref_squeeze %dma_start3A_837 : memref<1x128xi32, #tpu.memory_space<vmem>> -> memref<128xi32, #tpu.memory_space<vmem>>
          %dma_start3A_839 = arith.constant 0 : i32
          %dma_start3A_840 = arith.constant 0 : i32
          %dma_start3A_841 = tpu.memref_slice %arg2[%dma_start3A_839, %dma_start3A_840] : memref<10000x128xf32, #tpu.memory_space<hbm>> -> memref<10000x128xf32, #tpu.memory_space<hbm>>
          tpu.enqueue_indirect_dma source(%dma_start3A_841 : memref<10000x128xf32, #tpu.memory_space<hbm>>) target(%arg8 : memref<128x128xf32, #tpu.memory_space<vmem>>) offsets(%dma_start3A_838 : memref<128xi32, #tpu.memory_space<vmem>>) semaphore(%arg12 : memref<!tpu.dma_semaphore, #tpu.memory_space<semaphore_mem>>)
        } else {
        }
        %dma_wait3A_828 = arith.constant 0 : i32
        %dma_wait3A_829 = tpu.memref_slice %arg6[%add3A_814, %dma_wait3A_828] : memref<32x128xi32, #tpu.memory_space<vmem>> -> memref<1x128xi32, #tpu.memory_space<vmem>>
        %dma_wait3A_830 = tpu.memref_squeeze %dma_wait3A_829 : memref<1x128xi32, #tpu.memory_space<vmem>> -> memref<128xi32, #tpu.memory_space<vmem>>
        %dma_wait3A_831 = arith.constant 0 : i32
        %dma_wait3A_832 = arith.constant 0 : i32
        %dma_wait3A_833 = tpu.memref_slice %arg2[%dma_wait3A_831, %dma_wait3A_832] : memref<10000x128xf32, #tpu.memory_space<hbm>> -> memref<10000x128xf32, #tpu.memory_space<hbm>>
        tpu.wait_indirect_dma semaphore(%arg13 : memref<!tpu.dma_semaphore, #tpu.memory_space<semaphore_mem>>) src(%dma_wait3A_833 : memref<10000x128xf32, #tpu.memory_space<hbm>>) dst(%arg9 : memref<128x128xf32, #tpu.memory_space<vmem>>)
        "tpu.region"() ({
          %run_scoped3A = tpu.sem_alloc : memref<!tpu.dma_semaphore, #tpu.memory_space<semaphore_mem>>
          %dma_start3A_834 = arith.constant 0 : i32
          %dma_start3A_835 = tpu.memref_slice %arg7[%add3A_814, %dma_start3A_834] : memref<32x128xi32, #tpu.memory_space<vmem>> -> memref<1x128xi32, #tpu.memory_space<vmem>>
          %dma_start3A_836 = tpu.memref_squeeze %dma_start3A_835 : memref<1x128xi32, #tpu.memory_space<vmem>> -> memref<128xi32, #tpu.memory_space<vmem>>
          %dma_start3A_837 = arith.constant 0 : i32
          %dma_start3A_838 = arith.constant 0 : i32
          %dma_start3A_839 = tpu.memref_slice %arg11[%dma_start3A_837, %dma_start3A_838] : memref<10240x128xf32, #tpu.memory_space<vmem_shared>> -> memref<10240x128xf32, #tpu.memory_space<vmem_shared>>
          tpu.enqueue_indirect_dma source(%arg9 : memref<128x128xf32, #tpu.memory_space<vmem>>) target(%dma_start3A_839 : memref<10240x128xf32, #tpu.memory_space<vmem_shared>>) offsets(%dma_start3A_836 : memref<128xi32, #tpu.memory_space<vmem>>) semaphore(%run_scoped3A : memref<!tpu.dma_semaphore, #tpu.memory_space<semaphore_mem>>) {add = true}
          %dma_wait3A_840 = arith.constant 0 : i32
          %dma_wait3A_841 = tpu.memref_slice %arg7[%add3A_814, %dma_wait3A_840] : memref<32x128xi32, #tpu.memory_space<vmem>> -> memref<1x128xi32, #tpu.memory_space<vmem>>
          %dma_wait3A_842 = tpu.memref_squeeze %dma_wait3A_841 : memref<1x128xi32, #tpu.memory_space<vmem>> -> memref<128xi32, #tpu.memory_space<vmem>>
          %dma_wait3A_843 = arith.constant 0 : i32
          %dma_wait3A_844 = arith.constant 0 : i32
          %dma_wait3A_845 = tpu.memref_slice %arg11[%dma_wait3A_843, %dma_wait3A_844] : memref<10240x128xf32, #tpu.memory_space<vmem_shared>> -> memref<10240x128xf32, #tpu.memory_space<vmem_shared>>
          tpu.wait_indirect_dma semaphore(%run_scoped3A : memref<!tpu.dma_semaphore, #tpu.memory_space<semaphore_mem>>) src(%arg9 : memref<128x128xf32, #tpu.memory_space<vmem>>) dst(%dma_wait3A_845 : memref<10240x128xf32, #tpu.memory_space<vmem_shared>>)
          tpu.yield
        }) : () -> ()
      }
      %scan3A_809 = arith.constant 16 : i32
    }
    %while3A_788 = arith.constant 1 : i32
    scf.for %while3A_794 = %while3A_786 to %while3A_782 step %while3A_788  : i32 {
      %mul3A_795 = arith.constant 32 : i32
      %mul3A_796 = arith.muli %while3A_794, %mul3A_795 : i32
      %add3A_797 = arith.addi %select_n3A, %mul3A_796 : i32
      "tpu.region"() ({
        %run_scoped3A = tpu.sem_alloc : memref<!tpu.dma_semaphore, #tpu.memory_space<semaphore_mem>>
        %dma_start3A_810 = arith.constant 0 : i32
        %dma_start3A_811 = tpu.memref_slice %arg3[%add3A_797, %dma_start3A_810] : memref<2560x128xi32, #tpu.memory_space<hbm>> -> memref<32x128xi32, #tpu.memory_space<hbm>>
        %dma_start3A_812 = arith.constant 0 : i32
        %dma_start3A_813 = tpu.memref_slice %arg3[%add3A_797, %dma_start3A_812] : memref<2560x128xi32, #tpu.memory_space<hbm>> -> memref<32x128xi32, #tpu.memory_space<hbm>>
        tpu.enqueue_dma source(%dma_start3A_813 : memref<32x128xi32, #tpu.memory_space<hbm>>) target(%arg6 : memref<32x128xi32, #tpu.memory_space<vmem>>) target_semaphore(%run_scoped3A : memref<!tpu.dma_semaphore, #tpu.memory_space<semaphore_mem>>)
        %dma_wait3A = arith.constant 0 : i32
        %dma_wait3A_814 = tpu.memref_slice %arg3[%add3A_797, %dma_wait3A] : memref<2560x128xi32, #tpu.memory_space<hbm>> -> memref<32x128xi32, #tpu.memory_space<hbm>>
        %dma_wait3A_815 = arith.constant 0 : i32
        %dma_wait3A_816 = tpu.memref_slice %arg3[%add3A_797, %dma_wait3A_815] : memref<2560x128xi32, #tpu.memory_space<hbm>> -> memref<32x128xi32, #tpu.memory_space<hbm>>
        tpu.wait_dma2 semaphore(%run_scoped3A : memref<!tpu.dma_semaphore, #tpu.memory_space<semaphore_mem>>) src(%dma_wait3A_816 : memref<32x128xi32, #tpu.memory_space<hbm>>) dst(%arg6 : memref<32x128xi32, #tpu.memory_space<vmem>>)
        tpu.yield
      }) : () -> ()
      "tpu.region"() ({
        %run_scoped3A = tpu.sem_alloc : memref<!tpu.dma_semaphore, #tpu.memory_space<semaphore_mem>>
        %dma_start3A_810 = arith.constant 0 : i32
        %dma_start3A_811 = tpu.memref_slice %arg4[%add3A_797, %dma_start3A_810] : memref<2560x128xi32, #tpu.memory_space<hbm>> -> memref<32x128xi32, #tpu.memory_space<hbm>>
        %dma_start3A_812 = arith.constant 0 : i32
        %dma_start3A_813 = tpu.memref_slice %arg4[%add3A_797, %dma_start3A_812] : memref<2560x128xi32, #tpu.memory_space<hbm>> -> memref<32x128xi32, #tpu.memory_space<hbm>>
        tpu.enqueue_dma source(%dma_start3A_813 : memref<32x128xi32, #tpu.memory_space<hbm>>) target(%arg7 : memref<32x128xi32, #tpu.memory_space<vmem>>) target_semaphore(%run_scoped3A : memref<!tpu.dma_semaphore, #tpu.memory_space<semaphore_mem>>)
        %dma_wait3A = arith.constant 0 : i32
        %dma_wait3A_814 = tpu.memref_slice %arg4[%add3A_797, %dma_wait3A] : memref<2560x128xi32, #tpu.memory_space<hbm>> -> memref<32x128xi32, #tpu.memory_space<hbm>>
        %dma_wait3A_815 = arith.constant 0 : i32
        %dma_wait3A_816 = tpu.memref_slice %arg4[%add3A_797, %dma_wait3A_815] : memref<2560x128xi32, #tpu.memory_space<hbm>> -> memref<32x128xi32, #tpu.memory_space<hbm>>
        tpu.wait_dma2 semaphore(%run_scoped3A : memref<!tpu.dma_semaphore, #tpu.memory_space<semaphore_mem>>) src(%dma_wait3A_816 : memref<32x128xi32, #tpu.memory_space<hbm>>) dst(%arg7 : memref<32x128xi32, #tpu.memory_space<vmem>>)
        tpu.yield
      }) : () -> ()
      %dma_start3A = arith.constant 0 : i32
      %dma_start3A_798 = arith.constant 0 : i32
      %dma_start3A_799 = tpu.memref_slice %arg6[%dma_start3A, %dma_start3A_798] : memref<32x128xi32, #tpu.memory_space<vmem>> -> memref<1x128xi32, #tpu.memory_space<vmem>>
      %dma_start3A_800 = tpu.memref_squeeze %dma_start3A_799 : memref<1x128xi32, #tpu.memory_space<vmem>> -> memref<128xi32, #tpu.memory_space<vmem>>
      %dma_start3A_801 = arith.constant 0 : i32
      %dma_start3A_802 = arith.constant 0 : i32
      %dma_start3A_803 = tpu.memref_slice %arg2[%dma_start3A_801, %dma_start3A_802] : memref<10000x128xf32, #tpu.memory_space<hbm>> -> memref<10000x128xf32, #tpu.memory_space<hbm>>
      tpu.enqueue_indirect_dma source(%dma_start3A_803 : memref<10000x128xf32, #tpu.memory_space<hbm>>) target(%arg8 : memref<128x128xf32, #tpu.memory_space<vmem>>) offsets(%dma_start3A_800 : memref<128xi32, #tpu.memory_space<vmem>>) semaphore(%arg12 : memref<!tpu.dma_semaphore, #tpu.memory_space<semaphore_mem>>)
      %scan3A_804 = arith.constant 0 : i32
      %scan3A_805 = arith.constant 0 : i32
      %scan3A_806 = arith.constant 16 : i32
      %scan3A_807 = arith.addi %scan3A_805, %scan3A_806 : i32
      %scan3A_808 = arith.constant 1 : i32
      scf.for %scan3A_810 = %scan3A_805 to %scan3A_807 step %scan3A_808  : i32 {
        %mul3A_811 = arith.constant 2 : i32
        %mul3A_812 = arith.muli %mul3A_811, %scan3A_810 : i32
        %add3A_813 = arith.constant 1 : i32
        %add3A_814 = arith.addi %mul3A_812, %add3A_813 : i32
        %dma_start3A_815 = arith.constant 0 : i32
        %dma_start3A_816 = tpu.memref_slice %arg6[%add3A_814, %dma_start3A_815] : memref<32x128xi32, #tpu.memory_space<vmem>> -> memref<1x128xi32, #tpu.memory_space<vmem>>
        %dma_start3A_817 = tpu.memref_squeeze %dma_start3A_816 : memref<1x128xi32, #tpu.memory_space<vmem>> -> memref<128xi32, #tpu.memory_space<vmem>>
        %dma_start3A_818 = arith.constant 0 : i32
        %dma_start3A_819 = arith.constant 0 : i32
        %dma_start3A_820 = tpu.memref_slice %arg2[%dma_start3A_818, %dma_start3A_819] : memref<10000x128xf32, #tpu.memory_space<hbm>> -> memref<10000x128xf32, #tpu.memory_space<hbm>>
        tpu.enqueue_indirect_dma source(%dma_start3A_820 : memref<10000x128xf32, #tpu.memory_space<hbm>>) target(%arg9 : memref<128x128xf32, #tpu.memory_space<vmem>>) offsets(%dma_start3A_817 : memref<128xi32, #tpu.memory_space<vmem>>) semaphore(%arg13 : memref<!tpu.dma_semaphore, #tpu.memory_space<semaphore_mem>>)
        %dma_wait3A = arith.constant 0 : i32
        %dma_wait3A_821 = tpu.memref_slice %arg6[%mul3A_812, %dma_wait3A] : memref<32x128xi32, #tpu.memory_space<vmem>> -> memref<1x128xi32, #tpu.memory_space<vmem>>
        %dma_wait3A_822 = tpu.memref_squeeze %dma_wait3A_821 : memref<1x128xi32, #tpu.memory_space<vmem>> -> memref<128xi32, #tpu.memory_space<vmem>>
        %dma_wait3A_823 = arith.constant 0 : i32
        %dma_wait3A_824 = arith.constant 0 : i32
        %dma_wait3A_825 = tpu.memref_slice %arg2[%dma_wait3A_823, %dma_wait3A_824] : memref<10000x128xf32, #tpu.memory_space<hbm>> -> memref<10000x128xf32, #tpu.memory_space<hbm>>
        tpu.wait_indirect_dma semaphore(%arg12 : memref<!tpu.dma_semaphore, #tpu.memory_space<semaphore_mem>>) src(%dma_wait3A_825 : memref<10000x128xf32, #tpu.memory_space<hbm>>) dst(%arg8 : memref<128x128xf32, #tpu.memory_space<vmem>>)
        "tpu.region"() ({
          %run_scoped3A = tpu.sem_alloc : memref<!tpu.dma_semaphore, #tpu.memory_space<semaphore_mem>>
          %dma_start3A_834 = arith.constant 0 : i32
          %dma_start3A_835 = tpu.memref_slice %arg7[%mul3A_812, %dma_start3A_834] : memref<32x128xi32, #tpu.memory_space<vmem>> -> memref<1x128xi32, #tpu.memory_space<vmem>>
          %dma_start3A_836 = tpu.memref_squeeze %dma_start3A_835 : memref<1x128xi32, #tpu.memory_space<vmem>> -> memref<128xi32, #tpu.memory_space<vmem>>
          %dma_start3A_837 = arith.constant 0 : i32
          %dma_start3A_838 = arith.constant 0 : i32
          %dma_start3A_839 = tpu.memref_slice %arg11[%dma_start3A_837, %dma_start3A_838] : memref<10240x128xf32, #tpu.memory_space<vmem_shared>> -> memref<10240x128xf32, #tpu.memory_space<vmem_shared>>
          tpu.enqueue_indirect_dma source(%arg8 : memref<128x128xf32, #tpu.memory_space<vmem>>) target(%dma_start3A_839 : memref<10240x128xf32, #tpu.memory_space<vmem_shared>>) offsets(%dma_start3A_836 : memref<128xi32, #tpu.memory_space<vmem>>) semaphore(%run_scoped3A : memref<!tpu.dma_semaphore, #tpu.memory_space<semaphore_mem>>) {add = true}
          %dma_wait3A_840 = arith.constant 0 : i32
          %dma_wait3A_841 = tpu.memref_slice %arg7[%mul3A_812, %dma_wait3A_840] : memref<32x128xi32, #tpu.memory_space<vmem>> -> memref<1x128xi32, #tpu.memory_space<vmem>>
          %dma_wait3A_842 = tpu.memref_squeeze %dma_wait3A_841 : memref<1x128xi32, #tpu.memory_space<vmem>> -> memref<128xi32, #tpu.memory_space<vmem>>
          %dma_wait3A_843 = arith.constant 0 : i32
          %dma_wait3A_844 = arith.constant 0 : i32
          %dma_wait3A_845 = tpu.memref_slice %arg11[%dma_wait3A_843, %dma_wait3A_844] : memref<10240x128xf32, #tpu.memory_space<vmem_shared>> -> memref<10240x128xf32, #tpu.memory_space<vmem_shared>>
          tpu.wait_indirect_dma semaphore(%run_scoped3A : memref<!tpu.dma_semaphore, #tpu.memory_space<semaphore_mem>>) src(%arg8 : memref<128x128xf32, #tpu.memory_space<vmem>>) dst(%dma_wait3A_845 : memref<10240x128xf32, #tpu.memory_space<vmem_shared>>)
          tpu.yield
        }) : () -> ()
        %lt3A = arith.constant 15 : i32
        %lt3A_826 = arith.cmpi slt, %scan3A_810, %lt3A : i32
        %convert_element_type3A = arith.extui %lt3A_826 : i1 to i32
        %cond3A = arith.constant 0 : i32
        %cond3A_827 = arith.cmpi ne, %convert_element_type3A, %cond3A : i32
        scf.if %cond3A_827 {
          %add3A_834 = arith.constant 2 : i32
          %add3A_835 = arith.addi %mul3A_812, %add3A_834 : i32
          %dma_start3A_836 = arith.constant 0 : i32
          %dma_start3A_837 = tpu.memref_slice %arg6[%add3A_835, %dma_start3A_836] : memref<32x128xi32, #tpu.memory_space<vmem>> -> memref<1x128xi32, #tpu.memory_space<vmem>>
          %dma_start3A_838 = tpu.memref_squeeze %dma_start3A_837 : memref<1x128xi32, #tpu.memory_space<vmem>> -> memref<128xi32, #tpu.memory_space<vmem>>
          %dma_start3A_839 = arith.constant 0 : i32
          %dma_start3A_840 = arith.constant 0 : i32
          %dma_start3A_841 = tpu.memref_slice %arg2[%dma_start3A_839, %dma_start3A_840] : memref<10000x128xf32, #tpu.memory_space<hbm>> -> memref<10000x128xf32, #tpu.memory_space<hbm>>
          tpu.enqueue_indirect_dma source(%dma_start3A_841 : memref<10000x128xf32, #tpu.memory_space<hbm>>) target(%arg8 : memref<128x128xf32, #tpu.memory_space<vmem>>) offsets(%dma_start3A_838 : memref<128xi32, #tpu.memory_space<vmem>>) semaphore(%arg12 : memref<!tpu.dma_semaphore, #tpu.memory_space<semaphore_mem>>)
        } else {
        }
        %dma_wait3A_828 = arith.constant 0 : i32
        %dma_wait3A_829 = tpu.memref_slice %arg6[%add3A_814, %dma_wait3A_828] : memref<32x128xi32, #tpu.memory_space<vmem>> -> memref<1x128xi32, #tpu.memory_space<vmem>>
        %dma_wait3A_830 = tpu.memref_squeeze %dma_wait3A_829 : memref<1x128xi32, #tpu.memory_space<vmem>> -> memref<128xi32, #tpu.memory_space<vmem>>
        %dma_wait3A_831 = arith.constant 0 : i32
        %dma_wait3A_832 = arith.constant 0 : i32
        %dma_wait3A_833 = tpu.memref_slice %arg2[%dma_wait3A_831, %dma_wait3A_832] : memref<10000x128xf32, #tpu.memory_space<hbm>> -> memref<10000x128xf32, #tpu.memory_space<hbm>>
        tpu.wait_indirect_dma semaphore(%arg13 : memref<!tpu.dma_semaphore, #tpu.memory_space<semaphore_mem>>) src(%dma_wait3A_833 : memref<10000x128xf32, #tpu.memory_space<hbm>>) dst(%arg9 : memref<128x128xf32, #tpu.memory_space<vmem>>)
        "tpu.region"() ({
          %run_scoped3A = tpu.sem_alloc : memref<!tpu.dma_semaphore, #tpu.memory_space<semaphore_mem>>
          %dma_start3A_834 = arith.constant 0 : i32
          %dma_start3A_835 = tpu.memref_slice %arg7[%add3A_814, %dma_start3A_834] : memref<32x128xi32, #tpu.memory_space<vmem>> -> memref<1x128xi32, #tpu.memory_space<vmem>>
          %dma_start3A_836 = tpu.memref_squeeze %dma_start3A_835 : memref<1x128xi32, #tpu.memory_space<vmem>> -> memref<128xi32, #tpu.memory_space<vmem>>
          %dma_start3A_837 = arith.constant 0 : i32
          %dma_start3A_838 = arith.constant 0 : i32
          %dma_start3A_839 = tpu.memref_slice %arg11[%dma_start3A_837, %dma_start3A_838] : memref<10240x128xf32, #tpu.memory_space<vmem_shared>> -> memref<10240x128xf32, #tpu.memory_space<vmem_shared>>
          tpu.enqueue_indirect_dma source(%arg9 : memref<128x128xf32, #tpu.memory_space<vmem>>) target(%dma_start3A_839 : memref<10240x128xf32, #tpu.memory_space<vmem_shared>>) offsets(%dma_start3A_836 : memref<128xi32, #tpu.memory_space<vmem>>) semaphore(%run_scoped3A : memref<!tpu.dma_semaphore, #tpu.memory_space<semaphore_mem>>) {add = true}
          %dma_wait3A_840 = arith.constant 0 : i32
          %dma_wait3A_841 = tpu.memref_slice %arg7[%add3A_814, %dma_wait3A_840] : memref<32x128xi32, #tpu.memory_space<vmem>> -> memref<1x128xi32, #tpu.memory_space<vmem>>
          %dma_wait3A_842 = tpu.memref_squeeze %dma_wait3A_841 : memref<1x128xi32, #tpu.memory_space<vmem>> -> memref<128xi32, #tpu.memory_space<vmem>>
          %dma_wait3A_843 = arith.constant 0 : i32
          %dma_wait3A_844 = arith.constant 0 : i32
          %dma_wait3A_845 = tpu.memref_slice %arg11[%dma_wait3A_843, %dma_wait3A_844] : memref<10240x128xf32, #tpu.memory_space<vmem_shared>> -> memref<10240x128xf32, #tpu.memory_space<vmem_shared>>
          tpu.wait_indirect_dma semaphore(%run_scoped3A : memref<!tpu.dma_semaphore, #tpu.memory_space<semaphore_mem>>) src(%arg9 : memref<128x128xf32, #tpu.memory_space<vmem>>) dst(%dma_wait3A_845 : memref<10240x128xf32, #tpu.memory_space<vmem_shared>>)
          tpu.yield
        }) : () -> ()
      }
      %scan3A_809 = arith.constant 16 : i32
    }
    %barrier3A_789 = arith.constant 0 : index
    tpu.barrier barrier_id(%barrier3A_789)
    %mul3A_790 = arith.constant 640 : i32
    %mul3A_791 = arith.muli %arg1, %mul3A_790 : i32
    %mul3A_792 = arith.constant 640 : i32
    %mul3A_793 = arith.muli %arg1, %mul3A_792 : i32
    "tpu.region"() ({
      %run_scoped3A = tpu.sem_alloc : memref<!tpu.dma_semaphore, #tpu.memory_space<semaphore_mem>>
      %dma_start3A = arith.constant 0 : i32
      %dma_start3A_794 = tpu.memref_slice %arg5[%arg0, %mul3A_793, %dma_start3A] : memref<2x10240x128xf32, #tpu.memory_space<hbm>> -> memref<1x640x128xf32, #tpu.memory_space<hbm>>
      %dma_start3A_795 = tpu.memref_squeeze %dma_start3A_794 : memref<1x640x128xf32, #tpu.memory_space<hbm>> -> memref<640x128xf32, #tpu.memory_space<hbm>>
      %dma_start3A_796 = arith.constant 0 : i32
      %dma_start3A_797 = tpu.memref_slice %arg11[%mul3A_791, %dma_start3A_796] : memref<10240x128xf32, #tpu.memory_space<vmem_shared>> -> memref<640x128xf32, #tpu.memory_space<vmem_shared>>
      tpu.enqueue_dma source(%dma_start3A_797 : memref<640x128xf32, #tpu.memory_space<vmem_shared>>) target(%dma_start3A_795 : memref<640x128xf32, #tpu.memory_space<hbm>>) target_semaphore(%run_scoped3A : memref<!tpu.dma_semaphore, #tpu.memory_space<semaphore_mem>>)
      %dma_wait3A = arith.constant 0 : i32
      %dma_wait3A_798 = tpu.memref_slice %arg5[%arg0, %mul3A_793, %dma_wait3A] : memref<2x10240x128xf32, #tpu.memory_space<hbm>> -> memref<1x640x128xf32, #tpu.memory_space<hbm>>
      %dma_wait3A_799 = tpu.memref_squeeze %dma_wait3A_798 : memref<1x640x128xf32, #tpu.memory_space<hbm>> -> memref<640x128xf32, #tpu.memory_space<hbm>>
      %dma_wait3A_800 = arith.constant 0 : i32
      %dma_wait3A_801 = tpu.memref_slice %arg11[%mul3A_791, %dma_wait3A_800] : memref<10240x128xf32, #tpu.memory_space<vmem_shared>> -> memref<640x128xf32, #tpu.memory_space<vmem_shared>>
      tpu.wait_dma2 semaphore(%run_scoped3A : memref<!tpu.dma_semaphore, #tpu.memory_space<semaphore_mem>>) src(%dma_wait3A_801 : memref<640x128xf32, #tpu.memory_space<vmem_shared>>) dst(%dma_wait3A_799 : memref<640x128xf32, #tpu.memory_space<hbm>>)
      tpu.yield
    }) : () -> ()
    return
  }
}

#map = affine_map<(d0, d1) -> (0, 0)>
#map1 = affine_map<(d0, d1) -> (0, 0, 0)>
module attributes {stable_mosaic.version = 14 : i64} {
  func.func @_agg_body(%arg0: i32, %arg1: i32, %arg2: memref<10000x128xf32, #tpu.memory_space<hbm>>, %arg3: memref<2560x128xi32, #tpu.memory_space<hbm>>, %arg4: memref<2560x128xi32, #tpu.memory_space<hbm>>, %arg5: memref<2x10240x128xf32, #tpu.memory_space<hbm>>, %arg6: memref<32x128xi32, #tpu.memory_space<vmem>>, %arg7: memref<32x128xi32, #tpu.memory_space<vmem>>, %arg8: memref<128x128xf32, #tpu.memory_space<vmem>>, %arg9: memref<128x128xf32, #tpu.memory_space<vmem>>, %arg10: memref<16x128xf32, #tpu.memory_space<vmem>>, %arg11: memref<10240x128xf32, #tpu.memory_space<vmem_shared>>, %arg12: memref<!tpu.dma_semaphore, #tpu.memory_space<semaphore_mem>>, %arg13: memref<!tpu.dma_semaphore, #tpu.memory_space<semaphore_mem>>) attributes {dimension_semantics = [#tpu.dimension_semantics<core_parallel>, #tpu.dimension_semantics<subcore_parallel>], iteration_bounds = array<i64: 2, 16>, scalar_prefetch = 0 : i64, scratch_operands = 8 : i64, tpu.core_type = #tpu.core_type<sc_vector_subcore>, window_params = [{transform_indices = #map}, {transform_indices = #map}, {transform_indices = #map}, {transform_indices = #map1}]} {
    %broadcast_in_dim3A = arith.constant 0.000000e+00 : f32
    %broadcast_in_dim3A_0 = vector.broadcast %broadcast_in_dim3A : f32 to vector<16xf32>
    %swap3A = arith.constant 0 : i32
    %swap3A_1 = arith.index_cast %swap3A : i32 to index
    %swap3A_2 = arith.constant 0 : index
    %swap3A_3 = tpu.vector_load %arg10[%swap3A_1, %swap3A_2] {strides = array<i32>} : memref<16x128xf32, #tpu.memory_space<vmem>>, vector<1x16xf32>,
    %swap3A_4 = vector.shape_cast %swap3A_3 : vector<1x16xf32> to vector<16xf32>
    %swap3A_5 = vector.shape_cast %broadcast_in_dim3A_0 : vector<16xf32> to vector<1x16xf32>
    tpu.vector_store %arg10[%swap3A_1, %swap3A_2], %swap3A_5 {strides = array<i32>} : memref<16x128xf32, #tpu.memory_space<vmem>>, vector<1x16xf32>,
    %swap3A_6 = arith.constant 0 : i32
    %swap3A_7 = arith.index_cast %swap3A_6 : i32 to index
    %swap3A_8 = arith.constant 16 : index
    %swap3A_9 = tpu.vector_load %arg10[%swap3A_7, %swap3A_8] {strides = array<i32>} : memref<16x128xf32, #tpu.memory_space<vmem>>, vector<1x16xf32>,
    %swap3A_10 = vector.shape_cast %swap3A_9 : vector<1x16xf32> to vector<16xf32>
    %swap3A_11 = vector.shape_cast %broadcast_in_dim3A_0 : vector<16xf32> to vector<1x16xf32>
    tpu.vector_store %arg10[%swap3A_7, %swap3A_8], %swap3A_11 {strides = array<i32>} : memref<16x128xf32, #tpu.memory_space<vmem>>, vector<1x16xf32>,
    %swap3A_12 = arith.constant 0 : i32
    %swap3A_13 = arith.index_cast %swap3A_12 : i32 to index
    %swap3A_14 = arith.constant 32 : index
    %swap3A_15 = tpu.vector_load %arg10[%swap3A_13, %swap3A_14] {strides = array<i32>} : memref<16x128xf32, #tpu.memory_space<vmem>>, vector<1x16xf32>,
    %swap3A_16 = vector.shape_cast %swap3A_15 : vector<1x16xf32> to vector<16xf32>
    %swap3A_17 = vector.shape_cast %broadcast_in_dim3A_0 : vector<16xf32> to vector<1x16xf32>
    tpu.vector_store %arg10[%swap3A_13, %swap3A_14], %swap3A_17 {strides = array<i32>} : memref<16x128xf32, #tpu.memory_space<vmem>>, vector<1x16xf32>,
    %swap3A_18 = arith.constant 0 : i32
    %swap3A_19 = arith.index_cast %swap3A_18 : i32 to index
    %swap3A_20 = arith.constant 48 : index
    %swap3A_21 = tpu.vector_load %arg10[%swap3A_19, %swap3A_20] {strides = array<i32>} : memref<16x128xf32, #tpu.memory_space<vmem>>, vector<1x16xf32>,
    %swap3A_22 = vector.shape_cast %swap3A_21 : vector<1x16xf32> to vector<16xf32>
    %swap3A_23 = vector.shape_cast %broadcast_in_dim3A_0 : vector<16xf32> to vector<1x16xf32>
    tpu.vector_store %arg10[%swap3A_19, %swap3A_20], %swap3A_23 {strides = array<i32>} : memref<16x128xf32, #tpu.memory_space<vmem>>, vector<1x16xf32>,
    %swap3A_24 = arith.constant 0 : i32
    %swap3A_25 = arith.index_cast %swap3A_24 : i32 to index
    %swap3A_26 = arith.constant 64 : index
    %swap3A_27 = tpu.vector_load %arg10[%swap3A_25, %swap3A_26] {strides = array<i32>} : memref<16x128xf32, #tpu.memory_space<vmem>>, vector<1x16xf32>,
    %swap3A_28 = vector.shape_cast %swap3A_27 : vector<1x16xf32> to vector<16xf32>
    %swap3A_29 = vector.shape_cast %broadcast_in_dim3A_0 : vector<16xf32> to vector<1x16xf32>
    tpu.vector_store %arg10[%swap3A_25, %swap3A_26], %swap3A_29 {strides = array<i32>} : memref<16x128xf32, #tpu.memory_space<vmem>>, vector<1x16xf32>,
    %swap3A_30 = arith.constant 0 : i32
    %swap3A_31 = arith.index_cast %swap3A_30 : i32 to index
    %swap3A_32 = arith.constant 80 : index
    %swap3A_33 = tpu.vector_load %arg10[%swap3A_31, %swap3A_32] {strides = array<i32>} : memref<16x128xf32, #tpu.memory_space<vmem>>, vector<1x16xf32>,
    %swap3A_34 = vector.shape_cast %swap3A_33 : vector<1x16xf32> to vector<16xf32>
    %swap3A_35 = vector.shape_cast %broadcast_in_dim3A_0 : vector<16xf32> to vector<1x16xf32>
    tpu.vector_store %arg10[%swap3A_31, %swap3A_32], %swap3A_35 {strides = array<i32>} : memref<16x128xf32, #tpu.memory_space<vmem>>, vector<1x16xf32>,
    %swap3A_36 = arith.constant 0 : i32
    %swap3A_37 = arith.index_cast %swap3A_36 : i32 to index
    %swap3A_38 = arith.constant 96 : index
    %swap3A_39 = tpu.vector_load %arg10[%swap3A_37, %swap3A_38] {strides = array<i32>} : memref<16x128xf32, #tpu.memory_space<vmem>>, vector<1x16xf32>,
    %swap3A_40 = vector.shape_cast %swap3A_39 : vector<1x16xf32> to vector<16xf32>
    %swap3A_41 = vector.shape_cast %broadcast_in_dim3A_0 : vector<16xf32> to vector<1x16xf32>
    tpu.vector_store %arg10[%swap3A_37, %swap3A_38], %swap3A_41 {strides = array<i32>} : memref<16x128xf32, #tpu.memory_space<vmem>>, vector<1x16xf32>,
    %swap3A_42 = arith.constant 0 : i32
    %swap3A_43 = arith.index_cast %swap3A_42 : i32 to index
    %swap3A_44 = arith.constant 112 : index
    %swap3A_45 = tpu.vector_load %arg10[%swap3A_43, %swap3A_44] {strides = array<i32>} : memref<16x128xf32, #tpu.memory_space<vmem>>, vector<1x16xf32>,
    %swap3A_46 = vector.shape_cast %swap3A_45 : vector<1x16xf32> to vector<16xf32>
    %swap3A_47 = vector.shape_cast %broadcast_in_dim3A_0 : vector<16xf32> to vector<1x16xf32>
    tpu.vector_store %arg10[%swap3A_43, %swap3A_44], %swap3A_47 {strides = array<i32>} : memref<16x128xf32, #tpu.memory_space<vmem>>, vector<1x16xf32>,
    %swap3A_48 = arith.constant 1 : i32
    %swap3A_49 = arith.index_cast %swap3A_48 : i32 to index
    %swap3A_50 = arith.constant 0 : index
    %swap3A_51 = tpu.vector_load %arg10[%swap3A_49, %swap3A_50] {strides = array<i32>} : memref<16x128xf32, #tpu.memory_space<vmem>>, vector<1x16xf32>,
    %swap3A_52 = vector.shape_cast %swap3A_51 : vector<1x16xf32> to vector<16xf32>
    %swap3A_53 = vector.shape_cast %broadcast_in_dim3A_0 : vector<16xf32> to vector<1x16xf32>
    tpu.vector_store %arg10[%swap3A_49, %swap3A_50], %swap3A_53 {strides = array<i32>} : memref<16x128xf32, #tpu.memory_space<vmem>>, vector<1x16xf32>,
    %swap3A_54 = arith.constant 1 : i32
    %swap3A_55 = arith.index_cast %swap3A_54 : i32 to index
    %swap3A_56 = arith.constant 16 : index
    %swap3A_57 = tpu.vector_load %arg10[%swap3A_55, %swap3A_56] {strides = array<i32>} : memref<16x128xf32, #tpu.memory_space<vmem>>, vector<1x16xf32>,
    %swap3A_58 = vector.shape_cast %swap3A_57 : vector<1x16xf32> to vector<16xf32>
    %swap3A_59 = vector.shape_cast %broadcast_in_dim3A_0 : vector<16xf32> to vector<1x16xf32>
    tpu.vector_store %arg10[%swap3A_55, %swap3A_56], %swap3A_59 {strides = array<i32>} : memref<16x128xf32, #tpu.memory_space<vmem>>, vector<1x16xf32>,
    %swap3A_60 = arith.constant 1 : i32
    %swap3A_61 = arith.index_cast %swap3A_60 : i32 to index
    %swap3A_62 = arith.constant 32 : index
    %swap3A_63 = tpu.vector_load %arg10[%swap3A_61, %swap3A_62] {strides = array<i32>} : memref<16x128xf32, #tpu.memory_space<vmem>>, vector<1x16xf32>,
    %swap3A_64 = vector.shape_cast %swap3A_63 : vector<1x16xf32> to vector<16xf32>
    %swap3A_65 = vector.shape_cast %broadcast_in_dim3A_0 : vector<16xf32> to vector<1x16xf32>
    tpu.vector_store %arg10[%swap3A_61, %swap3A_62], %swap3A_65 {strides = array<i32>} : memref<16x128xf32, #tpu.memory_space<vmem>>, vector<1x16xf32>,
    %swap3A_66 = arith.constant 1 : i32
    %swap3A_67 = arith.index_cast %swap3A_66 : i32 to index
    %swap3A_68 = arith.constant 48 : index
    %swap3A_69 = tpu.vector_load %arg10[%swap3A_67, %swap3A_68] {strides = array<i32>} : memref<16x128xf32, #tpu.memory_space<vmem>>, vector<1x16xf32>,
    %swap3A_70 = vector.shape_cast %swap3A_69 : vector<1x16xf32> to vector<16xf32>
    %swap3A_71 = vector.shape_cast %broadcast_in_dim3A_0 : vector<16xf32> to vector<1x16xf32>
    tpu.vector_store %arg10[%swap3A_67, %swap3A_68], %swap3A_71 {strides = array<i32>} : memref<16x128xf32, #tpu.memory_space<vmem>>, vector<1x16xf32>,
    %swap3A_72 = arith.constant 1 : i32
    %swap3A_73 = arith.index_cast %swap3A_72 : i32 to index
    %swap3A_74 = arith.constant 64 : index
    %swap3A_75 = tpu.vector_load %arg10[%swap3A_73, %swap3A_74] {strides = array<i32>} : memref<16x128xf32, #tpu.memory_space<vmem>>, vector<1x16xf32>,
    %swap3A_76 = vector.shape_cast %swap3A_75 : vector<1x16xf32> to vector<16xf32>
    %swap3A_77 = vector.shape_cast %broadcast_in_dim3A_0 : vector<16xf32> to vector<1x16xf32>
    tpu.vector_store %arg10[%swap3A_73, %swap3A_74], %swap3A_77 {strides = array<i32>} : memref<16x128xf32, #tpu.memory_space<vmem>>, vector<1x16xf32>,
    %swap3A_78 = arith.constant 1 : i32
    %swap3A_79 = arith.index_cast %swap3A_78 : i32 to index
    %swap3A_80 = arith.constant 80 : index
    %swap3A_81 = tpu.vector_load %arg10[%swap3A_79, %swap3A_80] {strides = array<i32>} : memref<16x128xf32, #tpu.memory_space<vmem>>, vector<1x16xf32>,
    %swap3A_82 = vector.shape_cast %swap3A_81 : vector<1x16xf32> to vector<16xf32>
    %swap3A_83 = vector.shape_cast %broadcast_in_dim3A_0 : vector<16xf32> to vector<1x16xf32>
    tpu.vector_store %arg10[%swap3A_79, %swap3A_80], %swap3A_83 {strides = array<i32>} : memref<16x128xf32, #tpu.memory_space<vmem>>, vector<1x16xf32>,
    %swap3A_84 = arith.constant 1 : i32
    %swap3A_85 = arith.index_cast %swap3A_84 : i32 to index
    %swap3A_86 = arith.constant 96 : index
    %swap3A_87 = tpu.vector_load %arg10[%swap3A_85, %swap3A_86] {strides = array<i32>} : memref<16x128xf32, #tpu.memory_space<vmem>>, vector<1x16xf32>,
    %swap3A_88 = vector.shape_cast %swap3A_87 : vector<1x16xf32> to vector<16xf32>
    %swap3A_89 = vector.shape_cast %broadcast_in_dim3A_0 : vector<16xf32> to vector<1x16xf32>
    tpu.vector_store %arg10[%swap3A_85, %swap3A_86], %swap3A_89 {strides = array<i32>} : memref<16x128xf32, #tpu.memory_space<vmem>>, vector<1x16xf32>,
    %swap3A_90 = arith.constant 1 : i32
    %swap3A_91 = arith.index_cast %swap3A_90 : i32 to index
    %swap3A_92 = arith.constant 112 : index
    %swap3A_93 = tpu.vector_load %arg10[%swap3A_91, %swap3A_92] {strides = array<i32>} : memref<16x128xf32, #tpu.memory_space<vmem>>, vector<1x16xf32>,
    %swap3A_94 = vector.shape_cast %swap3A_93 : vector<1x16xf32> to vector<16xf32>
    %swap3A_95 = vector.shape_cast %broadcast_in_dim3A_0 : vector<16xf32> to vector<1x16xf32>
    tpu.vector_store %arg10[%swap3A_91, %swap3A_92], %swap3A_95 {strides = array<i32>} : memref<16x128xf32, #tpu.memory_space<vmem>>, vector<1x16xf32>,
    %swap3A_96 = arith.constant 2 : i32
    %swap3A_97 = arith.index_cast %swap3A_96 : i32 to index
    %swap3A_98 = arith.constant 0 : index
    %swap3A_99 = tpu.vector_load %arg10[%swap3A_97, %swap3A_98] {strides = array<i32>} : memref<16x128xf32, #tpu.memory_space<vmem>>, vector<1x16xf32>,
    %swap3A_100 = vector.shape_cast %swap3A_99 : vector<1x16xf32> to vector<16xf32>
    %swap3A_101 = vector.shape_cast %broadcast_in_dim3A_0 : vector<16xf32> to vector<1x16xf32>
    tpu.vector_store %arg10[%swap3A_97, %swap3A_98], %swap3A_101 {strides = array<i32>} : memref<16x128xf32, #tpu.memory_space<vmem>>, vector<1x16xf32>,
    %swap3A_102 = arith.constant 2 : i32
    %swap3A_103 = arith.index_cast %swap3A_102 : i32 to index
    %swap3A_104 = arith.constant 16 : index
    %swap3A_105 = tpu.vector_load %arg10[%swap3A_103, %swap3A_104] {strides = array<i32>} : memref<16x128xf32, #tpu.memory_space<vmem>>, vector<1x16xf32>,
    %swap3A_106 = vector.shape_cast %swap3A_105 : vector<1x16xf32> to vector<16xf32>
    %swap3A_107 = vector.shape_cast %broadcast_in_dim3A_0 : vector<16xf32> to vector<1x16xf32>
    tpu.vector_store %arg10[%swap3A_103, %swap3A_104], %swap3A_107 {strides = array<i32>} : memref<16x128xf32, #tpu.memory_space<vmem>>, vector<1x16xf32>,
    %swap3A_108 = arith.constant 2 : i32
    %swap3A_109 = arith.index_cast %swap3A_108 : i32 to index
    %swap3A_110 = arith.constant 32 : index
    %swap3A_111 = tpu.vector_load %arg10[%swap3A_109, %swap3A_110] {strides = array<i32>} : memref<16x128xf32, #tpu.memory_space<vmem>>, vector<1x16xf32>,
    %swap3A_112 = vector.shape_cast %swap3A_111 : vector<1x16xf32> to vector<16xf32>
    %swap3A_113 = vector.shape_cast %broadcast_in_dim3A_0 : vector<16xf32> to vector<1x16xf32>
    tpu.vector_store %arg10[%swap3A_109, %swap3A_110], %swap3A_113 {strides = array<i32>} : memref<16x128xf32, #tpu.memory_space<vmem>>, vector<1x16xf32>,
    %swap3A_114 = arith.constant 2 : i32
    %swap3A_115 = arith.index_cast %swap3A_114 : i32 to index
    %swap3A_116 = arith.constant 48 : index
    %swap3A_117 = tpu.vector_load %arg10[%swap3A_115, %swap3A_116] {strides = array<i32>} : memref<16x128xf32, #tpu.memory_space<vmem>>, vector<1x16xf32>,
    %swap3A_118 = vector.shape_cast %swap3A_117 : vector<1x16xf32> to vector<16xf32>
    %swap3A_119 = vector.shape_cast %broadcast_in_dim3A_0 : vector<16xf32> to vector<1x16xf32>
    tpu.vector_store %arg10[%swap3A_115, %swap3A_116], %swap3A_119 {strides = array<i32>} : memref<16x128xf32, #tpu.memory_space<vmem>>, vector<1x16xf32>,
    %swap3A_120 = arith.constant 2 : i32
    %swap3A_121 = arith.index_cast %swap3A_120 : i32 to index
    %swap3A_122 = arith.constant 64 : index
    %swap3A_123 = tpu.vector_load %arg10[%swap3A_121, %swap3A_122] {strides = array<i32>} : memref<16x128xf32, #tpu.memory_space<vmem>>, vector<1x16xf32>,
    %swap3A_124 = vector.shape_cast %swap3A_123 : vector<1x16xf32> to vector<16xf32>
    %swap3A_125 = vector.shape_cast %broadcast_in_dim3A_0 : vector<16xf32> to vector<1x16xf32>
    tpu.vector_store %arg10[%swap3A_121, %swap3A_122], %swap3A_125 {strides = array<i32>} : memref<16x128xf32, #tpu.memory_space<vmem>>, vector<1x16xf32>,
    %swap3A_126 = arith.constant 2 : i32
    %swap3A_127 = arith.index_cast %swap3A_126 : i32 to index
    %swap3A_128 = arith.constant 80 : index
    %swap3A_129 = tpu.vector_load %arg10[%swap3A_127, %swap3A_128] {strides = array<i32>} : memref<16x128xf32, #tpu.memory_space<vmem>>, vector<1x16xf32>,
    %swap3A_130 = vector.shape_cast %swap3A_129 : vector<1x16xf32> to vector<16xf32>
    %swap3A_131 = vector.shape_cast %broadcast_in_dim3A_0 : vector<16xf32> to vector<1x16xf32>
    tpu.vector_store %arg10[%swap3A_127, %swap3A_128], %swap3A_131 {strides = array<i32>} : memref<16x128xf32, #tpu.memory_space<vmem>>, vector<1x16xf32>,
    %swap3A_132 = arith.constant 2 : i32
    %swap3A_133 = arith.index_cast %swap3A_132 : i32 to index
    %swap3A_134 = arith.constant 96 : index
    %swap3A_135 = tpu.vector_load %arg10[%swap3A_133, %swap3A_134] {strides = array<i32>} : memref<16x128xf32, #tpu.memory_space<vmem>>, vector<1x16xf32>,
    %swap3A_136 = vector.shape_cast %swap3A_135 : vector<1x16xf32> to vector<16xf32>
    %swap3A_137 = vector.shape_cast %broadcast_in_dim3A_0 : vector<16xf32> to vector<1x16xf32>
    tpu.vector_store %arg10[%swap3A_133, %swap3A_134], %swap3A_137 {strides = array<i32>} : memref<16x128xf32, #tpu.memory_space<vmem>>, vector<1x16xf32>,
    %swap3A_138 = arith.constant 2 : i32
    %swap3A_139 = arith.index_cast %swap3A_138 : i32 to index
    %swap3A_140 = arith.constant 112 : index
    %swap3A_141 = tpu.vector_load %arg10[%swap3A_139, %swap3A_140] {strides = array<i32>} : memref<16x128xf32, #tpu.memory_space<vmem>>, vector<1x16xf32>,
    %swap3A_142 = vector.shape_cast %swap3A_141 : vector<1x16xf32> to vector<16xf32>
    %swap3A_143 = vector.shape_cast %broadcast_in_dim3A_0 : vector<16xf32> to vector<1x16xf32>
    tpu.vector_store %arg10[%swap3A_139, %swap3A_140], %swap3A_143 {strides = array<i32>} : memref<16x128xf32, #tpu.memory_space<vmem>>, vector<1x16xf32>,
    %swap3A_144 = arith.constant 3 : i32
    %swap3A_145 = arith.index_cast %swap3A_144 : i32 to index
    %swap3A_146 = arith.constant 0 : index
    %swap3A_147 = tpu.vector_load %arg10[%swap3A_145, %swap3A_146] {strides = array<i32>} : memref<16x128xf32, #tpu.memory_space<vmem>>, vector<1x16xf32>,
    %swap3A_148 = vector.shape_cast %swap3A_147 : vector<1x16xf32> to vector<16xf32>
    %swap3A_149 = vector.shape_cast %broadcast_in_dim3A_0 : vector<16xf32> to vector<1x16xf32>
    tpu.vector_store %arg10[%swap3A_145, %swap3A_146], %swap3A_149 {strides = array<i32>} : memref<16x128xf32, #tpu.memory_space<vmem>>, vector<1x16xf32>,
    %swap3A_150 = arith.constant 3 : i32
    %swap3A_151 = arith.index_cast %swap3A_150 : i32 to index
    %swap3A_152 = arith.constant 16 : index
    %swap3A_153 = tpu.vector_load %arg10[%swap3A_151, %swap3A_152] {strides = array<i32>} : memref<16x128xf32, #tpu.memory_space<vmem>>, vector<1x16xf32>,
    %swap3A_154 = vector.shape_cast %swap3A_153 : vector<1x16xf32> to vector<16xf32>
    %swap3A_155 = vector.shape_cast %broadcast_in_dim3A_0 : vector<16xf32> to vector<1x16xf32>
    tpu.vector_store %arg10[%swap3A_151, %swap3A_152], %swap3A_155 {strides = array<i32>} : memref<16x128xf32, #tpu.memory_space<vmem>>, vector<1x16xf32>,
    %swap3A_156 = arith.constant 3 : i32
    %swap3A_157 = arith.index_cast %swap3A_156 : i32 to index
    %swap3A_158 = arith.constant 32 : index
    %swap3A_159 = tpu.vector_load %arg10[%swap3A_157, %swap3A_158] {strides = array<i32>} : memref<16x128xf32, #tpu.memory_space<vmem>>, vector<1x16xf32>,
    %swap3A_160 = vector.shape_cast %swap3A_159 : vector<1x16xf32> to vector<16xf32>
    %swap3A_161 = vector.shape_cast %broadcast_in_dim3A_0 : vector<16xf32> to vector<1x16xf32>
    tpu.vector_store %arg10[%swap3A_157, %swap3A_158], %swap3A_161 {strides = array<i32>} : memref<16x128xf32, #tpu.memory_space<vmem>>, vector<1x16xf32>,
    %swap3A_162 = arith.constant 3 : i32
    %swap3A_163 = arith.index_cast %swap3A_162 : i32 to index
    %swap3A_164 = arith.constant 48 : index
    %swap3A_165 = tpu.vector_load %arg10[%swap3A_163, %swap3A_164] {strides = array<i32>} : memref<16x128xf32, #tpu.memory_space<vmem>>, vector<1x16xf32>,
    %swap3A_166 = vector.shape_cast %swap3A_165 : vector<1x16xf32> to vector<16xf32>
    %swap3A_167 = vector.shape_cast %broadcast_in_dim3A_0 : vector<16xf32> to vector<1x16xf32>
    tpu.vector_store %arg10[%swap3A_163, %swap3A_164], %swap3A_167 {strides = array<i32>} : memref<16x128xf32, #tpu.memory_space<vmem>>, vector<1x16xf32>,
    %swap3A_168 = arith.constant 3 : i32
    %swap3A_169 = arith.index_cast %swap3A_168 : i32 to index
    %swap3A_170 = arith.constant 64 : index
    %swap3A_171 = tpu.vector_load %arg10[%swap3A_169, %swap3A_170] {strides = array<i32>} : memref<16x128xf32, #tpu.memory_space<vmem>>, vector<1x16xf32>,
    %swap3A_172 = vector.shape_cast %swap3A_171 : vector<1x16xf32> to vector<16xf32>
    %swap3A_173 = vector.shape_cast %broadcast_in_dim3A_0 : vector<16xf32> to vector<1x16xf32>
    tpu.vector_store %arg10[%swap3A_169, %swap3A_170], %swap3A_173 {strides = array<i32>} : memref<16x128xf32, #tpu.memory_space<vmem>>, vector<1x16xf32>,
    %swap3A_174 = arith.constant 3 : i32
    %swap3A_175 = arith.index_cast %swap3A_174 : i32 to index
    %swap3A_176 = arith.constant 80 : index
    %swap3A_177 = tpu.vector_load %arg10[%swap3A_175, %swap3A_176] {strides = array<i32>} : memref<16x128xf32, #tpu.memory_space<vmem>>, vector<1x16xf32>,
    %swap3A_178 = vector.shape_cast %swap3A_177 : vector<1x16xf32> to vector<16xf32>
    %swap3A_179 = vector.shape_cast %broadcast_in_dim3A_0 : vector<16xf32> to vector<1x16xf32>
    tpu.vector_store %arg10[%swap3A_175, %swap3A_176], %swap3A_179 {strides = array<i32>} : memref<16x128xf32, #tpu.memory_space<vmem>>, vector<1x16xf32>,
    %swap3A_180 = arith.constant 3 : i32
    %swap3A_181 = arith.index_cast %swap3A_180 : i32 to index
    %swap3A_182 = arith.constant 96 : index
    %swap3A_183 = tpu.vector_load %arg10[%swap3A_181, %swap3A_182] {strides = array<i32>} : memref<16x128xf32, #tpu.memory_space<vmem>>, vector<1x16xf32>,
    %swap3A_184 = vector.shape_cast %swap3A_183 : vector<1x16xf32> to vector<16xf32>
    %swap3A_185 = vector.shape_cast %broadcast_in_dim3A_0 : vector<16xf32> to vector<1x16xf32>
    tpu.vector_store %arg10[%swap3A_181, %swap3A_182], %swap3A_185 {strides = array<i32>} : memref<16x128xf32, #tpu.memory_space<vmem>>, vector<1x16xf32>,
    %swap3A_186 = arith.constant 3 : i32
    %swap3A_187 = arith.index_cast %swap3A_186 : i32 to index
    %swap3A_188 = arith.constant 112 : index
    %swap3A_189 = tpu.vector_load %arg10[%swap3A_187, %swap3A_188] {strides = array<i32>} : memref<16x128xf32, #tpu.memory_space<vmem>>, vector<1x16xf32>,
    %swap3A_190 = vector.shape_cast %swap3A_189 : vector<1x16xf32> to vector<16xf32>
    %swap3A_191 = vector.shape_cast %broadcast_in_dim3A_0 : vector<16xf32> to vector<1x16xf32>
    tpu.vector_store %arg10[%swap3A_187, %swap3A_188], %swap3A_191 {strides = array<i32>} : memref<16x128xf32, #tpu.memory_space<vmem>>, vector<1x16xf32>,
    %swap3A_192 = arith.constant 4 : i32
    %swap3A_193 = arith.index_cast %swap3A_192 : i32 to index
    %swap3A_194 = arith.constant 0 : index
    %swap3A_195 = tpu.vector_load %arg10[%swap3A_193, %swap3A_194] {strides = array<i32>} : memref<16x128xf32, #tpu.memory_space<vmem>>, vector<1x16xf32>,
    %swap3A_196 = vector.shape_cast %swap3A_195 : vector<1x16xf32> to vector<16xf32>
    %swap3A_197 = vector.shape_cast %broadcast_in_dim3A_0 : vector<16xf32> to vector<1x16xf32>
    tpu.vector_store %arg10[%swap3A_193, %swap3A_194], %swap3A_197 {strides = array<i32>} : memref<16x128xf32, #tpu.memory_space<vmem>>, vector<1x16xf32>,
    %swap3A_198 = arith.constant 4 : i32
    %swap3A_199 = arith.index_cast %swap3A_198 : i32 to index
    %swap3A_200 = arith.constant 16 : index
    %swap3A_201 = tpu.vector_load %arg10[%swap3A_199, %swap3A_200] {strides = array<i32>} : memref<16x128xf32, #tpu.memory_space<vmem>>, vector<1x16xf32>,
    %swap3A_202 = vector.shape_cast %swap3A_201 : vector<1x16xf32> to vector<16xf32>
    %swap3A_203 = vector.shape_cast %broadcast_in_dim3A_0 : vector<16xf32> to vector<1x16xf32>
    tpu.vector_store %arg10[%swap3A_199, %swap3A_200], %swap3A_203 {strides = array<i32>} : memref<16x128xf32, #tpu.memory_space<vmem>>, vector<1x16xf32>,
    %swap3A_204 = arith.constant 4 : i32
    %swap3A_205 = arith.index_cast %swap3A_204 : i32 to index
    %swap3A_206 = arith.constant 32 : index
    %swap3A_207 = tpu.vector_load %arg10[%swap3A_205, %swap3A_206] {strides = array<i32>} : memref<16x128xf32, #tpu.memory_space<vmem>>, vector<1x16xf32>,
    %swap3A_208 = vector.shape_cast %swap3A_207 : vector<1x16xf32> to vector<16xf32>
    %swap3A_209 = vector.shape_cast %broadcast_in_dim3A_0 : vector<16xf32> to vector<1x16xf32>
    tpu.vector_store %arg10[%swap3A_205, %swap3A_206], %swap3A_209 {strides = array<i32>} : memref<16x128xf32, #tpu.memory_space<vmem>>, vector<1x16xf32>,
    %swap3A_210 = arith.constant 4 : i32
    %swap3A_211 = arith.index_cast %swap3A_210 : i32 to index
    %swap3A_212 = arith.constant 48 : index
    %swap3A_213 = tpu.vector_load %arg10[%swap3A_211, %swap3A_212] {strides = array<i32>} : memref<16x128xf32, #tpu.memory_space<vmem>>, vector<1x16xf32>,
    %swap3A_214 = vector.shape_cast %swap3A_213 : vector<1x16xf32> to vector<16xf32>
    %swap3A_215 = vector.shape_cast %broadcast_in_dim3A_0 : vector<16xf32> to vector<1x16xf32>
    tpu.vector_store %arg10[%swap3A_211, %swap3A_212], %swap3A_215 {strides = array<i32>} : memref<16x128xf32, #tpu.memory_space<vmem>>, vector<1x16xf32>,
    %swap3A_216 = arith.constant 4 : i32
    %swap3A_217 = arith.index_cast %swap3A_216 : i32 to index
    %swap3A_218 = arith.constant 64 : index
    %swap3A_219 = tpu.vector_load %arg10[%swap3A_217, %swap3A_218] {strides = array<i32>} : memref<16x128xf32, #tpu.memory_space<vmem>>, vector<1x16xf32>,
    %swap3A_220 = vector.shape_cast %swap3A_219 : vector<1x16xf32> to vector<16xf32>
    %swap3A_221 = vector.shape_cast %broadcast_in_dim3A_0 : vector<16xf32> to vector<1x16xf32>
    tpu.vector_store %arg10[%swap3A_217, %swap3A_218], %swap3A_221 {strides = array<i32>} : memref<16x128xf32, #tpu.memory_space<vmem>>, vector<1x16xf32>,
    %swap3A_222 = arith.constant 4 : i32
    %swap3A_223 = arith.index_cast %swap3A_222 : i32 to index
    %swap3A_224 = arith.constant 80 : index
    %swap3A_225 = tpu.vector_load %arg10[%swap3A_223, %swap3A_224] {strides = array<i32>} : memref<16x128xf32, #tpu.memory_space<vmem>>, vector<1x16xf32>,
    %swap3A_226 = vector.shape_cast %swap3A_225 : vector<1x16xf32> to vector<16xf32>
    %swap3A_227 = vector.shape_cast %broadcast_in_dim3A_0 : vector<16xf32> to vector<1x16xf32>
    tpu.vector_store %arg10[%swap3A_223, %swap3A_224], %swap3A_227 {strides = array<i32>} : memref<16x128xf32, #tpu.memory_space<vmem>>, vector<1x16xf32>,
    %swap3A_228 = arith.constant 4 : i32
    %swap3A_229 = arith.index_cast %swap3A_228 : i32 to index
    %swap3A_230 = arith.constant 96 : index
    %swap3A_231 = tpu.vector_load %arg10[%swap3A_229, %swap3A_230] {strides = array<i32>} : memref<16x128xf32, #tpu.memory_space<vmem>>, vector<1x16xf32>,
    %swap3A_232 = vector.shape_cast %swap3A_231 : vector<1x16xf32> to vector<16xf32>
    %swap3A_233 = vector.shape_cast %broadcast_in_dim3A_0 : vector<16xf32> to vector<1x16xf32>
    tpu.vector_store %arg10[%swap3A_229, %swap3A_230], %swap3A_233 {strides = array<i32>} : memref<16x128xf32, #tpu.memory_space<vmem>>, vector<1x16xf32>,
    %swap3A_234 = arith.constant 4 : i32
    %swap3A_235 = arith.index_cast %swap3A_234 : i32 to index
    %swap3A_236 = arith.constant 112 : index
    %swap3A_237 = tpu.vector_load %arg10[%swap3A_235, %swap3A_236] {strides = array<i32>} : memref<16x128xf32, #tpu.memory_space<vmem>>, vector<1x16xf32>,
    %swap3A_238 = vector.shape_cast %swap3A_237 : vector<1x16xf32> to vector<16xf32>
    %swap3A_239 = vector.shape_cast %broadcast_in_dim3A_0 : vector<16xf32> to vector<1x16xf32>
    tpu.vector_store %arg10[%swap3A_235, %swap3A_236], %swap3A_239 {strides = array<i32>} : memref<16x128xf32, #tpu.memory_space<vmem>>, vector<1x16xf32>,
    %swap3A_240 = arith.constant 5 : i32
    %swap3A_241 = arith.index_cast %swap3A_240 : i32 to index
    %swap3A_242 = arith.constant 0 : index
    %swap3A_243 = tpu.vector_load %arg10[%swap3A_241, %swap3A_242] {strides = array<i32>} : memref<16x128xf32, #tpu.memory_space<vmem>>, vector<1x16xf32>,
    %swap3A_244 = vector.shape_cast %swap3A_243 : vector<1x16xf32> to vector<16xf32>
    %swap3A_245 = vector.shape_cast %broadcast_in_dim3A_0 : vector<16xf32> to vector<1x16xf32>
    tpu.vector_store %arg10[%swap3A_241, %swap3A_242], %swap3A_245 {strides = array<i32>} : memref<16x128xf32, #tpu.memory_space<vmem>>, vector<1x16xf32>,
    %swap3A_246 = arith.constant 5 : i32
    %swap3A_247 = arith.index_cast %swap3A_246 : i32 to index
    %swap3A_248 = arith.constant 16 : index
    %swap3A_249 = tpu.vector_load %arg10[%swap3A_247, %swap3A_248] {strides = array<i32>} : memref<16x128xf32, #tpu.memory_space<vmem>>, vector<1x16xf32>,
    %swap3A_250 = vector.shape_cast %swap3A_249 : vector<1x16xf32> to vector<16xf32>
    %swap3A_251 = vector.shape_cast %broadcast_in_dim3A_0 : vector<16xf32> to vector<1x16xf32>
    tpu.vector_store %arg10[%swap3A_247, %swap3A_248], %swap3A_251 {strides = array<i32>} : memref<16x128xf32, #tpu.memory_space<vmem>>, vector<1x16xf32>,
    %swap3A_252 = arith.constant 5 : i32
    %swap3A_253 = arith.index_cast %swap3A_252 : i32 to index
    %swap3A_254 = arith.constant 32 : index
    %swap3A_255 = tpu.vector_load %arg10[%swap3A_253, %swap3A_254] {strides = array<i32>} : memref<16x128xf32, #tpu.memory_space<vmem>>, vector<1x16xf32>,
    %swap3A_256 = vector.shape_cast %swap3A_255 : vector<1x16xf32> to vector<16xf32>
    %swap3A_257 = vector.shape_cast %broadcast_in_dim3A_0 : vector<16xf32> to vector<1x16xf32>
    tpu.vector_store %arg10[%swap3A_253, %swap3A_254], %swap3A_257 {strides = array<i32>} : memref<16x128xf32, #tpu.memory_space<vmem>>, vector<1x16xf32>,
    %swap3A_258 = arith.constant 5 : i32
    %swap3A_259 = arith.index_cast %swap3A_258 : i32 to index
    %swap3A_260 = arith.constant 48 : index
    %swap3A_261 = tpu.vector_load %arg10[%swap3A_259, %swap3A_260] {strides = array<i32>} : memref<16x128xf32, #tpu.memory_space<vmem>>, vector<1x16xf32>,
    %swap3A_262 = vector.shape_cast %swap3A_261 : vector<1x16xf32> to vector<16xf32>
    %swap3A_263 = vector.shape_cast %broadcast_in_dim3A_0 : vector<16xf32> to vector<1x16xf32>
    tpu.vector_store %arg10[%swap3A_259, %swap3A_260], %swap3A_263 {strides = array<i32>} : memref<16x128xf32, #tpu.memory_space<vmem>>, vector<1x16xf32>,
    %swap3A_264 = arith.constant 5 : i32
    %swap3A_265 = arith.index_cast %swap3A_264 : i32 to index
    %swap3A_266 = arith.constant 64 : index
    %swap3A_267 = tpu.vector_load %arg10[%swap3A_265, %swap3A_266] {strides = array<i32>} : memref<16x128xf32, #tpu.memory_space<vmem>>, vector<1x16xf32>,
    %swap3A_268 = vector.shape_cast %swap3A_267 : vector<1x16xf32> to vector<16xf32>
    %swap3A_269 = vector.shape_cast %broadcast_in_dim3A_0 : vector<16xf32> to vector<1x16xf32>
    tpu.vector_store %arg10[%swap3A_265, %swap3A_266], %swap3A_269 {strides = array<i32>} : memref<16x128xf32, #tpu.memory_space<vmem>>, vector<1x16xf32>,
    %swap3A_270 = arith.constant 5 : i32
    %swap3A_271 = arith.index_cast %swap3A_270 : i32 to index
    %swap3A_272 = arith.constant 80 : index
    %swap3A_273 = tpu.vector_load %arg10[%swap3A_271, %swap3A_272] {strides = array<i32>} : memref<16x128xf32, #tpu.memory_space<vmem>>, vector<1x16xf32>,
    %swap3A_274 = vector.shape_cast %swap3A_273 : vector<1x16xf32> to vector<16xf32>
    %swap3A_275 = vector.shape_cast %broadcast_in_dim3A_0 : vector<16xf32> to vector<1x16xf32>
    tpu.vector_store %arg10[%swap3A_271, %swap3A_272], %swap3A_275 {strides = array<i32>} : memref<16x128xf32, #tpu.memory_space<vmem>>, vector<1x16xf32>,
    %swap3A_276 = arith.constant 5 : i32
    %swap3A_277 = arith.index_cast %swap3A_276 : i32 to index
    %swap3A_278 = arith.constant 96 : index
    %swap3A_279 = tpu.vector_load %arg10[%swap3A_277, %swap3A_278] {strides = array<i32>} : memref<16x128xf32, #tpu.memory_space<vmem>>, vector<1x16xf32>,
    %swap3A_280 = vector.shape_cast %swap3A_279 : vector<1x16xf32> to vector<16xf32>
    %swap3A_281 = vector.shape_cast %broadcast_in_dim3A_0 : vector<16xf32> to vector<1x16xf32>
    tpu.vector_store %arg10[%swap3A_277, %swap3A_278], %swap3A_281 {strides = array<i32>} : memref<16x128xf32, #tpu.memory_space<vmem>>, vector<1x16xf32>,
    %swap3A_282 = arith.constant 5 : i32
    %swap3A_283 = arith.index_cast %swap3A_282 : i32 to index
    %swap3A_284 = arith.constant 112 : index
    %swap3A_285 = tpu.vector_load %arg10[%swap3A_283, %swap3A_284] {strides = array<i32>} : memref<16x128xf32, #tpu.memory_space<vmem>>, vector<1x16xf32>,
    %swap3A_286 = vector.shape_cast %swap3A_285 : vector<1x16xf32> to vector<16xf32>
    %swap3A_287 = vector.shape_cast %broadcast_in_dim3A_0 : vector<16xf32> to vector<1x16xf32>
    tpu.vector_store %arg10[%swap3A_283, %swap3A_284], %swap3A_287 {strides = array<i32>} : memref<16x128xf32, #tpu.memory_space<vmem>>, vector<1x16xf32>,
    %swap3A_288 = arith.constant 6 : i32
    %swap3A_289 = arith.index_cast %swap3A_288 : i32 to index
    %swap3A_290 = arith.constant 0 : index
    %swap3A_291 = tpu.vector_load %arg10[%swap3A_289, %swap3A_290] {strides = array<i32>} : memref<16x128xf32, #tpu.memory_space<vmem>>, vector<1x16xf32>,
    %swap3A_292 = vector.shape_cast %swap3A_291 : vector<1x16xf32> to vector<16xf32>
    %swap3A_293 = vector.shape_cast %broadcast_in_dim3A_0 : vector<16xf32> to vector<1x16xf32>
    tpu.vector_store %arg10[%swap3A_289, %swap3A_290], %swap3A_293 {strides = array<i32>} : memref<16x128xf32, #tpu.memory_space<vmem>>, vector<1x16xf32>,
    %swap3A_294 = arith.constant 6 : i32
    %swap3A_295 = arith.index_cast %swap3A_294 : i32 to index
    %swap3A_296 = arith.constant 16 : index
    %swap3A_297 = tpu.vector_load %arg10[%swap3A_295, %swap3A_296] {strides = array<i32>} : memref<16x128xf32, #tpu.memory_space<vmem>>, vector<1x16xf32>,
    %swap3A_298 = vector.shape_cast %swap3A_297 : vector<1x16xf32> to vector<16xf32>
    %swap3A_299 = vector.shape_cast %broadcast_in_dim3A_0 : vector<16xf32> to vector<1x16xf32>
    tpu.vector_store %arg10[%swap3A_295, %swap3A_296], %swap3A_299 {strides = array<i32>} : memref<16x128xf32, #tpu.memory_space<vmem>>, vector<1x16xf32>,
    %swap3A_300 = arith.constant 6 : i32
    %swap3A_301 = arith.index_cast %swap3A_300 : i32 to index
    %swap3A_302 = arith.constant 32 : index
    %swap3A_303 = tpu.vector_load %arg10[%swap3A_301, %swap3A_302] {strides = array<i32>} : memref<16x128xf32, #tpu.memory_space<vmem>>, vector<1x16xf32>,
    %swap3A_304 = vector.shape_cast %swap3A_303 : vector<1x16xf32> to vector<16xf32>
    %swap3A_305 = vector.shape_cast %broadcast_in_dim3A_0 : vector<16xf32> to vector<1x16xf32>
    tpu.vector_store %arg10[%swap3A_301, %swap3A_302], %swap3A_305 {strides = array<i32>} : memref<16x128xf32, #tpu.memory_space<vmem>>, vector<1x16xf32>,
    %swap3A_306 = arith.constant 6 : i32
    %swap3A_307 = arith.index_cast %swap3A_306 : i32 to index
    %swap3A_308 = arith.constant 48 : index
    %swap3A_309 = tpu.vector_load %arg10[%swap3A_307, %swap3A_308] {strides = array<i32>} : memref<16x128xf32, #tpu.memory_space<vmem>>, vector<1x16xf32>,
    %swap3A_310 = vector.shape_cast %swap3A_309 : vector<1x16xf32> to vector<16xf32>
    %swap3A_311 = vector.shape_cast %broadcast_in_dim3A_0 : vector<16xf32> to vector<1x16xf32>
    tpu.vector_store %arg10[%swap3A_307, %swap3A_308], %swap3A_311 {strides = array<i32>} : memref<16x128xf32, #tpu.memory_space<vmem>>, vector<1x16xf32>,
    %swap3A_312 = arith.constant 6 : i32
    %swap3A_313 = arith.index_cast %swap3A_312 : i32 to index
    %swap3A_314 = arith.constant 64 : index
    %swap3A_315 = tpu.vector_load %arg10[%swap3A_313, %swap3A_314] {strides = array<i32>} : memref<16x128xf32, #tpu.memory_space<vmem>>, vector<1x16xf32>,
    %swap3A_316 = vector.shape_cast %swap3A_315 : vector<1x16xf32> to vector<16xf32>
    %swap3A_317 = vector.shape_cast %broadcast_in_dim3A_0 : vector<16xf32> to vector<1x16xf32>
    tpu.vector_store %arg10[%swap3A_313, %swap3A_314], %swap3A_317 {strides = array<i32>} : memref<16x128xf32, #tpu.memory_space<vmem>>, vector<1x16xf32>,
    %swap3A_318 = arith.constant 6 : i32
    %swap3A_319 = arith.index_cast %swap3A_318 : i32 to index
    %swap3A_320 = arith.constant 80 : index
    %swap3A_321 = tpu.vector_load %arg10[%swap3A_319, %swap3A_320] {strides = array<i32>} : memref<16x128xf32, #tpu.memory_space<vmem>>, vector<1x16xf32>,
    %swap3A_322 = vector.shape_cast %swap3A_321 : vector<1x16xf32> to vector<16xf32>
    %swap3A_323 = vector.shape_cast %broadcast_in_dim3A_0 : vector<16xf32> to vector<1x16xf32>
    tpu.vector_store %arg10[%swap3A_319, %swap3A_320], %swap3A_323 {strides = array<i32>} : memref<16x128xf32, #tpu.memory_space<vmem>>, vector<1x16xf32>,
    %swap3A_324 = arith.constant 6 : i32
    %swap3A_325 = arith.index_cast %swap3A_324 : i32 to index
    %swap3A_326 = arith.constant 96 : index
    %swap3A_327 = tpu.vector_load %arg10[%swap3A_325, %swap3A_326] {strides = array<i32>} : memref<16x128xf32, #tpu.memory_space<vmem>>, vector<1x16xf32>,
    %swap3A_328 = vector.shape_cast %swap3A_327 : vector<1x16xf32> to vector<16xf32>
    %swap3A_329 = vector.shape_cast %broadcast_in_dim3A_0 : vector<16xf32> to vector<1x16xf32>
    tpu.vector_store %arg10[%swap3A_325, %swap3A_326], %swap3A_329 {strides = array<i32>} : memref<16x128xf32, #tpu.memory_space<vmem>>, vector<1x16xf32>,
    %swap3A_330 = arith.constant 6 : i32
    %swap3A_331 = arith.index_cast %swap3A_330 : i32 to index
    %swap3A_332 = arith.constant 112 : index
    %swap3A_333 = tpu.vector_load %arg10[%swap3A_331, %swap3A_332] {strides = array<i32>} : memref<16x128xf32, #tpu.memory_space<vmem>>, vector<1x16xf32>,
    %swap3A_334 = vector.shape_cast %swap3A_333 : vector<1x16xf32> to vector<16xf32>
    %swap3A_335 = vector.shape_cast %broadcast_in_dim3A_0 : vector<16xf32> to vector<1x16xf32>
    tpu.vector_store %arg10[%swap3A_331, %swap3A_332], %swap3A_335 {strides = array<i32>} : memref<16x128xf32, #tpu.memory_space<vmem>>, vector<1x16xf32>,
    %swap3A_336 = arith.constant 7 : i32
    %swap3A_337 = arith.index_cast %swap3A_336 : i32 to index
    %swap3A_338 = arith.constant 0 : index
    %swap3A_339 = tpu.vector_load %arg10[%swap3A_337, %swap3A_338] {strides = array<i32>} : memref<16x128xf32, #tpu.memory_space<vmem>>, vector<1x16xf32>,
    %swap3A_340 = vector.shape_cast %swap3A_339 : vector<1x16xf32> to vector<16xf32>
    %swap3A_341 = vector.shape_cast %broadcast_in_dim3A_0 : vector<16xf32> to vector<1x16xf32>
    tpu.vector_store %arg10[%swap3A_337, %swap3A_338], %swap3A_341 {strides = array<i32>} : memref<16x128xf32, #tpu.memory_space<vmem>>, vector<1x16xf32>,
    %swap3A_342 = arith.constant 7 : i32
    %swap3A_343 = arith.index_cast %swap3A_342 : i32 to index
    %swap3A_344 = arith.constant 16 : index
    %swap3A_345 = tpu.vector_load %arg10[%swap3A_343, %swap3A_344] {strides = array<i32>} : memref<16x128xf32, #tpu.memory_space<vmem>>, vector<1x16xf32>,
    %swap3A_346 = vector.shape_cast %swap3A_345 : vector<1x16xf32> to vector<16xf32>
    %swap3A_347 = vector.shape_cast %broadcast_in_dim3A_0 : vector<16xf32> to vector<1x16xf32>
    tpu.vector_store %arg10[%swap3A_343, %swap3A_344], %swap3A_347 {strides = array<i32>} : memref<16x128xf32, #tpu.memory_space<vmem>>, vector<1x16xf32>,
    %swap3A_348 = arith.constant 7 : i32
    %swap3A_349 = arith.index_cast %swap3A_348 : i32 to index
    %swap3A_350 = arith.constant 32 : index
    %swap3A_351 = tpu.vector_load %arg10[%swap3A_349, %swap3A_350] {strides = array<i32>} : memref<16x128xf32, #tpu.memory_space<vmem>>, vector<1x16xf32>,
    %swap3A_352 = vector.shape_cast %swap3A_351 : vector<1x16xf32> to vector<16xf32>
    %swap3A_353 = vector.shape_cast %broadcast_in_dim3A_0 : vector<16xf32> to vector<1x16xf32>
    tpu.vector_store %arg10[%swap3A_349, %swap3A_350], %swap3A_353 {strides = array<i32>} : memref<16x128xf32, #tpu.memory_space<vmem>>, vector<1x16xf32>,
    %swap3A_354 = arith.constant 7 : i32
    %swap3A_355 = arith.index_cast %swap3A_354 : i32 to index
    %swap3A_356 = arith.constant 48 : index
    %swap3A_357 = tpu.vector_load %arg10[%swap3A_355, %swap3A_356] {strides = array<i32>} : memref<16x128xf32, #tpu.memory_space<vmem>>, vector<1x16xf32>,
    %swap3A_358 = vector.shape_cast %swap3A_357 : vector<1x16xf32> to vector<16xf32>
    %swap3A_359 = vector.shape_cast %broadcast_in_dim3A_0 : vector<16xf32> to vector<1x16xf32>
    tpu.vector_store %arg10[%swap3A_355, %swap3A_356], %swap3A_359 {strides = array<i32>} : memref<16x128xf32, #tpu.memory_space<vmem>>, vector<1x16xf32>,
    %swap3A_360 = arith.constant 7 : i32
    %swap3A_361 = arith.index_cast %swap3A_360 : i32 to index
    %swap3A_362 = arith.constant 64 : index
    %swap3A_363 = tpu.vector_load %arg10[%swap3A_361, %swap3A_362] {strides = array<i32>} : memref<16x128xf32, #tpu.memory_space<vmem>>, vector<1x16xf32>,
    %swap3A_364 = vector.shape_cast %swap3A_363 : vector<1x16xf32> to vector<16xf32>
    %swap3A_365 = vector.shape_cast %broadcast_in_dim3A_0 : vector<16xf32> to vector<1x16xf32>
    tpu.vector_store %arg10[%swap3A_361, %swap3A_362], %swap3A_365 {strides = array<i32>} : memref<16x128xf32, #tpu.memory_space<vmem>>, vector<1x16xf32>,
    %swap3A_366 = arith.constant 7 : i32
    %swap3A_367 = arith.index_cast %swap3A_366 : i32 to index
    %swap3A_368 = arith.constant 80 : index
    %swap3A_369 = tpu.vector_load %arg10[%swap3A_367, %swap3A_368] {strides = array<i32>} : memref<16x128xf32, #tpu.memory_space<vmem>>, vector<1x16xf32>,
    %swap3A_370 = vector.shape_cast %swap3A_369 : vector<1x16xf32> to vector<16xf32>
    %swap3A_371 = vector.shape_cast %broadcast_in_dim3A_0 : vector<16xf32> to vector<1x16xf32>
    tpu.vector_store %arg10[%swap3A_367, %swap3A_368], %swap3A_371 {strides = array<i32>} : memref<16x128xf32, #tpu.memory_space<vmem>>, vector<1x16xf32>,
    %swap3A_372 = arith.constant 7 : i32
    %swap3A_373 = arith.index_cast %swap3A_372 : i32 to index
    %swap3A_374 = arith.constant 96 : index
    %swap3A_375 = tpu.vector_load %arg10[%swap3A_373, %swap3A_374] {strides = array<i32>} : memref<16x128xf32, #tpu.memory_space<vmem>>, vector<1x16xf32>,
    %swap3A_376 = vector.shape_cast %swap3A_375 : vector<1x16xf32> to vector<16xf32>
    %swap3A_377 = vector.shape_cast %broadcast_in_dim3A_0 : vector<16xf32> to vector<1x16xf32>
    tpu.vector_store %arg10[%swap3A_373, %swap3A_374], %swap3A_377 {strides = array<i32>} : memref<16x128xf32, #tpu.memory_space<vmem>>, vector<1x16xf32>,
    %swap3A_378 = arith.constant 7 : i32
    %swap3A_379 = arith.index_cast %swap3A_378 : i32 to index
    %swap3A_380 = arith.constant 112 : index
    %swap3A_381 = tpu.vector_load %arg10[%swap3A_379, %swap3A_380] {strides = array<i32>} : memref<16x128xf32, #tpu.memory_space<vmem>>, vector<1x16xf32>,
    %swap3A_382 = vector.shape_cast %swap3A_381 : vector<1x16xf32> to vector<16xf32>
    %swap3A_383 = vector.shape_cast %broadcast_in_dim3A_0 : vector<16xf32> to vector<1x16xf32>
    tpu.vector_store %arg10[%swap3A_379, %swap3A_380], %swap3A_383 {strides = array<i32>} : memref<16x128xf32, #tpu.memory_space<vmem>>, vector<1x16xf32>,
    %swap3A_384 = arith.constant 8 : i32
    %swap3A_385 = arith.index_cast %swap3A_384 : i32 to index
    %swap3A_386 = arith.constant 0 : index
    %swap3A_387 = tpu.vector_load %arg10[%swap3A_385, %swap3A_386] {strides = array<i32>} : memref<16x128xf32, #tpu.memory_space<vmem>>, vector<1x16xf32>,
    %swap3A_388 = vector.shape_cast %swap3A_387 : vector<1x16xf32> to vector<16xf32>
    %swap3A_389 = vector.shape_cast %broadcast_in_dim3A_0 : vector<16xf32> to vector<1x16xf32>
    tpu.vector_store %arg10[%swap3A_385, %swap3A_386], %swap3A_389 {strides = array<i32>} : memref<16x128xf32, #tpu.memory_space<vmem>>, vector<1x16xf32>,
    %swap3A_390 = arith.constant 8 : i32
    %swap3A_391 = arith.index_cast %swap3A_390 : i32 to index
    %swap3A_392 = arith.constant 16 : index
    %swap3A_393 = tpu.vector_load %arg10[%swap3A_391, %swap3A_392] {strides = array<i32>} : memref<16x128xf32, #tpu.memory_space<vmem>>, vector<1x16xf32>,
    %swap3A_394 = vector.shape_cast %swap3A_393 : vector<1x16xf32> to vector<16xf32>
    %swap3A_395 = vector.shape_cast %broadcast_in_dim3A_0 : vector<16xf32> to vector<1x16xf32>
    tpu.vector_store %arg10[%swap3A_391, %swap3A_392], %swap3A_395 {strides = array<i32>} : memref<16x128xf32, #tpu.memory_space<vmem>>, vector<1x16xf32>,
    %swap3A_396 = arith.constant 8 : i32
    %swap3A_397 = arith.index_cast %swap3A_396 : i32 to index
    %swap3A_398 = arith.constant 32 : index
    %swap3A_399 = tpu.vector_load %arg10[%swap3A_397, %swap3A_398] {strides = array<i32>} : memref<16x128xf32, #tpu.memory_space<vmem>>, vector<1x16xf32>,
    %swap3A_400 = vector.shape_cast %swap3A_399 : vector<1x16xf32> to vector<16xf32>
    %swap3A_401 = vector.shape_cast %broadcast_in_dim3A_0 : vector<16xf32> to vector<1x16xf32>
    tpu.vector_store %arg10[%swap3A_397, %swap3A_398], %swap3A_401 {strides = array<i32>} : memref<16x128xf32, #tpu.memory_space<vmem>>, vector<1x16xf32>,
    %swap3A_402 = arith.constant 8 : i32
    %swap3A_403 = arith.index_cast %swap3A_402 : i32 to index
    %swap3A_404 = arith.constant 48 : index
    %swap3A_405 = tpu.vector_load %arg10[%swap3A_403, %swap3A_404] {strides = array<i32>} : memref<16x128xf32, #tpu.memory_space<vmem>>, vector<1x16xf32>,
    %swap3A_406 = vector.shape_cast %swap3A_405 : vector<1x16xf32> to vector<16xf32>
    %swap3A_407 = vector.shape_cast %broadcast_in_dim3A_0 : vector<16xf32> to vector<1x16xf32>
    tpu.vector_store %arg10[%swap3A_403, %swap3A_404], %swap3A_407 {strides = array<i32>} : memref<16x128xf32, #tpu.memory_space<vmem>>, vector<1x16xf32>,
    %swap3A_408 = arith.constant 8 : i32
    %swap3A_409 = arith.index_cast %swap3A_408 : i32 to index
    %swap3A_410 = arith.constant 64 : index
    %swap3A_411 = tpu.vector_load %arg10[%swap3A_409, %swap3A_410] {strides = array<i32>} : memref<16x128xf32, #tpu.memory_space<vmem>>, vector<1x16xf32>,
    %swap3A_412 = vector.shape_cast %swap3A_411 : vector<1x16xf32> to vector<16xf32>
    %swap3A_413 = vector.shape_cast %broadcast_in_dim3A_0 : vector<16xf32> to vector<1x16xf32>
    tpu.vector_store %arg10[%swap3A_409, %swap3A_410], %swap3A_413 {strides = array<i32>} : memref<16x128xf32, #tpu.memory_space<vmem>>, vector<1x16xf32>,
    %swap3A_414 = arith.constant 8 : i32
    %swap3A_415 = arith.index_cast %swap3A_414 : i32 to index
    %swap3A_416 = arith.constant 80 : index
    %swap3A_417 = tpu.vector_load %arg10[%swap3A_415, %swap3A_416] {strides = array<i32>} : memref<16x128xf32, #tpu.memory_space<vmem>>, vector<1x16xf32>,
    %swap3A_418 = vector.shape_cast %swap3A_417 : vector<1x16xf32> to vector<16xf32>
    %swap3A_419 = vector.shape_cast %broadcast_in_dim3A_0 : vector<16xf32> to vector<1x16xf32>
    tpu.vector_store %arg10[%swap3A_415, %swap3A_416], %swap3A_419 {strides = array<i32>} : memref<16x128xf32, #tpu.memory_space<vmem>>, vector<1x16xf32>,
    %swap3A_420 = arith.constant 8 : i32
    %swap3A_421 = arith.index_cast %swap3A_420 : i32 to index
    %swap3A_422 = arith.constant 96 : index
    %swap3A_423 = tpu.vector_load %arg10[%swap3A_421, %swap3A_422] {strides = array<i32>} : memref<16x128xf32, #tpu.memory_space<vmem>>, vector<1x16xf32>,
    %swap3A_424 = vector.shape_cast %swap3A_423 : vector<1x16xf32> to vector<16xf32>
    %swap3A_425 = vector.shape_cast %broadcast_in_dim3A_0 : vector<16xf32> to vector<1x16xf32>
    tpu.vector_store %arg10[%swap3A_421, %swap3A_422], %swap3A_425 {strides = array<i32>} : memref<16x128xf32, #tpu.memory_space<vmem>>, vector<1x16xf32>,
    %swap3A_426 = arith.constant 8 : i32
    %swap3A_427 = arith.index_cast %swap3A_426 : i32 to index
    %swap3A_428 = arith.constant 112 : index
    %swap3A_429 = tpu.vector_load %arg10[%swap3A_427, %swap3A_428] {strides = array<i32>} : memref<16x128xf32, #tpu.memory_space<vmem>>, vector<1x16xf32>,
    %swap3A_430 = vector.shape_cast %swap3A_429 : vector<1x16xf32> to vector<16xf32>
    %swap3A_431 = vector.shape_cast %broadcast_in_dim3A_0 : vector<16xf32> to vector<1x16xf32>
    tpu.vector_store %arg10[%swap3A_427, %swap3A_428], %swap3A_431 {strides = array<i32>} : memref<16x128xf32, #tpu.memory_space<vmem>>, vector<1x16xf32>,
    %swap3A_432 = arith.constant 9 : i32
    %swap3A_433 = arith.index_cast %swap3A_432 : i32 to index
    %swap3A_434 = arith.constant 0 : index
    %swap3A_435 = tpu.vector_load %arg10[%swap3A_433, %swap3A_434] {strides = array<i32>} : memref<16x128xf32, #tpu.memory_space<vmem>>, vector<1x16xf32>,
    %swap3A_436 = vector.shape_cast %swap3A_435 : vector<1x16xf32> to vector<16xf32>
    %swap3A_437 = vector.shape_cast %broadcast_in_dim3A_0 : vector<16xf32> to vector<1x16xf32>
    tpu.vector_store %arg10[%swap3A_433, %swap3A_434], %swap3A_437 {strides = array<i32>} : memref<16x128xf32, #tpu.memory_space<vmem>>, vector<1x16xf32>,
    %swap3A_438 = arith.constant 9 : i32
    %swap3A_439 = arith.index_cast %swap3A_438 : i32 to index
    %swap3A_440 = arith.constant 16 : index
    %swap3A_441 = tpu.vector_load %arg10[%swap3A_439, %swap3A_440] {strides = array<i32>} : memref<16x128xf32, #tpu.memory_space<vmem>>, vector<1x16xf32>,
    %swap3A_442 = vector.shape_cast %swap3A_441 : vector<1x16xf32> to vector<16xf32>
    %swap3A_443 = vector.shape_cast %broadcast_in_dim3A_0 : vector<16xf32> to vector<1x16xf32>
    tpu.vector_store %arg10[%swap3A_439, %swap3A_440], %swap3A_443 {strides = array<i32>} : memref<16x128xf32, #tpu.memory_space<vmem>>, vector<1x16xf32>,
    %swap3A_444 = arith.constant 9 : i32
    %swap3A_445 = arith.index_cast %swap3A_444 : i32 to index
    %swap3A_446 = arith.constant 32 : index
    %swap3A_447 = tpu.vector_load %arg10[%swap3A_445, %swap3A_446] {strides = array<i32>} : memref<16x128xf32, #tpu.memory_space<vmem>>, vector<1x16xf32>,
    %swap3A_448 = vector.shape_cast %swap3A_447 : vector<1x16xf32> to vector<16xf32>
    %swap3A_449 = vector.shape_cast %broadcast_in_dim3A_0 : vector<16xf32> to vector<1x16xf32>
    tpu.vector_store %arg10[%swap3A_445, %swap3A_446], %swap3A_449 {strides = array<i32>} : memref<16x128xf32, #tpu.memory_space<vmem>>, vector<1x16xf32>,
    %swap3A_450 = arith.constant 9 : i32
    %swap3A_451 = arith.index_cast %swap3A_450 : i32 to index
    %swap3A_452 = arith.constant 48 : index
    %swap3A_453 = tpu.vector_load %arg10[%swap3A_451, %swap3A_452] {strides = array<i32>} : memref<16x128xf32, #tpu.memory_space<vmem>>, vector<1x16xf32>,
    %swap3A_454 = vector.shape_cast %swap3A_453 : vector<1x16xf32> to vector<16xf32>
    %swap3A_455 = vector.shape_cast %broadcast_in_dim3A_0 : vector<16xf32> to vector<1x16xf32>
    tpu.vector_store %arg10[%swap3A_451, %swap3A_452], %swap3A_455 {strides = array<i32>} : memref<16x128xf32, #tpu.memory_space<vmem>>, vector<1x16xf32>,
    %swap3A_456 = arith.constant 9 : i32
    %swap3A_457 = arith.index_cast %swap3A_456 : i32 to index
    %swap3A_458 = arith.constant 64 : index
    %swap3A_459 = tpu.vector_load %arg10[%swap3A_457, %swap3A_458] {strides = array<i32>} : memref<16x128xf32, #tpu.memory_space<vmem>>, vector<1x16xf32>,
    %swap3A_460 = vector.shape_cast %swap3A_459 : vector<1x16xf32> to vector<16xf32>
    %swap3A_461 = vector.shape_cast %broadcast_in_dim3A_0 : vector<16xf32> to vector<1x16xf32>
    tpu.vector_store %arg10[%swap3A_457, %swap3A_458], %swap3A_461 {strides = array<i32>} : memref<16x128xf32, #tpu.memory_space<vmem>>, vector<1x16xf32>,
    %swap3A_462 = arith.constant 9 : i32
    %swap3A_463 = arith.index_cast %swap3A_462 : i32 to index
    %swap3A_464 = arith.constant 80 : index
    %swap3A_465 = tpu.vector_load %arg10[%swap3A_463, %swap3A_464] {strides = array<i32>} : memref<16x128xf32, #tpu.memory_space<vmem>>, vector<1x16xf32>,
    %swap3A_466 = vector.shape_cast %swap3A_465 : vector<1x16xf32> to vector<16xf32>
    %swap3A_467 = vector.shape_cast %broadcast_in_dim3A_0 : vector<16xf32> to vector<1x16xf32>
    tpu.vector_store %arg10[%swap3A_463, %swap3A_464], %swap3A_467 {strides = array<i32>} : memref<16x128xf32, #tpu.memory_space<vmem>>, vector<1x16xf32>,
    %swap3A_468 = arith.constant 9 : i32
    %swap3A_469 = arith.index_cast %swap3A_468 : i32 to index
    %swap3A_470 = arith.constant 96 : index
    %swap3A_471 = tpu.vector_load %arg10[%swap3A_469, %swap3A_470] {strides = array<i32>} : memref<16x128xf32, #tpu.memory_space<vmem>>, vector<1x16xf32>,
    %swap3A_472 = vector.shape_cast %swap3A_471 : vector<1x16xf32> to vector<16xf32>
    %swap3A_473 = vector.shape_cast %broadcast_in_dim3A_0 : vector<16xf32> to vector<1x16xf32>
    tpu.vector_store %arg10[%swap3A_469, %swap3A_470], %swap3A_473 {strides = array<i32>} : memref<16x128xf32, #tpu.memory_space<vmem>>, vector<1x16xf32>,
    %swap3A_474 = arith.constant 9 : i32
    %swap3A_475 = arith.index_cast %swap3A_474 : i32 to index
    %swap3A_476 = arith.constant 112 : index
    %swap3A_477 = tpu.vector_load %arg10[%swap3A_475, %swap3A_476] {strides = array<i32>} : memref<16x128xf32, #tpu.memory_space<vmem>>, vector<1x16xf32>,
    %swap3A_478 = vector.shape_cast %swap3A_477 : vector<1x16xf32> to vector<16xf32>
    %swap3A_479 = vector.shape_cast %broadcast_in_dim3A_0 : vector<16xf32> to vector<1x16xf32>
    tpu.vector_store %arg10[%swap3A_475, %swap3A_476], %swap3A_479 {strides = array<i32>} : memref<16x128xf32, #tpu.memory_space<vmem>>, vector<1x16xf32>,
    %swap3A_480 = arith.constant 10 : i32
    %swap3A_481 = arith.index_cast %swap3A_480 : i32 to index
    %swap3A_482 = arith.constant 0 : index
    %swap3A_483 = tpu.vector_load %arg10[%swap3A_481, %swap3A_482] {strides = array<i32>} : memref<16x128xf32, #tpu.memory_space<vmem>>, vector<1x16xf32>,
    %swap3A_484 = vector.shape_cast %swap3A_483 : vector<1x16xf32> to vector<16xf32>
    %swap3A_485 = vector.shape_cast %broadcast_in_dim3A_0 : vector<16xf32> to vector<1x16xf32>
    tpu.vector_store %arg10[%swap3A_481, %swap3A_482], %swap3A_485 {strides = array<i32>} : memref<16x128xf32, #tpu.memory_space<vmem>>, vector<1x16xf32>,
    %swap3A_486 = arith.constant 10 : i32
    %swap3A_487 = arith.index_cast %swap3A_486 : i32 to index
    %swap3A_488 = arith.constant 16 : index
    %swap3A_489 = tpu.vector_load %arg10[%swap3A_487, %swap3A_488] {strides = array<i32>} : memref<16x128xf32, #tpu.memory_space<vmem>>, vector<1x16xf32>,
    %swap3A_490 = vector.shape_cast %swap3A_489 : vector<1x16xf32> to vector<16xf32>
    %swap3A_491 = vector.shape_cast %broadcast_in_dim3A_0 : vector<16xf32> to vector<1x16xf32>
    tpu.vector_store %arg10[%swap3A_487, %swap3A_488], %swap3A_491 {strides = array<i32>} : memref<16x128xf32, #tpu.memory_space<vmem>>, vector<1x16xf32>,
    %swap3A_492 = arith.constant 10 : i32
    %swap3A_493 = arith.index_cast %swap3A_492 : i32 to index
    %swap3A_494 = arith.constant 32 : index
    %swap3A_495 = tpu.vector_load %arg10[%swap3A_493, %swap3A_494] {strides = array<i32>} : memref<16x128xf32, #tpu.memory_space<vmem>>, vector<1x16xf32>,
    %swap3A_496 = vector.shape_cast %swap3A_495 : vector<1x16xf32> to vector<16xf32>
    %swap3A_497 = vector.shape_cast %broadcast_in_dim3A_0 : vector<16xf32> to vector<1x16xf32>
    tpu.vector_store %arg10[%swap3A_493, %swap3A_494], %swap3A_497 {strides = array<i32>} : memref<16x128xf32, #tpu.memory_space<vmem>>, vector<1x16xf32>,
    %swap3A_498 = arith.constant 10 : i32
    %swap3A_499 = arith.index_cast %swap3A_498 : i32 to index
    %swap3A_500 = arith.constant 48 : index
    %swap3A_501 = tpu.vector_load %arg10[%swap3A_499, %swap3A_500] {strides = array<i32>} : memref<16x128xf32, #tpu.memory_space<vmem>>, vector<1x16xf32>,
    %swap3A_502 = vector.shape_cast %swap3A_501 : vector<1x16xf32> to vector<16xf32>
    %swap3A_503 = vector.shape_cast %broadcast_in_dim3A_0 : vector<16xf32> to vector<1x16xf32>
    tpu.vector_store %arg10[%swap3A_499, %swap3A_500], %swap3A_503 {strides = array<i32>} : memref<16x128xf32, #tpu.memory_space<vmem>>, vector<1x16xf32>,
    %swap3A_504 = arith.constant 10 : i32
    %swap3A_505 = arith.index_cast %swap3A_504 : i32 to index
    %swap3A_506 = arith.constant 64 : index
    %swap3A_507 = tpu.vector_load %arg10[%swap3A_505, %swap3A_506] {strides = array<i32>} : memref<16x128xf32, #tpu.memory_space<vmem>>, vector<1x16xf32>,
    %swap3A_508 = vector.shape_cast %swap3A_507 : vector<1x16xf32> to vector<16xf32>
    %swap3A_509 = vector.shape_cast %broadcast_in_dim3A_0 : vector<16xf32> to vector<1x16xf32>
    tpu.vector_store %arg10[%swap3A_505, %swap3A_506], %swap3A_509 {strides = array<i32>} : memref<16x128xf32, #tpu.memory_space<vmem>>, vector<1x16xf32>,
    %swap3A_510 = arith.constant 10 : i32
    %swap3A_511 = arith.index_cast %swap3A_510 : i32 to index
    %swap3A_512 = arith.constant 80 : index
    %swap3A_513 = tpu.vector_load %arg10[%swap3A_511, %swap3A_512] {strides = array<i32>} : memref<16x128xf32, #tpu.memory_space<vmem>>, vector<1x16xf32>,
    %swap3A_514 = vector.shape_cast %swap3A_513 : vector<1x16xf32> to vector<16xf32>
    %swap3A_515 = vector.shape_cast %broadcast_in_dim3A_0 : vector<16xf32> to vector<1x16xf32>
    tpu.vector_store %arg10[%swap3A_511, %swap3A_512], %swap3A_515 {strides = array<i32>} : memref<16x128xf32, #tpu.memory_space<vmem>>, vector<1x16xf32>,
    %swap3A_516 = arith.constant 10 : i32
    %swap3A_517 = arith.index_cast %swap3A_516 : i32 to index
    %swap3A_518 = arith.constant 96 : index
    %swap3A_519 = tpu.vector_load %arg10[%swap3A_517, %swap3A_518] {strides = array<i32>} : memref<16x128xf32, #tpu.memory_space<vmem>>, vector<1x16xf32>,
    %swap3A_520 = vector.shape_cast %swap3A_519 : vector<1x16xf32> to vector<16xf32>
    %swap3A_521 = vector.shape_cast %broadcast_in_dim3A_0 : vector<16xf32> to vector<1x16xf32>
    tpu.vector_store %arg10[%swap3A_517, %swap3A_518], %swap3A_521 {strides = array<i32>} : memref<16x128xf32, #tpu.memory_space<vmem>>, vector<1x16xf32>,
    %swap3A_522 = arith.constant 10 : i32
    %swap3A_523 = arith.index_cast %swap3A_522 : i32 to index
    %swap3A_524 = arith.constant 112 : index
    %swap3A_525 = tpu.vector_load %arg10[%swap3A_523, %swap3A_524] {strides = array<i32>} : memref<16x128xf32, #tpu.memory_space<vmem>>, vector<1x16xf32>,
    %swap3A_526 = vector.shape_cast %swap3A_525 : vector<1x16xf32> to vector<16xf32>
    %swap3A_527 = vector.shape_cast %broadcast_in_dim3A_0 : vector<16xf32> to vector<1x16xf32>
    tpu.vector_store %arg10[%swap3A_523, %swap3A_524], %swap3A_527 {strides = array<i32>} : memref<16x128xf32, #tpu.memory_space<vmem>>, vector<1x16xf32>,
    %swap3A_528 = arith.constant 11 : i32
    %swap3A_529 = arith.index_cast %swap3A_528 : i32 to index
    %swap3A_530 = arith.constant 0 : index
    %swap3A_531 = tpu.vector_load %arg10[%swap3A_529, %swap3A_530] {strides = array<i32>} : memref<16x128xf32, #tpu.memory_space<vmem>>, vector<1x16xf32>,
    %swap3A_532 = vector.shape_cast %swap3A_531 : vector<1x16xf32> to vector<16xf32>
    %swap3A_533 = vector.shape_cast %broadcast_in_dim3A_0 : vector<16xf32> to vector<1x16xf32>
    tpu.vector_store %arg10[%swap3A_529, %swap3A_530], %swap3A_533 {strides = array<i32>} : memref<16x128xf32, #tpu.memory_space<vmem>>, vector<1x16xf32>,
    %swap3A_534 = arith.constant 11 : i32
    %swap3A_535 = arith.index_cast %swap3A_534 : i32 to index
    %swap3A_536 = arith.constant 16 : index
    %swap3A_537 = tpu.vector_load %arg10[%swap3A_535, %swap3A_536] {strides = array<i32>} : memref<16x128xf32, #tpu.memory_space<vmem>>, vector<1x16xf32>,
    %swap3A_538 = vector.shape_cast %swap3A_537 : vector<1x16xf32> to vector<16xf32>
    %swap3A_539 = vector.shape_cast %broadcast_in_dim3A_0 : vector<16xf32> to vector<1x16xf32>
    tpu.vector_store %arg10[%swap3A_535, %swap3A_536], %swap3A_539 {strides = array<i32>} : memref<16x128xf32, #tpu.memory_space<vmem>>, vector<1x16xf32>,
    %swap3A_540 = arith.constant 11 : i32
    %swap3A_541 = arith.index_cast %swap3A_540 : i32 to index
    %swap3A_542 = arith.constant 32 : index
    %swap3A_543 = tpu.vector_load %arg10[%swap3A_541, %swap3A_542] {strides = array<i32>} : memref<16x128xf32, #tpu.memory_space<vmem>>, vector<1x16xf32>,
    %swap3A_544 = vector.shape_cast %swap3A_543 : vector<1x16xf32> to vector<16xf32>
    %swap3A_545 = vector.shape_cast %broadcast_in_dim3A_0 : vector<16xf32> to vector<1x16xf32>
    tpu.vector_store %arg10[%swap3A_541, %swap3A_542], %swap3A_545 {strides = array<i32>} : memref<16x128xf32, #tpu.memory_space<vmem>>, vector<1x16xf32>,
    %swap3A_546 = arith.constant 11 : i32
    %swap3A_547 = arith.index_cast %swap3A_546 : i32 to index
    %swap3A_548 = arith.constant 48 : index
    %swap3A_549 = tpu.vector_load %arg10[%swap3A_547, %swap3A_548] {strides = array<i32>} : memref<16x128xf32, #tpu.memory_space<vmem>>, vector<1x16xf32>,
    %swap3A_550 = vector.shape_cast %swap3A_549 : vector<1x16xf32> to vector<16xf32>
    %swap3A_551 = vector.shape_cast %broadcast_in_dim3A_0 : vector<16xf32> to vector<1x16xf32>
    tpu.vector_store %arg10[%swap3A_547, %swap3A_548], %swap3A_551 {strides = array<i32>} : memref<16x128xf32, #tpu.memory_space<vmem>>, vector<1x16xf32>,
    %swap3A_552 = arith.constant 11 : i32
    %swap3A_553 = arith.index_cast %swap3A_552 : i32 to index
    %swap3A_554 = arith.constant 64 : index
    %swap3A_555 = tpu.vector_load %arg10[%swap3A_553, %swap3A_554] {strides = array<i32>} : memref<16x128xf32, #tpu.memory_space<vmem>>, vector<1x16xf32>,
    %swap3A_556 = vector.shape_cast %swap3A_555 : vector<1x16xf32> to vector<16xf32>
    %swap3A_557 = vector.shape_cast %broadcast_in_dim3A_0 : vector<16xf32> to vector<1x16xf32>
    tpu.vector_store %arg10[%swap3A_553, %swap3A_554], %swap3A_557 {strides = array<i32>} : memref<16x128xf32, #tpu.memory_space<vmem>>, vector<1x16xf32>,
    %swap3A_558 = arith.constant 11 : i32
    %swap3A_559 = arith.index_cast %swap3A_558 : i32 to index
    %swap3A_560 = arith.constant 80 : index
    %swap3A_561 = tpu.vector_load %arg10[%swap3A_559, %swap3A_560] {strides = array<i32>} : memref<16x128xf32, #tpu.memory_space<vmem>>, vector<1x16xf32>,
    %swap3A_562 = vector.shape_cast %swap3A_561 : vector<1x16xf32> to vector<16xf32>
    %swap3A_563 = vector.shape_cast %broadcast_in_dim3A_0 : vector<16xf32> to vector<1x16xf32>
    tpu.vector_store %arg10[%swap3A_559, %swap3A_560], %swap3A_563 {strides = array<i32>} : memref<16x128xf32, #tpu.memory_space<vmem>>, vector<1x16xf32>,
    %swap3A_564 = arith.constant 11 : i32
    %swap3A_565 = arith.index_cast %swap3A_564 : i32 to index
    %swap3A_566 = arith.constant 96 : index
    %swap3A_567 = tpu.vector_load %arg10[%swap3A_565, %swap3A_566] {strides = array<i32>} : memref<16x128xf32, #tpu.memory_space<vmem>>, vector<1x16xf32>,
    %swap3A_568 = vector.shape_cast %swap3A_567 : vector<1x16xf32> to vector<16xf32>
    %swap3A_569 = vector.shape_cast %broadcast_in_dim3A_0 : vector<16xf32> to vector<1x16xf32>
    tpu.vector_store %arg10[%swap3A_565, %swap3A_566], %swap3A_569 {strides = array<i32>} : memref<16x128xf32, #tpu.memory_space<vmem>>, vector<1x16xf32>,
    %swap3A_570 = arith.constant 11 : i32
    %swap3A_571 = arith.index_cast %swap3A_570 : i32 to index
    %swap3A_572 = arith.constant 112 : index
    %swap3A_573 = tpu.vector_load %arg10[%swap3A_571, %swap3A_572] {strides = array<i32>} : memref<16x128xf32, #tpu.memory_space<vmem>>, vector<1x16xf32>,
    %swap3A_574 = vector.shape_cast %swap3A_573 : vector<1x16xf32> to vector<16xf32>
    %swap3A_575 = vector.shape_cast %broadcast_in_dim3A_0 : vector<16xf32> to vector<1x16xf32>
    tpu.vector_store %arg10[%swap3A_571, %swap3A_572], %swap3A_575 {strides = array<i32>} : memref<16x128xf32, #tpu.memory_space<vmem>>, vector<1x16xf32>,
    %swap3A_576 = arith.constant 12 : i32
    %swap3A_577 = arith.index_cast %swap3A_576 : i32 to index
    %swap3A_578 = arith.constant 0 : index
    %swap3A_579 = tpu.vector_load %arg10[%swap3A_577, %swap3A_578] {strides = array<i32>} : memref<16x128xf32, #tpu.memory_space<vmem>>, vector<1x16xf32>,
    %swap3A_580 = vector.shape_cast %swap3A_579 : vector<1x16xf32> to vector<16xf32>
    %swap3A_581 = vector.shape_cast %broadcast_in_dim3A_0 : vector<16xf32> to vector<1x16xf32>
    tpu.vector_store %arg10[%swap3A_577, %swap3A_578], %swap3A_581 {strides = array<i32>} : memref<16x128xf32, #tpu.memory_space<vmem>>, vector<1x16xf32>,
    %swap3A_582 = arith.constant 12 : i32
    %swap3A_583 = arith.index_cast %swap3A_582 : i32 to index
    %swap3A_584 = arith.constant 16 : index
    %swap3A_585 = tpu.vector_load %arg10[%swap3A_583, %swap3A_584] {strides = array<i32>} : memref<16x128xf32, #tpu.memory_space<vmem>>, vector<1x16xf32>,
    %swap3A_586 = vector.shape_cast %swap3A_585 : vector<1x16xf32> to vector<16xf32>
    %swap3A_587 = vector.shape_cast %broadcast_in_dim3A_0 : vector<16xf32> to vector<1x16xf32>
    tpu.vector_store %arg10[%swap3A_583, %swap3A_584], %swap3A_587 {strides = array<i32>} : memref<16x128xf32, #tpu.memory_space<vmem>>, vector<1x16xf32>,
    %swap3A_588 = arith.constant 12 : i32
    %swap3A_589 = arith.index_cast %swap3A_588 : i32 to index
    %swap3A_590 = arith.constant 32 : index
    %swap3A_591 = tpu.vector_load %arg10[%swap3A_589, %swap3A_590] {strides = array<i32>} : memref<16x128xf32, #tpu.memory_space<vmem>>, vector<1x16xf32>,
    %swap3A_592 = vector.shape_cast %swap3A_591 : vector<1x16xf32> to vector<16xf32>
    %swap3A_593 = vector.shape_cast %broadcast_in_dim3A_0 : vector<16xf32> to vector<1x16xf32>
    tpu.vector_store %arg10[%swap3A_589, %swap3A_590], %swap3A_593 {strides = array<i32>} : memref<16x128xf32, #tpu.memory_space<vmem>>, vector<1x16xf32>,
    %swap3A_594 = arith.constant 12 : i32
    %swap3A_595 = arith.index_cast %swap3A_594 : i32 to index
    %swap3A_596 = arith.constant 48 : index
    %swap3A_597 = tpu.vector_load %arg10[%swap3A_595, %swap3A_596] {strides = array<i32>} : memref<16x128xf32, #tpu.memory_space<vmem>>, vector<1x16xf32>,
    %swap3A_598 = vector.shape_cast %swap3A_597 : vector<1x16xf32> to vector<16xf32>
    %swap3A_599 = vector.shape_cast %broadcast_in_dim3A_0 : vector<16xf32> to vector<1x16xf32>
    tpu.vector_store %arg10[%swap3A_595, %swap3A_596], %swap3A_599 {strides = array<i32>} : memref<16x128xf32, #tpu.memory_space<vmem>>, vector<1x16xf32>,
    %swap3A_600 = arith.constant 12 : i32
    %swap3A_601 = arith.index_cast %swap3A_600 : i32 to index
    %swap3A_602 = arith.constant 64 : index
    %swap3A_603 = tpu.vector_load %arg10[%swap3A_601, %swap3A_602] {strides = array<i32>} : memref<16x128xf32, #tpu.memory_space<vmem>>, vector<1x16xf32>,
    %swap3A_604 = vector.shape_cast %swap3A_603 : vector<1x16xf32> to vector<16xf32>
    %swap3A_605 = vector.shape_cast %broadcast_in_dim3A_0 : vector<16xf32> to vector<1x16xf32>
    tpu.vector_store %arg10[%swap3A_601, %swap3A_602], %swap3A_605 {strides = array<i32>} : memref<16x128xf32, #tpu.memory_space<vmem>>, vector<1x16xf32>,
    %swap3A_606 = arith.constant 12 : i32
    %swap3A_607 = arith.index_cast %swap3A_606 : i32 to index
    %swap3A_608 = arith.constant 80 : index
    %swap3A_609 = tpu.vector_load %arg10[%swap3A_607, %swap3A_608] {strides = array<i32>} : memref<16x128xf32, #tpu.memory_space<vmem>>, vector<1x16xf32>,
    %swap3A_610 = vector.shape_cast %swap3A_609 : vector<1x16xf32> to vector<16xf32>
    %swap3A_611 = vector.shape_cast %broadcast_in_dim3A_0 : vector<16xf32> to vector<1x16xf32>
    tpu.vector_store %arg10[%swap3A_607, %swap3A_608], %swap3A_611 {strides = array<i32>} : memref<16x128xf32, #tpu.memory_space<vmem>>, vector<1x16xf32>,
    %swap3A_612 = arith.constant 12 : i32
    %swap3A_613 = arith.index_cast %swap3A_612 : i32 to index
    %swap3A_614 = arith.constant 96 : index
    %swap3A_615 = tpu.vector_load %arg10[%swap3A_613, %swap3A_614] {strides = array<i32>} : memref<16x128xf32, #tpu.memory_space<vmem>>, vector<1x16xf32>,
    %swap3A_616 = vector.shape_cast %swap3A_615 : vector<1x16xf32> to vector<16xf32>
    %swap3A_617 = vector.shape_cast %broadcast_in_dim3A_0 : vector<16xf32> to vector<1x16xf32>
    tpu.vector_store %arg10[%swap3A_613, %swap3A_614], %swap3A_617 {strides = array<i32>} : memref<16x128xf32, #tpu.memory_space<vmem>>, vector<1x16xf32>,
    %swap3A_618 = arith.constant 12 : i32
    %swap3A_619 = arith.index_cast %swap3A_618 : i32 to index
    %swap3A_620 = arith.constant 112 : index
    %swap3A_621 = tpu.vector_load %arg10[%swap3A_619, %swap3A_620] {strides = array<i32>} : memref<16x128xf32, #tpu.memory_space<vmem>>, vector<1x16xf32>,
    %swap3A_622 = vector.shape_cast %swap3A_621 : vector<1x16xf32> to vector<16xf32>
    %swap3A_623 = vector.shape_cast %broadcast_in_dim3A_0 : vector<16xf32> to vector<1x16xf32>
    tpu.vector_store %arg10[%swap3A_619, %swap3A_620], %swap3A_623 {strides = array<i32>} : memref<16x128xf32, #tpu.memory_space<vmem>>, vector<1x16xf32>,
    %swap3A_624 = arith.constant 13 : i32
    %swap3A_625 = arith.index_cast %swap3A_624 : i32 to index
    %swap3A_626 = arith.constant 0 : index
    %swap3A_627 = tpu.vector_load %arg10[%swap3A_625, %swap3A_626] {strides = array<i32>} : memref<16x128xf32, #tpu.memory_space<vmem>>, vector<1x16xf32>,
    %swap3A_628 = vector.shape_cast %swap3A_627 : vector<1x16xf32> to vector<16xf32>
    %swap3A_629 = vector.shape_cast %broadcast_in_dim3A_0 : vector<16xf32> to vector<1x16xf32>
    tpu.vector_store %arg10[%swap3A_625, %swap3A_626], %swap3A_629 {strides = array<i32>} : memref<16x128xf32, #tpu.memory_space<vmem>>, vector<1x16xf32>,
    %swap3A_630 = arith.constant 13 : i32
    %swap3A_631 = arith.index_cast %swap3A_630 : i32 to index
    %swap3A_632 = arith.constant 16 : index
    %swap3A_633 = tpu.vector_load %arg10[%swap3A_631, %swap3A_632] {strides = array<i32>} : memref<16x128xf32, #tpu.memory_space<vmem>>, vector<1x16xf32>,
    %swap3A_634 = vector.shape_cast %swap3A_633 : vector<1x16xf32> to vector<16xf32>
    %swap3A_635 = vector.shape_cast %broadcast_in_dim3A_0 : vector<16xf32> to vector<1x16xf32>
    tpu.vector_store %arg10[%swap3A_631, %swap3A_632], %swap3A_635 {strides = array<i32>} : memref<16x128xf32, #tpu.memory_space<vmem>>, vector<1x16xf32>,
    %swap3A_636 = arith.constant 13 : i32
    %swap3A_637 = arith.index_cast %swap3A_636 : i32 to index
    %swap3A_638 = arith.constant 32 : index
    %swap3A_639 = tpu.vector_load %arg10[%swap3A_637, %swap3A_638] {strides = array<i32>} : memref<16x128xf32, #tpu.memory_space<vmem>>, vector<1x16xf32>,
    %swap3A_640 = vector.shape_cast %swap3A_639 : vector<1x16xf32> to vector<16xf32>
    %swap3A_641 = vector.shape_cast %broadcast_in_dim3A_0 : vector<16xf32> to vector<1x16xf32>
    tpu.vector_store %arg10[%swap3A_637, %swap3A_638], %swap3A_641 {strides = array<i32>} : memref<16x128xf32, #tpu.memory_space<vmem>>, vector<1x16xf32>,
    %swap3A_642 = arith.constant 13 : i32
    %swap3A_643 = arith.index_cast %swap3A_642 : i32 to index
    %swap3A_644 = arith.constant 48 : index
    %swap3A_645 = tpu.vector_load %arg10[%swap3A_643, %swap3A_644] {strides = array<i32>} : memref<16x128xf32, #tpu.memory_space<vmem>>, vector<1x16xf32>,
    %swap3A_646 = vector.shape_cast %swap3A_645 : vector<1x16xf32> to vector<16xf32>
    %swap3A_647 = vector.shape_cast %broadcast_in_dim3A_0 : vector<16xf32> to vector<1x16xf32>
    tpu.vector_store %arg10[%swap3A_643, %swap3A_644], %swap3A_647 {strides = array<i32>} : memref<16x128xf32, #tpu.memory_space<vmem>>, vector<1x16xf32>,
    %swap3A_648 = arith.constant 13 : i32
    %swap3A_649 = arith.index_cast %swap3A_648 : i32 to index
    %swap3A_650 = arith.constant 64 : index
    %swap3A_651 = tpu.vector_load %arg10[%swap3A_649, %swap3A_650] {strides = array<i32>} : memref<16x128xf32, #tpu.memory_space<vmem>>, vector<1x16xf32>,
    %swap3A_652 = vector.shape_cast %swap3A_651 : vector<1x16xf32> to vector<16xf32>
    %swap3A_653 = vector.shape_cast %broadcast_in_dim3A_0 : vector<16xf32> to vector<1x16xf32>
    tpu.vector_store %arg10[%swap3A_649, %swap3A_650], %swap3A_653 {strides = array<i32>} : memref<16x128xf32, #tpu.memory_space<vmem>>, vector<1x16xf32>,
    %swap3A_654 = arith.constant 13 : i32
    %swap3A_655 = arith.index_cast %swap3A_654 : i32 to index
    %swap3A_656 = arith.constant 80 : index
    %swap3A_657 = tpu.vector_load %arg10[%swap3A_655, %swap3A_656] {strides = array<i32>} : memref<16x128xf32, #tpu.memory_space<vmem>>, vector<1x16xf32>,
    %swap3A_658 = vector.shape_cast %swap3A_657 : vector<1x16xf32> to vector<16xf32>
    %swap3A_659 = vector.shape_cast %broadcast_in_dim3A_0 : vector<16xf32> to vector<1x16xf32>
    tpu.vector_store %arg10[%swap3A_655, %swap3A_656], %swap3A_659 {strides = array<i32>} : memref<16x128xf32, #tpu.memory_space<vmem>>, vector<1x16xf32>,
    %swap3A_660 = arith.constant 13 : i32
    %swap3A_661 = arith.index_cast %swap3A_660 : i32 to index
    %swap3A_662 = arith.constant 96 : index
    %swap3A_663 = tpu.vector_load %arg10[%swap3A_661, %swap3A_662] {strides = array<i32>} : memref<16x128xf32, #tpu.memory_space<vmem>>, vector<1x16xf32>,
    %swap3A_664 = vector.shape_cast %swap3A_663 : vector<1x16xf32> to vector<16xf32>
    %swap3A_665 = vector.shape_cast %broadcast_in_dim3A_0 : vector<16xf32> to vector<1x16xf32>
    tpu.vector_store %arg10[%swap3A_661, %swap3A_662], %swap3A_665 {strides = array<i32>} : memref<16x128xf32, #tpu.memory_space<vmem>>, vector<1x16xf32>,
    %swap3A_666 = arith.constant 13 : i32
    %swap3A_667 = arith.index_cast %swap3A_666 : i32 to index
    %swap3A_668 = arith.constant 112 : index
    %swap3A_669 = tpu.vector_load %arg10[%swap3A_667, %swap3A_668] {strides = array<i32>} : memref<16x128xf32, #tpu.memory_space<vmem>>, vector<1x16xf32>,
    %swap3A_670 = vector.shape_cast %swap3A_669 : vector<1x16xf32> to vector<16xf32>
    %swap3A_671 = vector.shape_cast %broadcast_in_dim3A_0 : vector<16xf32> to vector<1x16xf32>
    tpu.vector_store %arg10[%swap3A_667, %swap3A_668], %swap3A_671 {strides = array<i32>} : memref<16x128xf32, #tpu.memory_space<vmem>>, vector<1x16xf32>,
    %swap3A_672 = arith.constant 14 : i32
    %swap3A_673 = arith.index_cast %swap3A_672 : i32 to index
    %swap3A_674 = arith.constant 0 : index
    %swap3A_675 = tpu.vector_load %arg10[%swap3A_673, %swap3A_674] {strides = array<i32>} : memref<16x128xf32, #tpu.memory_space<vmem>>, vector<1x16xf32>,
    %swap3A_676 = vector.shape_cast %swap3A_675 : vector<1x16xf32> to vector<16xf32>
    %swap3A_677 = vector.shape_cast %broadcast_in_dim3A_0 : vector<16xf32> to vector<1x16xf32>
    tpu.vector_store %arg10[%swap3A_673, %swap3A_674], %swap3A_677 {strides = array<i32>} : memref<16x128xf32, #tpu.memory_space<vmem>>, vector<1x16xf32>,
    %swap3A_678 = arith.constant 14 : i32
    %swap3A_679 = arith.index_cast %swap3A_678 : i32 to index
    %swap3A_680 = arith.constant 16 : index
    %swap3A_681 = tpu.vector_load %arg10[%swap3A_679, %swap3A_680] {strides = array<i32>} : memref<16x128xf32, #tpu.memory_space<vmem>>, vector<1x16xf32>,
    %swap3A_682 = vector.shape_cast %swap3A_681 : vector<1x16xf32> to vector<16xf32>
    %swap3A_683 = vector.shape_cast %broadcast_in_dim3A_0 : vector<16xf32> to vector<1x16xf32>
    tpu.vector_store %arg10[%swap3A_679, %swap3A_680], %swap3A_683 {strides = array<i32>} : memref<16x128xf32, #tpu.memory_space<vmem>>, vector<1x16xf32>,
    %swap3A_684 = arith.constant 14 : i32
    %swap3A_685 = arith.index_cast %swap3A_684 : i32 to index
    %swap3A_686 = arith.constant 32 : index
    %swap3A_687 = tpu.vector_load %arg10[%swap3A_685, %swap3A_686] {strides = array<i32>} : memref<16x128xf32, #tpu.memory_space<vmem>>, vector<1x16xf32>,
    %swap3A_688 = vector.shape_cast %swap3A_687 : vector<1x16xf32> to vector<16xf32>
    %swap3A_689 = vector.shape_cast %broadcast_in_dim3A_0 : vector<16xf32> to vector<1x16xf32>
    tpu.vector_store %arg10[%swap3A_685, %swap3A_686], %swap3A_689 {strides = array<i32>} : memref<16x128xf32, #tpu.memory_space<vmem>>, vector<1x16xf32>,
    %swap3A_690 = arith.constant 14 : i32
    %swap3A_691 = arith.index_cast %swap3A_690 : i32 to index
    %swap3A_692 = arith.constant 48 : index
    %swap3A_693 = tpu.vector_load %arg10[%swap3A_691, %swap3A_692] {strides = array<i32>} : memref<16x128xf32, #tpu.memory_space<vmem>>, vector<1x16xf32>,
    %swap3A_694 = vector.shape_cast %swap3A_693 : vector<1x16xf32> to vector<16xf32>
    %swap3A_695 = vector.shape_cast %broadcast_in_dim3A_0 : vector<16xf32> to vector<1x16xf32>
    tpu.vector_store %arg10[%swap3A_691, %swap3A_692], %swap3A_695 {strides = array<i32>} : memref<16x128xf32, #tpu.memory_space<vmem>>, vector<1x16xf32>,
    %swap3A_696 = arith.constant 14 : i32
    %swap3A_697 = arith.index_cast %swap3A_696 : i32 to index
    %swap3A_698 = arith.constant 64 : index
    %swap3A_699 = tpu.vector_load %arg10[%swap3A_697, %swap3A_698] {strides = array<i32>} : memref<16x128xf32, #tpu.memory_space<vmem>>, vector<1x16xf32>,
    %swap3A_700 = vector.shape_cast %swap3A_699 : vector<1x16xf32> to vector<16xf32>
    %swap3A_701 = vector.shape_cast %broadcast_in_dim3A_0 : vector<16xf32> to vector<1x16xf32>
    tpu.vector_store %arg10[%swap3A_697, %swap3A_698], %swap3A_701 {strides = array<i32>} : memref<16x128xf32, #tpu.memory_space<vmem>>, vector<1x16xf32>,
    %swap3A_702 = arith.constant 14 : i32
    %swap3A_703 = arith.index_cast %swap3A_702 : i32 to index
    %swap3A_704 = arith.constant 80 : index
    %swap3A_705 = tpu.vector_load %arg10[%swap3A_703, %swap3A_704] {strides = array<i32>} : memref<16x128xf32, #tpu.memory_space<vmem>>, vector<1x16xf32>,
    %swap3A_706 = vector.shape_cast %swap3A_705 : vector<1x16xf32> to vector<16xf32>
    %swap3A_707 = vector.shape_cast %broadcast_in_dim3A_0 : vector<16xf32> to vector<1x16xf32>
    tpu.vector_store %arg10[%swap3A_703, %swap3A_704], %swap3A_707 {strides = array<i32>} : memref<16x128xf32, #tpu.memory_space<vmem>>, vector<1x16xf32>,
    %swap3A_708 = arith.constant 14 : i32
    %swap3A_709 = arith.index_cast %swap3A_708 : i32 to index
    %swap3A_710 = arith.constant 96 : index
    %swap3A_711 = tpu.vector_load %arg10[%swap3A_709, %swap3A_710] {strides = array<i32>} : memref<16x128xf32, #tpu.memory_space<vmem>>, vector<1x16xf32>,
    %swap3A_712 = vector.shape_cast %swap3A_711 : vector<1x16xf32> to vector<16xf32>
    %swap3A_713 = vector.shape_cast %broadcast_in_dim3A_0 : vector<16xf32> to vector<1x16xf32>
    tpu.vector_store %arg10[%swap3A_709, %swap3A_710], %swap3A_713 {strides = array<i32>} : memref<16x128xf32, #tpu.memory_space<vmem>>, vector<1x16xf32>,
    %swap3A_714 = arith.constant 14 : i32
    %swap3A_715 = arith.index_cast %swap3A_714 : i32 to index
    %swap3A_716 = arith.constant 112 : index
    %swap3A_717 = tpu.vector_load %arg10[%swap3A_715, %swap3A_716] {strides = array<i32>} : memref<16x128xf32, #tpu.memory_space<vmem>>, vector<1x16xf32>,
    %swap3A_718 = vector.shape_cast %swap3A_717 : vector<1x16xf32> to vector<16xf32>
    %swap3A_719 = vector.shape_cast %broadcast_in_dim3A_0 : vector<16xf32> to vector<1x16xf32>
    tpu.vector_store %arg10[%swap3A_715, %swap3A_716], %swap3A_719 {strides = array<i32>} : memref<16x128xf32, #tpu.memory_space<vmem>>, vector<1x16xf32>,
    %swap3A_720 = arith.constant 15 : i32
    %swap3A_721 = arith.index_cast %swap3A_720 : i32 to index
    %swap3A_722 = arith.constant 0 : index
    %swap3A_723 = tpu.vector_load %arg10[%swap3A_721, %swap3A_722] {strides = array<i32>} : memref<16x128xf32, #tpu.memory_space<vmem>>, vector<1x16xf32>,
    %swap3A_724 = vector.shape_cast %swap3A_723 : vector<1x16xf32> to vector<16xf32>
    %swap3A_725 = vector.shape_cast %broadcast_in_dim3A_0 : vector<16xf32> to vector<1x16xf32>
    tpu.vector_store %arg10[%swap3A_721, %swap3A_722], %swap3A_725 {strides = array<i32>} : memref<16x128xf32, #tpu.memory_space<vmem>>, vector<1x16xf32>,
    %swap3A_726 = arith.constant 15 : i32
    %swap3A_727 = arith.index_cast %swap3A_726 : i32 to index
    %swap3A_728 = arith.constant 16 : index
    %swap3A_729 = tpu.vector_load %arg10[%swap3A_727, %swap3A_728] {strides = array<i32>} : memref<16x128xf32, #tpu.memory_space<vmem>>, vector<1x16xf32>,
    %swap3A_730 = vector.shape_cast %swap3A_729 : vector<1x16xf32> to vector<16xf32>
    %swap3A_731 = vector.shape_cast %broadcast_in_dim3A_0 : vector<16xf32> to vector<1x16xf32>
    tpu.vector_store %arg10[%swap3A_727, %swap3A_728], %swap3A_731 {strides = array<i32>} : memref<16x128xf32, #tpu.memory_space<vmem>>, vector<1x16xf32>,
    %swap3A_732 = arith.constant 15 : i32
    %swap3A_733 = arith.index_cast %swap3A_732 : i32 to index
    %swap3A_734 = arith.constant 32 : index
    %swap3A_735 = tpu.vector_load %arg10[%swap3A_733, %swap3A_734] {strides = array<i32>} : memref<16x128xf32, #tpu.memory_space<vmem>>, vector<1x16xf32>,
    %swap3A_736 = vector.shape_cast %swap3A_735 : vector<1x16xf32> to vector<16xf32>
    %swap3A_737 = vector.shape_cast %broadcast_in_dim3A_0 : vector<16xf32> to vector<1x16xf32>
    tpu.vector_store %arg10[%swap3A_733, %swap3A_734], %swap3A_737 {strides = array<i32>} : memref<16x128xf32, #tpu.memory_space<vmem>>, vector<1x16xf32>,
    %swap3A_738 = arith.constant 15 : i32
    %swap3A_739 = arith.index_cast %swap3A_738 : i32 to index
    %swap3A_740 = arith.constant 48 : index
    %swap3A_741 = tpu.vector_load %arg10[%swap3A_739, %swap3A_740] {strides = array<i32>} : memref<16x128xf32, #tpu.memory_space<vmem>>, vector<1x16xf32>,
    %swap3A_742 = vector.shape_cast %swap3A_741 : vector<1x16xf32> to vector<16xf32>
    %swap3A_743 = vector.shape_cast %broadcast_in_dim3A_0 : vector<16xf32> to vector<1x16xf32>
    tpu.vector_store %arg10[%swap3A_739, %swap3A_740], %swap3A_743 {strides = array<i32>} : memref<16x128xf32, #tpu.memory_space<vmem>>, vector<1x16xf32>,
    %swap3A_744 = arith.constant 15 : i32
    %swap3A_745 = arith.index_cast %swap3A_744 : i32 to index
    %swap3A_746 = arith.constant 64 : index
    %swap3A_747 = tpu.vector_load %arg10[%swap3A_745, %swap3A_746] {strides = array<i32>} : memref<16x128xf32, #tpu.memory_space<vmem>>, vector<1x16xf32>,
    %swap3A_748 = vector.shape_cast %swap3A_747 : vector<1x16xf32> to vector<16xf32>
    %swap3A_749 = vector.shape_cast %broadcast_in_dim3A_0 : vector<16xf32> to vector<1x16xf32>
    tpu.vector_store %arg10[%swap3A_745, %swap3A_746], %swap3A_749 {strides = array<i32>} : memref<16x128xf32, #tpu.memory_space<vmem>>, vector<1x16xf32>,
    %swap3A_750 = arith.constant 15 : i32
    %swap3A_751 = arith.index_cast %swap3A_750 : i32 to index
    %swap3A_752 = arith.constant 80 : index
    %swap3A_753 = tpu.vector_load %arg10[%swap3A_751, %swap3A_752] {strides = array<i32>} : memref<16x128xf32, #tpu.memory_space<vmem>>, vector<1x16xf32>,
    %swap3A_754 = vector.shape_cast %swap3A_753 : vector<1x16xf32> to vector<16xf32>
    %swap3A_755 = vector.shape_cast %broadcast_in_dim3A_0 : vector<16xf32> to vector<1x16xf32>
    tpu.vector_store %arg10[%swap3A_751, %swap3A_752], %swap3A_755 {strides = array<i32>} : memref<16x128xf32, #tpu.memory_space<vmem>>, vector<1x16xf32>,
    %swap3A_756 = arith.constant 15 : i32
    %swap3A_757 = arith.index_cast %swap3A_756 : i32 to index
    %swap3A_758 = arith.constant 96 : index
    %swap3A_759 = tpu.vector_load %arg10[%swap3A_757, %swap3A_758] {strides = array<i32>} : memref<16x128xf32, #tpu.memory_space<vmem>>, vector<1x16xf32>,
    %swap3A_760 = vector.shape_cast %swap3A_759 : vector<1x16xf32> to vector<16xf32>
    %swap3A_761 = vector.shape_cast %broadcast_in_dim3A_0 : vector<16xf32> to vector<1x16xf32>
    tpu.vector_store %arg10[%swap3A_757, %swap3A_758], %swap3A_761 {strides = array<i32>} : memref<16x128xf32, #tpu.memory_space<vmem>>, vector<1x16xf32>,
    %swap3A_762 = arith.constant 15 : i32
    %swap3A_763 = arith.index_cast %swap3A_762 : i32 to index
    %swap3A_764 = arith.constant 112 : index
    %swap3A_765 = tpu.vector_load %arg10[%swap3A_763, %swap3A_764] {strides = array<i32>} : memref<16x128xf32, #tpu.memory_space<vmem>>, vector<1x16xf32>,
    %swap3A_766 = vector.shape_cast %swap3A_765 : vector<1x16xf32> to vector<16xf32>
    %swap3A_767 = vector.shape_cast %broadcast_in_dim3A_0 : vector<16xf32> to vector<1x16xf32>
    tpu.vector_store %arg10[%swap3A_763, %swap3A_764], %swap3A_767 {strides = array<i32>} : memref<16x128xf32, #tpu.memory_space<vmem>>, vector<1x16xf32>,
    %scan3A = arith.constant 0 : i32
    %scan3A_768 = arith.constant 0 : i32
    %scan3A_769 = arith.constant 40 : i32
    %scan3A_770 = arith.addi %scan3A_768, %scan3A_769 : i32
    %scan3A_771 = arith.constant 1 : i32
    scf.for %scan3A_794 = %scan3A_768 to %scan3A_770 step %scan3A_771  : i32 {
      %mul3A_795 = arith.constant 640 : i32
      %mul3A_796 = arith.muli %arg1, %mul3A_795 : i32
      %mul3A_797 = arith.constant 16 : i32
      %mul3A_798 = arith.muli %scan3A_794, %mul3A_797 : i32
      %add3A_799 = arith.addi %mul3A_796, %mul3A_798 : i32
      "tpu.region"() ({
        %run_scoped3A = tpu.sem_alloc : memref<!tpu.dma_semaphore, #tpu.memory_space<semaphore_mem>>
        %dma_start3A = arith.constant 0 : i32
        %dma_start3A_800 = tpu.memref_slice %arg11[%add3A_799, %dma_start3A] : memref<10240x128xf32, #tpu.memory_space<vmem_shared>> -> memref<16x128xf32, #tpu.memory_space<vmem_shared>>
        %dma_start3A_801 = arith.constant 0 : i32
        %dma_start3A_802 = tpu.memref_slice %arg11[%add3A_799, %dma_start3A_801] : memref<10240x128xf32, #tpu.memory_space<vmem_shared>> -> memref<16x128xf32, #tpu.memory_space<vmem_shared>>
        tpu.enqueue_dma source(%arg10 : memref<16x128xf32, #tpu.memory_space<vmem>>) target(%dma_start3A_802 : memref<16x128xf32, #tpu.memory_space<vmem_shared>>) target_semaphore(%run_scoped3A : memref<!tpu.dma_semaphore, #tpu.memory_space<semaphore_mem>>)
        %dma_wait3A = arith.constant 0 : i32
        %dma_wait3A_803 = tpu.memref_slice %arg11[%add3A_799, %dma_wait3A] : memref<10240x128xf32, #tpu.memory_space<vmem_shared>> -> memref<16x128xf32, #tpu.memory_space<vmem_shared>>
        %dma_wait3A_804 = arith.constant 0 : i32
        %dma_wait3A_805 = tpu.memref_slice %arg11[%add3A_799, %dma_wait3A_804] : memref<10240x128xf32, #tpu.memory_space<vmem_shared>> -> memref<16x128xf32, #tpu.memory_space<vmem_shared>>
        tpu.wait_dma2 semaphore(%run_scoped3A : memref<!tpu.dma_semaphore, #tpu.memory_space<semaphore_mem>>) src(%arg10 : memref<16x128xf32, #tpu.memory_space<vmem>>) dst(%dma_wait3A_805 : memref<16x128xf32, #tpu.memory_space<vmem_shared>>)
        tpu.yield
      }) : () -> ()
    }
    %scan3A_772 = arith.constant 40 : i32
    %barrier3A = arith.constant 0 : index
    tpu.barrier barrier_id(%barrier3A)
    %eq3A = arith.constant 0 : i32
    %eq3A_773 = arith.cmpi eq, %arg0, %eq3A : i32
    %mul3A = arith.constant 128 : i32
    %mul3A_774 = arith.muli %arg1, %mul3A : i32
    %mul3A_775 = arith.constant 32 : i32
    %mul3A_776 = arith.muli %arg1, %mul3A_775 : i32
    %add3A = arith.constant 2048 : i32
    %add3A_777 = arith.addi %add3A, %mul3A_776 : i32
    %select_n3A = arith.select %eq3A_773, %mul3A_774, %add3A_777 : i32
    %jit3A = arith.constant 4 : i32
    %jit3A_778 = arith.constant 1 : i32
    %select_n3A_779 = arith.select %eq3A_773, %jit3A, %jit3A_778 : i32
    %while3A = arith.constant 0 : i32
    %while3A_780 = arith.constant 0 : i32
    %while3A_781 = arith.subi %select_n3A_779, %while3A_780 : i32
    %while3A_782 = arith.addi %while3A_780, %while3A_781 : i32
    %while3A_783 = arith.constant 1 : i32
    %while3A_784 = arith.divsi %while3A_781, %while3A_783 : i32
    %while3A_785 = arith.muli %while3A_784, %while3A_783 : i32
    %while3A_786 = arith.addi %while3A_780, %while3A_785 : i32
    %while3A_787 = arith.constant 1 : i32
    scf.for %while3A_794 = %while3A_780 to %while3A_786 step %while3A_787  : i32 {
      %mul3A_795 = arith.constant 32 : i32
      %mul3A_796 = arith.muli %while3A_794, %mul3A_795 : i32
      %add3A_797 = arith.addi %select_n3A, %mul3A_796 : i32
      "tpu.region"() ({
        %run_scoped3A = tpu.sem_alloc : memref<!tpu.dma_semaphore, #tpu.memory_space<semaphore_mem>>
        %dma_start3A_810 = arith.constant 0 : i32
        %dma_start3A_811 = tpu.memref_slice %arg3[%add3A_797, %dma_start3A_810] : memref<2560x128xi32, #tpu.memory_space<hbm>> -> memref<32x128xi32, #tpu.memory_space<hbm>>
        %dma_start3A_812 = arith.constant 0 : i32
        %dma_start3A_813 = tpu.memref_slice %arg3[%add3A_797, %dma_start3A_812] : memref<2560x128xi32, #tpu.memory_space<hbm>> -> memref<32x128xi32, #tpu.memory_space<hbm>>
        tpu.enqueue_dma source(%dma_start3A_813 : memref<32x128xi32, #tpu.memory_space<hbm>>) target(%arg6 : memref<32x128xi32, #tpu.memory_space<vmem>>) target_semaphore(%run_scoped3A : memref<!tpu.dma_semaphore, #tpu.memory_space<semaphore_mem>>)
        %dma_wait3A = arith.constant 0 : i32
        %dma_wait3A_814 = tpu.memref_slice %arg3[%add3A_797, %dma_wait3A] : memref<2560x128xi32, #tpu.memory_space<hbm>> -> memref<32x128xi32, #tpu.memory_space<hbm>>
        %dma_wait3A_815 = arith.constant 0 : i32
        %dma_wait3A_816 = tpu.memref_slice %arg3[%add3A_797, %dma_wait3A_815] : memref<2560x128xi32, #tpu.memory_space<hbm>> -> memref<32x128xi32, #tpu.memory_space<hbm>>
        tpu.wait_dma2 semaphore(%run_scoped3A : memref<!tpu.dma_semaphore, #tpu.memory_space<semaphore_mem>>) src(%dma_wait3A_816 : memref<32x128xi32, #tpu.memory_space<hbm>>) dst(%arg6 : memref<32x128xi32, #tpu.memory_space<vmem>>)
        tpu.yield
      }) : () -> ()
      "tpu.region"() ({
        %run_scoped3A = tpu.sem_alloc : memref<!tpu.dma_semaphore, #tpu.memory_space<semaphore_mem>>
        %dma_start3A_810 = arith.constant 0 : i32
        %dma_start3A_811 = tpu.memref_slice %arg4[%add3A_797, %dma_start3A_810] : memref<2560x128xi32, #tpu.memory_space<hbm>> -> memref<32x128xi32, #tpu.memory_space<hbm>>
        %dma_start3A_812 = arith.constant 0 : i32
        %dma_start3A_813 = tpu.memref_slice %arg4[%add3A_797, %dma_start3A_812] : memref<2560x128xi32, #tpu.memory_space<hbm>> -> memref<32x128xi32, #tpu.memory_space<hbm>>
        tpu.enqueue_dma source(%dma_start3A_813 : memref<32x128xi32, #tpu.memory_space<hbm>>) target(%arg7 : memref<32x128xi32, #tpu.memory_space<vmem>>) target_semaphore(%run_scoped3A : memref<!tpu.dma_semaphore, #tpu.memory_space<semaphore_mem>>)
        %dma_wait3A = arith.constant 0 : i32
        %dma_wait3A_814 = tpu.memref_slice %arg4[%add3A_797, %dma_wait3A] : memref<2560x128xi32, #tpu.memory_space<hbm>> -> memref<32x128xi32, #tpu.memory_space<hbm>>
        %dma_wait3A_815 = arith.constant 0 : i32
        %dma_wait3A_816 = tpu.memref_slice %arg4[%add3A_797, %dma_wait3A_815] : memref<2560x128xi32, #tpu.memory_space<hbm>> -> memref<32x128xi32, #tpu.memory_space<hbm>>
        tpu.wait_dma2 semaphore(%run_scoped3A : memref<!tpu.dma_semaphore, #tpu.memory_space<semaphore_mem>>) src(%dma_wait3A_816 : memref<32x128xi32, #tpu.memory_space<hbm>>) dst(%arg7 : memref<32x128xi32, #tpu.memory_space<vmem>>)
        tpu.yield
      }) : () -> ()
      %dma_start3A = arith.constant 0 : i32
      %dma_start3A_798 = arith.constant 0 : i32
      %dma_start3A_799 = tpu.memref_slice %arg6[%dma_start3A, %dma_start3A_798] : memref<32x128xi32, #tpu.memory_space<vmem>> -> memref<1x128xi32, #tpu.memory_space<vmem>>
      %dma_start3A_800 = tpu.memref_squeeze %dma_start3A_799 : memref<1x128xi32, #tpu.memory_space<vmem>> -> memref<128xi32, #tpu.memory_space<vmem>>
      %dma_start3A_801 = arith.constant 0 : i32
      %dma_start3A_802 = arith.constant 0 : i32
      %dma_start3A_803 = tpu.memref_slice %arg2[%dma_start3A_801, %dma_start3A_802] : memref<10000x128xf32, #tpu.memory_space<hbm>> -> memref<10000x128xf32, #tpu.memory_space<hbm>>
      tpu.enqueue_indirect_dma source(%dma_start3A_803 : memref<10000x128xf32, #tpu.memory_space<hbm>>) target(%arg8 : memref<128x128xf32, #tpu.memory_space<vmem>>) offsets(%dma_start3A_800 : memref<128xi32, #tpu.memory_space<vmem>>) semaphore(%arg12 : memref<!tpu.dma_semaphore, #tpu.memory_space<semaphore_mem>>)
      %scan3A_804 = arith.constant 0 : i32
      %scan3A_805 = arith.constant 0 : i32
      %scan3A_806 = arith.constant 16 : i32
      %scan3A_807 = arith.addi %scan3A_805, %scan3A_806 : i32
      %scan3A_808 = arith.constant 1 : i32
      scf.for %scan3A_810 = %scan3A_805 to %scan3A_807 step %scan3A_808  : i32 {
        %mul3A_811 = arith.constant 2 : i32
        %mul3A_812 = arith.muli %mul3A_811, %scan3A_810 : i32
        %add3A_813 = arith.constant 1 : i32
        %add3A_814 = arith.addi %mul3A_812, %add3A_813 : i32
        %dma_start3A_815 = arith.constant 0 : i32
        %dma_start3A_816 = tpu.memref_slice %arg6[%add3A_814, %dma_start3A_815] : memref<32x128xi32, #tpu.memory_space<vmem>> -> memref<1x128xi32, #tpu.memory_space<vmem>>
        %dma_start3A_817 = tpu.memref_squeeze %dma_start3A_816 : memref<1x128xi32, #tpu.memory_space<vmem>> -> memref<128xi32, #tpu.memory_space<vmem>>
        %dma_start3A_818 = arith.constant 0 : i32
        %dma_start3A_819 = arith.constant 0 : i32
        %dma_start3A_820 = tpu.memref_slice %arg2[%dma_start3A_818, %dma_start3A_819] : memref<10000x128xf32, #tpu.memory_space<hbm>> -> memref<10000x128xf32, #tpu.memory_space<hbm>>
        tpu.enqueue_indirect_dma source(%dma_start3A_820 : memref<10000x128xf32, #tpu.memory_space<hbm>>) target(%arg9 : memref<128x128xf32, #tpu.memory_space<vmem>>) offsets(%dma_start3A_817 : memref<128xi32, #tpu.memory_space<vmem>>) semaphore(%arg13 : memref<!tpu.dma_semaphore, #tpu.memory_space<semaphore_mem>>)
        %dma_wait3A = arith.constant 0 : i32
        %dma_wait3A_821 = tpu.memref_slice %arg6[%mul3A_812, %dma_wait3A] : memref<32x128xi32, #tpu.memory_space<vmem>> -> memref<1x128xi32, #tpu.memory_space<vmem>>
        %dma_wait3A_822 = tpu.memref_squeeze %dma_wait3A_821 : memref<1x128xi32, #tpu.memory_space<vmem>> -> memref<128xi32, #tpu.memory_space<vmem>>
        %dma_wait3A_823 = arith.constant 0 : i32
        %dma_wait3A_824 = arith.constant 0 : i32
        %dma_wait3A_825 = tpu.memref_slice %arg2[%dma_wait3A_823, %dma_wait3A_824] : memref<10000x128xf32, #tpu.memory_space<hbm>> -> memref<10000x128xf32, #tpu.memory_space<hbm>>
        tpu.wait_indirect_dma semaphore(%arg12 : memref<!tpu.dma_semaphore, #tpu.memory_space<semaphore_mem>>) src(%dma_wait3A_825 : memref<10000x128xf32, #tpu.memory_space<hbm>>) dst(%arg8 : memref<128x128xf32, #tpu.memory_space<vmem>>)
        "tpu.region"() ({
          %run_scoped3A = tpu.sem_alloc : memref<!tpu.dma_semaphore, #tpu.memory_space<semaphore_mem>>
          %dma_start3A_834 = arith.constant 0 : i32
          %dma_start3A_835 = tpu.memref_slice %arg7[%mul3A_812, %dma_start3A_834] : memref<32x128xi32, #tpu.memory_space<vmem>> -> memref<1x128xi32, #tpu.memory_space<vmem>>
          %dma_start3A_836 = tpu.memref_squeeze %dma_start3A_835 : memref<1x128xi32, #tpu.memory_space<vmem>> -> memref<128xi32, #tpu.memory_space<vmem>>
          %dma_start3A_837 = arith.constant 0 : i32
          %dma_start3A_838 = arith.constant 0 : i32
          %dma_start3A_839 = tpu.memref_slice %arg11[%dma_start3A_837, %dma_start3A_838] : memref<10240x128xf32, #tpu.memory_space<vmem_shared>> -> memref<10240x128xf32, #tpu.memory_space<vmem_shared>>
          tpu.enqueue_indirect_dma source(%arg8 : memref<128x128xf32, #tpu.memory_space<vmem>>) target(%dma_start3A_839 : memref<10240x128xf32, #tpu.memory_space<vmem_shared>>) offsets(%dma_start3A_836 : memref<128xi32, #tpu.memory_space<vmem>>) semaphore(%run_scoped3A : memref<!tpu.dma_semaphore, #tpu.memory_space<semaphore_mem>>) {add = true}
          %dma_wait3A_840 = arith.constant 0 : i32
          %dma_wait3A_841 = tpu.memref_slice %arg7[%mul3A_812, %dma_wait3A_840] : memref<32x128xi32, #tpu.memory_space<vmem>> -> memref<1x128xi32, #tpu.memory_space<vmem>>
          %dma_wait3A_842 = tpu.memref_squeeze %dma_wait3A_841 : memref<1x128xi32, #tpu.memory_space<vmem>> -> memref<128xi32, #tpu.memory_space<vmem>>
          %dma_wait3A_843 = arith.constant 0 : i32
          %dma_wait3A_844 = arith.constant 0 : i32
          %dma_wait3A_845 = tpu.memref_slice %arg11[%dma_wait3A_843, %dma_wait3A_844] : memref<10240x128xf32, #tpu.memory_space<vmem_shared>> -> memref<10240x128xf32, #tpu.memory_space<vmem_shared>>
          tpu.wait_indirect_dma semaphore(%run_scoped3A : memref<!tpu.dma_semaphore, #tpu.memory_space<semaphore_mem>>) src(%arg8 : memref<128x128xf32, #tpu.memory_space<vmem>>) dst(%dma_wait3A_845 : memref<10240x128xf32, #tpu.memory_space<vmem_shared>>)
          tpu.yield
        }) : () -> ()
        %lt3A = arith.constant 15 : i32
        %lt3A_826 = arith.cmpi slt, %scan3A_810, %lt3A : i32
        %convert_element_type3A = arith.extui %lt3A_826 : i1 to i32
        %cond3A = arith.constant 0 : i32
        %cond3A_827 = arith.cmpi ne, %convert_element_type3A, %cond3A : i32
        scf.if %cond3A_827 {
          %add3A_834 = arith.constant 2 : i32
          %add3A_835 = arith.addi %mul3A_812, %add3A_834 : i32
          %dma_start3A_836 = arith.constant 0 : i32
          %dma_start3A_837 = tpu.memref_slice %arg6[%add3A_835, %dma_start3A_836] : memref<32x128xi32, #tpu.memory_space<vmem>> -> memref<1x128xi32, #tpu.memory_space<vmem>>
          %dma_start3A_838 = tpu.memref_squeeze %dma_start3A_837 : memref<1x128xi32, #tpu.memory_space<vmem>> -> memref<128xi32, #tpu.memory_space<vmem>>
          %dma_start3A_839 = arith.constant 0 : i32
          %dma_start3A_840 = arith.constant 0 : i32
          %dma_start3A_841 = tpu.memref_slice %arg2[%dma_start3A_839, %dma_start3A_840] : memref<10000x128xf32, #tpu.memory_space<hbm>> -> memref<10000x128xf32, #tpu.memory_space<hbm>>
          tpu.enqueue_indirect_dma source(%dma_start3A_841 : memref<10000x128xf32, #tpu.memory_space<hbm>>) target(%arg8 : memref<128x128xf32, #tpu.memory_space<vmem>>) offsets(%dma_start3A_838 : memref<128xi32, #tpu.memory_space<vmem>>) semaphore(%arg12 : memref<!tpu.dma_semaphore, #tpu.memory_space<semaphore_mem>>)
        } else {
        }
        %dma_wait3A_828 = arith.constant 0 : i32
        %dma_wait3A_829 = tpu.memref_slice %arg6[%add3A_814, %dma_wait3A_828] : memref<32x128xi32, #tpu.memory_space<vmem>> -> memref<1x128xi32, #tpu.memory_space<vmem>>
        %dma_wait3A_830 = tpu.memref_squeeze %dma_wait3A_829 : memref<1x128xi32, #tpu.memory_space<vmem>> -> memref<128xi32, #tpu.memory_space<vmem>>
        %dma_wait3A_831 = arith.constant 0 : i32
        %dma_wait3A_832 = arith.constant 0 : i32
        %dma_wait3A_833 = tpu.memref_slice %arg2[%dma_wait3A_831, %dma_wait3A_832] : memref<10000x128xf32, #tpu.memory_space<hbm>> -> memref<10000x128xf32, #tpu.memory_space<hbm>>
        tpu.wait_indirect_dma semaphore(%arg13 : memref<!tpu.dma_semaphore, #tpu.memory_space<semaphore_mem>>) src(%dma_wait3A_833 : memref<10000x128xf32, #tpu.memory_space<hbm>>) dst(%arg9 : memref<128x128xf32, #tpu.memory_space<vmem>>)
        "tpu.region"() ({
          %run_scoped3A = tpu.sem_alloc : memref<!tpu.dma_semaphore, #tpu.memory_space<semaphore_mem>>
          %dma_start3A_834 = arith.constant 0 : i32
          %dma_start3A_835 = tpu.memref_slice %arg7[%add3A_814, %dma_start3A_834] : memref<32x128xi32, #tpu.memory_space<vmem>> -> memref<1x128xi32, #tpu.memory_space<vmem>>
          %dma_start3A_836 = tpu.memref_squeeze %dma_start3A_835 : memref<1x128xi32, #tpu.memory_space<vmem>> -> memref<128xi32, #tpu.memory_space<vmem>>
          %dma_start3A_837 = arith.constant 0 : i32
          %dma_start3A_838 = arith.constant 0 : i32
          %dma_start3A_839 = tpu.memref_slice %arg11[%dma_start3A_837, %dma_start3A_838] : memref<10240x128xf32, #tpu.memory_space<vmem_shared>> -> memref<10240x128xf32, #tpu.memory_space<vmem_shared>>
          tpu.enqueue_indirect_dma source(%arg9 : memref<128x128xf32, #tpu.memory_space<vmem>>) target(%dma_start3A_839 : memref<10240x128xf32, #tpu.memory_space<vmem_shared>>) offsets(%dma_start3A_836 : memref<128xi32, #tpu.memory_space<vmem>>) semaphore(%run_scoped3A : memref<!tpu.dma_semaphore, #tpu.memory_space<semaphore_mem>>) {add = true}
          %dma_wait3A_840 = arith.constant 0 : i32
          %dma_wait3A_841 = tpu.memref_slice %arg7[%add3A_814, %dma_wait3A_840] : memref<32x128xi32, #tpu.memory_space<vmem>> -> memref<1x128xi32, #tpu.memory_space<vmem>>
          %dma_wait3A_842 = tpu.memref_squeeze %dma_wait3A_841 : memref<1x128xi32, #tpu.memory_space<vmem>> -> memref<128xi32, #tpu.memory_space<vmem>>
          %dma_wait3A_843 = arith.constant 0 : i32
          %dma_wait3A_844 = arith.constant 0 : i32
          %dma_wait3A_845 = tpu.memref_slice %arg11[%dma_wait3A_843, %dma_wait3A_844] : memref<10240x128xf32, #tpu.memory_space<vmem_shared>> -> memref<10240x128xf32, #tpu.memory_space<vmem_shared>>
          tpu.wait_indirect_dma semaphore(%run_scoped3A : memref<!tpu.dma_semaphore, #tpu.memory_space<semaphore_mem>>) src(%arg9 : memref<128x128xf32, #tpu.memory_space<vmem>>) dst(%dma_wait3A_845 : memref<10240x128xf32, #tpu.memory_space<vmem_shared>>)
          tpu.yield
        }) : () -> ()
      }
      %scan3A_809 = arith.constant 16 : i32
    }
    %while3A_788 = arith.constant 1 : i32
    scf.for %while3A_794 = %while3A_786 to %while3A_782 step %while3A_788  : i32 {
      %mul3A_795 = arith.constant 32 : i32
      %mul3A_796 = arith.muli %while3A_794, %mul3A_795 : i32
      %add3A_797 = arith.addi %select_n3A, %mul3A_796 : i32
      "tpu.region"() ({
        %run_scoped3A = tpu.sem_alloc : memref<!tpu.dma_semaphore, #tpu.memory_space<semaphore_mem>>
        %dma_start3A_810 = arith.constant 0 : i32
        %dma_start3A_811 = tpu.memref_slice %arg3[%add3A_797, %dma_start3A_810] : memref<2560x128xi32, #tpu.memory_space<hbm>> -> memref<32x128xi32, #tpu.memory_space<hbm>>
        %dma_start3A_812 = arith.constant 0 : i32
        %dma_start3A_813 = tpu.memref_slice %arg3[%add3A_797, %dma_start3A_812] : memref<2560x128xi32, #tpu.memory_space<hbm>> -> memref<32x128xi32, #tpu.memory_space<hbm>>
        tpu.enqueue_dma source(%dma_start3A_813 : memref<32x128xi32, #tpu.memory_space<hbm>>) target(%arg6 : memref<32x128xi32, #tpu.memory_space<vmem>>) target_semaphore(%run_scoped3A : memref<!tpu.dma_semaphore, #tpu.memory_space<semaphore_mem>>)
        %dma_wait3A = arith.constant 0 : i32
        %dma_wait3A_814 = tpu.memref_slice %arg3[%add3A_797, %dma_wait3A] : memref<2560x128xi32, #tpu.memory_space<hbm>> -> memref<32x128xi32, #tpu.memory_space<hbm>>
        %dma_wait3A_815 = arith.constant 0 : i32
        %dma_wait3A_816 = tpu.memref_slice %arg3[%add3A_797, %dma_wait3A_815] : memref<2560x128xi32, #tpu.memory_space<hbm>> -> memref<32x128xi32, #tpu.memory_space<hbm>>
        tpu.wait_dma2 semaphore(%run_scoped3A : memref<!tpu.dma_semaphore, #tpu.memory_space<semaphore_mem>>) src(%dma_wait3A_816 : memref<32x128xi32, #tpu.memory_space<hbm>>) dst(%arg6 : memref<32x128xi32, #tpu.memory_space<vmem>>)
        tpu.yield
      }) : () -> ()
      "tpu.region"() ({
        %run_scoped3A = tpu.sem_alloc : memref<!tpu.dma_semaphore, #tpu.memory_space<semaphore_mem>>
        %dma_start3A_810 = arith.constant 0 : i32
        %dma_start3A_811 = tpu.memref_slice %arg4[%add3A_797, %dma_start3A_810] : memref<2560x128xi32, #tpu.memory_space<hbm>> -> memref<32x128xi32, #tpu.memory_space<hbm>>
        %dma_start3A_812 = arith.constant 0 : i32
        %dma_start3A_813 = tpu.memref_slice %arg4[%add3A_797, %dma_start3A_812] : memref<2560x128xi32, #tpu.memory_space<hbm>> -> memref<32x128xi32, #tpu.memory_space<hbm>>
        tpu.enqueue_dma source(%dma_start3A_813 : memref<32x128xi32, #tpu.memory_space<hbm>>) target(%arg7 : memref<32x128xi32, #tpu.memory_space<vmem>>) target_semaphore(%run_scoped3A : memref<!tpu.dma_semaphore, #tpu.memory_space<semaphore_mem>>)
        %dma_wait3A = arith.constant 0 : i32
        %dma_wait3A_814 = tpu.memref_slice %arg4[%add3A_797, %dma_wait3A] : memref<2560x128xi32, #tpu.memory_space<hbm>> -> memref<32x128xi32, #tpu.memory_space<hbm>>
        %dma_wait3A_815 = arith.constant 0 : i32
        %dma_wait3A_816 = tpu.memref_slice %arg4[%add3A_797, %dma_wait3A_815] : memref<2560x128xi32, #tpu.memory_space<hbm>> -> memref<32x128xi32, #tpu.memory_space<hbm>>
        tpu.wait_dma2 semaphore(%run_scoped3A : memref<!tpu.dma_semaphore, #tpu.memory_space<semaphore_mem>>) src(%dma_wait3A_816 : memref<32x128xi32, #tpu.memory_space<hbm>>) dst(%arg7 : memref<32x128xi32, #tpu.memory_space<vmem>>)
        tpu.yield
      }) : () -> ()
      %dma_start3A = arith.constant 0 : i32
      %dma_start3A_798 = arith.constant 0 : i32
      %dma_start3A_799 = tpu.memref_slice %arg6[%dma_start3A, %dma_start3A_798] : memref<32x128xi32, #tpu.memory_space<vmem>> -> memref<1x128xi32, #tpu.memory_space<vmem>>
      %dma_start3A_800 = tpu.memref_squeeze %dma_start3A_799 : memref<1x128xi32, #tpu.memory_space<vmem>> -> memref<128xi32, #tpu.memory_space<vmem>>
      %dma_start3A_801 = arith.constant 0 : i32
      %dma_start3A_802 = arith.constant 0 : i32
      %dma_start3A_803 = tpu.memref_slice %arg2[%dma_start3A_801, %dma_start3A_802] : memref<10000x128xf32, #tpu.memory_space<hbm>> -> memref<10000x128xf32, #tpu.memory_space<hbm>>
      tpu.enqueue_indirect_dma source(%dma_start3A_803 : memref<10000x128xf32, #tpu.memory_space<hbm>>) target(%arg8 : memref<128x128xf32, #tpu.memory_space<vmem>>) offsets(%dma_start3A_800 : memref<128xi32, #tpu.memory_space<vmem>>) semaphore(%arg12 : memref<!tpu.dma_semaphore, #tpu.memory_space<semaphore_mem>>)
      %scan3A_804 = arith.constant 0 : i32
      %scan3A_805 = arith.constant 0 : i32
      %scan3A_806 = arith.constant 16 : i32
      %scan3A_807 = arith.addi %scan3A_805, %scan3A_806 : i32
      %scan3A_808 = arith.constant 1 : i32
      scf.for %scan3A_810 = %scan3A_805 to %scan3A_807 step %scan3A_808  : i32 {
        %mul3A_811 = arith.constant 2 : i32
        %mul3A_812 = arith.muli %mul3A_811, %scan3A_810 : i32
        %add3A_813 = arith.constant 1 : i32
        %add3A_814 = arith.addi %mul3A_812, %add3A_813 : i32
        %dma_start3A_815 = arith.constant 0 : i32
        %dma_start3A_816 = tpu.memref_slice %arg6[%add3A_814, %dma_start3A_815] : memref<32x128xi32, #tpu.memory_space<vmem>> -> memref<1x128xi32, #tpu.memory_space<vmem>>
        %dma_start3A_817 = tpu.memref_squeeze %dma_start3A_816 : memref<1x128xi32, #tpu.memory_space<vmem>> -> memref<128xi32, #tpu.memory_space<vmem>>
        %dma_start3A_818 = arith.constant 0 : i32
        %dma_start3A_819 = arith.constant 0 : i32
        %dma_start3A_820 = tpu.memref_slice %arg2[%dma_start3A_818, %dma_start3A_819] : memref<10000x128xf32, #tpu.memory_space<hbm>> -> memref<10000x128xf32, #tpu.memory_space<hbm>>
        tpu.enqueue_indirect_dma source(%dma_start3A_820 : memref<10000x128xf32, #tpu.memory_space<hbm>>) target(%arg9 : memref<128x128xf32, #tpu.memory_space<vmem>>) offsets(%dma_start3A_817 : memref<128xi32, #tpu.memory_space<vmem>>) semaphore(%arg13 : memref<!tpu.dma_semaphore, #tpu.memory_space<semaphore_mem>>)
        %dma_wait3A = arith.constant 0 : i32
        %dma_wait3A_821 = tpu.memref_slice %arg6[%mul3A_812, %dma_wait3A] : memref<32x128xi32, #tpu.memory_space<vmem>> -> memref<1x128xi32, #tpu.memory_space<vmem>>
        %dma_wait3A_822 = tpu.memref_squeeze %dma_wait3A_821 : memref<1x128xi32, #tpu.memory_space<vmem>> -> memref<128xi32, #tpu.memory_space<vmem>>
        %dma_wait3A_823 = arith.constant 0 : i32
        %dma_wait3A_824 = arith.constant 0 : i32
        %dma_wait3A_825 = tpu.memref_slice %arg2[%dma_wait3A_823, %dma_wait3A_824] : memref<10000x128xf32, #tpu.memory_space<hbm>> -> memref<10000x128xf32, #tpu.memory_space<hbm>>
        tpu.wait_indirect_dma semaphore(%arg12 : memref<!tpu.dma_semaphore, #tpu.memory_space<semaphore_mem>>) src(%dma_wait3A_825 : memref<10000x128xf32, #tpu.memory_space<hbm>>) dst(%arg8 : memref<128x128xf32, #tpu.memory_space<vmem>>)
        "tpu.region"() ({
          %run_scoped3A = tpu.sem_alloc : memref<!tpu.dma_semaphore, #tpu.memory_space<semaphore_mem>>
          %dma_start3A_834 = arith.constant 0 : i32
          %dma_start3A_835 = tpu.memref_slice %arg7[%mul3A_812, %dma_start3A_834] : memref<32x128xi32, #tpu.memory_space<vmem>> -> memref<1x128xi32, #tpu.memory_space<vmem>>
          %dma_start3A_836 = tpu.memref_squeeze %dma_start3A_835 : memref<1x128xi32, #tpu.memory_space<vmem>> -> memref<128xi32, #tpu.memory_space<vmem>>
          %dma_start3A_837 = arith.constant 0 : i32
          %dma_start3A_838 = arith.constant 0 : i32
          %dma_start3A_839 = tpu.memref_slice %arg11[%dma_start3A_837, %dma_start3A_838] : memref<10240x128xf32, #tpu.memory_space<vmem_shared>> -> memref<10240x128xf32, #tpu.memory_space<vmem_shared>>
          tpu.enqueue_indirect_dma source(%arg8 : memref<128x128xf32, #tpu.memory_space<vmem>>) target(%dma_start3A_839 : memref<10240x128xf32, #tpu.memory_space<vmem_shared>>) offsets(%dma_start3A_836 : memref<128xi32, #tpu.memory_space<vmem>>) semaphore(%run_scoped3A : memref<!tpu.dma_semaphore, #tpu.memory_space<semaphore_mem>>) {add = true}
          %dma_wait3A_840 = arith.constant 0 : i32
          %dma_wait3A_841 = tpu.memref_slice %arg7[%mul3A_812, %dma_wait3A_840] : memref<32x128xi32, #tpu.memory_space<vmem>> -> memref<1x128xi32, #tpu.memory_space<vmem>>
          %dma_wait3A_842 = tpu.memref_squeeze %dma_wait3A_841 : memref<1x128xi32, #tpu.memory_space<vmem>> -> memref<128xi32, #tpu.memory_space<vmem>>
          %dma_wait3A_843 = arith.constant 0 : i32
          %dma_wait3A_844 = arith.constant 0 : i32
          %dma_wait3A_845 = tpu.memref_slice %arg11[%dma_wait3A_843, %dma_wait3A_844] : memref<10240x128xf32, #tpu.memory_space<vmem_shared>> -> memref<10240x128xf32, #tpu.memory_space<vmem_shared>>
          tpu.wait_indirect_dma semaphore(%run_scoped3A : memref<!tpu.dma_semaphore, #tpu.memory_space<semaphore_mem>>) src(%arg8 : memref<128x128xf32, #tpu.memory_space<vmem>>) dst(%dma_wait3A_845 : memref<10240x128xf32, #tpu.memory_space<vmem_shared>>)
          tpu.yield
        }) : () -> ()
        %lt3A = arith.constant 15 : i32
        %lt3A_826 = arith.cmpi slt, %scan3A_810, %lt3A : i32
        %convert_element_type3A = arith.extui %lt3A_826 : i1 to i32
        %cond3A = arith.constant 0 : i32
        %cond3A_827 = arith.cmpi ne, %convert_element_type3A, %cond3A : i32
        scf.if %cond3A_827 {
          %add3A_834 = arith.constant 2 : i32
          %add3A_835 = arith.addi %mul3A_812, %add3A_834 : i32
          %dma_start3A_836 = arith.constant 0 : i32
          %dma_start3A_837 = tpu.memref_slice %arg6[%add3A_835, %dma_start3A_836] : memref<32x128xi32, #tpu.memory_space<vmem>> -> memref<1x128xi32, #tpu.memory_space<vmem>>
          %dma_start3A_838 = tpu.memref_squeeze %dma_start3A_837 : memref<1x128xi32, #tpu.memory_space<vmem>> -> memref<128xi32, #tpu.memory_space<vmem>>
          %dma_start3A_839 = arith.constant 0 : i32
          %dma_start3A_840 = arith.constant 0 : i32
          %dma_start3A_841 = tpu.memref_slice %arg2[%dma_start3A_839, %dma_start3A_840] : memref<10000x128xf32, #tpu.memory_space<hbm>> -> memref<10000x128xf32, #tpu.memory_space<hbm>>
          tpu.enqueue_indirect_dma source(%dma_start3A_841 : memref<10000x128xf32, #tpu.memory_space<hbm>>) target(%arg8 : memref<128x128xf32, #tpu.memory_space<vmem>>) offsets(%dma_start3A_838 : memref<128xi32, #tpu.memory_space<vmem>>) semaphore(%arg12 : memref<!tpu.dma_semaphore, #tpu.memory_space<semaphore_mem>>)
        } else {
        }
        %dma_wait3A_828 = arith.constant 0 : i32
        %dma_wait3A_829 = tpu.memref_slice %arg6[%add3A_814, %dma_wait3A_828] : memref<32x128xi32, #tpu.memory_space<vmem>> -> memref<1x128xi32, #tpu.memory_space<vmem>>
        %dma_wait3A_830 = tpu.memref_squeeze %dma_wait3A_829 : memref<1x128xi32, #tpu.memory_space<vmem>> -> memref<128xi32, #tpu.memory_space<vmem>>
        %dma_wait3A_831 = arith.constant 0 : i32
        %dma_wait3A_832 = arith.constant 0 : i32
        %dma_wait3A_833 = tpu.memref_slice %arg2[%dma_wait3A_831, %dma_wait3A_832] : memref<10000x128xf32, #tpu.memory_space<hbm>> -> memref<10000x128xf32, #tpu.memory_space<hbm>>
        tpu.wait_indirect_dma semaphore(%arg13 : memref<!tpu.dma_semaphore, #tpu.memory_space<semaphore_mem>>) src(%dma_wait3A_833 : memref<10000x128xf32, #tpu.memory_space<hbm>>) dst(%arg9 : memref<128x128xf32, #tpu.memory_space<vmem>>)
        "tpu.region"() ({
          %run_scoped3A = tpu.sem_alloc : memref<!tpu.dma_semaphore, #tpu.memory_space<semaphore_mem>>
          %dma_start3A_834 = arith.constant 0 : i32
          %dma_start3A_835 = tpu.memref_slice %arg7[%add3A_814, %dma_start3A_834] : memref<32x128xi32, #tpu.memory_space<vmem>> -> memref<1x128xi32, #tpu.memory_space<vmem>>
          %dma_start3A_836 = tpu.memref_squeeze %dma_start3A_835 : memref<1x128xi32, #tpu.memory_space<vmem>> -> memref<128xi32, #tpu.memory_space<vmem>>
          %dma_start3A_837 = arith.constant 0 : i32
          %dma_start3A_838 = arith.constant 0 : i32
          %dma_start3A_839 = tpu.memref_slice %arg11[%dma_start3A_837, %dma_start3A_838] : memref<10240x128xf32, #tpu.memory_space<vmem_shared>> -> memref<10240x128xf32, #tpu.memory_space<vmem_shared>>
          tpu.enqueue_indirect_dma source(%arg9 : memref<128x128xf32, #tpu.memory_space<vmem>>) target(%dma_start3A_839 : memref<10240x128xf32, #tpu.memory_space<vmem_shared>>) offsets(%dma_start3A_836 : memref<128xi32, #tpu.memory_space<vmem>>) semaphore(%run_scoped3A : memref<!tpu.dma_semaphore, #tpu.memory_space<semaphore_mem>>) {add = true}
          %dma_wait3A_840 = arith.constant 0 : i32
          %dma_wait3A_841 = tpu.memref_slice %arg7[%add3A_814, %dma_wait3A_840] : memref<32x128xi32, #tpu.memory_space<vmem>> -> memref<1x128xi32, #tpu.memory_space<vmem>>
          %dma_wait3A_842 = tpu.memref_squeeze %dma_wait3A_841 : memref<1x128xi32, #tpu.memory_space<vmem>> -> memref<128xi32, #tpu.memory_space<vmem>>
          %dma_wait3A_843 = arith.constant 0 : i32
          %dma_wait3A_844 = arith.constant 0 : i32
          %dma_wait3A_845 = tpu.memref_slice %arg11[%dma_wait3A_843, %dma_wait3A_844] : memref<10240x128xf32, #tpu.memory_space<vmem_shared>> -> memref<10240x128xf32, #tpu.memory_space<vmem_shared>>
          tpu.wait_indirect_dma semaphore(%run_scoped3A : memref<!tpu.dma_semaphore, #tpu.memory_space<semaphore_mem>>) src(%arg9 : memref<128x128xf32, #tpu.memory_space<vmem>>) dst(%dma_wait3A_845 : memref<10240x128xf32, #tpu.memory_space<vmem_shared>>)
          tpu.yield
        }) : () -> ()
      }
      %scan3A_809 = arith.constant 16 : i32
    }
    %barrier3A_789 = arith.constant 0 : index
    tpu.barrier barrier_id(%barrier3A_789)
    %mul3A_790 = arith.constant 640 : i32
    %mul3A_791 = arith.muli %arg1, %mul3A_790 : i32
    %mul3A_792 = arith.constant 640 : i32
    %mul3A_793 = arith.muli %arg1, %mul3A_792 : i32
    "tpu.region"() ({
      %run_scoped3A = tpu.sem_alloc : memref<!tpu.dma_semaphore, #tpu.memory_space<semaphore_mem>>
      %dma_start3A = arith.constant 0 : i32
      %dma_start3A_794 = tpu.memref_slice %arg5[%arg0, %mul3A_793, %dma_start3A] : memref<2x10240x128xf32, #tpu.memory_space<hbm>> -> memref<1x640x128xf32, #tpu.memory_space<hbm>>
      %dma_start3A_795 = tpu.memref_squeeze %dma_start3A_794 : memref<1x640x128xf32, #tpu.memory_space<hbm>> -> memref<640x128xf32, #tpu.memory_space<hbm>>
      %dma_start3A_796 = arith.constant 0 : i32
      %dma_start3A_797 = tpu.memref_slice %arg11[%mul3A_791, %dma_start3A_796] : memref<10240x128xf32, #tpu.memory_space<vmem_shared>> -> memref<640x128xf32, #tpu.memory_space<vmem_shared>>
      tpu.enqueue_dma source(%dma_start3A_797 : memref<640x128xf32, #tpu.memory_space<vmem_shared>>) target(%dma_start3A_795 : memref<640x128xf32, #tpu.memory_space<hbm>>) target_semaphore(%run_scoped3A : memref<!tpu.dma_semaphore, #tpu.memory_space<semaphore_mem>>)
      %dma_wait3A = arith.constant 0 : i32
      %dma_wait3A_798 = tpu.memref_slice %arg5[%arg0, %mul3A_793, %dma_wait3A] : memref<2x10240x128xf32, #tpu.memory_space<hbm>> -> memref<1x640x128xf32, #tpu.memory_space<hbm>>
      %dma_wait3A_799 = tpu.memref_squeeze %dma_wait3A_798 : memref<1x640x128xf32, #tpu.memory_space<hbm>> -> memref<640x128xf32, #tpu.memory_space<hbm>>
      %dma_wait3A_800 = arith.constant 0 : i32
      %dma_wait3A_801 = tpu.memref_slice %arg11[%mul3A_791, %dma_wait3A_800] : memref<10240x128xf32, #tpu.memory_space<vmem_shared>> -> memref<640x128xf32, #tpu.memory_space<vmem_shared>>
      tpu.wait_dma2 semaphore(%run_scoped3A : memref<!tpu.dma_semaphore, #tpu.memory_space<semaphore_mem>>) src(%dma_wait3A_801 : memref<640x128xf32, #tpu.memory_space<vmem_shared>>) dst(%dma_wait3A_799 : memref<640x128xf32, #tpu.memory_space<hbm>>)
      tpu.yield
    }) : () -> ()
    return
  }
}

module attributes {stable_mosaic.version = 14 : i64} {
  func.func @_tc1_body(%arg0: i32, %arg1: memref<2000x128xf32, #tpu.memory_space<vmem>>, %arg2: memref<128x128xf32, #tpu.memory_space<vmem>>, %arg3: memref<2x2000x16xf32, #tpu.memory_space<vmem>>, %arg4: memref<2000x128xf32, #tpu.memory_space<vmem>>, %arg5: memref<2000x1xf32, #tpu.memory_space<vmem>>) attributes {dimension_semantics = [#tpu.dimension_semantics<arbitrary>], iteration_bounds = array<i64: 5>, scalar_prefetch = 0 : i64, scratch_operands = 0 : i64, tpu.core_type = #tpu.core_type<tc>, window_params = [{transform_indices = @transform_0, window_bounds = array<i64: 2000, 128>}, {pipeline_mode = #tpu.pipeline_mode<synchronous>, transform_indices = @transform_1, window_bounds = array<i64: 128, 128>}, {transform_indices = @transform_2, window_bounds = array<i64: 2, 2000, 16>}, {transform_indices = @transform_3, window_bounds = array<i64: 2000, 128>}, {transform_indices = @transform_4, window_bounds = array<i64: 2000, 1>}]} {
    %get3A = arith.constant 0 : index
    %get3A_0 = arith.constant 0 : index
    %get3A_1 = arith.constant 0 : index
    %get3A_2 = vector.load %arg3[%get3A, %get3A_0, %get3A_1] : memref<2x2000x16xf32, #tpu.memory_space<vmem>>, vector<1x2000x1xf32>
    %get3A_3 = vector.shape_cast %get3A_2 : vector<1x2000x1xf32> to vector<2000x1xf32>
    %get3A_4 = arith.constant 1 : index
    %get3A_5 = arith.constant 0 : index
    %get3A_6 = arith.constant 0 : index
    %get3A_7 = vector.load %arg3[%get3A_4, %get3A_5, %get3A_6] : memref<2x2000x16xf32, #tpu.memory_space<vmem>>, vector<1x2000x1xf32>
    %get3A_8 = vector.shape_cast %get3A_7 : vector<1x2000x1xf32> to vector<2000x1xf32>
    %add3A = arith.addf %get3A_3, %get3A_8 : vector<2000x1xf32>
    %add3A_9 = arith.constant 1.000000e+00 : f32
    %add3A_10 = vector.broadcast %add3A_9 : f32 to vector<2000x1xf32>
    %add3A_11 = arith.addf %add3A, %add3A_10 : vector<2000x1xf32>
    %rsqrt3A = math.rsqrt %add3A_11 : vector<2000x1xf32>
    %get3A_12 = arith.constant 0 : index
    %get3A_13 = arith.constant 0 : index
    %get3A_14 = vector.load %arg1[%get3A_12, %get3A_13] : memref<2000x128xf32, #tpu.memory_space<vmem>>, vector<2000x128xf32>
    %get3A_15 = arith.constant 0 : index
    %get3A_16 = arith.constant 0 : index
    %get3A_17 = vector.load %arg2[%get3A_15, %get3A_16] : memref<128x128xf32, #tpu.memory_space<vmem>>, vector<128x128xf32>
    %dot_general3A = arith.constant dense<0.000000e+00> : vector<2000x128xf32>
    %dot_general3A_18 = tpu.matmul %get3A_14, %get3A_17, %dot_general3A {dimension_numbers = #tpu.dot_dimension_numbers<[1], [0], [0], [1], [0, 0, 1, 1], [], []>, transpose_lhs_hint = false} : vector<2000x128xf32>, vector<128x128xf32>, vector<2000x128xf32> -> vector<2000x128xf32>
    %mul3A = vector.broadcast %rsqrt3A : vector<2000x1xf32> to vector<2000x128xf32>
    %mul3A_19 = arith.mulf %dot_general3A_18, %mul3A : vector<2000x128xf32>
    %swap3A = arith.constant 0 : index
    %swap3A_20 = arith.constant 0 : index
    %swap3A_21 = vector.load %arg4[%swap3A, %swap3A_20] : memref<2000x128xf32, #tpu.memory_space<vmem>>, vector<2000x128xf32>
    tpu.vector_store %arg4[%swap3A, %swap3A_20], %mul3A_19 {strides = array<i32>} : memref<2000x128xf32, #tpu.memory_space<vmem>>, vector<2000x128xf32>,
    %swap3A_22 = arith.constant 0 : index
    %swap3A_23 = arith.constant 0 : index
    %swap3A_24 = vector.load %arg5[%swap3A_22, %swap3A_23] : memref<2000x1xf32, #tpu.memory_space<vmem>>, vector<2000x1xf32>
    tpu.vector_store %arg5[%swap3A_22, %swap3A_23], %rsqrt3A {strides = array<i32>} : memref<2000x1xf32, #tpu.memory_space<vmem>>, vector<2000x1xf32>,
    return
  }
  func.func @transform_0(%arg0: i32) -> (i32, i32) {
    %c0_i32 = arith.constant 0 : i32
    %c0_i32_0 = arith.constant 0 : i32
    return %arg0, %c0_i32 : i32, i32
  }
  func.func @transform_1(%arg0: i32) -> (i32, i32) {
    %c0_i32 = arith.constant 0 : i32
    %c0_i32_0 = arith.constant 0 : i32
    %c0_i32_1 = arith.constant 0 : i32
    return %c0_i32, %c0_i32_0 : i32, i32
  }
  func.func @transform_2(%arg0: i32) -> (i32, i32, i32) {
    %c0_i32 = arith.constant 0 : i32
    %c0_i32_0 = arith.constant 0 : i32
    %c0_i32_1 = arith.constant 0 : i32
    return %c0_i32, %arg0, %c0_i32_0 : i32, i32, i32
  }
  func.func @transform_3(%arg0: i32) -> (i32, i32) {
    %c0_i32 = arith.constant 0 : i32
    %c0_i32_0 = arith.constant 0 : i32
    return %arg0, %c0_i32 : i32, i32
  }
  func.func @transform_4(%arg0: i32) -> (i32, i32) {
    %c0_i32 = arith.constant 0 : i32
    %c0_i32_0 = arith.constant 0 : i32
    return %arg0, %c0_i32 : i32, i32
  }
}

module attributes {stable_mosaic.version = 14 : i64} {
  func.func @_tc2_body(%arg0: i32, %arg1: memref<2x2000x128xf32, #tpu.memory_space<vmem>>, %arg2: memref<2000x128xf32, #tpu.memory_space<vmem>>, %arg3: memref<2000x1xf32, #tpu.memory_space<vmem>>, %arg4: memref<1x128xf32, #tpu.memory_space<vmem>>, %arg5: memref<128x128xf32, #tpu.memory_space<vmem>>, %arg6: memref<2000x128xf32, #tpu.memory_space<vmem>>) attributes {dimension_semantics = [#tpu.dimension_semantics<arbitrary>], iteration_bounds = array<i64: 5>, scalar_prefetch = 0 : i64, scratch_operands = 0 : i64, tpu.core_type = #tpu.core_type<tc>, window_params = [{transform_indices = @transform_0, window_bounds = array<i64: 2, 2000, 128>}, {transform_indices = @transform_1, window_bounds = array<i64: 2000, 128>}, {transform_indices = @transform_2, window_bounds = array<i64: 2000, 1>}, {pipeline_mode = #tpu.pipeline_mode<synchronous>, transform_indices = @transform_3, window_bounds = array<i64: 1, 128>}, {pipeline_mode = #tpu.pipeline_mode<synchronous>, transform_indices = @transform_4, window_bounds = array<i64: 128, 128>}, {transform_indices = @transform_5, window_bounds = array<i64: 2000, 128>}]} {
    %get3A = arith.constant 0 : index
    %get3A_0 = arith.constant 0 : index
    %get3A_1 = vector.load %arg3[%get3A, %get3A_0] : memref<2000x1xf32, #tpu.memory_space<vmem>>, vector<2000x1xf32>
    %get3A_2 = arith.constant 0 : index
    %get3A_3 = arith.constant 0 : index
    %get3A_4 = arith.constant 0 : index
    %get3A_5 = vector.load %arg1[%get3A_2, %get3A_3, %get3A_4] : memref<2x2000x128xf32, #tpu.memory_space<vmem>>, vector<1x2000x128xf32>
    %get3A_6 = vector.shape_cast %get3A_5 : vector<1x2000x128xf32> to vector<2000x128xf32>
    %get3A_7 = arith.constant 1 : index
    %get3A_8 = arith.constant 0 : index
    %get3A_9 = arith.constant 0 : index
    %get3A_10 = vector.load %arg1[%get3A_7, %get3A_8, %get3A_9] : memref<2x2000x128xf32, #tpu.memory_space<vmem>>, vector<1x2000x128xf32>
    %get3A_11 = vector.shape_cast %get3A_10 : vector<1x2000x128xf32> to vector<2000x128xf32>
    %add3A = arith.addf %get3A_6, %get3A_11 : vector<2000x128xf32>
    %get3A_12 = arith.constant 0 : index
    %get3A_13 = arith.constant 0 : index
    %get3A_14 = vector.load %arg2[%get3A_12, %get3A_13] : memref<2000x128xf32, #tpu.memory_space<vmem>>, vector<2000x128xf32>
    %add3A_15 = arith.addf %add3A, %get3A_14 : vector<2000x128xf32>
    %mul3A = vector.broadcast %get3A_1 : vector<2000x1xf32> to vector<2000x128xf32>
    %mul3A_16 = arith.mulf %mul3A, %add3A_15 : vector<2000x128xf32>
    %get3A_17 = arith.constant 0 : index
    %get3A_18 = arith.constant 0 : index
    %get3A_19 = vector.load %arg4[%get3A_17, %get3A_18] : memref<1x128xf32, #tpu.memory_space<vmem>>, vector<1x128xf32>
    %add3A_20 = vector.broadcast %get3A_19 : vector<1x128xf32> to vector<2000x128xf32>
    %add3A_21 = arith.addf %mul3A_16, %add3A_20 : vector<2000x128xf32>
    %max3A = arith.constant 0.000000e+00 : f32
    %max3A_22 = vector.broadcast %max3A : f32 to vector<2000x128xf32>
    %max3A_23 = arith.maximumf %add3A_21, %max3A_22 : vector<2000x128xf32>
    %get3A_24 = arith.constant 0 : index
    %get3A_25 = arith.constant 0 : index
    %get3A_26 = vector.load %arg5[%get3A_24, %get3A_25] : memref<128x128xf32, #tpu.memory_space<vmem>>, vector<128x128xf32>
    %dot_general3A = arith.constant dense<0.000000e+00> : vector<2000x128xf32>
    %dot_general3A_27 = tpu.matmul %max3A_23, %get3A_26, %dot_general3A {dimension_numbers = #tpu.dot_dimension_numbers<[1], [0], [0], [1], [0, 0, 1, 1], [], []>, transpose_lhs_hint = false} : vector<2000x128xf32>, vector<128x128xf32>, vector<2000x128xf32> -> vector<2000x128xf32>
    %get3A_28 = arith.constant 0 : index
    %get3A_29 = arith.constant 0 : index
    %get3A_30 = vector.load %arg3[%get3A_28, %get3A_29] : memref<2000x1xf32, #tpu.memory_space<vmem>>, vector<2000x1xf32>
    %mul3A_31 = vector.broadcast %get3A_30 : vector<2000x1xf32> to vector<2000x128xf32>
    %mul3A_32 = arith.mulf %dot_general3A_27, %mul3A_31 : vector<2000x128xf32>
    %swap3A = arith.constant 0 : index
    %swap3A_33 = arith.constant 0 : index
    %swap3A_34 = vector.load %arg6[%swap3A, %swap3A_33] : memref<2000x128xf32, #tpu.memory_space<vmem>>, vector<2000x128xf32>
    tpu.vector_store %arg6[%swap3A, %swap3A_33], %mul3A_32 {strides = array<i32>} : memref<2000x128xf32, #tpu.memory_space<vmem>>, vector<2000x128xf32>,
    return
  }
  func.func @transform_0(%arg0: i32) -> (i32, i32, i32) {
    %c0_i32 = arith.constant 0 : i32
    %c0_i32_0 = arith.constant 0 : i32
    %c0_i32_1 = arith.constant 0 : i32
    return %c0_i32, %arg0, %c0_i32_0 : i32, i32, i32
  }
  func.func @transform_1(%arg0: i32) -> (i32, i32) {
    %c0_i32 = arith.constant 0 : i32
    %c0_i32_0 = arith.constant 0 : i32
    return %arg0, %c0_i32 : i32, i32
  }
  func.func @transform_2(%arg0: i32) -> (i32, i32) {
    %c0_i32 = arith.constant 0 : i32
    %c0_i32_0 = arith.constant 0 : i32
    return %arg0, %c0_i32 : i32, i32
  }
  func.func @transform_3(%arg0: i32) -> (i32, i32) {
    %c0_i32 = arith.constant 0 : i32
    %c0_i32_0 = arith.constant 0 : i32
    %c0_i32_1 = arith.constant 0 : i32
    return %c0_i32, %c0_i32_0 : i32, i32
  }
  func.func @transform_4(%arg0: i32) -> (i32, i32) {
    %c0_i32 = arith.constant 0 : i32
    %c0_i32_0 = arith.constant 0 : i32
    %c0_i32_1 = arith.constant 0 : i32
    return %c0_i32, %c0_i32_0 : i32, i32
  }
  func.func @transform_5(%arg0: i32) -> (i32, i32) {
    %c0_i32 = arith.constant 0 : i32
    %c0_i32_0 = arith.constant 0 : i32
    return %arg0, %c0_i32 : i32, i32
  }
}

module attributes {stable_mosaic.version = 14 : i64} {
  func.func @_tc3_body(%arg0: i32, %arg1: memref<2x2000x128xf32, #tpu.memory_space<vmem>>, %arg2: memref<2000x128xf32, #tpu.memory_space<vmem>>, %arg3: memref<2000x1xf32, #tpu.memory_space<vmem>>, %arg4: memref<1x128xf32, #tpu.memory_space<vmem>>, %arg5: memref<128x64xf32, #tpu.memory_space<vmem>>, %arg6: memref<1x64xf32, #tpu.memory_space<vmem>>, %arg7: memref<128x64xf32, #tpu.memory_space<vmem>>, %arg8: memref<1x64xf32, #tpu.memory_space<vmem>>, %arg9: memref<2000x64xf32, #tpu.memory_space<vmem>>, %arg10: memref<2000x64xf32, #tpu.memory_space<vmem>>) attributes {dimension_semantics = [#tpu.dimension_semantics<arbitrary>], iteration_bounds = array<i64: 5>, scalar_prefetch = 0 : i64, scratch_operands = 0 : i64, tpu.core_type = #tpu.core_type<tc>, window_params = [{transform_indices = @transform_0, window_bounds = array<i64: 2, 2000, 128>}, {transform_indices = @transform_1, window_bounds = array<i64: 2000, 128>}, {transform_indices = @transform_2, window_bounds = array<i64: 2000, 1>}, {pipeline_mode = #tpu.pipeline_mode<synchronous>, transform_indices = @transform_3, window_bounds = array<i64: 1, 128>}, {pipeline_mode = #tpu.pipeline_mode<synchronous>, transform_indices = @transform_4, window_bounds = array<i64: 128, 64>}, {pipeline_mode = #tpu.pipeline_mode<synchronous>, transform_indices = @transform_5, window_bounds = array<i64: 1, 64>}, {pipeline_mode = #tpu.pipeline_mode<synchronous>, transform_indices = @transform_6, window_bounds = array<i64: 128, 64>}, {pipeline_mode = #tpu.pipeline_mode<synchronous>, transform_indices = @transform_7, window_bounds = array<i64: 1, 64>}, {transform_indices = @transform_8, window_bounds = array<i64: 2000, 64>}, {transform_indices = @transform_9, window_bounds = array<i64: 2000, 64>}]} {
    %get3A = arith.constant 0 : index
    %get3A_0 = arith.constant 0 : index
    %get3A_1 = vector.load %arg3[%get3A, %get3A_0] : memref<2000x1xf32, #tpu.memory_space<vmem>>, vector<2000x1xf32>
    %get3A_2 = arith.constant 0 : index
    %get3A_3 = arith.constant 0 : index
    %get3A_4 = arith.constant 0 : index
    %get3A_5 = vector.load %arg1[%get3A_2, %get3A_3, %get3A_4] : memref<2x2000x128xf32, #tpu.memory_space<vmem>>, vector<1x2000x128xf32>
    %get3A_6 = vector.shape_cast %get3A_5 : vector<1x2000x128xf32> to vector<2000x128xf32>
    %get3A_7 = arith.constant 1 : index
    %get3A_8 = arith.constant 0 : index
    %get3A_9 = arith.constant 0 : index
    %get3A_10 = vector.load %arg1[%get3A_7, %get3A_8, %get3A_9] : memref<2x2000x128xf32, #tpu.memory_space<vmem>>, vector<1x2000x128xf32>
    %get3A_11 = vector.shape_cast %get3A_10 : vector<1x2000x128xf32> to vector<2000x128xf32>
    %add3A = arith.addf %get3A_6, %get3A_11 : vector<2000x128xf32>
    %get3A_12 = arith.constant 0 : index
    %get3A_13 = arith.constant 0 : index
    %get3A_14 = vector.load %arg2[%get3A_12, %get3A_13] : memref<2000x128xf32, #tpu.memory_space<vmem>>, vector<2000x128xf32>
    %add3A_15 = arith.addf %add3A, %get3A_14 : vector<2000x128xf32>
    %mul3A = vector.broadcast %get3A_1 : vector<2000x1xf32> to vector<2000x128xf32>
    %mul3A_16 = arith.mulf %mul3A, %add3A_15 : vector<2000x128xf32>
    %get3A_17 = arith.constant 0 : index
    %get3A_18 = arith.constant 0 : index
    %get3A_19 = vector.load %arg4[%get3A_17, %get3A_18] : memref<1x128xf32, #tpu.memory_space<vmem>>, vector<1x128xf32>
    %add3A_20 = vector.broadcast %get3A_19 : vector<1x128xf32> to vector<2000x128xf32>
    %add3A_21 = arith.addf %mul3A_16, %add3A_20 : vector<2000x128xf32>
    %max3A = arith.constant 0.000000e+00 : f32
    %max3A_22 = vector.broadcast %max3A : f32 to vector<2000x128xf32>
    %max3A_23 = arith.maximumf %add3A_21, %max3A_22 : vector<2000x128xf32>
    %get3A_24 = arith.constant 0 : index
    %get3A_25 = arith.constant 0 : index
    %get3A_26 = vector.load %arg5[%get3A_24, %get3A_25] : memref<128x64xf32, #tpu.memory_space<vmem>>, vector<128x64xf32>
    %dot_general3A = arith.constant dense<0.000000e+00> : vector<2000x64xf32>
    %dot_general3A_27 = tpu.matmul %max3A_23, %get3A_26, %dot_general3A {dimension_numbers = #tpu.dot_dimension_numbers<[1], [0], [0], [1], [0, 0, 1, 1], [], []>, transpose_lhs_hint = false} : vector<2000x128xf32>, vector<128x64xf32>, vector<2000x64xf32> -> vector<2000x64xf32>
    %get3A_28 = arith.constant 0 : index
    %get3A_29 = arith.constant 0 : index
    %get3A_30 = vector.load %arg6[%get3A_28, %get3A_29] : memref<1x64xf32, #tpu.memory_space<vmem>>, vector<1x64xf32>
    %add3A_31 = vector.broadcast %get3A_30 : vector<1x64xf32> to vector<2000x64xf32>
    %add3A_32 = arith.addf %dot_general3A_27, %add3A_31 : vector<2000x64xf32>
    %swap3A = arith.constant 0 : index
    %swap3A_33 = arith.constant 0 : index
    %swap3A_34 = vector.load %arg9[%swap3A, %swap3A_33] : memref<2000x64xf32, #tpu.memory_space<vmem>>, vector<2000x64xf32>
    tpu.vector_store %arg9[%swap3A, %swap3A_33], %add3A_32 {strides = array<i32>} : memref<2000x64xf32, #tpu.memory_space<vmem>>, vector<2000x64xf32>,
    %get3A_35 = arith.constant 0 : index
    %get3A_36 = arith.constant 0 : index
    %get3A_37 = vector.load %arg7[%get3A_35, %get3A_36] : memref<128x64xf32, #tpu.memory_space<vmem>>, vector<128x64xf32>
    %dot_general3A_38 = arith.constant dense<0.000000e+00> : vector<2000x64xf32>
    %dot_general3A_39 = tpu.matmul %max3A_23, %get3A_37, %dot_general3A_38 {dimension_numbers = #tpu.dot_dimension_numbers<[1], [0], [0], [1], [0, 0, 1, 1], [], []>, transpose_lhs_hint = false} : vector<2000x128xf32>, vector<128x64xf32>, vector<2000x64xf32> -> vector<2000x64xf32>
    %get3A_40 = arith.constant 0 : index
    %get3A_41 = arith.constant 0 : index
    %get3A_42 = vector.load %arg8[%get3A_40, %get3A_41] : memref<1x64xf32, #tpu.memory_space<vmem>>, vector<1x64xf32>
    %add3A_43 = vector.broadcast %get3A_42 : vector<1x64xf32> to vector<2000x64xf32>
    %add3A_44 = arith.addf %dot_general3A_39, %add3A_43 : vector<2000x64xf32>
    %swap3A_45 = arith.constant 0 : index
    %swap3A_46 = arith.constant 0 : index
    %swap3A_47 = vector.load %arg10[%swap3A_45, %swap3A_46] : memref<2000x64xf32, #tpu.memory_space<vmem>>, vector<2000x64xf32>
    tpu.vector_store %arg10[%swap3A_45, %swap3A_46], %add3A_44 {strides = array<i32>} : memref<2000x64xf32, #tpu.memory_space<vmem>>, vector<2000x64xf32>,
    return
  }
  func.func @transform_0(%arg0: i32) -> (i32, i32, i32) {
    %c0_i32 = arith.constant 0 : i32
    %c0_i32_0 = arith.constant 0 : i32
    %c0_i32_1 = arith.constant 0 : i32
    return %c0_i32, %arg0, %c0_i32_0 : i32, i32, i32
  }
  func.func @transform_1(%arg0: i32) -> (i32, i32) {
    %c0_i32 = arith.constant 0 : i32
    %c0_i32_0 = arith.constant 0 : i32
    return %arg0, %c0_i32 : i32, i32
  }
  func.func @transform_2(%arg0: i32) -> (i32, i32) {
    %c0_i32 = arith.constant 0 : i32
    %c0_i32_0 = arith.constant 0 : i32
    return %arg0, %c0_i32 : i32, i32
  }
  func.func @transform_3(%arg0: i32) -> (i32, i32) {
    %c0_i32 = arith.constant 0 : i32
    %c0_i32_0 = arith.constant 0 : i32
    %c0_i32_1 = arith.constant 0 : i32
    return %c0_i32, %c0_i32_0 : i32, i32
  }
  func.func @transform_4(%arg0: i32) -> (i32, i32) {
    %c0_i32 = arith.constant 0 : i32
    %c0_i32_0 = arith.constant 0 : i32
    %c0_i32_1 = arith.constant 0 : i32
    return %c0_i32, %c0_i32_0 : i32, i32
  }
  func.func @transform_5(%arg0: i32) -> (i32, i32) {
    %c0_i32 = arith.constant 0 : i32
    %c0_i32_0 = arith.constant 0 : i32
    %c0_i32_1 = arith.constant 0 : i32
    return %c0_i32, %c0_i32_0 : i32, i32
  }
  func.func @transform_6(%arg0: i32) -> (i32, i32) {
    %c0_i32 = arith.constant 0 : i32
    %c0_i32_0 = arith.constant 0 : i32
    %c0_i32_1 = arith.constant 0 : i32
    return %c0_i32, %c0_i32_0 : i32, i32
  }
  func.func @transform_7(%arg0: i32) -> (i32, i32) {
    %c0_i32 = arith.constant 0 : i32
    %c0_i32_0 = arith.constant 0 : i32
    %c0_i32_1 = arith.constant 0 : i32
    return %c0_i32, %c0_i32_0 : i32, i32
  }
  func.func @transform_8(%arg0: i32) -> (i32, i32) {
    %c0_i32 = arith.constant 0 : i32
    %c0_i32_0 = arith.constant 0 : i32
    return %arg0, %c0_i32 : i32, i32
  }
  func.func @transform_9(%arg0: i32) -> (i32, i32) {
    %c0_i32 = arith.constant 0 : i32
    %c0_i32_0 = arith.constant 0 : i32
    return %arg0, %c0_i32 : i32, i32
  }
}

</mosaic_0001>

<sc_bundles>
// kernel: kernel.11.cloned.1.call-start
scs
__scs_entry_jumppad:
0x0: {  	(pc) =	sbr.rel $0x88, $3  }
0x1: {  	(tag) =	ssettag $0x0;
	lr =	simm.s32 $0x1  }
0x2: {  	[smem:$0x3F97] =	sst lr;
	_ =	strace $0xD0000000  }
0x3: {  	_ = 	snop  }
0x4: {  	_ = 	snop  }
0x5: {  	_ = 	snop  }
0x6: {  	_ = 	snop  }
0x7: {  	_ = 	snop  }
__scs_overlays_trampoline_lowered:
0x8: {  	[smem:$0x3FA6] =	sst s0  }
0x9: {  	[smem:$0x3FA7] =	sst s1  }
0xa: {  	[smem:$0x3FA8] =	sst s2  }
0xb: {  	[smem:$0x3FA9] =	sst s3  }
0xc: {  	[smem:$0x3FAA] =	sst s4  }
0xd: {  	[smem:$0x3FAB] =	sst s5  }
0xe: {  	[smem:$0x3FAC] =	sst s6  }
0xf: {  	[smem:$0x3FAD] =	sst s7  }
0x10: {  	[smem:$0x3FAE] =	sst s8  }
0x11: {  	[smem:$0x3FAF] =	sst s9;
	s0 =	simm.s32 @!p0 $0x0  }
0x12: {  	s1 =	sld [smem:$0x3F95];
	s0 =	simm.s32 @p0 $0x1  }
0x13: {  	[smem:$0x3FB0] =	sst s0;
	s0 =	simm.s32 @!p1 $0x0  }
0x14: {  	s2 =	sld [smem:$0x3F94];
	s0 =	simm.s32 @p1 $0x1  }
0x15: {  	[smem:$0x3FB1] =	sst s0;
	s0 =	simm.s32 @!p2 $0x0  }
0x16: {  	s3 =	sld [smem:$0x3FDB];
	s0 =	simm.s32 @p2 $0x1  }
0x17: {  	s4 =	simm.s32 $0x1BF5;
	[smem:$0x3FB3] =	sst s0  }
0x18: {  	s0 =	sld [smem:$0x3F96];
	_ =	swait.ge [sflag:s4], $0x0  }
0x19: {  	s7 =	sld [smem:$0x3F97]  }
0x1a: {  	s8 =	sadd.s32 $0xFFFFE003, lr  }
0x1b: {  	s9 =	sadd.s32 $0xFFFFFEF7, lr;
	s5 =	simm.s32 $0xFFFFFFFF;
	p2 =	slt.u32 s8, $0xFFFFF086  }
0x1c: {  	p1 =	slt.u32 s9, $0xF7A;
	s5 =	simm.s32 @!p2 $0x0  }
0x1d: {  	s5 =	simm.s32 @p1 $0x1;
	p0 =	seq.s32 s7, s2  }
0x1e: {  	s7 =	smul.u32 @!p0 $0xF7A, s2;
	p2 =	seq.s32 @!p0 s5, $0x0  }
0x1f: {  	s9 =	smul.u32 $0xF7A, s1;
	s8 =	simm.s32 @!p0 $0x1BF5;
	p2 =	por !p2, p0  }
0x20: {  	[sflag:s8] =	ssyncset.s32 @!p0 $0xFFFFF086;
	s6 =	sadd.s32 @!p0 s3, s7;
	s7 =	simm.s32 @!p0 $0x108  }
0x21: {  	s3 =	sadd.s32 s3, s9;
	s6 =	sadd.s32 @!p0 $0x88, s6;
	s7 =	simm.s32 @p2 $0x1082  }
0x22: {  	[simem:s7], [sflag:s8] =	dma.local @!p0 [hbm:s6], $0xF7A  }
0x23: {  	s9 =	sor.u32 $0xD0000000, s2;
	s6 =	simm.s32 $0x108;
	_ =	swait.ge @!p0 [sflag:s8], $0x0  }
0x24: {  	s3 =	sadd.s32 $0x88, s3;
	s6 =	simm.s32 @!p1 $0x1082;
	[sflag:s4] =	ssyncset.s32 $0xFFFFF086  }
0x25: {  	[simem:s6], [sflag:s4] =	dma.local [hbm:s3], $0xF7A  }
0x26: {  	[smem:$0x3F97] =	sst s1;
	(tag) =	ssettag s2;
	_ =	strace s9  }
0x27: {  	s1 =	sld [smem:$0x3FA7]  }
0x28: {  	s2 =	sld [smem:$0x3FA8]  }
0x29: {  	s4 =	sld [smem:$0x3FAA]  }
0x2a: {  	p0 =	seq.s32 s5, $0x0;
	s5 =	sld [smem:$0x3FAB]  }
0x2b: {  	s6 =	sld [smem:$0x3FAC]  }
0x2c: {  	s7 =	sld [smem:$0x3FAD]  }
0x2d: {  	s3 =	simm.s32 $0x108;
	s8 =	sld [smem:$0x3FAE]  }
0x2e: {  	s3 =	simm.s32 @!p0 $0x1082;
	s9 =	sld [smem:$0x3FAF]  }
0x2f: {  	lr =	sadd.s32 s0, s3;
	s0 =	sld [smem:$0x3FA6]  }
0x30: {  	s3 =	sld [smem:$0x3FA9]  }
0x31: {  	[smem:$0x3FB2] =	sst s10  }
0x32: {  	s10 =	sld [smem:$0x3FB0];
	_ =	sdelay $0x3  }
0x33: {  	p0 =	seq.s32 s10, $0x1;
	s10 =	sld [smem:$0x3FB2];
	_ =	sdelay $0x3  }
0x34: {  	[smem:$0x3FB2] =	sst s10  }
0x35: {  	s10 =	sld [smem:$0x3FB1];
	_ =	sdelay $0x3  }
0x36: {  	p1 =	seq.s32 s10, $0x1;
	s10 =	sld [smem:$0x3FB2];
	_ =	sdelay $0x3  }
0x37: {  	[smem:$0x3FB2] =	sst s10  }
0x38: {  	s10 =	sld [smem:$0x3FB3]  }
0x39: {  	_ = 	snop;
	(pc) =	sbr.ind lr, $3  }
0x3a: {  	_ = 	snop  }
0x3b: {  	_ = 	snop  }
0x3c: {  	p2 =	seq.s32 s10, $0x1;
	s10 =	sld [smem:$0x3FB2]  }
0x3d: {  	_ =	shalt  }
0x3e: {  	_ =	shalt  }
0x3f: {  	_ =	shalt  }
0x40: {  	_ =	shalt  }
0x41: {  	_ =	shalt  }
0x42: {  	_ =	shalt  }
0x43: {  	_ =	shalt  }
0x44: {  	_ =	shalt  }
0x45: {  	_ =	shalt  }
0x46: {  	_ =	shalt  }
0x47: {  	_ =	shalt  }
0x48: {  	_ =	shalt  }
0x49: {  	_ =	shalt  }
0x4a: {  	_ =	shalt  }
0x4b: {  	_ =	shalt  }
0x4c: {  	_ =	shalt  }
0x4d: {  	_ =	shalt  }
0x4e: {  	_ =	shalt  }
0x4f: {  	_ =	shalt  }
0x50: {  	_ =	shalt  }
0x51: {  	_ =	shalt  }
0x52: {  	_ =	shalt  }
0x53: {  	_ =	shalt  }
0x54: {  	_ =	shalt  }
0x55: {  	_ =	shalt  }
0x56: {  	_ =	shalt  }
0x57: {  	_ =	shalt  }
0x58: {  	_ =	shalt  }
0x59: {  	_ =	shalt  }
0x5a: {  	_ =	shalt  }
0x5b: {  	_ =	shalt  }
0x5c: {  	_ =	shalt  }
0x5d: {  	_ =	shalt  }
0x5e: {  	_ =	shalt  }
0x5f: {  	_ =	shalt  }
0x60: {  	_ =	shalt  }
0x61: {  	_ =	shalt  }
0x62: {  	_ =	shalt  }
0x63: {  	_ =	shalt  }
0x64: {  	_ =	shalt  }
0x65: {  	_ =	shalt  }
0x66: {  	_ =	shalt  }
0x67: {  	_ =	shalt  }
0x68: {  	_ =	shalt  }
0x69: {  	_ =	shalt  }
0x6a: {  	_ =	shalt  }
0x6b: {  	_ =	shalt  }
0x6c: {  	_ =	shalt  }
0x6d: {  	_ =	shalt  }
0x6e: {  	_ =	shalt  }
0x6f: {  	_ =	shalt  }
0x70: {  	_ =	shalt  }
0x71: {  	_ =	shalt  }
0x72: {  	_ =	shalt  }
0x73: {  	_ =	shalt  }
0x74: {  	_ =	shalt  }
0x75: {  	_ =	shalt  }
0x76: {  	_ =	shalt  }
0x77: {  	_ =	shalt  }
0x78: {  	_ =	shalt  }
0x79: {  	_ =	shalt  }
0x7a: {  	_ =	shalt  }
0x7b: {  	_ =	shalt  }
0x7c: {  	_ =	shalt  }
0x7d: {  	_ =	shalt  }
0x7e: {  	_ =	shalt  }
0x7f: {  	_ =	shalt  }
0x80: {  	_ =	shalt  }
0x81: {  	_ =	shalt  }
0x82: {  	_ =	shalt  }
0x83: {  	_ =	shalt  }
0x84: {  	_ =	shalt  }
0x85: {  	_ =	shalt  }
0x86: {  	_ =	shalt  }
0x87: {  	_ =	shalt  }
.Lfunc_end0:
.L_simem_size_0:
called_computation.1_lowered:
.L_overlay_start_0:
0x88: {  	s2 =	sld [smem:$0x3FD9]  }
0x89: {  	s3 =	sld [smem:$0x3FFE];
	_ =	sdelay $0x1  }
0x8a: {  	s1 =	srdreg.scid  }
0x8b: {  	s0 =	sand.u32 $0x1, s1  }
0x8c: {  	s14 =	sshll.u32 s0, $0xA;
	s2 =	sadd.s32 s3, s2  }
0x8d: {  	s2 =	sadd.s32 s2, s14  }
0x8e: {  	[smem:$0x3FBE] =	sst s2  }
0x8f: {  	_ = 	snop  }
0x90: {  	s2 =	sld [smem:$0x3FD0];
	_ =	sdelay $0x2  }
0x91: {  	s15 =	simm.s32 $0xA;
	s4 =	simm.s32 $0x10  }
0x92: {  	[smem:s4], [sflag:s15] =	dma.local [hbm:s2], $0x1  }
0x93: {  	_ =	swait.eq [sflag:s15], $0x1  }
0x94: {  	[sflag:s15] =	ssyncset.done $0x0  }
0x95: {  	s16 =	sld [smem:$0x10];
	[sflag:s15] =	ssyncadd.s32 $0xFFFFFFFF  }
0x96: {  	s17 =	sld [smem:$0x11];
	(tm) =	ssettm $0x1  }
0x97: {  	s18 =	sld [smem:$0x3FFB];
	_ =	sdelay $0x3  }
0x98: {  	_ =	strace s18  }
0x99: {  	s4 =	sld [smem:$0x3FFC];
	_ =	sdelay $0x3  }
0x9a: {  	_ =	strace s4  }
0x9b: {  	s4 =	sld [smem:$0x3FFD];
	_ =	sdelay $0x3  }
0x9c: {  	_ =	strace s4  }
0x9d: {  	_ =	strace $0x8FFFFFFF  }
0x9e: {  	s19 =	sld [smem:$0x3FDB];
	_ =	sdelay $0x1  }
0x9f: {  	s5 =	simm.s32 $_scs_section_size  }
0xa0: {  	s6 =	simm.s32 $_size__tile_overlayer_lowered;
	s7 =	simm.s32 $_tile_overlayer_lowered  }
0xa1: {  	s22 =	simm.s32 $0x1BFF;
	s21 =	sshll.u32 s7, $0x1;
	s4 =	sadd.s32 s5, s19  }
0xa2: {  	s8 =	simm.s32 $0x0;
	s20 =	sshll.u32 s6, $0x1;
	s6 =	sadd.s32 s21, s4  }
0xa3: {  	[timem:s8], [sflag:s22] =	dma.local [hbm:s6], s20  }
0xa4: {  	_ =	swait.ge [sflag:s22], s20  }
0xa5: {  	s5 =	ssub.s32 $0x0, s20;
	[sflag:s22] =	ssyncset.done $0x0  }
0xa6: {  	[sflag:s22] =	ssyncadd.s32 s5;
	_ =	sdelay $0x1  }
0xa7: {  	s23 =	simm.s32 $0x1B8B  }
0xa8: {  	_ =	swait.ge [sflag:s23], $0x1  }
0xa9: {  	[sflag:s23] =	ssyncset.done $0x0  }
0xaa: {  	s25 =	simm.s32 $0x1B8E;
	s24 =	sld [smem:$0x3FFE];
	[sflag:s23] =	ssyncadd.s32 $0xFFFFFFFF  }
0xab: {  	s26 =	simm.s32 $execute0_lowered;
	[smem:$0x3FD2] =	sst s25  }
0xac: {  	s6 =	sshll.u32 s26, $0x1;
	_ =	strace $0x80000049;
	[dreg:$0x1] =	wrdreg $0xFFFFFFFF  }
0xad: {  	s28 =	simm.s32 $_size_execute0_lowered;
	s4 =	sadd.s32 s4, s6;
	[dreg:$0x0] =	wrdreg $0x0  }
0xae: {  	s6 =	sshll.u32 s28, $0x1;
	[dreg:$0x2] =	wrdreg s4  }
0xaf: {  	[dreg:$0x3] =	wrdreg s6  }
0xb0: {  	[dreg:$0x4] =	wrdreg $0xC0  }
0xb1: {  	_ =	task [dreg:s8], $0x5FFFF  }
0xb2: {  	[dreg:$0x1] =	wrdreg $0xFFFFFFFF  }
0xb3: {  	[dreg:$0x0] =	wrdreg $0x60  }
0xb4: {  	[dreg:$0x2] =	wrdreg s24  }
0xb5: {  	[dreg:$0x3] =	wrdreg s16  }
0xb6: {  	[dreg:$0x4] =	wrdreg s17  }
0xb7: {  	[dreg:$0x5] =	wrdreg $0xA8000  }
0xb8: {  	[dreg:$0x6] =	wrdreg $0x9  }
0xb9: {  	_ =	task.clear_ibuf [dreg:s8], $0x7FFFF;
	_ =	strace $0x90000049  }
0xba: {  	s29 =	simm.s32 $0x9;
	_ =	strace $0x8000004B  }
0xbb: {  	_ =	swait.ge [sflag:s29], $0x1  }
0xbc: {  	[sflag:s29] =	ssyncadd.s32 $0xFFFFFFFF  }
0xbd: {  	_ =	strace $0x9000004B  }
0xbe: {  	_ =	sfence  }
0xbf: {  	s30 =	sld [smem:$0x0];
	_ =	sdelay $0x2  }
0xc0: {  	s31 =	sshll.u32 s1, $0xD;
	s1 =	sshrl.u32 s1, $0x2  }
0xc1: {  	s3 =	sand.u32 $0x4000, s31;
	s1 =	sadd.s32 s1, s30  }
0xc2: {  	s0 =	sor.u32 s3, s0;
	s1 =	sshll.u32 s1, $0x11  }
0xc3: {  	s0 =	sor.u32 s1, s0  }
0xc4: {  	s0 =	sadd.s32 $0x8F2B, s0  }
0xc5: {  	[sflag:s0] =	ssyncadd.remote.s32 $0x1  }
0xc6: {  	_ =	sfence.sel $0xFFFF  }
0xc7: {  	[dreg:$0x0] =	wrdreg $0xFFFFFFFF;
	(pc) =	sbr.abs _section_cstart, $3  }
0xc8: {  	[dreg:$0x1] =	wrdreg $0xFFFFFFFF  }
0xc9: {  	_ =	task.clear_ibuf [dreg:s8], $0x2FFFF;
	_ =	strace $0x9FFFFFFF  }
0xca: {  	(tm) =	ssettm $0x7FFFFFFF  }
0xcb: {  	_ =	shalt  }
tec
execute0_lowered:
.L_overlay_start_1:
0x0: {  	(tag) =	ssettag $0x1  }
0x1: {  	s7 =	rddreg [dreg:$0x0]  }
0x2: {  	s0 =	rddreg [dreg:$0x1]  }
0x3: {  	s3 =	rddreg [dreg:$0x2];
	s1 =	srdreg.scid  }
0x4: {  	s4 =	rddreg [dreg:$0x3];
	s2 =	stileid.u32  }
0x5: {  	s5 =	simm.s32 $0x0;
	s12 =	simm.s32 $0x3;
	s13 =	simm.s32 $0x1000  }
0x6: {  	s14 =	simm.s32 $0x80;
	s15 =	simm.s32 $0x2000;
	s16 =	simm.s32 $0x6000  }
0x7: {  	s17 =	simm.s32 $0x1;
	s18 =	simm.s32 $0x2;
	s20 =	simm.s32 $0x1F00  }
0x8: {  	s19 =	sand.u32 $0x1, s1;
	s1 =	rddreg [dreg:$0x4];
	s8 =	smul.u32 $0x14000, s2  }
0x9: {  	s21 =	simm.s32 $0x1F80;
	[smem:$0x7FF] =	sst s5;
	s9 =	smul.u32 $0x50000, s2  }
0xa: {  	s31 =	sshll.u32 s2, $0xC;
	s22 =	sshll.u32 s2, $0x6;
	s6 =	smul.u32 $0x140000, s19  }
0xb: {  	_ =	strace $0x8000004A;
	s10 =	ssub.s32 $0x2, s19;
	p0 =	seq.s32 s19, $0x0  }
0xc: {  	s22 =	sor.u32 $0x1C03, s22;
	s29 =	sshrl.u32 s10, $0x1;
	s30 =	sshrl.u32 s9, $0x2  }
0xd: {  	s9 =	sshll.u32 s2, $0xE;
	s8 =	sadd.s32 s8, s6;
	s10 =	ssub.s32 s10, s29  }
0xe: {  	s6 =	sadd.s32 $0x3000, s7;
	s8 =	sshrl.u32 s8, $0x3;
	s10 =	smax.u32 s10, $0x1  }
0xf: {  	s11 =	sadd.s32 s8, s7;
	s7 =	sadd.s32 s30, s4;
	s8 =	sor.u32 $0x40000, s31  }
0x10: {  	s8 =	smov.u32 @p0 s9;
	s9 =	sadd.s32 $0x2A200, s11;
	s11 =	simm.s32 $0xA000  }
0x11: {  	v0 =	vimm.f32 $0.0e+00;
	p0 =	sne.s32 s19, $0x0;
	s19 =	simm.s32 $0xF80;
	s23 =	sshrl.u32 s7, $0x3  }
.LBB2_1:
0x12: {  	[tilespmem:$0xA000] =	vst v0  }
0x13: {  	[tilespmem:$0xA010] =	vst v0  }
0x14: {  	[tilespmem:$0xA020] =	vst v0  }
0x15: {  	[tilespmem:$0xA030] =	vst v0  }
0x16: {  	[tilespmem:$0xA040] =	vst v0  }
0x17: {  	[tilespmem:$0xA050] =	vst v0  }
0x18: {  	[tilespmem:$0xA060] =	vst v0  }
0x19: {  	[tilespmem:$0xA070] =	vst v0  }
0x1a: {  	[tilespmem:$0xA080] =	vst v0  }
0x1b: {  	[tilespmem:$0xA090] =	vst v0  }
0x1c: {  	[tilespmem:$0xA0A0] =	vst v0  }
0x1d: {  	[tilespmem:$0xA0B0] =	vst v0  }
0x1e: {  	[tilespmem:$0xA0C0] =	vst v0  }
0x1f: {  	[tilespmem:$0xA0D0] =	vst v0  }
0x20: {  	[tilespmem:$0xA0E0] =	vst v0  }
0x21: {  	[tilespmem:$0xA0F0] =	vst v0  }
0x22: {  	[tilespmem:$0xA100] =	vst v0  }
0x23: {  	[tilespmem:$0xA110] =	vst v0  }
0x24: {  	[tilespmem:$0xA120] =	vst v0  }
0x25: {  	[tilespmem:$0xA130] =	vst v0  }
0x26: {  	[tilespmem:$0xA140] =	vst v0  }
0x27: {  	[tilespmem:$0xA150] =	vst v0  }
0x28: {  	[tilespmem:$0xA160] =	vst v0  }
0x29: {  	[tilespmem:$0xA170] =	vst v0  }
0x2a: {  	[tilespmem:$0xA180] =	vst v0  }
0x2b: {  	[tilespmem:$0xA190] =	vst v0  }
0x2c: {  	[tilespmem:$0xA1A0] =	vst v0  }
0x2d: {  	[tilespmem:$0xA1B0] =	vst v0  }
0x2e: {  	[tilespmem:$0xA1C0] =	vst v0  }
0x2f: {  	[tilespmem:$0xA1D0] =	vst v0  }
0x30: {  	[tilespmem:$0xA1E0] =	vst v0  }
0x31: {  	[tilespmem:$0xA1F0] =	vst v0  }
0x32: {  	[tilespmem:$0xA200] =	vst v0  }
0x33: {  	[tilespmem:$0xA210] =	vst v0  }
0x34: {  	[tilespmem:$0xA220] =	vst v0  }
0x35: {  	[tilespmem:$0xA230] =	vst v0  }
0x36: {  	[tilespmem:$0xA240] =	vst v0  }
0x37: {  	[tilespmem:$0xA250] =	vst v0  }
0x38: {  	[tilespmem:$0xA260] =	vst v0  }
0x39: {  	[tilespmem:$0xA270] =	vst v0  }
0x3a: {  	[tilespmem:$0xA280] =	vst v0  }
0x3b: {  	[tilespmem:$0xA290] =	vst v0  }
0x3c: {  	[tilespmem:$0xA2A0] =	vst v0  }
0x3d: {  	[tilespmem:$0xA2B0] =	vst v0  }
0x3e: {  	[tilespmem:$0xA2C0] =	vst v0  }
0x3f: {  	[tilespmem:$0xA2D0] =	vst v0  }
0x40: {  	[tilespmem:$0xA2E0] =	vst v0  }
0x41: {  	[tilespmem:$0xA2F0] =	vst v0  }
0x42: {  	[tilespmem:$0xA300] =	vst v0  }
0x43: {  	[tilespmem:$0xA310] =	vst v0  }
0x44: {  	[tilespmem:$0xA320] =	vst v0  }
0x45: {  	[tilespmem:$0xA330] =	vst v0  }
0x46: {  	[tilespmem:$0xA340] =	vst v0  }
0x47: {  	[tilespmem:$0xA350] =	vst v0  }
0x48: {  	[tilespmem:$0xA360] =	vst v0  }
0x49: {  	[tilespmem:$0xA370] =	vst v0  }
0x4a: {  	[tilespmem:$0xA380] =	vst v0  }
0x4b: {  	[tilespmem:$0xA390] =	vst v0  }
0x4c: {  	[tilespmem:$0xA3A0] =	vst v0  }
0x4d: {  	[tilespmem:$0xA3B0] =	vst v0  }
0x4e: {  	[tilespmem:$0xA3C0] =	vst v0  }
0x4f: {  	[tilespmem:$0xA3D0] =	vst v0  }
0x50: {  	[tilespmem:$0xA3E0] =	vst v0  }
0x51: {  	[tilespmem:$0xA3F0] =	vst v0  }
0x52: {  	[tilespmem:$0xA400] =	vst v0  }
0x53: {  	[tilespmem:$0xA410] =	vst v0  }
0x54: {  	[tilespmem:$0xA420] =	vst v0  }
0x55: {  	[tilespmem:$0xA430] =	vst v0  }
0x56: {  	[tilespmem:$0xA440] =	vst v0  }
0x57: {  	[tilespmem:$0xA450] =	vst v0  }
0x58: {  	[tilespmem:$0xA460] =	vst v0  }
0x59: {  	[tilespmem:$0xA470] =	vst v0  }
0x5a: {  	[tilespmem:$0xA480] =	vst v0  }
0x5b: {  	[tilespmem:$0xA490] =	vst v0  }
0x5c: {  	[tilespmem:$0xA4A0] =	vst v0  }
0x5d: {  	[tilespmem:$0xA4B0] =	vst v0  }
0x5e: {  	[tilespmem:$0xA4C0] =	vst v0  }
0x5f: {  	[tilespmem:$0xA4D0] =	vst v0  }
0x60: {  	[tilespmem:$0xA4E0] =	vst v0  }
0x61: {  	[tilespmem:$0xA4F0] =	vst v0  }
0x62: {  	[tilespmem:$0xA500] =	vst v0  }
0x63: {  	[tilespmem:$0xA510] =	vst v0  }
0x64: {  	[tilespmem:$0xA520] =	vst v0  }
0x65: {  	[tilespmem:$0xA530] =	vst v0  }
0x66: {  	[tilespmem:$0xA540] =	vst v0  }
0x67: {  	[tilespmem:$0xA550] =	vst v0  }
0x68: {  	[tilespmem:$0xA560] =	vst v0  }
0x69: {  	[tilespmem:$0xA570] =	vst v0  }
0x6a: {  	[tilespmem:$0xA580] =	vst v0  }
0x6b: {  	[tilespmem:$0xA590] =	vst v0  }
0x6c: {  	[tilespmem:$0xA5A0] =	vst v0  }
0x6d: {  	[tilespmem:$0xA5B0] =	vst v0  }
0x6e: {  	[tilespmem:$0xA5C0] =	vst v0  }
0x6f: {  	[tilespmem:$0xA5D0] =	vst v0  }
0x70: {  	[tilespmem:$0xA5E0] =	vst v0  }
0x71: {  	[tilespmem:$0xA5F0] =	vst v0  }
0x72: {  	[tilespmem:$0xA600] =	vst v0  }
0x73: {  	[tilespmem:$0xA610] =	vst v0  }
0x74: {  	[tilespmem:$0xA620] =	vst v0  }
0x75: {  	[tilespmem:$0xA630] =	vst v0  }
0x76: {  	[tilespmem:$0xA640] =	vst v0  }
0x77: {  	[tilespmem:$0xA650] =	vst v0  }
0x78: {  	[tilespmem:$0xA660] =	vst v0  }
0x79: {  	[tilespmem:$0xA670] =	vst v0  }
0x7a: {  	[tilespmem:$0xA680] =	vst v0  }
0x7b: {  	[tilespmem:$0xA690] =	vst v0  }
0x7c: {  	[tilespmem:$0xA6A0] =	vst v0  }
0x7d: {  	[tilespmem:$0xA6B0] =	vst v0  }
0x7e: {  	[tilespmem:$0xA6C0] =	vst v0  }
0x7f: {  	[tilespmem:$0xA6D0] =	vst v0  }
0x80: {  	[tilespmem:$0xA6E0] =	vst v0  }
0x81: {  	[tilespmem:$0xA6F0] =	vst v0  }
0x82: {  	[tilespmem:$0xA700] =	vst v0  }
0x83: {  	[tilespmem:$0xA710] =	vst v0  }
0x84: {  	[tilespmem:$0xA720] =	vst v0  }
0x85: {  	[tilespmem:$0xA730] =	vst v0  }
0x86: {  	[tilespmem:$0xA740] =	vst v0  }
0x87: {  	[tilespmem:$0xA750] =	vst v0  }
0x88: {  	[tilespmem:$0xA760] =	vst v0  }
0x89: {  	[tilespmem:$0xA770] =	vst v0  }
0x8a: {  	[tilespmem:$0xA780] =	vst v0  }
0x8b: {  	[tilespmem:$0xA790] =	vst v0  }
0x8c: {  	[tilespmem:$0xA7A0] =	vst v0  }
0x8d: {  	[tilespmem:$0xA7B0] =	vst v0  }
0x8e: {  	[tilespmem:$0xA7C0] =	vst v0  }
0x8f: {  	[tilespmem:$0xA7D0] =	vst v0  }
0x90: {  	[tilespmem:$0xA7E0] =	vst v0  }
0x91: {  	[tilespmem:$0xA7F0] =	vst v0;
	s24 =	sadd.s32 $0x0, s7  }
0x92: {  	[spmem:s24] =	stream.linear.scatter [tilespmem:s11], [sflag:$0x3], $0x800, $0x38;
	[tilespmem:$0x1E800] =	vst v63  }
0x93: {  	s24 =	simm.s32 $0x2000;
	_ =	swait.ge [sflag:s12], $0x800  }
.LBB2_2:
0x94: {  	s25 =	sshra.s32 s24, $0x2;
	[sflag:s12] =	ssyncset.done $0x0;
	p1 =	sne.s32 s24, $0x4E000  }
.Ltmp0:
0x95: {  	s25 =	sadd.s32 s25, s7;
	[sflag:s12] =	ssyncadd.s32 $0xFFFFF800;
	(pc) =	sbr.rel @p1 .LBB2_2-.Ltmp0, $3  }
0x96: {  	[spmem:s25] =	stream.linear.scatter [tilespmem:s11], [sflag:$0x3], $0x800, $0x38;
	[tilespmem:$0x1E800] =	vst v63  }
0x97: {  	s24 =	sadd.s32 $0x2000, s24;
	_ =	sdelay $0x1  }
0x98: {  	_ =	swait.ge [sflag:s12], $0x800  }
0x99: {  	[sflag:s12] =	ssyncset.done $0x0  }
0x9a: {  	[sflag:s12] =	ssyncadd.s32 $0xFFFFF800  }
0x9b: {  	s24 =	simm.s32 $0x0;
	s25 =	simm.s32 $0x0;
	[bflag:$0x0] =	sbarrier.arrive $0xFFFF  }
.LBB2_4:
0x9c: {  	s26 =	sshll.u32 s25, $0xC  }
0x9d: {  	s26 =	sadd.s32 s8, s26  }
0x9e: {  	s26 =	sshrl.u32 s26, $0x3  }
0x9f: {  	s28 =	sadd.s32 s0, s26  }
0xa0: {  	[tilespmem:s24], [sflag:$0x3] =	stream.linear.gather [hbm4b:s28+s24], $0x1000, $0x38;
	[tilespmem:$0x1E800] =	vst v63  }
0xa1: {  	_ =	swait.ge [sflag:s12], $0x1000  }
0xa2: {  	[sflag:s12] =	ssyncset.done $0x0  }
0xa3: {  	s26 =	sadd.s32 s3, s26;
	[sflag:s12] =	ssyncadd.s32 $0xFFFFF000  }
0xa4: {  	[tilespmem:s13], [sflag:$0x3] =	stream.linear.gather [hbm4b:s26+s24], $0x1000, $0x38;
	[tilespmem:$0x1E800] =	vst v63  }
0xa5: {  	_ =	swait.ge [sflag:s12], $0x1000  }
0xa6: {  	[sflag:s12] =	ssyncset.done $0x0  }
0xa7: {  	[sflag:s12] =	ssyncadd.s32 $0xFFFFF000  }
0xa8: {  	[tilespmem:s15], [sflag:$0x1] =	stream.indirect.gather [hbm4b:s6+s14], $0x80, s24, s14, $0xb8;
	[tilespmem:$0x1E800] =	vst v63  }
0xa9: {  	s31 =	simm.s32 $0x80  }
0xaa: {  	[tilespmem:s16], [sflag:$0x2] =	stream.indirect.gather [hbm4b:s6+s14], $0x80, s31, s14, $0xb8;
	[tilespmem:$0x1E800] =	vst v63  }
0xab: {  	_ =	swait.ge [sflag:s17], $0x4000  }
0xac: {  	[sflag:s17] =	ssyncset.done $0x0  }
0xad: {  	s29 =	simm.s32 $0x1000;
	[sflag:s17] =	ssyncadd.s32 $0xFFFFC000  }
0xae: {  	[spmem:s4] =	stream.indirect.scatter.add.f32 [tilespmem:s15], [sflag:$0x3], $0x80, s29, s14, $0xb8;
	[tilespmem:$0x1E800] =	vst v63  }
0xaf: {  	_ =	swait.ge [sflag:s12], $0x4000  }
0xb0: {  	[sflag:s12] =	ssyncset.done $0x0  }
0xb1: {  	s30 =	simm.s32 $0x100;
	[sflag:s12] =	ssyncadd.s32 $0xFFFFC000  }
0xb2: {  	[tilespmem:s15], [sflag:$0x1] =	stream.indirect.gather [hbm4b:s6+s14], $0x80, s30, s14, $0xb8;
	[tilespmem:$0x1E800] =	vst v63  }
0xb3: {  	_ =	swait.ge [sflag:s18], $0x4000  }
0xb4: {  	[sflag:s18] =	ssyncset.done $0x0  }
0xb5: {  	s31 =	simm.s32 $0x1080;
	[sflag:s18] =	ssyncadd.s32 $0xFFFFC000  }
0xb6: {  	[spmem:s4] =	stream.indirect.scatter.add.f32 [tilespmem:s16], [sflag:$0x3], $0x80, s31, s14, $0xb8;
	[tilespmem:$0x1E800] =	vst v63  }
0xb7: {  	_ =	swait.ge [sflag:s12], $0x4000  }
0xb8: {  	s28 =	simm.s32 $0x800;
	s26 =	simm.s32 $0x100;
	[sflag:s12] =	ssyncset.done $0x0  }
.LBB2_5:
0xb9: {  	s29 =	sadd.s32 $0x80, s26  }
0xba: {  	[sflag:s12] =	ssyncadd.s32 $0xFFFFC000;
	s30 =	smov.u32 s28;
	s31 =	sadd.s32 $0x400, s28  }
0xbb: {  	[tilespmem:s16], [sflag:$0x2] =	stream.indirect.gather [hbm4b:s6+s14], $0x80, s29, s14, $0xb8;
	[tilespmem:$0x1E800] =	vst v63  }
0xbc: {  	p1 =	sne.s32 s28, $0x3800;
	_ =	swait.ge [sflag:s17], $0x4000  }
0xbd: {  	[sflag:s17] =	ssyncset.done $0x0  }
0xbe: {  	s28 =	sadd.s32 $0x1000, s26;
	[sflag:s17] =	ssyncadd.s32 $0xFFFFC000  }
0xbf: {  	[spmem:s4] =	stream.indirect.scatter.add.f32 [tilespmem:s15], [sflag:$0x3], $0x80, s28, s14, $0xb8;
	[tilespmem:$0x1E800] =	vst v63  }
0xc0: {  	_ =	swait.ge [sflag:s12], $0x4000  }
0xc1: {  	[sflag:s12] =	ssyncset.done $0x0  }
0xc2: {  	s28 =	sadd.s32 $0x100, s26;
	[sflag:s12] =	ssyncadd.s32 $0xFFFFC000  }
0xc3: {  	[tilespmem:s15], [sflag:$0x1] =	stream.indirect.gather [hbm4b:s6+s14], $0x80, s28, s14, $0xb8;
	[tilespmem:$0x1E800] =	vst v63  }
0xc4: {  	_ =	swait.ge [sflag:s18], $0x4000  }
.Ltmp1:
0xc5: {  	[sflag:s18] =	ssyncset.done $0x0;
	(pc) =	sbr.rel @p1 .LBB2_5-.Ltmp1, $4  }
0xc6: {  	s26 =	sadd.s32 $0x1080, s26;
	[sflag:s18] =	ssyncadd.s32 $0xFFFFC000  }
0xc7: {  	[spmem:s4] =	stream.indirect.scatter.add.f32 [tilespmem:s16], [sflag:$0x3], $0x80, s26, s14, $0xb8;
	[tilespmem:$0x1E800] =	vst v63  }
0xc8: {  	_ =	swait.ge [sflag:s12], $0x4000  }
0xc9: {  	s28 =	smov.u32 s31;
	s26 =	sshra.s32 s30, $0x2;
	[sflag:s12] =	ssyncset.done $0x0  }
0xca: {  	s28 =	sadd.s32 $0x80, s26;
	[sflag:s12] =	ssyncadd.s32 $0xFFFFC000  }
0xcb: {  	[tilespmem:s16], [sflag:$0x2] =	stream.indirect.gather [hbm4b:s6+s14], $0x80, s28, s14, $0xb8;
	[tilespmem:$0x1E800] =	vst v63  }
0xcc: {  	_ =	swait.ge [sflag:s17], $0x4000  }
0xcd: {  	[sflag:s17] =	ssyncset.done $0x0  }
0xce: {  	s29 =	sadd.s32 $0x1000, s26;
	[sflag:s17] =	ssyncadd.s32 $0xFFFFC000  }
0xcf: {  	[spmem:s4] =	stream.indirect.scatter.add.f32 [tilespmem:s15], [sflag:$0x3], $0x80, s29, s14, $0xb8;
	[tilespmem:$0x1E800] =	vst v63  }
0xd0: {  	_ =	swait.ge [sflag:s12], $0x4000  }
0xd1: {  	[sflag:s12] =	ssyncset.done $0x0  }
0xd2: {  	s30 =	sadd.s32 $0x100, s26;
	[sflag:s12] =	ssyncadd.s32 $0xFFFFC000  }
0xd3: {  	[tilespmem:s15], [sflag:$0x1] =	stream.indirect.gather [hbm4b:s6+s14], $0x80, s30, s14, $0xb8;
	[tilespmem:$0x1E800] =	vst v63  }
0xd4: {  	_ =	swait.ge [sflag:s18], $0x4000  }
0xd5: {  	[sflag:s18] =	ssyncset.done $0x0  }
0xd6: {  	s31 =	sadd.s32 $0x1080, s26;
	[sflag:s18] =	ssyncadd.s32 $0xFFFFC000  }
0xd7: {  	[spmem:s4] =	stream.indirect.scatter.add.f32 [tilespmem:s16], [sflag:$0x3], $0x80, s31, s14, $0xb8;
	[tilespmem:$0x1E800] =	vst v63  }
0xd8: {  	_ =	swait.ge [sflag:s12], $0x4000  }
0xd9: {  	[sflag:s12] =	ssyncset.done $0x0  }
0xda: {  	[sflag:s12] =	ssyncadd.s32 $0xFFFFC000  }
0xdb: {  	[tilespmem:s16], [sflag:$0x2] =	stream.indirect.gather [hbm4b:s6+s14], $0x80, s19, s14, $0xb8;
	[tilespmem:$0x1E800] =	vst v63  }
0xdc: {  	_ =	swait.ge [sflag:s17], $0x4000  }
0xdd: {  	[sflag:s17] =	ssyncset.done $0x0  }
0xde: {  	[sflag:s17] =	ssyncadd.s32 $0xFFFFC000  }
0xdf: {  	[spmem:s4] =	stream.indirect.scatter.add.f32 [tilespmem:s15], [sflag:$0x3], $0x80, s20, s14, $0xb8;
	[tilespmem:$0x1E800] =	vst v63  }
0xe0: {  	_ =	swait.ge [sflag:s12], $0x4000  }
0xe1: {  	[sflag:s12] =	ssyncset.done $0x0  }
0xe2: {  	[sflag:s12] =	ssyncadd.s32 $0xFFFFC000  }
0xe3: {  	p1 =	slt.u32 @!p0 s25, $0x3;
	_ =	swait.ge [sflag:s18], $0x4000  }
0xe4: {  	p1 =	por p0, !p1;
	[sflag:s18] =	ssyncset.done $0x0  }
.Ltmp2:
0xe5: {  	[sflag:s18] =	ssyncadd.s32 $0xFFFFC000;
	(pc) =	sbr.rel @!p1 .LBB2_4-.Ltmp2, $4  }
0xe6: {  	[spmem:s4] =	stream.indirect.scatter.add.f32 [tilespmem:s16], [sflag:$0x3], $0x80, s21, s14, $0xb8;
	[tilespmem:$0x1E800] =	vst v63  }
0xe7: {  	_ =	swait.ge [sflag:s12], $0x4000  }
0xe8: {  	[sflag:s12] =	ssyncset.done $0x0  }
0xe9: {  	s25 =	sadd.s32 $0x1, s25;
	[sflag:s12] =	ssyncadd.s32 $0xFFFFC000  }
0xea: {  	s5 =	sadd.s32 $0x1, s5  }
0xeb: {  	p1 =	sne.s32 s5, s10  }
.Ltmp3:
0xec: {  	[bflag:$0x0] =	sbarrier.arrive $0xFFFF;
	(pc) =	sbr.rel @p1 .LBB2_1-.Ltmp3, $4  }
0xed: {  	[hbm:s9], [sflag:s22] =	dma.local [spmem:s23], $0x2800  }
0xee: {  	_ =	swait.ge [sflag:s12], $0x2800  }
0xef: {  	[sflag:s12] =	ssyncset.done $0x0  }
0xf0: {  	[sflag:s12] =	ssyncadd.s32 $0xFFFFD800  }
0xf1: {  	_ =	sfence.sel $0x180000  }
0xf2: {  	[bflag:$0x0] =	sbarrier.arrive $0xFFFF  }
0xf3: {  	p0 =	sne.s32 s2, $0x0;
	_ =	strace $0x9000004A  }
0xf4: {  	s0 =	sadd.s32 @!p0 $0x100000, s1;
	[bflag:$0x2] =	sbarrier.arrive $0xFFFF  }
0xf5: {  	[sflag:s0] =	ssyncadd.tile.s32 @!p0 $0x1;
	_ =	shalt  }
.Lfunc_end2:
_tile_overlayer_lowered:
.L_overlay_start_2:
0xf6: {  	(tag) =	ssettag $0x2  }
0xf7: {  	s0 =	rddreg [dreg:$0x0];
	s2 =	stileid.u32  }
0xf8: {  	s1 =	rddreg [dreg:$0x1];
	p0 =	sne.s32 s2, $0x0  }
0xf9: {  	s3 =	rddreg [dreg:$0x2];
	[bflag:$0x3] =	sbarrier.arrive $0xFFFF;
	s2 =	simm.s32 @!p0 $0x1C03  }
0xfa: {  	[timem:s3], [sflag:s2] =	dma.local @!p0 [hbm:s0], s1  }
0xfb: {  	s0 =	simm.s32 @!p0 $0x3  }
0xfc: {  	_ =	swait.ge @!p0 [sflag:s0], s1  }
0xfd: {  	s1 =	ssub.s32 @!p0 $0x0, s1;
	[sflag:s0] =	ssyncset.done @!p0 $0x0  }
0xfe: {  	[sflag:s0] =	ssyncadd.s32 @!p0 s1  }
0xff: {  	[bflag:$0x3] =	sbarrier.arrive $0xFFFF  }
0x100: {  	_ =	shalt  }

// kernel: kernel.14.cloned.1.call-start
scs
__scs_entry_jumppad:
0x0: {  	(pc) =	sbr.rel $0x88, $3  }
0x1: {  	(tag) =	ssettag $0x0;
	lr =	simm.s32 $0x1  }
0x2: {  	[smem:$0x3F97] =	sst lr;
	_ =	strace $0xD0000000  }
0x3: {  	_ = 	snop  }
0x4: {  	_ = 	snop  }
0x5: {  	_ = 	snop  }
0x6: {  	_ = 	snop  }
0x7: {  	_ = 	snop  }
__scs_overlays_trampoline_lowered:
0x8: {  	[smem:$0x3FA6] =	sst s0  }
0x9: {  	[smem:$0x3FA7] =	sst s1  }
0xa: {  	[smem:$0x3FA8] =	sst s2  }
0xb: {  	[smem:$0x3FA9] =	sst s3  }
0xc: {  	[smem:$0x3FAA] =	sst s4  }
0xd: {  	[smem:$0x3FAB] =	sst s5  }
0xe: {  	[smem:$0x3FAC] =	sst s6  }
0xf: {  	[smem:$0x3FAD] =	sst s7  }
0x10: {  	[smem:$0x3FAE] =	sst s8  }
0x11: {  	[smem:$0x3FAF] =	sst s9;
	s0 =	simm.s32 @!p0 $0x0  }
0x12: {  	s1 =	sld [smem:$0x3F95];
	s0 =	simm.s32 @p0 $0x1  }
0x13: {  	[smem:$0x3FB0] =	sst s0;
	s0 =	simm.s32 @!p1 $0x0  }
0x14: {  	s2 =	sld [smem:$0x3F94];
	s0 =	simm.s32 @p1 $0x1  }
0x15: {  	[smem:$0x3FB1] =	sst s0;
	s0 =	simm.s32 @!p2 $0x0  }
0x16: {  	s3 =	sld [smem:$0x3FDB];
	s0 =	simm.s32 @p2 $0x1  }
0x17: {  	s4 =	simm.s32 $0x1BF5;
	[smem:$0x3FB3] =	sst s0  }
0x18: {  	s0 =	sld [smem:$0x3F96];
	_ =	swait.ge [sflag:s4], $0x0  }
0x19: {  	s7 =	sld [smem:$0x3F97]  }
0x1a: {  	s8 =	sadd.s32 $0xFFFFE003, lr  }
0x1b: {  	s9 =	sadd.s32 $0xFFFFFEF7, lr;
	s5 =	simm.s32 $0xFFFFFFFF;
	p2 =	slt.u32 s8, $0xFFFFF086  }
0x1c: {  	p1 =	slt.u32 s9, $0xF7A;
	s5 =	simm.s32 @!p2 $0x0  }
0x1d: {  	s5 =	simm.s32 @p1 $0x1;
	p0 =	seq.s32 s7, s2  }
0x1e: {  	s7 =	smul.u32 @!p0 $0xF7A, s2;
	p2 =	seq.s32 @!p0 s5, $0x0  }
0x1f: {  	s9 =	smul.u32 $0xF7A, s1;
	s8 =	simm.s32 @!p0 $0x1BF5;
	p2 =	por !p2, p0  }
0x20: {  	[sflag:s8] =	ssyncset.s32 @!p0 $0xFFFFF086;
	s6 =	sadd.s32 @!p0 s3, s7;
	s7 =	simm.s32 @!p0 $0x108  }
0x21: {  	s3 =	sadd.s32 s3, s9;
	s6 =	sadd.s32 @!p0 $0x88, s6;
	s7 =	simm.s32 @p2 $0x1082  }
0x22: {  	[simem:s7], [sflag:s8] =	dma.local @!p0 [hbm:s6], $0xF7A  }
0x23: {  	s9 =	sor.u32 $0xD0000000, s2;
	s6 =	simm.s32 $0x108;
	_ =	swait.ge @!p0 [sflag:s8], $0x0  }
0x24: {  	s3 =	sadd.s32 $0x88, s3;
	s6 =	simm.s32 @!p1 $0x1082;
	[sflag:s4] =	ssyncset.s32 $0xFFFFF086  }
0x25: {  	[simem:s6], [sflag:s4] =	dma.local [hbm:s3], $0xF7A  }
0x26: {  	[smem:$0x3F97] =	sst s1;
	(tag) =	ssettag s2;
	_ =	strace s9  }
0x27: {  	s1 =	sld [smem:$0x3FA7]  }
0x28: {  	s2 =	sld [smem:$0x3FA8]  }
0x29: {  	s4 =	sld [smem:$0x3FAA]  }
0x2a: {  	p0 =	seq.s32 s5, $0x0;
	s5 =	sld [smem:$0x3FAB]  }
0x2b: {  	s6 =	sld [smem:$0x3FAC]  }
0x2c: {  	s7 =	sld [smem:$0x3FAD]  }
0x2d: {  	s3 =	simm.s32 $0x108;
	s8 =	sld [smem:$0x3FAE]  }
0x2e: {  	s3 =	simm.s32 @!p0 $0x1082;
	s9 =	sld [smem:$0x3FAF]  }
0x2f: {  	lr =	sadd.s32 s0, s3;
	s0 =	sld [smem:$0x3FA6]  }
0x30: {  	s3 =	sld [smem:$0x3FA9]  }
0x31: {  	[smem:$0x3FB2] =	sst s10  }
0x32: {  	s10 =	sld [smem:$0x3FB0];
	_ =	sdelay $0x3  }
0x33: {  	p0 =	seq.s32 s10, $0x1;
	s10 =	sld [smem:$0x3FB2];
	_ =	sdelay $0x3  }
0x34: {  	[smem:$0x3FB2] =	sst s10  }
0x35: {  	s10 =	sld [smem:$0x3FB1];
	_ =	sdelay $0x3  }
0x36: {  	p1 =	seq.s32 s10, $0x1;
	s10 =	sld [smem:$0x3FB2];
	_ =	sdelay $0x3  }
0x37: {  	[smem:$0x3FB2] =	sst s10  }
0x38: {  	s10 =	sld [smem:$0x3FB3]  }
0x39: {  	_ = 	snop;
	(pc) =	sbr.ind lr, $3  }
0x3a: {  	_ = 	snop  }
0x3b: {  	_ = 	snop  }
0x3c: {  	p2 =	seq.s32 s10, $0x1;
	s10 =	sld [smem:$0x3FB2]  }
0x3d: {  	_ =	shalt  }
0x3e: {  	_ =	shalt  }
0x3f: {  	_ =	shalt  }
0x40: {  	_ =	shalt  }
0x41: {  	_ =	shalt  }
0x42: {  	_ =	shalt  }
0x43: {  	_ =	shalt  }
0x44: {  	_ =	shalt  }
0x45: {  	_ =	shalt  }
0x46: {  	_ =	shalt  }
0x47: {  	_ =	shalt  }
0x48: {  	_ =	shalt  }
0x49: {  	_ =	shalt  }
0x4a: {  	_ =	shalt  }
0x4b: {  	_ =	shalt  }
0x4c: {  	_ =	shalt  }
0x4d: {  	_ =	shalt  }
0x4e: {  	_ =	shalt  }
0x4f: {  	_ =	shalt  }
0x50: {  	_ =	shalt  }
0x51: {  	_ =	shalt  }
0x52: {  	_ =	shalt  }
0x53: {  	_ =	shalt  }
0x54: {  	_ =	shalt  }
0x55: {  	_ =	shalt  }
0x56: {  	_ =	shalt  }
0x57: {  	_ =	shalt  }
0x58: {  	_ =	shalt  }
0x59: {  	_ =	shalt  }
0x5a: {  	_ =	shalt  }
0x5b: {  	_ =	shalt  }
0x5c: {  	_ =	shalt  }
0x5d: {  	_ =	shalt  }
0x5e: {  	_ =	shalt  }
0x5f: {  	_ =	shalt  }
0x60: {  	_ =	shalt  }
0x61: {  	_ =	shalt  }
0x62: {  	_ =	shalt  }
0x63: {  	_ =	shalt  }
0x64: {  	_ =	shalt  }
0x65: {  	_ =	shalt  }
0x66: {  	_ =	shalt  }
0x67: {  	_ =	shalt  }
0x68: {  	_ =	shalt  }
0x69: {  	_ =	shalt  }
0x6a: {  	_ =	shalt  }
0x6b: {  	_ =	shalt  }
0x6c: {  	_ =	shalt  }
0x6d: {  	_ =	shalt  }
0x6e: {  	_ =	shalt  }
0x6f: {  	_ =	shalt  }
0x70: {  	_ =	shalt  }
0x71: {  	_ =	shalt  }
0x72: {  	_ =	shalt  }
0x73: {  	_ =	shalt  }
0x74: {  	_ =	shalt  }
0x75: {  	_ =	shalt  }
0x76: {  	_ =	shalt  }
0x77: {  	_ =	shalt  }
0x78: {  	_ =	shalt  }
0x79: {  	_ =	shalt  }
0x7a: {  	_ =	shalt  }
0x7b: {  	_ =	shalt  }
0x7c: {  	_ =	shalt  }
0x7d: {  	_ =	shalt  }
0x7e: {  	_ =	shalt  }
0x7f: {  	_ =	shalt  }
0x80: {  	_ =	shalt  }
0x81: {  	_ =	shalt  }
0x82: {  	_ =	shalt  }
0x83: {  	_ =	shalt  }
0x84: {  	_ =	shalt  }
0x85: {  	_ =	shalt  }
0x86: {  	_ =	shalt  }
0x87: {  	_ =	shalt  }
.Lfunc_end0:
.L_simem_size_0:
called_computation.2_lowered:
.L_overlay_start_0:
0x88: {  	s2 =	sld [smem:$0x3FD9]  }
0x89: {  	s3 =	sld [smem:$0x3FFE];
	_ =	sdelay $0x1  }
0x8a: {  	s1 =	srdreg.scid  }
0x8b: {  	s0 =	sand.u32 $0x1, s1  }
0x8c: {  	s14 =	sshll.u32 s0, $0xA;
	s2 =	sadd.s32 s3, s2  }
0x8d: {  	s2 =	sadd.s32 s2, s14  }
0x8e: {  	[smem:$0x3FBE] =	sst s2  }
0x8f: {  	_ = 	snop  }
0x90: {  	s2 =	sld [smem:$0x3FD0];
	_ =	sdelay $0x2  }
0x91: {  	s15 =	simm.s32 $0xA;
	s4 =	simm.s32 $0x10  }
0x92: {  	[smem:s4], [sflag:s15] =	dma.local [hbm:s2], $0x1  }
0x93: {  	_ =	swait.eq [sflag:s15], $0x1  }
0x94: {  	[sflag:s15] =	ssyncset.done $0x0  }
0x95: {  	s16 =	sld [smem:$0x10];
	[sflag:s15] =	ssyncadd.s32 $0xFFFFFFFF  }
0x96: {  	s17 =	sld [smem:$0x11];
	(tm) =	ssettm $0x1  }
0x97: {  	s18 =	sld [smem:$0x3FFB];
	_ =	sdelay $0x3  }
0x98: {  	_ =	strace s18  }
0x99: {  	s4 =	sld [smem:$0x3FFC];
	_ =	sdelay $0x3  }
0x9a: {  	_ =	strace s4  }
0x9b: {  	s4 =	sld [smem:$0x3FFD];
	_ =	sdelay $0x3  }
0x9c: {  	_ =	strace s4  }
0x9d: {  	_ =	strace $0x8FFFFFFF  }
0x9e: {  	s19 =	sld [smem:$0x3FDB];
	_ =	sdelay $0x1  }
0x9f: {  	s5 =	simm.s32 $_scs_section_size  }
0xa0: {  	s6 =	simm.s32 $_size__tile_overlayer_lowered;
	s7 =	simm.s32 $_tile_overlayer_lowered  }
0xa1: {  	s22 =	simm.s32 $0x1BFF;
	s21 =	sshll.u32 s7, $0x1;
	s4 =	sadd.s32 s5, s19  }
0xa2: {  	s8 =	simm.s32 $0x0;
	s20 =	sshll.u32 s6, $0x1;
	s6 =	sadd.s32 s21, s4  }
0xa3: {  	[timem:s8], [sflag:s22] =	dma.local [hbm:s6], s20  }
0xa4: {  	_ =	swait.ge [sflag:s22], s20  }
0xa5: {  	s5 =	ssub.s32 $0x0, s20;
	[sflag:s22] =	ssyncset.done $0x0  }
0xa6: {  	[sflag:s22] =	ssyncadd.s32 s5;
	_ =	sdelay $0x1  }
0xa7: {  	s23 =	simm.s32 $0x1B8B  }
0xa8: {  	_ =	swait.ge [sflag:s23], $0x1  }
0xa9: {  	[sflag:s23] =	ssyncset.done $0x0  }
0xaa: {  	s25 =	simm.s32 $0x1B8E;
	s24 =	sld [smem:$0x3FFE];
	[sflag:s23] =	ssyncadd.s32 $0xFFFFFFFF  }
0xab: {  	s26 =	simm.s32 $execute0_lowered;
	[smem:$0x3FD2] =	sst s25  }
0xac: {  	s6 =	sshll.u32 s26, $0x1;
	_ =	strace $0x8000004C;
	[dreg:$0x1] =	wrdreg $0xFFFFFFFF  }
0xad: {  	s28 =	simm.s32 $_size_execute0_lowered;
	s4 =	sadd.s32 s4, s6;
	[dreg:$0x0] =	wrdreg $0x0  }
0xae: {  	s6 =	sshll.u32 s28, $0x1;
	[dreg:$0x2] =	wrdreg s4  }
0xaf: {  	[dreg:$0x3] =	wrdreg s6  }
0xb0: {  	[dreg:$0x4] =	wrdreg $0xC0  }
0xb1: {  	_ =	task [dreg:s8], $0x5FFFF  }
0xb2: {  	[dreg:$0x1] =	wrdreg $0xFFFFFFFF  }
0xb3: {  	[dreg:$0x0] =	wrdreg $0x60  }
0xb4: {  	[dreg:$0x2] =	wrdreg s24  }
0xb5: {  	[dreg:$0x3] =	wrdreg s16  }
0xb6: {  	[dreg:$0x4] =	wrdreg s17  }
0xb7: {  	[dreg:$0x5] =	wrdreg $0xA8000  }
0xb8: {  	[dreg:$0x6] =	wrdreg $0x9  }
0xb9: {  	_ =	task.clear_ibuf [dreg:s8], $0x7FFFF;
	_ =	strace $0x9000004C  }
0xba: {  	s29 =	simm.s32 $0x9;
	_ =	strace $0x8000004E  }
0xbb: {  	_ =	swait.ge [sflag:s29], $0x1  }
0xbc: {  	[sflag:s29] =	ssyncadd.s32 $0xFFFFFFFF  }
0xbd: {  	_ =	strace $0x9000004E  }
0xbe: {  	_ =	sfence  }
0xbf: {  	s30 =	sld [smem:$0x0];
	_ =	sdelay $0x2  }
0xc0: {  	s31 =	sshll.u32 s1, $0xD;
	s1 =	sshrl.u32 s1, $0x2  }
0xc1: {  	s3 =	sand.u32 $0x4000, s31;
	s1 =	sadd.s32 s1, s30  }
0xc2: {  	s0 =	sor.u32 s3, s0;
	s1 =	sshll.u32 s1, $0x11  }
0xc3: {  	s0 =	sor.u32 s1, s0  }
0xc4: {  	s0 =	sadd.s32 $0x8F2B, s0  }
0xc5: {  	[sflag:s0] =	ssyncadd.remote.s32 $0x1  }
0xc6: {  	_ =	sfence.sel $0xFFFF  }
0xc7: {  	[dreg:$0x0] =	wrdreg $0xFFFFFFFF;
	(pc) =	sbr.abs _section_cstart, $3  }
0xc8: {  	[dreg:$0x1] =	wrdreg $0xFFFFFFFF  }
0xc9: {  	_ =	task.clear_ibuf [dreg:s8], $0x2FFFF;
	_ =	strace $0x9FFFFFFF  }
0xca: {  	(tm) =	ssettm $0x7FFFFFFF  }
0xcb: {  	_ =	shalt  }
tec
execute0_lowered:
.L_overlay_start_1:
0x0: {  	(tag) =	ssettag $0x1  }
0x1: {  	s7 =	rddreg [dreg:$0x0]  }
0x2: {  	s0 =	rddreg [dreg:$0x1]  }
0x3: {  	s3 =	rddreg [dreg:$0x2];
	s1 =	srdreg.scid  }
0x4: {  	s4 =	rddreg [dreg:$0x3];
	s2 =	stileid.u32  }
0x5: {  	s5 =	simm.s32 $0x0;
	s12 =	simm.s32 $0x3;
	s13 =	simm.s32 $0x1000  }
0x6: {  	s14 =	simm.s32 $0x80;
	s15 =	simm.s32 $0x2000;
	s16 =	simm.s32 $0x6000  }
0x7: {  	s17 =	simm.s32 $0x1;
	s18 =	simm.s32 $0x2;
	s20 =	simm.s32 $0x1F00  }
0x8: {  	s19 =	sand.u32 $0x1, s1;
	s1 =	rddreg [dreg:$0x4];
	s8 =	smul.u32 $0x14000, s2  }
0x9: {  	s21 =	simm.s32 $0x1F80;
	[smem:$0x7FF] =	sst s5;
	s9 =	smul.u32 $0x50000, s2  }
0xa: {  	s31 =	sshll.u32 s2, $0xC;
	s22 =	sshll.u32 s2, $0x6;
	s6 =	smul.u32 $0x140000, s19  }
0xb: {  	_ =	strace $0x8000004D;
	s10 =	ssub.s32 $0x2, s19;
	p0 =	seq.s32 s19, $0x0  }
0xc: {  	s22 =	sor.u32 $0x1C03, s22;
	s29 =	sshrl.u32 s10, $0x1;
	s30 =	sshrl.u32 s9, $0x2  }
0xd: {  	s9 =	sshll.u32 s2, $0xE;
	s8 =	sadd.s32 s8, s6;
	s10 =	ssub.s32 s10, s29  }
0xe: {  	s6 =	sadd.s32 $0x3000, s7;
	s8 =	sshrl.u32 s8, $0x3;
	s10 =	smax.u32 s10, $0x1  }
0xf: {  	s11 =	sadd.s32 s8, s7;
	s7 =	sadd.s32 s30, s4;
	s8 =	sor.u32 $0x40000, s31  }
0x10: {  	s8 =	smov.u32 @p0 s9;
	s9 =	sadd.s32 $0x2A200, s11;
	s11 =	simm.s32 $0xA000  }
0x11: {  	v0 =	vimm.f32 $0.0e+00;
	p0 =	sne.s32 s19, $0x0;
	s19 =	simm.s32 $0xF80;
	s23 =	sshrl.u32 s7, $0x3  }
.LBB2_1:
0x12: {  	[tilespmem:$0xA000] =	vst v0  }
0x13: {  	[tilespmem:$0xA010] =	vst v0  }
0x14: {  	[tilespmem:$0xA020] =	vst v0  }
0x15: {  	[tilespmem:$0xA030] =	vst v0  }
0x16: {  	[tilespmem:$0xA040] =	vst v0  }
0x17: {  	[tilespmem:$0xA050] =	vst v0  }
0x18: {  	[tilespmem:$0xA060] =	vst v0  }
0x19: {  	[tilespmem:$0xA070] =	vst v0  }
0x1a: {  	[tilespmem:$0xA080] =	vst v0  }
0x1b: {  	[tilespmem:$0xA090] =	vst v0  }
0x1c: {  	[tilespmem:$0xA0A0] =	vst v0  }
0x1d: {  	[tilespmem:$0xA0B0] =	vst v0  }
0x1e: {  	[tilespmem:$0xA0C0] =	vst v0  }
0x1f: {  	[tilespmem:$0xA0D0] =	vst v0  }
0x20: {  	[tilespmem:$0xA0E0] =	vst v0  }
0x21: {  	[tilespmem:$0xA0F0] =	vst v0  }
0x22: {  	[tilespmem:$0xA100] =	vst v0  }
0x23: {  	[tilespmem:$0xA110] =	vst v0  }
0x24: {  	[tilespmem:$0xA120] =	vst v0  }
0x25: {  	[tilespmem:$0xA130] =	vst v0  }
0x26: {  	[tilespmem:$0xA140] =	vst v0  }
0x27: {  	[tilespmem:$0xA150] =	vst v0  }
0x28: {  	[tilespmem:$0xA160] =	vst v0  }
0x29: {  	[tilespmem:$0xA170] =	vst v0  }
0x2a: {  	[tilespmem:$0xA180] =	vst v0  }
0x2b: {  	[tilespmem:$0xA190] =	vst v0  }
0x2c: {  	[tilespmem:$0xA1A0] =	vst v0  }
0x2d: {  	[tilespmem:$0xA1B0] =	vst v0  }
0x2e: {  	[tilespmem:$0xA1C0] =	vst v0  }
0x2f: {  	[tilespmem:$0xA1D0] =	vst v0  }
0x30: {  	[tilespmem:$0xA1E0] =	vst v0  }
0x31: {  	[tilespmem:$0xA1F0] =	vst v0  }
0x32: {  	[tilespmem:$0xA200] =	vst v0  }
0x33: {  	[tilespmem:$0xA210] =	vst v0  }
0x34: {  	[tilespmem:$0xA220] =	vst v0  }
0x35: {  	[tilespmem:$0xA230] =	vst v0  }
0x36: {  	[tilespmem:$0xA240] =	vst v0  }
0x37: {  	[tilespmem:$0xA250] =	vst v0  }
0x38: {  	[tilespmem:$0xA260] =	vst v0  }
0x39: {  	[tilespmem:$0xA270] =	vst v0  }
0x3a: {  	[tilespmem:$0xA280] =	vst v0  }
0x3b: {  	[tilespmem:$0xA290] =	vst v0  }
0x3c: {  	[tilespmem:$0xA2A0] =	vst v0  }
0x3d: {  	[tilespmem:$0xA2B0] =	vst v0  }
0x3e: {  	[tilespmem:$0xA2C0] =	vst v0  }
0x3f: {  	[tilespmem:$0xA2D0] =	vst v0  }
0x40: {  	[tilespmem:$0xA2E0] =	vst v0  }
0x41: {  	[tilespmem:$0xA2F0] =	vst v0  }
0x42: {  	[tilespmem:$0xA300] =	vst v0  }
0x43: {  	[tilespmem:$0xA310] =	vst v0  }
0x44: {  	[tilespmem:$0xA320] =	vst v0  }
0x45: {  	[tilespmem:$0xA330] =	vst v0  }
0x46: {  	[tilespmem:$0xA340] =	vst v0  }
0x47: {  	[tilespmem:$0xA350] =	vst v0  }
0x48: {  	[tilespmem:$0xA360] =	vst v0  }
0x49: {  	[tilespmem:$0xA370] =	vst v0  }
0x4a: {  	[tilespmem:$0xA380] =	vst v0  }
0x4b: {  	[tilespmem:$0xA390] =	vst v0  }
0x4c: {  	[tilespmem:$0xA3A0] =	vst v0  }
0x4d: {  	[tilespmem:$0xA3B0] =	vst v0  }
0x4e: {  	[tilespmem:$0xA3C0] =	vst v0  }
0x4f: {  	[tilespmem:$0xA3D0] =	vst v0  }
0x50: {  	[tilespmem:$0xA3E0] =	vst v0  }
0x51: {  	[tilespmem:$0xA3F0] =	vst v0  }
0x52: {  	[tilespmem:$0xA400] =	vst v0  }
0x53: {  	[tilespmem:$0xA410] =	vst v0  }
0x54: {  	[tilespmem:$0xA420] =	vst v0  }
0x55: {  	[tilespmem:$0xA430] =	vst v0  }
0x56: {  	[tilespmem:$0xA440] =	vst v0  }
0x57: {  	[tilespmem:$0xA450] =	vst v0  }
0x58: {  	[tilespmem:$0xA460] =	vst v0  }
0x59: {  	[tilespmem:$0xA470] =	vst v0  }
0x5a: {  	[tilespmem:$0xA480] =	vst v0  }
0x5b: {  	[tilespmem:$0xA490] =	vst v0  }
0x5c: {  	[tilespmem:$0xA4A0] =	vst v0  }
0x5d: {  	[tilespmem:$0xA4B0] =	vst v0  }
0x5e: {  	[tilespmem:$0xA4C0] =	vst v0  }
0x5f: {  	[tilespmem:$0xA4D0] =	vst v0  }
0x60: {  	[tilespmem:$0xA4E0] =	vst v0  }
0x61: {  	[tilespmem:$0xA4F0] =	vst v0  }
0x62: {  	[tilespmem:$0xA500] =	vst v0  }
0x63: {  	[tilespmem:$0xA510] =	vst v0  }
0x64: {  	[tilespmem:$0xA520] =	vst v0  }
0x65: {  	[tilespmem:$0xA530] =	vst v0  }
0x66: {  	[tilespmem:$0xA540] =	vst v0  }
0x67: {  	[tilespmem:$0xA550] =	vst v0  }
0x68: {  	[tilespmem:$0xA560] =	vst v0  }
0x69: {  	[tilespmem:$0xA570] =	vst v0  }
0x6a: {  	[tilespmem:$0xA580] =	vst v0  }
0x6b: {  	[tilespmem:$0xA590] =	vst v0  }
0x6c: {  	[tilespmem:$0xA5A0] =	vst v0  }
0x6d: {  	[tilespmem:$0xA5B0] =	vst v0  }
0x6e: {  	[tilespmem:$0xA5C0] =	vst v0  }
0x6f: {  	[tilespmem:$0xA5D0] =	vst v0  }
0x70: {  	[tilespmem:$0xA5E0] =	vst v0  }
0x71: {  	[tilespmem:$0xA5F0] =	vst v0  }
0x72: {  	[tilespmem:$0xA600] =	vst v0  }
0x73: {  	[tilespmem:$0xA610] =	vst v0  }
0x74: {  	[tilespmem:$0xA620] =	vst v0  }
0x75: {  	[tilespmem:$0xA630] =	vst v0  }
0x76: {  	[tilespmem:$0xA640] =	vst v0  }
0x77: {  	[tilespmem:$0xA650] =	vst v0  }
0x78: {  	[tilespmem:$0xA660] =	vst v0  }
0x79: {  	[tilespmem:$0xA670] =	vst v0  }
0x7a: {  	[tilespmem:$0xA680] =	vst v0  }
0x7b: {  	[tilespmem:$0xA690] =	vst v0  }
0x7c: {  	[tilespmem:$0xA6A0] =	vst v0  }
0x7d: {  	[tilespmem:$0xA6B0] =	vst v0  }
0x7e: {  	[tilespmem:$0xA6C0] =	vst v0  }
0x7f: {  	[tilespmem:$0xA6D0] =	vst v0  }
0x80: {  	[tilespmem:$0xA6E0] =	vst v0  }
0x81: {  	[tilespmem:$0xA6F0] =	vst v0  }
0x82: {  	[tilespmem:$0xA700] =	vst v0  }
0x83: {  	[tilespmem:$0xA710] =	vst v0  }
0x84: {  	[tilespmem:$0xA720] =	vst v0  }
0x85: {  	[tilespmem:$0xA730] =	vst v0  }
0x86: {  	[tilespmem:$0xA740] =	vst v0  }
0x87: {  	[tilespmem:$0xA750] =	vst v0  }
0x88: {  	[tilespmem:$0xA760] =	vst v0  }
0x89: {  	[tilespmem:$0xA770] =	vst v0  }
0x8a: {  	[tilespmem:$0xA780] =	vst v0  }
0x8b: {  	[tilespmem:$0xA790] =	vst v0  }
0x8c: {  	[tilespmem:$0xA7A0] =	vst v0  }
0x8d: {  	[tilespmem:$0xA7B0] =	vst v0  }
0x8e: {  	[tilespmem:$0xA7C0] =	vst v0  }
0x8f: {  	[tilespmem:$0xA7D0] =	vst v0  }
0x90: {  	[tilespmem:$0xA7E0] =	vst v0  }
0x91: {  	[tilespmem:$0xA7F0] =	vst v0;
	s24 =	sadd.s32 $0x0, s7  }
0x92: {  	[spmem:s24] =	stream.linear.scatter [tilespmem:s11], [sflag:$0x3], $0x800, $0x38;
	[tilespmem:$0x1E800] =	vst v63  }
0x93: {  	s24 =	simm.s32 $0x2000;
	_ =	swait.ge [sflag:s12], $0x800  }
.LBB2_2:
0x94: {  	s25 =	sshra.s32 s24, $0x2;
	[sflag:s12] =	ssyncset.done $0x0;
	p1 =	sne.s32 s24, $0x4E000  }
.Ltmp0:
0x95: {  	s25 =	sadd.s32 s25, s7;
	[sflag:s12] =	ssyncadd.s32 $0xFFFFF800;
	(pc) =	sbr.rel @p1 .LBB2_2-.Ltmp0, $3  }
0x96: {  	[spmem:s25] =	stream.linear.scatter [tilespmem:s11], [sflag:$0x3], $0x800, $0x38;
	[tilespmem:$0x1E800] =	vst v63  }
0x97: {  	s24 =	sadd.s32 $0x2000, s24;
	_ =	sdelay $0x1  }
0x98: {  	_ =	swait.ge [sflag:s12], $0x800  }
0x99: {  	[sflag:s12] =	ssyncset.done $0x0  }
0x9a: {  	[sflag:s12] =	ssyncadd.s32 $0xFFFFF800  }
0x9b: {  	s24 =	simm.s32 $0x0;
	s25 =	simm.s32 $0x0;
	[bflag:$0x0] =	sbarrier.arrive $0xFFFF  }
.LBB2_4:
0x9c: {  	s26 =	sshll.u32 s25, $0xC  }
0x9d: {  	s26 =	sadd.s32 s8, s26  }
0x9e: {  	s26 =	sshrl.u32 s26, $0x3  }
0x9f: {  	s28 =	sadd.s32 s0, s26  }
0xa0: {  	[tilespmem:s24], [sflag:$0x3] =	stream.linear.gather [hbm4b:s28+s24], $0x1000, $0x38;
	[tilespmem:$0x1E800] =	vst v63  }
0xa1: {  	_ =	swait.ge [sflag:s12], $0x1000  }
0xa2: {  	[sflag:s12] =	ssyncset.done $0x0  }
0xa3: {  	s26 =	sadd.s32 s3, s26;
	[sflag:s12] =	ssyncadd.s32 $0xFFFFF000  }
0xa4: {  	[tilespmem:s13], [sflag:$0x3] =	stream.linear.gather [hbm4b:s26+s24], $0x1000, $0x38;
	[tilespmem:$0x1E800] =	vst v63  }
0xa5: {  	_ =	swait.ge [sflag:s12], $0x1000  }
0xa6: {  	[sflag:s12] =	ssyncset.done $0x0  }
0xa7: {  	[sflag:s12] =	ssyncadd.s32 $0xFFFFF000  }
0xa8: {  	[tilespmem:s15], [sflag:$0x1] =	stream.indirect.gather [hbm4b:s6+s14], $0x80, s24, s14, $0xb8;
	[tilespmem:$0x1E800] =	vst v63  }
0xa9: {  	s31 =	simm.s32 $0x80  }
0xaa: {  	[tilespmem:s16], [sflag:$0x2] =	stream.indirect.gather [hbm4b:s6+s14], $0x80, s31, s14, $0xb8;
	[tilespmem:$0x1E800] =	vst v63  }
0xab: {  	_ =	swait.ge [sflag:s17], $0x4000  }
0xac: {  	[sflag:s17] =	ssyncset.done $0x0  }
0xad: {  	s29 =	simm.s32 $0x1000;
	[sflag:s17] =	ssyncadd.s32 $0xFFFFC000  }
0xae: {  	[spmem:s4] =	stream.indirect.scatter.add.f32 [tilespmem:s15], [sflag:$0x3], $0x80, s29, s14, $0xb8;
	[tilespmem:$0x1E800] =	vst v63  }
0xaf: {  	_ =	swait.ge [sflag:s12], $0x4000  }
0xb0: {  	[sflag:s12] =	ssyncset.done $0x0  }
0xb1: {  	s30 =	simm.s32 $0x100;
	[sflag:s12] =	ssyncadd.s32 $0xFFFFC000  }
0xb2: {  	[tilespmem:s15], [sflag:$0x1] =	stream.indirect.gather [hbm4b:s6+s14], $0x80, s30, s14, $0xb8;
	[tilespmem:$0x1E800] =	vst v63  }
0xb3: {  	_ =	swait.ge [sflag:s18], $0x4000  }
0xb4: {  	[sflag:s18] =	ssyncset.done $0x0  }
0xb5: {  	s31 =	simm.s32 $0x1080;
	[sflag:s18] =	ssyncadd.s32 $0xFFFFC000  }
0xb6: {  	[spmem:s4] =	stream.indirect.scatter.add.f32 [tilespmem:s16], [sflag:$0x3], $0x80, s31, s14, $0xb8;
	[tilespmem:$0x1E800] =	vst v63  }
0xb7: {  	_ =	swait.ge [sflag:s12], $0x4000  }
0xb8: {  	s28 =	simm.s32 $0x800;
	s26 =	simm.s32 $0x100;
	[sflag:s12] =	ssyncset.done $0x0  }
.LBB2_5:
0xb9: {  	s29 =	sadd.s32 $0x80, s26  }
0xba: {  	[sflag:s12] =	ssyncadd.s32 $0xFFFFC000;
	s30 =	smov.u32 s28;
	s31 =	sadd.s32 $0x400, s28  }
0xbb: {  	[tilespmem:s16], [sflag:$0x2] =	stream.indirect.gather [hbm4b:s6+s14], $0x80, s29, s14, $0xb8;
	[tilespmem:$0x1E800] =	vst v63  }
0xbc: {  	p1 =	sne.s32 s28, $0x3800;
	_ =	swait.ge [sflag:s17], $0x4000  }
0xbd: {  	[sflag:s17] =	ssyncset.done $0x0  }
0xbe: {  	s28 =	sadd.s32 $0x1000, s26;
	[sflag:s17] =	ssyncadd.s32 $0xFFFFC000  }
0xbf: {  	[spmem:s4] =	stream.indirect.scatter.add.f32 [tilespmem:s15], [sflag:$0x3], $0x80, s28, s14, $0xb8;
	[tilespmem:$0x1E800] =	vst v63  }
0xc0: {  	_ =	swait.ge [sflag:s12], $0x4000  }
0xc1: {  	[sflag:s12] =	ssyncset.done $0x0  }
0xc2: {  	s28 =	sadd.s32 $0x100, s26;
	[sflag:s12] =	ssyncadd.s32 $0xFFFFC000  }
0xc3: {  	[tilespmem:s15], [sflag:$0x1] =	stream.indirect.gather [hbm4b:s6+s14], $0x80, s28, s14, $0xb8;
	[tilespmem:$0x1E800] =	vst v63  }
0xc4: {  	_ =	swait.ge [sflag:s18], $0x4000  }
.Ltmp1:
0xc5: {  	[sflag:s18] =	ssyncset.done $0x0;
	(pc) =	sbr.rel @p1 .LBB2_5-.Ltmp1, $4  }
0xc6: {  	s26 =	sadd.s32 $0x1080, s26;
	[sflag:s18] =	ssyncadd.s32 $0xFFFFC000  }
0xc7: {  	[spmem:s4] =	stream.indirect.scatter.add.f32 [tilespmem:s16], [sflag:$0x3], $0x80, s26, s14, $0xb8;
	[tilespmem:$0x1E800] =	vst v63  }
0xc8: {  	_ =	swait.ge [sflag:s12], $0x4000  }
0xc9: {  	s28 =	smov.u32 s31;
	s26 =	sshra.s32 s30, $0x2;
	[sflag:s12] =	ssyncset.done $0x0  }
0xca: {  	s28 =	sadd.s32 $0x80, s26;
	[sflag:s12] =	ssyncadd.s32 $0xFFFFC000  }
0xcb: {  	[tilespmem:s16], [sflag:$0x2] =	stream.indirect.gather [hbm4b:s6+s14], $0x80, s28, s14, $0xb8;
	[tilespmem:$0x1E800] =	vst v63  }
0xcc: {  	_ =	swait.ge [sflag:s17], $0x4000  }
0xcd: {  	[sflag:s17] =	ssyncset.done $0x0  }
0xce: {  	s29 =	sadd.s32 $0x1000, s26;
	[sflag:s17] =	ssyncadd.s32 $0xFFFFC000  }
0xcf: {  	[spmem:s4] =	stream.indirect.scatter.add.f32 [tilespmem:s15], [sflag:$0x3], $0x80, s29, s14, $0xb8;
	[tilespmem:$0x1E800] =	vst v63  }
0xd0: {  	_ =	swait.ge [sflag:s12], $0x4000  }
0xd1: {  	[sflag:s12] =	ssyncset.done $0x0  }
0xd2: {  	s30 =	sadd.s32 $0x100, s26;
	[sflag:s12] =	ssyncadd.s32 $0xFFFFC000  }
0xd3: {  	[tilespmem:s15], [sflag:$0x1] =	stream.indirect.gather [hbm4b:s6+s14], $0x80, s30, s14, $0xb8;
	[tilespmem:$0x1E800] =	vst v63  }
0xd4: {  	_ =	swait.ge [sflag:s18], $0x4000  }
0xd5: {  	[sflag:s18] =	ssyncset.done $0x0  }
0xd6: {  	s31 =	sadd.s32 $0x1080, s26;
	[sflag:s18] =	ssyncadd.s32 $0xFFFFC000  }
0xd7: {  	[spmem:s4] =	stream.indirect.scatter.add.f32 [tilespmem:s16], [sflag:$0x3], $0x80, s31, s14, $0xb8;
	[tilespmem:$0x1E800] =	vst v63  }
0xd8: {  	_ =	swait.ge [sflag:s12], $0x4000  }
0xd9: {  	[sflag:s12] =	ssyncset.done $0x0  }
0xda: {  	[sflag:s12] =	ssyncadd.s32 $0xFFFFC000  }
0xdb: {  	[tilespmem:s16], [sflag:$0x2] =	stream.indirect.gather [hbm4b:s6+s14], $0x80, s19, s14, $0xb8;
	[tilespmem:$0x1E800] =	vst v63  }
0xdc: {  	_ =	swait.ge [sflag:s17], $0x4000  }
0xdd: {  	[sflag:s17] =	ssyncset.done $0x0  }
0xde: {  	[sflag:s17] =	ssyncadd.s32 $0xFFFFC000  }
0xdf: {  	[spmem:s4] =	stream.indirect.scatter.add.f32 [tilespmem:s15], [sflag:$0x3], $0x80, s20, s14, $0xb8;
	[tilespmem:$0x1E800] =	vst v63  }
0xe0: {  	_ =	swait.ge [sflag:s12], $0x4000  }
0xe1: {  	[sflag:s12] =	ssyncset.done $0x0  }
0xe2: {  	[sflag:s12] =	ssyncadd.s32 $0xFFFFC000  }
0xe3: {  	p1 =	slt.u32 @!p0 s25, $0x3;
	_ =	swait.ge [sflag:s18], $0x4000  }
0xe4: {  	p1 =	por p0, !p1;
	[sflag:s18] =	ssyncset.done $0x0  }
.Ltmp2:
0xe5: {  	[sflag:s18] =	ssyncadd.s32 $0xFFFFC000;
	(pc) =	sbr.rel @!p1 .LBB2_4-.Ltmp2, $4  }
0xe6: {  	[spmem:s4] =	stream.indirect.scatter.add.f32 [tilespmem:s16], [sflag:$0x3], $0x80, s21, s14, $0xb8;
	[tilespmem:$0x1E800] =	vst v63  }
0xe7: {  	_ =	swait.ge [sflag:s12], $0x4000  }
0xe8: {  	[sflag:s12] =	ssyncset.done $0x0  }
0xe9: {  	s25 =	sadd.s32 $0x1, s25;
	[sflag:s12] =	ssyncadd.s32 $0xFFFFC000  }
0xea: {  	s5 =	sadd.s32 $0x1, s5  }
0xeb: {  	p1 =	sne.s32 s5, s10  }
.Ltmp3:
0xec: {  	[bflag:$0x0] =	sbarrier.arrive $0xFFFF;
	(pc) =	sbr.rel @p1 .LBB2_1-.Ltmp3, $4  }
0xed: {  	[hbm:s9], [sflag:s22] =	dma.local [spmem:s23], $0x2800  }
0xee: {  	_ =	swait.ge [sflag:s12], $0x2800  }
0xef: {  	[sflag:s12] =	ssyncset.done $0x0  }
0xf0: {  	[sflag:s12] =	ssyncadd.s32 $0xFFFFD800  }
0xf1: {  	_ =	sfence.sel $0x180000  }
0xf2: {  	[bflag:$0x0] =	sbarrier.arrive $0xFFFF  }
0xf3: {  	p0 =	sne.s32 s2, $0x0;
	_ =	strace $0x9000004D  }
0xf4: {  	s0 =	sadd.s32 @!p0 $0x100000, s1;
	[bflag:$0x2] =	sbarrier.arrive $0xFFFF  }
0xf5: {  	[sflag:s0] =	ssyncadd.tile.s32 @!p0 $0x1;
	_ =	shalt  }
.Lfunc_end2:
_tile_overlayer_lowered:
.L_overlay_start_2:
0xf6: {  	(tag) =	ssettag $0x2  }
0xf7: {  	s0 =	rddreg [dreg:$0x0];
	s2 =	stileid.u32  }
0xf8: {  	s1 =	rddreg [dreg:$0x1];
	p0 =	sne.s32 s2, $0x0  }
0xf9: {  	s3 =	rddreg [dreg:$0x2];
	[bflag:$0x3] =	sbarrier.arrive $0xFFFF;
	s2 =	simm.s32 @!p0 $0x1C03  }
0xfa: {  	[timem:s3], [sflag:s2] =	dma.local @!p0 [hbm:s0], s1  }
0xfb: {  	s0 =	simm.s32 @!p0 $0x3  }
0xfc: {  	_ =	swait.ge @!p0 [sflag:s0], s1  }
0xfd: {  	s1 =	ssub.s32 @!p0 $0x0, s1;
	[sflag:s0] =	ssyncset.done @!p0 $0x0  }
0xfe: {  	[sflag:s0] =	ssyncadd.s32 @!p0 s1  }
0xff: {  	[bflag:$0x3] =	sbarrier.arrive $0xFFFF  }
0x100: {  	_ =	shalt  }

// kernel: kernel.8.cloned.1.call-start
scs
__scs_entry_jumppad:
0x0: {  	(pc) =	sbr.rel $0x88, $3  }
0x1: {  	(tag) =	ssettag $0x0;
	lr =	simm.s32 $0x1  }
0x2: {  	[smem:$0x3F97] =	sst lr;
	_ =	strace $0xD0000000  }
0x3: {  	_ = 	snop  }
0x4: {  	_ = 	snop  }
0x5: {  	_ = 	snop  }
0x6: {  	_ = 	snop  }
0x7: {  	_ = 	snop  }
__scs_overlays_trampoline_lowered:
0x8: {  	[smem:$0x3FA6] =	sst s0  }
0x9: {  	[smem:$0x3FA7] =	sst s1  }
0xa: {  	[smem:$0x3FA8] =	sst s2  }
0xb: {  	[smem:$0x3FA9] =	sst s3  }
0xc: {  	[smem:$0x3FAA] =	sst s4  }
0xd: {  	[smem:$0x3FAB] =	sst s5  }
0xe: {  	[smem:$0x3FAC] =	sst s6  }
0xf: {  	[smem:$0x3FAD] =	sst s7  }
0x10: {  	[smem:$0x3FAE] =	sst s8  }
0x11: {  	[smem:$0x3FAF] =	sst s9;
	s0 =	simm.s32 @!p0 $0x0  }
0x12: {  	s1 =	sld [smem:$0x3F95];
	s0 =	simm.s32 @p0 $0x1  }
0x13: {  	[smem:$0x3FB0] =	sst s0;
	s0 =	simm.s32 @!p1 $0x0  }
0x14: {  	s2 =	sld [smem:$0x3F94];
	s0 =	simm.s32 @p1 $0x1  }
0x15: {  	[smem:$0x3FB1] =	sst s0;
	s0 =	simm.s32 @!p2 $0x0  }
0x16: {  	s3 =	sld [smem:$0x3FDB];
	s0 =	simm.s32 @p2 $0x1  }
0x17: {  	s4 =	simm.s32 $0x1BF5;
	[smem:$0x3FB3] =	sst s0  }
0x18: {  	s0 =	sld [smem:$0x3F96];
	_ =	swait.ge [sflag:s4], $0x0  }
0x19: {  	s7 =	sld [smem:$0x3F97]  }
0x1a: {  	s8 =	sadd.s32 $0xFFFFE003, lr  }
0x1b: {  	s9 =	sadd.s32 $0xFFFFFEF7, lr;
	s5 =	simm.s32 $0xFFFFFFFF;
	p2 =	slt.u32 s8, $0xFFFFF086  }
0x1c: {  	p1 =	slt.u32 s9, $0xF7A;
	s5 =	simm.s32 @!p2 $0x0  }
0x1d: {  	s5 =	simm.s32 @p1 $0x1;
	p0 =	seq.s32 s7, s2  }
0x1e: {  	s7 =	smul.u32 @!p0 $0xF7A, s2;
	p2 =	seq.s32 @!p0 s5, $0x0  }
0x1f: {  	s9 =	smul.u32 $0xF7A, s1;
	s8 =	simm.s32 @!p0 $0x1BF5;
	p2 =	por !p2, p0  }
0x20: {  	[sflag:s8] =	ssyncset.s32 @!p0 $0xFFFFF086;
	s6 =	sadd.s32 @!p0 s3, s7;
	s7 =	simm.s32 @!p0 $0x108  }
0x21: {  	s3 =	sadd.s32 s3, s9;
	s6 =	sadd.s32 @!p0 $0x88, s6;
	s7 =	simm.s32 @p2 $0x1082  }
0x22: {  	[simem:s7], [sflag:s8] =	dma.local @!p0 [hbm:s6], $0xF7A  }
0x23: {  	s9 =	sor.u32 $0xD0000000, s2;
	s6 =	simm.s32 $0x108;
	_ =	swait.ge @!p0 [sflag:s8], $0x0  }
0x24: {  	s3 =	sadd.s32 $0x88, s3;
	s6 =	simm.s32 @!p1 $0x1082;
	[sflag:s4] =	ssyncset.s32 $0xFFFFF086  }
0x25: {  	[simem:s6], [sflag:s4] =	dma.local [hbm:s3], $0xF7A  }
0x26: {  	[smem:$0x3F97] =	sst s1;
	(tag) =	ssettag s2;
	_ =	strace s9  }
0x27: {  	s1 =	sld [smem:$0x3FA7]  }
0x28: {  	s2 =	sld [smem:$0x3FA8]  }
0x29: {  	s4 =	sld [smem:$0x3FAA]  }
0x2a: {  	p0 =	seq.s32 s5, $0x0;
	s5 =	sld [smem:$0x3FAB]  }
0x2b: {  	s6 =	sld [smem:$0x3FAC]  }
0x2c: {  	s7 =	sld [smem:$0x3FAD]  }
0x2d: {  	s3 =	simm.s32 $0x108;
	s8 =	sld [smem:$0x3FAE]  }
0x2e: {  	s3 =	simm.s32 @!p0 $0x1082;
	s9 =	sld [smem:$0x3FAF]  }
0x2f: {  	lr =	sadd.s32 s0, s3;
	s0 =	sld [smem:$0x3FA6]  }
0x30: {  	s3 =	sld [smem:$0x3FA9]  }
0x31: {  	[smem:$0x3FB2] =	sst s10  }
0x32: {  	s10 =	sld [smem:$0x3FB0];
	_ =	sdelay $0x3  }
0x33: {  	p0 =	seq.s32 s10, $0x1;
	s10 =	sld [smem:$0x3FB2];
	_ =	sdelay $0x3  }
0x34: {  	[smem:$0x3FB2] =	sst s10  }
0x35: {  	s10 =	sld [smem:$0x3FB1];
	_ =	sdelay $0x3  }
0x36: {  	p1 =	seq.s32 s10, $0x1;
	s10 =	sld [smem:$0x3FB2];
	_ =	sdelay $0x3  }
0x37: {  	[smem:$0x3FB2] =	sst s10  }
0x38: {  	s10 =	sld [smem:$0x3FB3]  }
0x39: {  	_ = 	snop;
	(pc) =	sbr.ind lr, $3  }
0x3a: {  	_ = 	snop  }
0x3b: {  	_ = 	snop  }
0x3c: {  	p2 =	seq.s32 s10, $0x1;
	s10 =	sld [smem:$0x3FB2]  }
0x3d: {  	_ =	shalt  }
0x3e: {  	_ =	shalt  }
0x3f: {  	_ =	shalt  }
0x40: {  	_ =	shalt  }
0x41: {  	_ =	shalt  }
0x42: {  	_ =	shalt  }
0x43: {  	_ =	shalt  }
0x44: {  	_ =	shalt  }
0x45: {  	_ =	shalt  }
0x46: {  	_ =	shalt  }
0x47: {  	_ =	shalt  }
0x48: {  	_ =	shalt  }
0x49: {  	_ =	shalt  }
0x4a: {  	_ =	shalt  }
0x4b: {  	_ =	shalt  }
0x4c: {  	_ =	shalt  }
0x4d: {  	_ =	shalt  }
0x4e: {  	_ =	shalt  }
0x4f: {  	_ =	shalt  }
0x50: {  	_ =	shalt  }
0x51: {  	_ =	shalt  }
0x52: {  	_ =	shalt  }
0x53: {  	_ =	shalt  }
0x54: {  	_ =	shalt  }
0x55: {  	_ =	shalt  }
0x56: {  	_ =	shalt  }
0x57: {  	_ =	shalt  }
0x58: {  	_ =	shalt  }
0x59: {  	_ =	shalt  }
0x5a: {  	_ =	shalt  }
0x5b: {  	_ =	shalt  }
0x5c: {  	_ =	shalt  }
0x5d: {  	_ =	shalt  }
0x5e: {  	_ =	shalt  }
0x5f: {  	_ =	shalt  }
0x60: {  	_ =	shalt  }
0x61: {  	_ =	shalt  }
0x62: {  	_ =	shalt  }
0x63: {  	_ =	shalt  }
0x64: {  	_ =	shalt  }
0x65: {  	_ =	shalt  }
0x66: {  	_ =	shalt  }
0x67: {  	_ =	shalt  }
0x68: {  	_ =	shalt  }
0x69: {  	_ =	shalt  }
0x6a: {  	_ =	shalt  }
0x6b: {  	_ =	shalt  }
0x6c: {  	_ =	shalt  }
0x6d: {  	_ =	shalt  }
0x6e: {  	_ =	shalt  }
0x6f: {  	_ =	shalt  }
0x70: {  	_ =	shalt  }
0x71: {  	_ =	shalt  }
0x72: {  	_ =	shalt  }
0x73: {  	_ =	shalt  }
0x74: {  	_ =	shalt  }
0x75: {  	_ =	shalt  }
0x76: {  	_ =	shalt  }
0x77: {  	_ =	shalt  }
0x78: {  	_ =	shalt  }
0x79: {  	_ =	shalt  }
0x7a: {  	_ =	shalt  }
0x7b: {  	_ =	shalt  }
0x7c: {  	_ =	shalt  }
0x7d: {  	_ =	shalt  }
0x7e: {  	_ =	shalt  }
0x7f: {  	_ =	shalt  }
0x80: {  	_ =	shalt  }
0x81: {  	_ =	shalt  }
0x82: {  	_ =	shalt  }
0x83: {  	_ =	shalt  }
0x84: {  	_ =	shalt  }
0x85: {  	_ =	shalt  }
0x86: {  	_ =	shalt  }
0x87: {  	_ =	shalt  }
.Lfunc_end0:
.L_simem_size_0:
called_computation_lowered:
.L_overlay_start_0:
0x88: {  	s2 =	sld [smem:$0x3FD9]  }
0x89: {  	s3 =	sld [smem:$0x3FFE];
	_ =	sdelay $0x1  }
0x8a: {  	s1 =	srdreg.scid  }
0x8b: {  	s0 =	sand.u32 $0x1, s1  }
0x8c: {  	s14 =	sshll.u32 s0, $0xA;
	s2 =	sadd.s32 s3, s2  }
0x8d: {  	s2 =	sadd.s32 s2, s14  }
0x8e: {  	[smem:$0x3FBE] =	sst s2  }
0x8f: {  	_ = 	snop  }
0x90: {  	s2 =	sld [smem:$0x3FD0];
	_ =	sdelay $0x2  }
0x91: {  	s15 =	simm.s32 $0xA;
	s4 =	simm.s32 $0x10  }
0x92: {  	[smem:s4], [sflag:s15] =	dma.local [hbm:s2], $0x1  }
0x93: {  	_ =	swait.eq [sflag:s15], $0x1  }
0x94: {  	[sflag:s15] =	ssyncset.done $0x0  }
0x95: {  	[sflag:s15] =	ssyncadd.s32 $0xFFFFFFFF  }
0x96: {  	s16 =	sld [smem:$0x11];
	(tm) =	ssettm $0x1  }
0x97: {  	s17 =	sld [smem:$0x3FFB];
	_ =	sdelay $0x3  }
0x98: {  	_ =	strace s17  }
0x99: {  	s3 =	sld [smem:$0x3FFC];
	_ =	sdelay $0x3  }
0x9a: {  	_ =	strace s3  }
0x9b: {  	s3 =	sld [smem:$0x3FFD];
	_ =	sdelay $0x3  }
0x9c: {  	_ =	strace s3  }
0x9d: {  	_ =	strace $0x8FFFFFFF  }
0x9e: {  	s18 =	sld [smem:$0x3FDB];
	_ =	sdelay $0x1  }
0x9f: {  	s19 =	simm.s32 $_scs_section_size  }
0xa0: {  	s5 =	simm.s32 $_size__tile_overlayer_lowered;
	s6 =	simm.s32 $_tile_overlayer_lowered  }
0xa1: {  	s22 =	simm.s32 $0x1BFF;
	s21 =	sshll.u32 s6, $0x1;
	s3 =	sadd.s32 s19, s18  }
0xa2: {  	s7 =	simm.s32 $0x0;
	s20 =	sshll.u32 s5, $0x1;
	s5 =	sadd.s32 s21, s3  }
0xa3: {  	[timem:s7], [sflag:s22] =	dma.local [hbm:s5], s20  }
0xa4: {  	_ =	swait.ge [sflag:s22], s20  }
0xa5: {  	s4 =	ssub.s32 $0x0, s20;
	[sflag:s22] =	ssyncset.done $0x0  }
0xa6: {  	[sflag:s22] =	ssyncadd.s32 s4;
	_ =	sdelay $0x1  }
0xa7: {  	s23 =	simm.s32 $0x1B8B  }
0xa8: {  	_ =	swait.ge [sflag:s23], $0x1  }
0xa9: {  	[sflag:s23] =	ssyncset.done $0x0  }
0xaa: {  	s25 =	simm.s32 $0x1B8E;
	s24 =	sld [smem:$0x3FFE];
	[sflag:s23] =	ssyncadd.s32 $0xFFFFFFFF  }
0xab: {  	s26 =	simm.s32 $execute0_lowered;
	[smem:$0x3FD2] =	sst s25  }
0xac: {  	s5 =	sshll.u32 s26, $0x1;
	_ =	strace $0x80000046;
	[dreg:$0x1] =	wrdreg $0xFFFFFFFF  }
0xad: {  	s28 =	simm.s32 $_size_execute0_lowered;
	s3 =	sadd.s32 s3, s5;
	[dreg:$0x0] =	wrdreg $0x0  }
0xae: {  	s5 =	sshll.u32 s28, $0x1;
	[dreg:$0x2] =	wrdreg s3  }
0xaf: {  	[dreg:$0x3] =	wrdreg s5  }
0xb0: {  	[dreg:$0x4] =	wrdreg $0xC0  }
0xb1: {  	_ =	task [dreg:s7], $0x5FFFF  }
0xb2: {  	[dreg:$0x1] =	wrdreg $0xFFFFFFFF  }
0xb3: {  	[dreg:$0x0] =	wrdreg $0x60  }
0xb4: {  	[dreg:$0x2] =	wrdreg s16  }
0xb5: {  	[dreg:$0x3] =	wrdreg s24  }
0xb6: {  	[dreg:$0x4] =	wrdreg $0x88000  }
0xb7: {  	[dreg:$0x5] =	wrdreg $0x9  }
0xb8: {  	_ =	task.clear_ibuf [dreg:s7], $0x6FFFF;
	_ =	strace $0x90000046  }
0xb9: {  	s29 =	simm.s32 $0x9;
	_ =	strace $0x80000048  }
0xba: {  	_ =	swait.ge [sflag:s29], $0x1  }
0xbb: {  	[sflag:s29] =	ssyncadd.s32 $0xFFFFFFFF  }
0xbc: {  	_ =	strace $0x90000048  }
0xbd: {  	_ =	sfence  }
0xbe: {  	s30 =	sld [smem:$0x0];
	_ =	sdelay $0x2  }
0xbf: {  	s31 =	sshll.u32 s1, $0xD;
	s1 =	sshrl.u32 s1, $0x2  }
0xc0: {  	s3 =	sand.u32 $0x4000, s31;
	s1 =	sadd.s32 s1, s30  }
0xc1: {  	s0 =	sor.u32 s3, s0;
	s1 =	sshll.u32 s1, $0x11  }
0xc2: {  	s0 =	sor.u32 s1, s0  }
0xc3: {  	s0 =	sadd.s32 $0x8F2B, s0  }
0xc4: {  	[sflag:s0] =	ssyncadd.remote.s32 $0x1  }
0xc5: {  	_ =	sfence.sel $0xFFFF  }
0xc6: {  	[dreg:$0x0] =	wrdreg $0xFFFFFFFF;
	(pc) =	sbr.abs _section_cstart, $3  }
0xc7: {  	[dreg:$0x1] =	wrdreg $0xFFFFFFFF  }
0xc8: {  	_ =	task.clear_ibuf [dreg:s7], $0x2FFFF;
	_ =	strace $0x9FFFFFFF  }
0xc9: {  	(tm) =	ssettm $0x7FFFFFFF  }
tec
execute0_lowered:
.L_overlay_start_1:
0x0: {  	(tag) =	ssettag $0x1  }
0x1: {  	s5 =	rddreg [dreg:$0x0]  }
0x2: {  	s4 =	rddreg [dreg:$0x1];
	s0 =	srdreg.scid  }
0x3: {  	s2 =	rddreg [dreg:$0x2];
	s1 =	stileid.u32  }
0x4: {  	s3 =	simm.s32 $0x0;
	s17 =	simm.s32 $0x6800;
	s18 =	simm.s32 $0x1  }
0x5: {  	s19 =	simm.s32 $0x80;
	s20 =	simm.s32 $0x2800;
	s8 =	smul.u32 $0x14000, s1  }
0x6: {  	s6 =	sand.u32 $0x1, s0;
	s0 =	rddreg [dreg:$0x3];
	s9 =	smul.u32 $0x50000, s1  }
0x7: {  	s23 =	simm.s32 $0x0;
	[smem:$0x7FF] =	sst s3;
	s7 =	smul.u32 $0x140000, s6  }
0x8: {  	s21 =	sshll.u32 s1, $0x6;
	_ =	strace $0x80000047;
	s30 =	sshll.u32 s6, $0x4  }
0x9: {  	s6 =	ssub.s32 $0x2, s6;
	s7 =	sadd.s32 s8, s7;
	s8 =	sor.u32 s1, s30  }
0xa: {  	s21 =	sor.u32 $0x1C01, s21;
	s10 =	sshrl.u32 s6, $0x1;
	s8 =	smul.u32 $0x500, s8  }
0xb: {  	s31 =	sshrl.u32 s9, $0x2;
	s10 =	ssub.s32 s6, s10;
	s7 =	sshrl.u32 s7, $0x3  }
0xc: {  	s7 =	sadd.s32 s7, s4;
	s4 =	sadd.s32 s31, s2;
	s5 =	sadd.s32 s5, s8  }
0xd: {  	s6 =	sadd.s32 $0x3000, s7;
	s7 =	smax.u32 s10, $0x1;
	s8 =	sadd.s32 $0x2000, s4  }
0xe: {  	s9 =	sadd.s32 $0x4000, s4;
	s10 =	sadd.s32 $0x6000, s4;
	s11 =	sadd.s32 $0x8000, s4  }
0xf: {  	s12 =	sadd.s32 $0xA000, s4;
	s13 =	sadd.s32 $0xC000, s4;
	s14 =	sadd.s32 $0xE000, s4  }
0x10: {  	v0 =	vimm.f32 $1.000000000e+00;
	v1 =	vimm.f32 $0.0e+00;
	s15 =	sadd.s32 $0x10000, s4;
	s16 =	sadd.s32 $0x12000, s4;
	s22 =	sshrl.u32 s4, $0x3  }
.LBB2_1:
0x11: {  	[tilespmem:$0x2800] =	vst v0  }
0x12: {  	[tilespmem:$0x2880] =	vst v0  }
0x13: {  	[tilespmem:$0x2900] =	vst v0  }
0x14: {  	[tilespmem:$0x2980] =	vst v0  }
0x15: {  	[tilespmem:$0x2A00] =	vst v0  }
0x16: {  	[tilespmem:$0x2A80] =	vst v0  }
0x17: {  	[tilespmem:$0x2B00] =	vst v0  }
0x18: {  	[tilespmem:$0x2B80] =	vst v0  }
0x19: {  	[tilespmem:$0x2C00] =	vst v0  }
0x1a: {  	[tilespmem:$0x2C80] =	vst v0  }
0x1b: {  	[tilespmem:$0x2D00] =	vst v0  }
0x1c: {  	[tilespmem:$0x2D80] =	vst v0  }
0x1d: {  	[tilespmem:$0x2E00] =	vst v0  }
0x1e: {  	[tilespmem:$0x2E80] =	vst v0  }
0x1f: {  	[tilespmem:$0x2F00] =	vst v0  }
0x20: {  	[tilespmem:$0x2F80] =	vst v0  }
0x21: {  	[tilespmem:$0x3000] =	vst v0  }
0x22: {  	[tilespmem:$0x3080] =	vst v0  }
0x23: {  	[tilespmem:$0x3100] =	vst v0  }
0x24: {  	[tilespmem:$0x3180] =	vst v0  }
0x25: {  	[tilespmem:$0x3200] =	vst v0  }
0x26: {  	[tilespmem:$0x3280] =	vst v0  }
0x27: {  	[tilespmem:$0x3300] =	vst v0  }
0x28: {  	[tilespmem:$0x3380] =	vst v0  }
0x29: {  	[tilespmem:$0x3400] =	vst v0  }
0x2a: {  	[tilespmem:$0x3480] =	vst v0  }
0x2b: {  	[tilespmem:$0x3500] =	vst v0  }
0x2c: {  	[tilespmem:$0x3580] =	vst v0  }
0x2d: {  	[tilespmem:$0x3600] =	vst v0  }
0x2e: {  	[tilespmem:$0x3680] =	vst v0  }
0x2f: {  	[tilespmem:$0x3700] =	vst v0  }
0x30: {  	[tilespmem:$0x3780] =	vst v0  }
0x31: {  	[tilespmem:$0x3800] =	vst v0  }
0x32: {  	[tilespmem:$0x3880] =	vst v0  }
0x33: {  	[tilespmem:$0x3900] =	vst v0  }
0x34: {  	[tilespmem:$0x3980] =	vst v0  }
0x35: {  	[tilespmem:$0x3A00] =	vst v0  }
0x36: {  	[tilespmem:$0x3A80] =	vst v0  }
0x37: {  	[tilespmem:$0x3B00] =	vst v0  }
0x38: {  	[tilespmem:$0x3B80] =	vst v0  }
0x39: {  	[tilespmem:$0x3C00] =	vst v0  }
0x3a: {  	[tilespmem:$0x3C80] =	vst v0  }
0x3b: {  	[tilespmem:$0x3D00] =	vst v0  }
0x3c: {  	[tilespmem:$0x3D80] =	vst v0  }
0x3d: {  	[tilespmem:$0x3E00] =	vst v0  }
0x3e: {  	[tilespmem:$0x3E80] =	vst v0  }
0x3f: {  	[tilespmem:$0x3F00] =	vst v0  }
0x40: {  	[tilespmem:$0x3F80] =	vst v0  }
0x41: {  	[tilespmem:$0x4000] =	vst v0  }
0x42: {  	[tilespmem:$0x4080] =	vst v0  }
0x43: {  	[tilespmem:$0x4100] =	vst v0  }
0x44: {  	[tilespmem:$0x4180] =	vst v0  }
0x45: {  	[tilespmem:$0x4200] =	vst v0  }
0x46: {  	[tilespmem:$0x4280] =	vst v0  }
0x47: {  	[tilespmem:$0x4300] =	vst v0  }
0x48: {  	[tilespmem:$0x4380] =	vst v0  }
0x49: {  	[tilespmem:$0x4400] =	vst v0  }
0x4a: {  	[tilespmem:$0x4480] =	vst v0  }
0x4b: {  	[tilespmem:$0x4500] =	vst v0  }
0x4c: {  	[tilespmem:$0x4580] =	vst v0  }
0x4d: {  	[tilespmem:$0x4600] =	vst v0  }
0x4e: {  	[tilespmem:$0x4680] =	vst v0  }
0x4f: {  	[tilespmem:$0x4700] =	vst v0  }
0x50: {  	[tilespmem:$0x4780] =	vst v0  }
0x51: {  	[tilespmem:$0x4800] =	vst v0  }
0x52: {  	[tilespmem:$0x4880] =	vst v0  }
0x53: {  	[tilespmem:$0x4900] =	vst v0  }
0x54: {  	[tilespmem:$0x4980] =	vst v0  }
0x55: {  	[tilespmem:$0x4A00] =	vst v0  }
0x56: {  	[tilespmem:$0x4A80] =	vst v0  }
0x57: {  	[tilespmem:$0x4B00] =	vst v0  }
0x58: {  	[tilespmem:$0x4B80] =	vst v0  }
0x59: {  	[tilespmem:$0x4C00] =	vst v0  }
0x5a: {  	[tilespmem:$0x4C80] =	vst v0  }
0x5b: {  	[tilespmem:$0x4D00] =	vst v0  }
0x5c: {  	[tilespmem:$0x4D80] =	vst v0  }
0x5d: {  	[tilespmem:$0x4E00] =	vst v0  }
0x5e: {  	[tilespmem:$0x4E80] =	vst v0  }
0x5f: {  	[tilespmem:$0x4F00] =	vst v0  }
0x60: {  	[tilespmem:$0x4F80] =	vst v0  }
0x61: {  	[tilespmem:$0x5000] =	vst v0  }
0x62: {  	[tilespmem:$0x5080] =	vst v0  }
0x63: {  	[tilespmem:$0x5100] =	vst v0  }
0x64: {  	[tilespmem:$0x5180] =	vst v0  }
0x65: {  	[tilespmem:$0x5200] =	vst v0  }
0x66: {  	[tilespmem:$0x5280] =	vst v0  }
0x67: {  	[tilespmem:$0x5300] =	vst v0  }
0x68: {  	[tilespmem:$0x5380] =	vst v0  }
0x69: {  	[tilespmem:$0x5400] =	vst v0  }
0x6a: {  	[tilespmem:$0x5480] =	vst v0  }
0x6b: {  	[tilespmem:$0x5500] =	vst v0  }
0x6c: {  	[tilespmem:$0x5580] =	vst v0  }
0x6d: {  	[tilespmem:$0x5600] =	vst v0  }
0x6e: {  	[tilespmem:$0x5680] =	vst v0  }
0x6f: {  	[tilespmem:$0x5700] =	vst v0  }
0x70: {  	[tilespmem:$0x5780] =	vst v0  }
0x71: {  	[tilespmem:$0x5800] =	vst v0  }
0x72: {  	[tilespmem:$0x5880] =	vst v0  }
0x73: {  	[tilespmem:$0x5900] =	vst v0  }
0x74: {  	[tilespmem:$0x5980] =	vst v0  }
0x75: {  	[tilespmem:$0x5A00] =	vst v0  }
0x76: {  	[tilespmem:$0x5A80] =	vst v0  }
0x77: {  	[tilespmem:$0x5B00] =	vst v0  }
0x78: {  	[tilespmem:$0x5B80] =	vst v0  }
0x79: {  	[tilespmem:$0x5C00] =	vst v0  }
0x7a: {  	[tilespmem:$0x5C80] =	vst v0  }
0x7b: {  	[tilespmem:$0x5D00] =	vst v0  }
0x7c: {  	[tilespmem:$0x5D80] =	vst v0  }
0x7d: {  	[tilespmem:$0x5E00] =	vst v0  }
0x7e: {  	[tilespmem:$0x5E80] =	vst v0  }
0x7f: {  	[tilespmem:$0x5F00] =	vst v0  }
0x80: {  	[tilespmem:$0x5F80] =	vst v0  }
0x81: {  	[tilespmem:$0x6000] =	vst v0  }
0x82: {  	[tilespmem:$0x6080] =	vst v0  }
0x83: {  	[tilespmem:$0x6100] =	vst v0  }
0x84: {  	[tilespmem:$0x6180] =	vst v0  }
0x85: {  	[tilespmem:$0x6200] =	vst v0  }
0x86: {  	[tilespmem:$0x6280] =	vst v0  }
0x87: {  	[tilespmem:$0x6300] =	vst v0  }
0x88: {  	[tilespmem:$0x6380] =	vst v0  }
0x89: {  	[tilespmem:$0x6400] =	vst v0  }
0x8a: {  	[tilespmem:$0x6480] =	vst v0  }
0x8b: {  	[tilespmem:$0x6500] =	vst v0  }
0x8c: {  	[tilespmem:$0x6580] =	vst v0  }
0x8d: {  	[tilespmem:$0x6600] =	vst v0  }
0x8e: {  	[tilespmem:$0x6680] =	vst v0  }
0x8f: {  	[tilespmem:$0x6700] =	vst v0  }
0x90: {  	[tilespmem:$0x6780] =	vst v0  }
0x91: {  	[tilespmem:$0x6800] =	vst v1  }
0x92: {  	[tilespmem:$0x6880] =	vst v1  }
0x93: {  	[tilespmem:$0x6900] =	vst v1  }
0x94: {  	[tilespmem:$0x6980] =	vst v1  }
0x95: {  	[tilespmem:$0x6A00] =	vst v1  }
0x96: {  	[tilespmem:$0x6A80] =	vst v1  }
0x97: {  	[tilespmem:$0x6B00] =	vst v1  }
0x98: {  	[tilespmem:$0x6B80] =	vst v1  }
0x99: {  	[tilespmem:$0x6C00] =	vst v1  }
0x9a: {  	[tilespmem:$0x6C80] =	vst v1  }
0x9b: {  	[tilespmem:$0x6D00] =	vst v1  }
0x9c: {  	[tilespmem:$0x6D80] =	vst v1  }
0x9d: {  	[tilespmem:$0x6E00] =	vst v1  }
0x9e: {  	[tilespmem:$0x6E80] =	vst v1  }
0x9f: {  	[tilespmem:$0x6F00] =	vst v1  }
0xa0: {  	[tilespmem:$0x6F80] =	vst v1  }
0xa1: {  	[tilespmem:$0x7000] =	vst v1  }
0xa2: {  	[tilespmem:$0x7080] =	vst v1  }
0xa3: {  	[tilespmem:$0x7100] =	vst v1  }
0xa4: {  	[tilespmem:$0x7180] =	vst v1  }
0xa5: {  	[tilespmem:$0x7200] =	vst v1  }
0xa6: {  	[tilespmem:$0x7280] =	vst v1  }
0xa7: {  	[tilespmem:$0x7300] =	vst v1  }
0xa8: {  	[tilespmem:$0x7380] =	vst v1  }
0xa9: {  	[tilespmem:$0x7400] =	vst v1  }
0xaa: {  	[tilespmem:$0x7480] =	vst v1  }
0xab: {  	[tilespmem:$0x7500] =	vst v1  }
0xac: {  	[tilespmem:$0x7580] =	vst v1  }
0xad: {  	[tilespmem:$0x7600] =	vst v1  }
0xae: {  	[tilespmem:$0x7680] =	vst v1  }
0xaf: {  	[tilespmem:$0x7700] =	vst v1  }
0xb0: {  	[tilespmem:$0x7780] =	vst v1  }
0xb1: {  	[tilespmem:$0x7800] =	vst v1  }
0xb2: {  	[tilespmem:$0x7880] =	vst v1  }
0xb3: {  	[tilespmem:$0x7900] =	vst v1  }
0xb4: {  	[tilespmem:$0x7980] =	vst v1  }
0xb5: {  	[tilespmem:$0x7A00] =	vst v1  }
0xb6: {  	[tilespmem:$0x7A80] =	vst v1  }
0xb7: {  	[tilespmem:$0x7B00] =	vst v1  }
0xb8: {  	[tilespmem:$0x7B80] =	vst v1  }
0xb9: {  	[tilespmem:$0x7C00] =	vst v1  }
0xba: {  	[tilespmem:$0x7C80] =	vst v1  }
0xbb: {  	[tilespmem:$0x7D00] =	vst v1  }
0xbc: {  	[tilespmem:$0x7D80] =	vst v1  }
0xbd: {  	[tilespmem:$0x7E00] =	vst v1  }
0xbe: {  	[tilespmem:$0x7E80] =	vst v1  }
0xbf: {  	[tilespmem:$0x7F00] =	vst v1  }
0xc0: {  	[tilespmem:$0x7F80] =	vst v1  }
0xc1: {  	[tilespmem:$0x8000] =	vst v1  }
0xc2: {  	[tilespmem:$0x8080] =	vst v1  }
0xc3: {  	[tilespmem:$0x8100] =	vst v1  }
0xc4: {  	[tilespmem:$0x8180] =	vst v1  }
0xc5: {  	[tilespmem:$0x8200] =	vst v1  }
0xc6: {  	[tilespmem:$0x8280] =	vst v1  }
0xc7: {  	[tilespmem:$0x8300] =	vst v1  }
0xc8: {  	[tilespmem:$0x8380] =	vst v1  }
0xc9: {  	[tilespmem:$0x8400] =	vst v1  }
0xca: {  	[tilespmem:$0x8480] =	vst v1  }
0xcb: {  	[tilespmem:$0x8500] =	vst v1  }
0xcc: {  	[tilespmem:$0x8580] =	vst v1  }
0xcd: {  	[tilespmem:$0x8600] =	vst v1  }
0xce: {  	[tilespmem:$0x8680] =	vst v1  }
0xcf: {  	[tilespmem:$0x8700] =	vst v1  }
0xd0: {  	[tilespmem:$0x8780] =	vst v1  }
0xd1: {  	[spmem:s4] =	stream.linear.scatter [tilespmem:s17], [sflag:$0x1], $0x2000, $0x38;
	[tilespmem:$0xB000] =	vst v63  }
0xd2: {  	_ =	swait.ge [sflag:s18], $0x2000  }
0xd3: {  	[sflag:s18] =	ssyncset.done $0x0  }
0xd4: {  	[sflag:s18] =	ssyncadd.s32 $0xFFFFE000  }
0xd5: {  	[spmem:s8] =	stream.linear.scatter [tilespmem:s17], [sflag:$0x1], $0x2000, $0x38;
	[tilespmem:$0xB000] =	vst v63  }
0xd6: {  	_ =	swait.ge [sflag:s18], $0x2000  }
0xd7: {  	[sflag:s18] =	ssyncset.done $0x0  }
0xd8: {  	[sflag:s18] =	ssyncadd.s32 $0xFFFFE000  }
0xd9: {  	[spmem:s9] =	stream.linear.scatter [tilespmem:s17], [sflag:$0x1], $0x2000, $0x38;
	[tilespmem:$0xB000] =	vst v63  }
0xda: {  	_ =	swait.ge [sflag:s18], $0x2000  }
0xdb: {  	[sflag:s18] =	ssyncset.done $0x0  }
0xdc: {  	[sflag:s18] =	ssyncadd.s32 $0xFFFFE000  }
0xdd: {  	[spmem:s10] =	stream.linear.scatter [tilespmem:s17], [sflag:$0x1], $0x2000, $0x38;
	[tilespmem:$0xB000] =	vst v63  }
0xde: {  	_ =	swait.ge [sflag:s18], $0x2000  }
0xdf: {  	[sflag:s18] =	ssyncset.done $0x0  }
0xe0: {  	[sflag:s18] =	ssyncadd.s32 $0xFFFFE000  }
0xe1: {  	[spmem:s11] =	stream.linear.scatter [tilespmem:s17], [sflag:$0x1], $0x2000, $0x38;
	[tilespmem:$0xB000] =	vst v63  }
0xe2: {  	_ =	swait.ge [sflag:s18], $0x2000  }
0xe3: {  	[sflag:s18] =	ssyncset.done $0x0  }
0xe4: {  	[sflag:s18] =	ssyncadd.s32 $0xFFFFE000  }
0xe5: {  	[spmem:s12] =	stream.linear.scatter [tilespmem:s17], [sflag:$0x1], $0x2000, $0x38;
	[tilespmem:$0xB000] =	vst v63  }
0xe6: {  	_ =	swait.ge [sflag:s18], $0x2000  }
0xe7: {  	[sflag:s18] =	ssyncset.done $0x0  }
0xe8: {  	[sflag:s18] =	ssyncadd.s32 $0xFFFFE000  }
0xe9: {  	[spmem:s13] =	stream.linear.scatter [tilespmem:s17], [sflag:$0x1], $0x2000, $0x38;
	[tilespmem:$0xB000] =	vst v63  }
0xea: {  	_ =	swait.ge [sflag:s18], $0x2000  }
0xeb: {  	[sflag:s18] =	ssyncset.done $0x0  }
0xec: {  	[sflag:s18] =	ssyncadd.s32 $0xFFFFE000  }
0xed: {  	[spmem:s14] =	stream.linear.scatter [tilespmem:s17], [sflag:$0x1], $0x2000, $0x38;
	[tilespmem:$0xB000] =	vst v63  }
0xee: {  	_ =	swait.ge [sflag:s18], $0x2000  }
0xef: {  	[sflag:s18] =	ssyncset.done $0x0  }
0xf0: {  	[sflag:s18] =	ssyncadd.s32 $0xFFFFE000  }
0xf1: {  	[spmem:s15] =	stream.linear.scatter [tilespmem:s17], [sflag:$0x1], $0x2000, $0x38;
	[tilespmem:$0xB000] =	vst v63  }
0xf2: {  	_ =	swait.ge [sflag:s18], $0x2000  }
0xf3: {  	[sflag:s18] =	ssyncset.done $0x0  }
0xf4: {  	[sflag:s18] =	ssyncadd.s32 $0xFFFFE000  }
0xf5: {  	[spmem:s16] =	stream.linear.scatter [tilespmem:s17], [sflag:$0x1], $0x2000, $0x38;
	[tilespmem:$0xB000] =	vst v63  }
0xf6: {  	_ =	swait.ge [sflag:s18], $0x2000  }
0xf7: {  	[sflag:s18] =	ssyncset.done $0x0  }
0xf8: {  	[sflag:s18] =	ssyncadd.s32 $0xFFFFE000  }
0xf9: {  	[bflag:$0x0] =	sbarrier.arrive $0xFFFF  }
0xfa: {  	[tilespmem:s3], [sflag:$0x1] =	stream.linear.gather [hbm4b:s5+s3], $0x2800, $0x38;
	[tilespmem:$0xB000] =	vst v63  }
0xfb: {  	_ =	swait.ge [sflag:s18], $0x2800  }
0xfc: {  	[sflag:s18] =	ssyncset.done $0x0  }
0xfd: {  	s24 =	simm.s32 $0x0;
	[sflag:s18] =	ssyncadd.s32 $0xFFFFD800  }
0xfe: {  	[spmem:s2] =	stream.indirect.scatter.add.f32 [tilespmem:s20], [sflag:$0x1], $0x10, s24, s19, $0xb8;
	[tilespmem:$0xB000] =	vst v63  }
0xff: {  	_ =	swait.ge [sflag:s18], $0x800  }
0x100: {  	s24 =	simm.s32 $0x200;
	[sflag:s18] =	ssyncset.done $0x0  }
.LBB2_2:
0x101: {  	s25 =	sshra.s32 s24, $0x2;
	[sflag:s18] =	ssyncadd.s32 $0xFFFFF800;
	p0 =	sne.s32 s24, $0x9E00  }
0x102: {  	[spmem:s2] =	stream.indirect.scatter.add.f32 [tilespmem:s20], [sflag:$0x1], $0x10, s25, s19, $0xb8;
	[tilespmem:$0xB000] =	vst v63  }
.Ltmp0:
0x103: {  	_ = 	snop;
	(pc) =	sbr.rel @p0 .LBB2_2-.Ltmp0, $4  }
0x104: {  	_ = 	snop  }
0x105: {  	s24 =	sadd.s32 $0x200, s24  }
0x106: {  	_ =	swait.ge [sflag:s18], $0x800  }
0x107: {  	[sflag:s18] =	ssyncset.done $0x0  }
0x108: {  	s23 =	sadd.s32 $0x1, s23  }
0x109: {  	[sflag:s18] =	ssyncadd.s32 $0xFFFFF800;
	p0 =	sne.s32 s23, s7  }
.Ltmp1:
0x10a: {  	[bflag:$0x0] =	sbarrier.arrive $0xFFFF;
	(pc) =	sbr.rel @p0 .LBB2_1-.Ltmp1, $4  }
0x10b: {  	[hbm:s6], [sflag:s21] =	dma.local [spmem:s22], $0x2800  }
0x10c: {  	_ =	swait.ge [sflag:s18], $0x2800  }
0x10d: {  	[sflag:s18] =	ssyncset.done $0x0  }
0x10e: {  	[sflag:s18] =	ssyncadd.s32 $0xFFFFD800  }
0x10f: {  	_ =	sfence.sel $0x180000  }
0x110: {  	[bflag:$0x0] =	sbarrier.arrive $0xFFFF  }
0x111: {  	p0 =	sne.s32 s1, $0x0;
	_ =	strace $0x90000047  }
0x112: {  	s0 =	sadd.s32 @!p0 $0x100000, s0;
	[bflag:$0x2] =	sbarrier.arrive $0xFFFF  }
0x113: {  	[sflag:s0] =	ssyncadd.tile.s32 @!p0 $0x1;
	_ =	shalt  }
.Lfunc_end2:
_tile_overlayer_lowered:
.L_overlay_start_2:
0x114: {  	(tag) =	ssettag $0x2  }
0x115: {  	s0 =	rddreg [dreg:$0x0];
	s2 =	stileid.u32  }
0x116: {  	s1 =	rddreg [dreg:$0x1];
	p0 =	sne.s32 s2, $0x0  }
0x117: {  	s3 =	rddreg [dreg:$0x2];
	[bflag:$0x3] =	sbarrier.arrive $0xFFFF;
	s2 =	simm.s32 @!p0 $0x1C01  }
0x118: {  	[timem:s3], [sflag:s2] =	dma.local @!p0 [hbm:s0], s1  }
0x119: {  	s0 =	simm.s32 @!p0 $0x1  }
0x11a: {  	_ =	swait.ge @!p0 [sflag:s0], s1  }
0x11b: {  	s1 =	ssub.s32 @!p0 $0x0, s1;
	[sflag:s0] =	ssyncset.done @!p0 $0x0  }
0x11c: {  	[sflag:s0] =	ssyncadd.s32 @!p0 s1  }
0x11d: {  	[bflag:$0x3] =	sbarrier.arrive $0xFFFF  }
0x11e: {  	_ =	shalt  }

</sc_bundles>
